<compile_context>
chip_gen: v7x
topology: tpu7x:2x2x1
jax: 0.10.2.dev20260603
libtpu: 0.0.44.dev20260713+nightly
codegen_flags: <defaults>
</compile_context>

<pallas_src>
import functools

import jax
import jax.numpy as jnp
from jax import lax
from jax.experimental import pallas as pl
from jax.experimental.pallas import tpu as pltpu
from jax.experimental.pallas import tpu_sc as plsc

NC = 2
NS = 16
LANES = 16
ACC_W = 144


def _ln(x, g, b):
  m = jnp.mean(x, axis=-1, keepdims=True)
  v = jnp.mean((x - m) ** 2, axis=-1, keepdims=True)
  return (x - m) / jnp.sqrt(v + 1e-5) * g + b


def _prep_body(xsrc, xdst, wemb, bemb, lnsg, lnsb, lndg, lndb,
               wq, bq, wk, bk, wv, bv, scale_ref,
               q_out, kv_out, xde_out):
  xde = jnp.dot(xdst[...], wemb[...], preferred_element_type=jnp.float32) + bemb[...]
  xde_out[...] = xde
  xs = _ln(xsrc[...], lnsg[...], lnsb[...])
  xd = _ln(xde, lndg[...], lndb[...])
  sc = scale_ref[0, 0]
  hid = xsrc.shape[1]
  q_out[...] = (jnp.dot(xd, wq[...], preferred_element_type=jnp.float32) + bq[...]) * sc
  kv_out[:, 0:hid] = jnp.dot(xs, wk[...], preferred_element_type=jnp.float32) + bk[...]
  kv_out[:, hid:2 * hid] = jnp.dot(xs, wv[...], preferred_element_type=jnp.float32) + bv[...]


def _prep(x_src, x_dst, W_emb, b_emb, lns_g, lns_b, lnd_g, lnd_b,
          Wq, bq, Wk, bk, Wv, bv, scale):
  n, hid = x_src.shape
  blk = 1000
  grid = (n // blk,)
  row = lambda i: (i, 0)
  fix = lambda i: (0, 0)
  vec = lambda a: a.reshape(1, -1)
  full = lambda shp: pl.BlockSpec(shp, fix)
  out_shape = [jax.ShapeDtypeStruct((n, hid), jnp.float32),
               jax.ShapeDtypeStruct((n, 2 * hid), jnp.float32),
               jax.ShapeDtypeStruct((n, hid), jnp.float32)]
  return pl.pallas_call(
      _prep_body,
      grid=grid,
      in_specs=[pl.BlockSpec((blk, hid), row), pl.BlockSpec((blk, hid), row),
                full((hid, hid)), full((1, hid)), full((1, hid)), full((1, hid)),
                full((1, hid)), full((1, hid)), full((hid, hid)), full((1, hid)),
                full((hid, hid)), full((1, hid)), full((hid, hid)), full((1, hid)),
                full((1, 1))],
      out_specs=[pl.BlockSpec((blk, hid), row), pl.BlockSpec((blk, 2 * hid), row),
                 pl.BlockSpec((blk, hid), row)],
      out_shape=out_shape,
  )(x_src, x_dst, W_emb, vec(b_emb), vec(lns_g), vec(lns_b), vec(lnd_g),
    vec(lnd_b), Wq, vec(bq), Wk, vec(bk), Wv, vec(bv), scale.reshape(1, 1))


def _eproj_body(ea, bd, be, e_out):
  e_out[...] = jnp.dot(ea[...], bd[...], preferred_element_type=jnp.float32) + be[...]


def _eproj(ea_packed, BD, be_tiled):
  rows, kdim = ea_packed.shape
  odim = BD.shape[1]
  blk = next(b for b in (1256, 1024, 1000, 628, 512, 256, 128, 64, 8)
             if rows % b == 0 and b % 8 == 0)
  return pl.pallas_call(
      _eproj_body,
      grid=(rows // blk,),
      in_specs=[pl.BlockSpec((blk, kdim), lambda i: (i, 0)),
                pl.BlockSpec((kdim, odim), lambda i: (0, 0)),
                pl.BlockSpec((1, odim), lambda i: (0, 0))],
      out_specs=pl.BlockSpec((blk, odim), lambda i: (i, 0)),
      out_shape=jax.ShapeDtypeStruct((rows, odim), jnp.float32),
  )(ea_packed, BD, be_tiled)


def _lane_perm(x, idx):
  return jax.lax.gather(
      x, idx[:, None],
      jax.lax.GatherDimensionNumbers(offset_dims=(), collapsed_slice_dims=(0,),
                                     start_index_map=(0,)),
      slice_sizes=(1,),
      mode=jax.lax.GatherScatterMode.PROMISE_IN_BOUNDS)


def _tree_sum(terms):
  while len(terms) > 1:
    nxt = [terms[i] + terms[i + 1] for i in range(0, len(terms) - 1, 2)]
    if len(terms) % 2:
      nxt.append(terms[-1])
    terms = nxt
  return terms[0]


def _make_edge_kernel(n_dst, n_edges_pad, hid, heads, chunk):
  dh = hid // heads
  ntiles = NC * NS
  nch = n_edges_pad // (ntiles * chunk)
  nrows = ((n_dst + 1 + NS - 1) // NS + 7) // 8 * 8
  acc_n = nrows * NS
  ndrows = (((n_dst + 1 + 15) // 16 + NS - 1) // NS + 7) // 8 * 8
  acc_nd = ndrows * NS
  groups = chunk // LANES

  mesh = plsc.VectorSubcoreMesh(
      core_axis_name="c", subcore_axis_name="s", num_cores=NC, num_subcores=NS)

  def body(sidx_hbm, didx_hbm, q_hbm, kv_hbm, e_hbm,
           pnum_hbm, pden_hbm,
           acc_num, acc_den,
           sidx0, sidx1, sidx2, sidx3, didx0, didx1, didx2, didx3,
           sdidx0, sdidx1, sd16_0, sd16_1,
           kv0, kv1, q0, q1, e0, e1, aden,
           sem_i0, sem_i1, sem_i2, sem_i3,
           sem_kv0, sem_kv1, sem_q0, sem_q1, sem_e0, sem_e1,
           sem_n0, sem_n1, sem_d):
    c = lax.axis_index("c")
    s = lax.axis_index("s")
    tile = c * NS + s
    r0 = s * nrows
    d0 = s * ndrows
    z16 = jnp.zeros((LANES,), jnp.float32)
    sidx = (sidx0, sidx1, sidx2, sidx3)
    didx = (didx0, didx1, didx2, didx3)
    sem_i = (sem_i0, sem_i1, sem_i2, sem_i3)
    sdidx = (sdidx0, sdidx1)
    sd16 = (sd16_0, sd16_1)
    kvb = (kv0, kv1)
    qb = (q0, q1)
    eb_ = (e0, e1)
    sem_kv = (sem_kv0, sem_kv1)
    sem_q = (sem_q0, sem_q1)
    sem_e = (sem_e0, sem_e1)
    sem_n = (sem_n0, sem_n1)

    def _zb(i, carry):
      for j in range(hid // LANES):
        q0[i, pl.ds(j * LANES, LANES)] = z16
        aden[i, pl.ds(j * LANES, LANES)] = z16
      return carry
    lax.fori_loop(0, chunk, _zb, 0)

    def _stripes(dst_at, base, total, src):
      nfull = total // chunk
      def _zs(i, carry):
        pltpu.sync_copy(src, dst_at(base + i * chunk, chunk))
        return carry
      lax.fori_loop(0, nfull, _zs, 0)
      rem = total - nfull * chunk
      off = base + nfull * chunk
      while rem >= 8:
        step = 16 if rem >= 16 else 8
        pltpu.sync_copy(src.at[pl.ds(0, step)], dst_at(off, step))
        off += step
        rem -= step

    _stripes(lambda r, n: acc_num.at[pl.ds(r, n)], r0, nrows, q0)
    _stripes(lambda r, n: acc_den.at[pl.ds(r, n)], d0, ndrows, aden)

    plsc.subcore_barrier()

    def _eb(i):
      return (tile + i * ntiles) * chunk

    def _idx_copy_sync(i, s4):
      pltpu.sync_copy(sidx_hbm.at[pl.ds(_eb(i), chunk)], sidx[s4])
      pltpu.sync_copy(didx_hbm.at[pl.ds(_eb(i), chunk)], didx[s4])

    def _idx_copy_async(i, s4):
      pltpu.async_copy(sidx_hbm.at[pl.ds(_eb(i), chunk)], sidx[s4], sem_i[s4])
      pltpu.async_copy(didx_hbm.at[pl.ds(_eb(i), chunk)], didx[s4], sem_i[s4])

    def _wait_idx(s4):
      pltpu.make_async_copy(sidx_hbm.at[pl.ds(0, chunk)], sidx[s4], sem_i[s4]).wait()
      pltpu.make_async_copy(didx_hbm.at[pl.ds(0, chunk)], didx[s4], sem_i[s4]).wait()

    def _issue_kvq(s4, p):
      pltpu.async_copy(kv_hbm.at[sidx[s4]], kvb[p], sem_kv[p])
      pltpu.async_copy(q_hbm.at[didx[s4]], qb[p], sem_q[p])

    def _issue_e(i, p):
      pltpu.async_copy(e_hbm.at[pl.ds(_eb(i), chunk)], eb_[p], sem_e[p])

    def _copy_sdidx(s4, p):
      def _sc(g, carry2):
        iv = didx[s4][pl.ds(g * LANES, LANES)]
        sdidx[p][pl.ds(g * LANES, LANES)] = iv
        sd16[p][pl.ds(g * LANES, LANES)] = lax.shift_right_logical(iv, 4)
        return carry2
      lax.fori_loop(0, groups, _sc, 0)

    _idx_copy_sync(0, 0)
    _idx_copy_sync(1, 1)
    _idx_copy_async(2, 2)
    _issue_kvq(0, 0)
    _issue_e(0, 0)
    _issue_kvq(1, 1)
    _copy_sdidx(0, 0)

    iota16 = lax.iota(jnp.int32, LANES)
    mask0 = iota16 == 0
    perm_idx = [iota16 ^ k for k in (8, 4, 2, 1)]

    def _outer(ci4, carry):
      for b4 in (0, 1, 2, 3):
        j = ci4 * 4 + b4
        p = b4 & 1
        s4 = b4 & 3
        pltpu.make_async_copy(kv_hbm.at[sidx[s4]], kvb[p], sem_kv[p]).wait()
        pltpu.make_async_copy(q_hbm.at[didx[s4]], qb[p], sem_q[p]).wait()
        pltpu.make_async_copy(e_hbm.at[pl.ds(0, chunk)], eb_[p], sem_e[p]).wait()
        @pl.when(j >= 1)
        def _wd():
          pltpu.make_async_copy(aden, acc_den.at[sd16[1 - p]], sem_d).wait()
        def _za(i, carry2):
          for jj in range(hid // LANES):
            aden[i, pl.ds(jj * LANES, LANES)] = z16
          return carry2
        lax.fori_loop(0, chunk, _za, 0)
        def _edge(i, inner):
          blk = didx[s4][pl.ds(i & ~(LANES - 1), LANES)]
          dsp = _lane_perm(blk, jnp.full((LANES,), i & (LANES - 1), jnp.int32))
          lanebase = (dsp & 15) * 8
          rowvec = jnp.full((LANES,), i, jnp.int32)
          qs = [qb[p][i, pl.ds(h * dh, LANES)] for h in range(heads)]
          ks = [kvb[p][i, pl.ds(h * dh, LANES)] for h in range(heads)]
          es = [eb_[p][i, pl.ds(h * dh, LANES)] for h in range(heads)]
          vs = [kvb[p][i, pl.ds(hid + h * dh, LANES)] for h in range(heads)]
          ps = [qs[h] * (ks[h] + es[h]) for h in range(heads)]
          for pidx in perm_idx:
            ps = [pp + _lane_perm(pp, pidx) for pp in ps]
          exs = [jnp.exp(pp) for pp in ps]
          for h in range(heads):
            plsc.store_scatter(aden, [rowvec, lanebase + h], exs[h], mask=mask0)
          for h in range(heads):
            eb_[p][i, pl.ds(h * dh, LANES)] = (vs[h] + es[h]) * exs[h]
          return inner
        lax.fori_loop(0, chunk, _edge, 0)
        pltpu.async_copy(aden, acc_den.at[sd16[p]], sem_d, add=True)
        pltpu.async_copy(eb_[p], acc_num.at[sdidx[p]], sem_n[p], add=True)
        @pl.when(j >= 1)
        def _wn():
          pltpu.make_async_copy(eb_[1 - p], acc_num.at[sdidx[1 - p]],
                                sem_n[1 - p]).wait()
        @pl.when(j + 1 < nch)
        def _se():
          _issue_e(j + 1, 1 - p)
          _copy_sdidx((s4 + 1) & 3, 1 - p)
        @pl.when(j + 2 < nch)
        def _st():
          _wait_idx((s4 + 2) & 3)
          _issue_kvq((s4 + 2) & 3, p)
        @pl.when(j + 3 < nch)
        def _si():
          _idx_copy_async(j + 3, (s4 + 3) & 3)
      return carry

    lax.fori_loop(0, nch // 4, _outer, 0)

    lastp = (nch - 1) & 1
    pltpu.make_async_copy(eb_[lastp], acc_num.at[sdidx[lastp]], sem_n[lastp]).wait()
    pltpu.make_async_copy(aden, acc_den.at[sd16[lastp]], sem_d).wait()

    plsc.subcore_barrier()

    def _wout(acc, out_at, base, total, buf):
      nfull = total // chunk
      def _ws(i, carry):
        r = base + i * chunk
        pltpu.sync_copy(acc.at[pl.ds(r, chunk)], buf)
        pltpu.sync_copy(buf, out_at(r, chunk))
        return carry
      lax.fori_loop(0, nfull, _ws, 0)
      rem = total - nfull * chunk
      off = base + nfull * chunk
      while rem >= 8:
        step = 16 if rem >= 16 else 8
        pltpu.sync_copy(acc.at[pl.ds(off, step)], buf.at[pl.ds(0, step)])
        pltpu.sync_copy(buf.at[pl.ds(0, step)], out_at(off, step))
        off += step
        rem -= step

    _wout(acc_num, lambda r, n: pnum_hbm.at[c, pl.ds(r, n)], r0, nrows, q0)
    _wout(acc_den, lambda r, n: pden_hbm.at[c, pl.ds(r, n)], d0, ndrows, aden)

  f = pl.kernel(
      body,
      out_type=[jax.ShapeDtypeStruct((NC, acc_n, hid), jnp.float32),
                jax.ShapeDtypeStruct((NC, acc_nd, hid), jnp.float32)],
      mesh=mesh,
      compiler_params=pltpu.CompilerParams(needs_layout_passes=False),
      scratch_types=[
          pltpu.VMEM_SHARED((acc_n, hid), jnp.float32),
          pltpu.VMEM_SHARED((acc_nd, hid), jnp.float32),
          pltpu.VMEM((chunk,), jnp.int32), pltpu.VMEM((chunk,), jnp.int32),
          pltpu.VMEM((chunk,), jnp.int32), pltpu.VMEM((chunk,), jnp.int32),
          pltpu.VMEM((chunk,), jnp.int32), pltpu.VMEM((chunk,), jnp.int32),
          pltpu.VMEM((chunk,), jnp.int32), pltpu.VMEM((chunk,), jnp.int32),
          pltpu.VMEM((chunk,), jnp.int32), pltpu.VMEM((chunk,), jnp.int32),
          pltpu.VMEM((chunk,), jnp.int32), pltpu.VMEM((chunk,), jnp.int32),
          pltpu.VMEM((chunk, 2 * hid), jnp.float32),
          pltpu.VMEM((chunk, 2 * hid), jnp.float32),
          pltpu.VMEM((chunk, hid), jnp.float32),
          pltpu.VMEM((chunk, hid), jnp.float32),
          pltpu.VMEM((chunk, hid), jnp.float32),
          pltpu.VMEM((chunk, hid), jnp.float32),
          pltpu.VMEM((chunk, hid), jnp.float32),
          pltpu.SemaphoreType.DMA, pltpu.SemaphoreType.DMA,
          pltpu.SemaphoreType.DMA, pltpu.SemaphoreType.DMA,
          pltpu.SemaphoreType.DMA, pltpu.SemaphoreType.DMA,
          pltpu.SemaphoreType.DMA, pltpu.SemaphoreType.DMA,
          pltpu.SemaphoreType.DMA, pltpu.SemaphoreType.DMA,
          pltpu.SemaphoreType.DMA, pltpu.SemaphoreType.DMA,
          pltpu.SemaphoreType.DMA,
      ],
  )
  return f


def _post_body(pnum, pden, xde, r8, wo, bo, ln2g, ln2b, w1, b1, w2, b2, out):
  w = pnum[0] + pnum[1]
  den8 = pden[0] + pden[1]
  denw = jnp.dot(den8, r8[...], preferred_element_type=jnp.float32)
  agg = w / (denw + 1e-16)
  x1 = xde[...] + jnp.dot(agg, wo[...], preferred_element_type=jnp.float32) + bo[...]
  h = _ln(x1, ln2g[...], ln2b[...])
  mlp = jnp.dot(jax.nn.gelu(jnp.dot(h, w1[...], preferred_element_type=jnp.float32) + b1[...]),
                w2[...], preferred_element_type=jnp.float32) + b2[...]
  out[...] = x1 + mlp


def _post(pnum, pden, xde, R8, Wo, bo, ln2_g, ln2_b, W1, b1, W2, b2):
  n, hid = xde.shape
  mlp_hid = W1.shape[1]
  blk = 1000
  fix = lambda i: (0, 0)
  vec = lambda a: a.reshape(1, -1)
  return pl.pallas_call(
      _post_body,
      grid=(n // blk,),
      in_specs=[pl.BlockSpec((NC, blk, hid), lambda i: (0, i, 0)),
                pl.BlockSpec((NC, blk, 8), lambda i: (0, i, 0)),
                pl.BlockSpec((blk, hid), lambda i: (i, 0)),
                pl.BlockSpec((8, hid), fix),
                pl.BlockSpec((hid, hid), fix), pl.BlockSpec((1, hid), fix),
                pl.BlockSpec((1, hid), fix), pl.BlockSpec((1, hid), fix),
                pl.BlockSpec((hid, mlp_hid), fix), pl.BlockSpec((1, mlp_hid), fix),
                pl.BlockSpec((mlp_hid, hid), fix), pl.BlockSpec((1, hid), fix)],
      out_specs=pl.BlockSpec((blk, hid), lambda i: (i, 0)),
      out_shape=jax.ShapeDtypeStruct((n, hid), jnp.float32),
  )(pnum, pden, xde, R8, Wo, vec(bo), vec(ln2_g), vec(ln2_b), W1, vec(b1), W2, vec(b2))


def kernel(x_src, x_dst, edge_attr, edge_index, batch_size,
           W_emb, b_emb, lns_g, lns_b, lnd_g, lnd_b,
           Wq, bq, Wk, bk, Wv, bv, We, be, Wo, bo,
           ln2_g, ln2_b, W1, b1, W2, b2):
  n_src, hid = x_src.shape
  n_dst = x_dst.shape[0]
  n_edges, edge_dim = edge_attr.shape
  heads = 8
  dh = hid // heads
  pack = hid // edge_dim
  chunk = 32
  ntiles = NC * NS

  nch = -(-n_edges // (ntiles * chunk))
  nch = (nch + 3) // 4 * 4
  n_edges_pad = nch * ntiles * chunk

  scale = jnp.float32(1.0) / jnp.sqrt(jnp.float32(dh))
  q, kv, xde = _prep(x_src, x_dst, W_emb, b_emb, lns_g, lns_b, lnd_g, lnd_b,
                     Wq, bq, Wk, bk, Wv, bv, scale)
  q = jnp.pad(q, ((0, 8), (0, 0)))
  kv = jnp.pad(kv, ((0, 8), (0, 0)))

  BD = jnp.einsum("ij,ao->iajo", jnp.eye(pack, dtype=jnp.float32),
                  We).reshape(pack * edge_dim, pack * hid)
  be_tiled = jnp.tile(be, pack).reshape(1, pack * hid)
  ea_packed = edge_attr.reshape(n_edges // pack, pack * edge_dim)
  ea_packed = jnp.pad(ea_packed, ((0, (n_edges_pad - n_edges) // pack), (0, 0)))
  e = _eproj(ea_packed, BD, be_tiled).reshape(n_edges_pad, hid)

  ei = edge_index.astype(jnp.int32)
  src_idx = jnp.pad(ei[0], (0, n_edges_pad - n_edges))
  dst_idx = jnp.pad(ei[1], (0, n_edges_pad - n_edges),
                    constant_values=n_dst)

  edge_f = _make_edge_kernel(n_dst, n_edges_pad, hid, heads, chunk=chunk)
  pnum, pden = edge_f(src_idx, dst_idx, q, kv, e)
  den8 = pden.reshape(pden.shape[0], pden.shape[1] * (hid // 8), 8)

  cols = jnp.arange(hid) // dh
  R8 = (jnp.arange(8)[:, None] == cols[None, :]).astype(jnp.float32)

  return _post(pnum, den8, xde, R8, Wo, bo, ln2_g, ln2_b, W1, b1, W2, b2)

# --- scband reference (transcript-rebuilt; emitter-appended) ---
"""Pipeline reference for scband-graph-transformer-base-mapper-18631568130706 (READ-ONLY COPY).

The authoritative reference and input builder live on the scoring server;
editing this copy changes nothing except your own understanding.
"""

import jax, jax.numpy as jnp
import numpy as np

N_SRC = 10000
N_DST = 10000
E = 320000
D_IN = 128
HID = 128
HEADS = 8
DH = HID // HEADS
EDGE_DIM = 16
MLP_HID = 4 * HID


def _ln(x, g, b):
    m = jnp.mean(x, axis=-1, keepdims=True)
    v = jnp.mean((x - m) ** 2, axis=-1, keepdims=True)
    return (x - m) / jnp.sqrt(v + 1e-5) * g + b


def setup_inputs(seed: int = 0) -> dict:
    key = jax.random.key(seed)
    ks = jax.random.split(key, 16)
    def w(k, shape, scale=0.02):
        return jax.random.normal(k, shape, dtype=jnp.float32) * scale
    return {
        "x_src": jax.random.normal(ks[0], (N_SRC, HID), dtype=jnp.float32),
        "x_dst": jax.random.normal(ks[1], (N_DST, D_IN), dtype=jnp.float32),
        "edge_attr": jax.random.normal(ks[2], (E, EDGE_DIM), dtype=jnp.float32),
        "edge_index": jax.random.randint(ks[3], (2, E), 0, N_SRC),
        "batch_size": 1,
        "W_emb": w(ks[4], (D_IN, HID)), "b_emb": jnp.zeros((HID,), jnp.float32),
        "lns_g": jnp.ones((HID,), jnp.float32), "lns_b": jnp.zeros((HID,), jnp.float32),
        "lnd_g": jnp.ones((HID,), jnp.float32), "lnd_b": jnp.zeros((HID,), jnp.float32),
        "Wq": w(ks[5], (HID, HID)), "bq": jnp.zeros((HID,), jnp.float32),
        "Wk": w(ks[6], (HID, HID)), "bk": jnp.zeros((HID,), jnp.float32),
        "Wv": w(ks[7], (HID, HID)), "bv": jnp.zeros((HID,), jnp.float32),
        "We": w(ks[8], (EDGE_DIM, HID)), "be": jnp.zeros((HID,), jnp.float32),
        "Wo": w(ks[9], (HID, HID)), "bo": jnp.zeros((HID,), jnp.float32),
        "ln2_g": jnp.ones((HID,), jnp.float32), "ln2_b": jnp.zeros((HID,), jnp.float32),
        "W1": w(ks[10], (HID, MLP_HID)), "b1": jnp.zeros((MLP_HID,), jnp.float32),
        "W2": w(ks[11], (MLP_HID, HID)), "b2": jnp.zeros((HID,), jnp.float32),
    }


def reference(x_src, x_dst, edge_attr, edge_index, batch_size,
              W_emb, b_emb, lns_g, lns_b, lnd_g, lnd_b,
              Wq, bq, Wk, bk, Wv, bv, We, be, Wo, bo,
              ln2_g, ln2_b, W1, b1, W2, b2):
    src_idx = edge_index[0]
    dst_idx = edge_index[1]
    # pre_process: embed destination nodes to hidden_dim
    x_dst_e = x_dst @ W_emb + b_emb
    # GraphTransformerMapperBlock: LN -> multi-head edge attention -> residual -> MLP
    xs = _ln(x_src, lns_g, lns_b)
    xd = _ln(x_dst_e, lnd_g, lnd_b)
    q = (xd @ Wq + bq).reshape(N_DST, HEADS, DH)
    k = (xs @ Wk + bk).reshape(N_SRC, HEADS, DH)
    v = (xs @ Wv + bv).reshape(N_SRC, HEADS, DH)
    e = (edge_attr @ We + be).reshape(E, HEADS, DH)
    ke = k[src_idx] + e
    ve = v[src_idx] + e
    logits = jnp.sum(q[dst_idx] * ke, axis=-1) / jnp.sqrt(jnp.float32(DH))
    m = jax.ops.segment_max(logits, dst_idx, num_segments=N_DST)
    m = jnp.where(jnp.isfinite(m), m, 0.0)
    ex = jnp.exp(logits - m[dst_idx])
    den = jax.ops.segment_sum(ex, dst_idx, num_segments=N_DST)
    alpha = ex / (den[dst_idx] + 1e-16)
    agg = jax.ops.segment_sum(alpha[..., None] * ve, dst_idx, num_segments=N_DST)
    agg = agg.reshape(N_DST, HID)
    x1 = x_dst_e + agg @ Wo + bo
    h = _ln(x1, ln2_g, ln2_b)
    out = x1 + jax.nn.gelu(h @ W1 + b1) @ W2 + b2
    return out

if __name__ == "__main__":
    import jax
    _d = setup_inputs()
    print(jax.jit(kernel)(*tuple(_d.values())))

</pallas_src>

<mosaic_0001>
#map = affine_map<(d0, d1) -> (0)>
#map1 = affine_map<(d0, d1) -> (0, 0)>
#map2 = affine_map<(d0, d1) -> (0, 0, 0)>
module attributes {stable_mosaic.version = 14 : i64} {
  func.func @body(%arg0: i32, %arg1: i32, %arg2: memref<323584xi32, #tpu.memory_space<hbm>>, %arg3: memref<323584xi32, #tpu.memory_space<hbm>>, %arg4: memref<10008x128xf32, #tpu.memory_space<hbm>>, %arg5: memref<10008x256xf32, #tpu.memory_space<hbm>>, %arg6: memref<323584x128xf32, #tpu.memory_space<hbm>>, %arg7: memref<2x10112x128xf32, #tpu.memory_space<hbm>>, %arg8: memref<2x640x128xf32, #tpu.memory_space<hbm>>, %arg9: memref<10112x128xf32, #tpu.memory_space<vmem_shared>>, %arg10: memref<640x128xf32, #tpu.memory_space<vmem_shared>>, %arg11: memref<32xi32, #tpu.memory_space<vmem>>, %arg12: memref<32xi32, #tpu.memory_space<vmem>>, %arg13: memref<32xi32, #tpu.memory_space<vmem>>, %arg14: memref<32xi32, #tpu.memory_space<vmem>>, %arg15: memref<32xi32, #tpu.memory_space<vmem>>, %arg16: memref<32xi32, #tpu.memory_space<vmem>>, %arg17: memref<32xi32, #tpu.memory_space<vmem>>, %arg18: memref<32xi32, #tpu.memory_space<vmem>>, %arg19: memref<32xi32, #tpu.memory_space<vmem>>, %arg20: memref<32xi32, #tpu.memory_space<vmem>>, %arg21: memref<32xi32, #tpu.memory_space<vmem>>, %arg22: memref<32xi32, #tpu.memory_space<vmem>>, %arg23: memref<32x256xf32, #tpu.memory_space<vmem>>, %arg24: memref<32x256xf32, #tpu.memory_space<vmem>>, %arg25: memref<32x128xf32, #tpu.memory_space<vmem>>, %arg26: memref<32x128xf32, #tpu.memory_space<vmem>>, %arg27: memref<32x128xf32, #tpu.memory_space<vmem>>, %arg28: memref<32x128xf32, #tpu.memory_space<vmem>>, %arg29: memref<32x128xf32, #tpu.memory_space<vmem>>, %arg30: memref<!tpu.dma_semaphore, #tpu.memory_space<semaphore_mem>>, %arg31: memref<!tpu.dma_semaphore, #tpu.memory_space<semaphore_mem>>, %arg32: memref<!tpu.dma_semaphore, #tpu.memory_space<semaphore_mem>>, %arg33: memref<!tpu.dma_semaphore, #tpu.memory_space<semaphore_mem>>, %arg34: memref<!tpu.dma_semaphore, #tpu.memory_space<semaphore_mem>>, %arg35: memref<!tpu.dma_semaphore, #tpu.memory_space<semaphore_mem>>, %arg36: memref<!tpu.dma_semaphore, #tpu.memory_space<semaphore_mem>>, %arg37: memref<!tpu.dma_semaphore, #tpu.memory_space<semaphore_mem>>, %arg38: memref<!tpu.dma_semaphore, #tpu.memory_space<semaphore_mem>>, %arg39: memref<!tpu.dma_semaphore, #tpu.memory_space<semaphore_mem>>, %arg40: memref<!tpu.dma_semaphore, #tpu.memory_space<semaphore_mem>>, %arg41: memref<!tpu.dma_semaphore, #tpu.memory_space<semaphore_mem>>, %arg42: memref<!tpu.dma_semaphore, #tpu.memory_space<semaphore_mem>>) attributes {dimension_semantics = [#tpu.dimension_semantics<core_parallel>, #tpu.dimension_semantics<subcore_parallel>], iteration_bounds = array<i64: 2, 16>, scalar_prefetch = 0 : i64, scratch_operands = 34 : i64, tpu.core_type = #tpu.core_type<sc_vector_subcore>, window_params = [{transform_indices = #map}, {transform_indices = #map}, {transform_indices = #map1}, {transform_indices = #map1}, {transform_indices = #map1}, {transform_indices = #map2}, {transform_indices = #map2}]} {
    %mul3A = arith.constant 16 : i32
    %mul3A_0 = arith.muli %arg0, %mul3A : i32
    %add3A = arith.addi %mul3A_0, %arg1 : i32
    %mul3A_1 = arith.constant 632 : i32
    %mul3A_2 = arith.muli %arg1, %mul3A_1 : i32
    %mul3A_3 = arith.constant 40 : i32
    %mul3A_4 = arith.muli %arg1, %mul3A_3 : i32
    %broadcast_in_dim3A = arith.constant 0.000000e+00 : f32
    %broadcast_in_dim3A_5 = vector.broadcast %broadcast_in_dim3A : f32 to vector<16xf32>
    %scan3A = arith.constant 0 : i32
    %scan3A_6 = arith.constant 0 : i32
    %scan3A_7 = arith.constant 32 : i32
    %scan3A_8 = arith.addi %scan3A_6, %scan3A_7 : i32
    %scan3A_9 = arith.constant 1 : i32
    scf.for %scan3A_133 = %scan3A_6 to %scan3A_8 step %scan3A_9  : i32 {
      %swap3A = arith.index_cast %scan3A_133 : i32 to index
      %swap3A_134 = arith.constant 0 : index
      %swap3A_135 = tpu.vector_load %arg25[%swap3A, %swap3A_134] {strides = array<i32>} : memref<32x128xf32, #tpu.memory_space<vmem>>, vector<16xf32>,
      tpu.vector_store %arg25[%swap3A, %swap3A_134], %broadcast_in_dim3A_5 {strides = array<i32>} : memref<32x128xf32, #tpu.memory_space<vmem>>, vector<16xf32>,
      %swap3A_136 = arith.index_cast %scan3A_133 : i32 to index
      %swap3A_137 = arith.constant 0 : index
      %swap3A_138 = tpu.vector_load %arg29[%swap3A_136, %swap3A_137] {strides = array<i32>} : memref<32x128xf32, #tpu.memory_space<vmem>>, vector<16xf32>,
      tpu.vector_store %arg29[%swap3A_136, %swap3A_137], %broadcast_in_dim3A_5 {strides = array<i32>} : memref<32x128xf32, #tpu.memory_space<vmem>>, vector<16xf32>,
      %swap3A_139 = arith.index_cast %scan3A_133 : i32 to index
      %swap3A_140 = arith.constant 16 : index
      %swap3A_141 = tpu.vector_load %arg25[%swap3A_139, %swap3A_140] {strides = array<i32>} : memref<32x128xf32, #tpu.memory_space<vmem>>, vector<16xf32>,
      tpu.vector_store %arg25[%swap3A_139, %swap3A_140], %broadcast_in_dim3A_5 {strides = array<i32>} : memref<32x128xf32, #tpu.memory_space<vmem>>, vector<16xf32>,
      %swap3A_142 = arith.index_cast %scan3A_133 : i32 to index
      %swap3A_143 = arith.constant 16 : index
      %swap3A_144 = tpu.vector_load %arg29[%swap3A_142, %swap3A_143] {strides = array<i32>} : memref<32x128xf32, #tpu.memory_space<vmem>>, vector<16xf32>,
      tpu.vector_store %arg29[%swap3A_142, %swap3A_143], %broadcast_in_dim3A_5 {strides = array<i32>} : memref<32x128xf32, #tpu.memory_space<vmem>>, vector<16xf32>,
      %swap3A_145 = arith.index_cast %scan3A_133 : i32 to index
      %swap3A_146 = arith.constant 32 : index
      %swap3A_147 = tpu.vector_load %arg25[%swap3A_145, %swap3A_146] {strides = array<i32>} : memref<32x128xf32, #tpu.memory_space<vmem>>, vector<16xf32>,
      tpu.vector_store %arg25[%swap3A_145, %swap3A_146], %broadcast_in_dim3A_5 {strides = array<i32>} : memref<32x128xf32, #tpu.memory_space<vmem>>, vector<16xf32>,
      %swap3A_148 = arith.index_cast %scan3A_133 : i32 to index
      %swap3A_149 = arith.constant 32 : index
      %swap3A_150 = tpu.vector_load %arg29[%swap3A_148, %swap3A_149] {strides = array<i32>} : memref<32x128xf32, #tpu.memory_space<vmem>>, vector<16xf32>,
      tpu.vector_store %arg29[%swap3A_148, %swap3A_149], %broadcast_in_dim3A_5 {strides = array<i32>} : memref<32x128xf32, #tpu.memory_space<vmem>>, vector<16xf32>,
      %swap3A_151 = arith.index_cast %scan3A_133 : i32 to index
      %swap3A_152 = arith.constant 48 : index
      %swap3A_153 = tpu.vector_load %arg25[%swap3A_151, %swap3A_152] {strides = array<i32>} : memref<32x128xf32, #tpu.memory_space<vmem>>, vector<16xf32>,
      tpu.vector_store %arg25[%swap3A_151, %swap3A_152], %broadcast_in_dim3A_5 {strides = array<i32>} : memref<32x128xf32, #tpu.memory_space<vmem>>, vector<16xf32>,
      %swap3A_154 = arith.index_cast %scan3A_133 : i32 to index
      %swap3A_155 = arith.constant 48 : index
      %swap3A_156 = tpu.vector_load %arg29[%swap3A_154, %swap3A_155] {strides = array<i32>} : memref<32x128xf32, #tpu.memory_space<vmem>>, vector<16xf32>,
      tpu.vector_store %arg29[%swap3A_154, %swap3A_155], %broadcast_in_dim3A_5 {strides = array<i32>} : memref<32x128xf32, #tpu.memory_space<vmem>>, vector<16xf32>,
      %swap3A_157 = arith.index_cast %scan3A_133 : i32 to index
      %swap3A_158 = arith.constant 64 : index
      %swap3A_159 = tpu.vector_load %arg25[%swap3A_157, %swap3A_158] {strides = array<i32>} : memref<32x128xf32, #tpu.memory_space<vmem>>, vector<16xf32>,
      tpu.vector_store %arg25[%swap3A_157, %swap3A_158], %broadcast_in_dim3A_5 {strides = array<i32>} : memref<32x128xf32, #tpu.memory_space<vmem>>, vector<16xf32>,
      %swap3A_160 = arith.index_cast %scan3A_133 : i32 to index
      %swap3A_161 = arith.constant 64 : index
      %swap3A_162 = tpu.vector_load %arg29[%swap3A_160, %swap3A_161] {strides = array<i32>} : memref<32x128xf32, #tpu.memory_space<vmem>>, vector<16xf32>,
      tpu.vector_store %arg29[%swap3A_160, %swap3A_161], %broadcast_in_dim3A_5 {strides = array<i32>} : memref<32x128xf32, #tpu.memory_space<vmem>>, vector<16xf32>,
      %swap3A_163 = arith.index_cast %scan3A_133 : i32 to index
      %swap3A_164 = arith.constant 80 : index
      %swap3A_165 = tpu.vector_load %arg25[%swap3A_163, %swap3A_164] {strides = array<i32>} : memref<32x128xf32, #tpu.memory_space<vmem>>, vector<16xf32>,
      tpu.vector_store %arg25[%swap3A_163, %swap3A_164], %broadcast_in_dim3A_5 {strides = array<i32>} : memref<32x128xf32, #tpu.memory_space<vmem>>, vector<16xf32>,
      %swap3A_166 = arith.index_cast %scan3A_133 : i32 to index
      %swap3A_167 = arith.constant 80 : index
      %swap3A_168 = tpu.vector_load %arg29[%swap3A_166, %swap3A_167] {strides = array<i32>} : memref<32x128xf32, #tpu.memory_space<vmem>>, vector<16xf32>,
      tpu.vector_store %arg29[%swap3A_166, %swap3A_167], %broadcast_in_dim3A_5 {strides = array<i32>} : memref<32x128xf32, #tpu.memory_space<vmem>>, vector<16xf32>,
      %swap3A_169 = arith.index_cast %scan3A_133 : i32 to index
      %swap3A_170 = arith.constant 96 : index
      %swap3A_171 = tpu.vector_load %arg25[%swap3A_169, %swap3A_170] {strides = array<i32>} : memref<32x128xf32, #tpu.memory_space<vmem>>, vector<16xf32>,
      tpu.vector_store %arg25[%swap3A_169, %swap3A_170], %broadcast_in_dim3A_5 {strides = array<i32>} : memref<32x128xf32, #tpu.memory_space<vmem>>, vector<16xf32>,
      %swap3A_172 = arith.index_cast %scan3A_133 : i32 to index
      %swap3A_173 = arith.constant 96 : index
      %swap3A_174 = tpu.vector_load %arg29[%swap3A_172, %swap3A_173] {strides = array<i32>} : memref<32x128xf32, #tpu.memory_space<vmem>>, vector<16xf32>,
      tpu.vector_store %arg29[%swap3A_172, %swap3A_173], %broadcast_in_dim3A_5 {strides = array<i32>} : memref<32x128xf32, #tpu.memory_space<vmem>>, vector<16xf32>,
      %swap3A_175 = arith.index_cast %scan3A_133 : i32 to index
      %swap3A_176 = arith.constant 112 : index
      %swap3A_177 = tpu.vector_load %arg25[%swap3A_175, %swap3A_176] {strides = array<i32>} : memref<32x128xf32, #tpu.memory_space<vmem>>, vector<16xf32>,
      tpu.vector_store %arg25[%swap3A_175, %swap3A_176], %broadcast_in_dim3A_5 {strides = array<i32>} : memref<32x128xf32, #tpu.memory_space<vmem>>, vector<16xf32>,
      %swap3A_178 = arith.index_cast %scan3A_133 : i32 to index
      %swap3A_179 = arith.constant 112 : index
      %swap3A_180 = tpu.vector_load %arg29[%swap3A_178, %swap3A_179] {strides = array<i32>} : memref<32x128xf32, #tpu.memory_space<vmem>>, vector<16xf32>,
      tpu.vector_store %arg29[%swap3A_178, %swap3A_179], %broadcast_in_dim3A_5 {strides = array<i32>} : memref<32x128xf32, #tpu.memory_space<vmem>>, vector<16xf32>,
    }
    %scan3A_10 = arith.constant 32 : i32
    %scan3A_11 = arith.constant 0 : i32
    %scan3A_12 = arith.constant 0 : i32
    %scan3A_13 = arith.constant 19 : i32
    %scan3A_14 = arith.addi %scan3A_12, %scan3A_13 : i32
    %scan3A_15 = arith.constant 1 : i32
    scf.for %scan3A_133 = %scan3A_12 to %scan3A_14 step %scan3A_15  : i32 {
      %mul3A_134 = arith.constant 32 : i32
      %mul3A_135 = arith.muli %scan3A_133, %mul3A_134 : i32
      %add3A_136 = arith.addi %mul3A_2, %mul3A_135 : i32
      "tpu.region"() ({
        %run_scoped3A = tpu.sem_alloc : memref<!tpu.dma_semaphore, #tpu.memory_space<semaphore_mem>>
        %dma_start3A_137 = arith.constant 0 : i32
        %dma_start3A_138 = tpu.memref_slice %arg9[%add3A_136, %dma_start3A_137] : memref<10112x128xf32, #tpu.memory_space<vmem_shared>> -> memref<32x128xf32, #tpu.memory_space<vmem_shared>>
        %dma_start3A_139 = arith.constant 0 : i32
        %dma_start3A_140 = tpu.memref_slice %arg9[%add3A_136, %dma_start3A_139] : memref<10112x128xf32, #tpu.memory_space<vmem_shared>> -> memref<32x128xf32, #tpu.memory_space<vmem_shared>>
        tpu.enqueue_dma source(%arg25 : memref<32x128xf32, #tpu.memory_space<vmem>>) target(%dma_start3A_140 : memref<32x128xf32, #tpu.memory_space<vmem_shared>>) target_semaphore(%run_scoped3A : memref<!tpu.dma_semaphore, #tpu.memory_space<semaphore_mem>>)
        %dma_wait3A_141 = arith.constant 0 : i32
        %dma_wait3A_142 = tpu.memref_slice %arg9[%add3A_136, %dma_wait3A_141] : memref<10112x128xf32, #tpu.memory_space<vmem_shared>> -> memref<32x128xf32, #tpu.memory_space<vmem_shared>>
        %dma_wait3A_143 = arith.constant 0 : i32
        %dma_wait3A_144 = tpu.memref_slice %arg9[%add3A_136, %dma_wait3A_143] : memref<10112x128xf32, #tpu.memory_space<vmem_shared>> -> memref<32x128xf32, #tpu.memory_space<vmem_shared>>
        tpu.wait_dma2 semaphore(%run_scoped3A : memref<!tpu.dma_semaphore, #tpu.memory_space<semaphore_mem>>) src(%arg25 : memref<32x128xf32, #tpu.memory_space<vmem>>) dst(%dma_wait3A_144 : memref<32x128xf32, #tpu.memory_space<vmem_shared>>)
        tpu.yield
      }) : () -> ()
    }
    %scan3A_16 = arith.constant 19 : i32
    %add3A_17 = arith.constant 608 : i32
    %add3A_18 = arith.addi %mul3A_2, %add3A_17 : i32
    "tpu.region"() ({
      %run_scoped3A = tpu.sem_alloc : memref<!tpu.dma_semaphore, #tpu.memory_space<semaphore_mem>>
      %dma_start3A_133 = arith.constant 0 : i32
      %dma_start3A_134 = arith.constant 0 : i32
      %dma_start3A_135 = tpu.memref_slice %arg25[%dma_start3A_133, %dma_start3A_134] : memref<32x128xf32, #tpu.memory_space<vmem>> -> memref<16x128xf32, #tpu.memory_space<vmem>>
      %dma_start3A_136 = arith.constant 0 : i32
      %dma_start3A_137 = tpu.memref_slice %arg9[%add3A_18, %dma_start3A_136] : memref<10112x128xf32, #tpu.memory_space<vmem_shared>> -> memref<16x128xf32, #tpu.memory_space<vmem_shared>>
      %dma_start3A_138 = arith.constant 0 : i32
      %dma_start3A_139 = tpu.memref_slice %arg9[%add3A_18, %dma_start3A_138] : memref<10112x128xf32, #tpu.memory_space<vmem_shared>> -> memref<16x128xf32, #tpu.memory_space<vmem_shared>>
      %dma_start3A_140 = arith.constant 0 : i32
      %dma_start3A_141 = arith.constant 0 : i32
      %dma_start3A_142 = tpu.memref_slice %arg25[%dma_start3A_140, %dma_start3A_141] : memref<32x128xf32, #tpu.memory_space<vmem>> -> memref<16x128xf32, #tpu.memory_space<vmem>>
      tpu.enqueue_dma source(%dma_start3A_142 : memref<16x128xf32, #tpu.memory_space<vmem>>) target(%dma_start3A_139 : memref<16x128xf32, #tpu.memory_space<vmem_shared>>) target_semaphore(%run_scoped3A : memref<!tpu.dma_semaphore, #tpu.memory_space<semaphore_mem>>)
      %dma_wait3A_143 = arith.constant 0 : i32
      %dma_wait3A_144 = arith.constant 0 : i32
      %dma_wait3A_145 = tpu.memref_slice %arg25[%dma_wait3A_143, %dma_wait3A_144] : memref<32x128xf32, #tpu.memory_space<vmem>> -> memref<16x128xf32, #tpu.memory_space<vmem>>
      %dma_wait3A_146 = arith.constant 0 : i32
      %dma_wait3A_147 = tpu.memref_slice %arg9[%add3A_18, %dma_wait3A_146] : memref<10112x128xf32, #tpu.memory_space<vmem_shared>> -> memref<16x128xf32, #tpu.memory_space<vmem_shared>>
      %dma_wait3A_148 = arith.constant 0 : i32
      %dma_wait3A_149 = tpu.memref_slice %arg9[%add3A_18, %dma_wait3A_148] : memref<10112x128xf32, #tpu.memory_space<vmem_shared>> -> memref<16x128xf32, #tpu.memory_space<vmem_shared>>
      %dma_wait3A_150 = arith.constant 0 : i32
      %dma_wait3A_151 = arith.constant 0 : i32
      %dma_wait3A_152 = tpu.memref_slice %arg25[%dma_wait3A_150, %dma_wait3A_151] : memref<32x128xf32, #tpu.memory_space<vmem>> -> memref<16x128xf32, #tpu.memory_space<vmem>>
      tpu.wait_dma2 semaphore(%run_scoped3A : memref<!tpu.dma_semaphore, #tpu.memory_space<semaphore_mem>>) src(%dma_wait3A_152 : memref<16x128xf32, #tpu.memory_space<vmem>>) dst(%dma_wait3A_149 : memref<16x128xf32, #tpu.memory_space<vmem_shared>>)
      tpu.yield
    }) : () -> ()
    %add3A_19 = arith.constant 16 : i32
    %add3A_20 = arith.addi %add3A_18, %add3A_19 : i32
    "tpu.region"() ({
      %run_scoped3A = tpu.sem_alloc : memref<!tpu.dma_semaphore, #tpu.memory_space<semaphore_mem>>
      %dma_start3A_133 = arith.constant 0 : i32
      %dma_start3A_134 = arith.constant 0 : i32
      %dma_start3A_135 = tpu.memref_slice %arg25[%dma_start3A_133, %dma_start3A_134] : memref<32x128xf32, #tpu.memory_space<vmem>> -> memref<8x128xf32, #tpu.memory_space<vmem>>
      %dma_start3A_136 = arith.constant 0 : i32
      %dma_start3A_137 = tpu.memref_slice %arg9[%add3A_20, %dma_start3A_136] : memref<10112x128xf32, #tpu.memory_space<vmem_shared>> -> memref<8x128xf32, #tpu.memory_space<vmem_shared>>
      %dma_start3A_138 = arith.constant 0 : i32
      %dma_start3A_139 = tpu.memref_slice %arg9[%add3A_20, %dma_start3A_138] : memref<10112x128xf32, #tpu.memory_space<vmem_shared>> -> memref<8x128xf32, #tpu.memory_space<vmem_shared>>
      %dma_start3A_140 = arith.constant 0 : i32
      %dma_start3A_141 = arith.constant 0 : i32
      %dma_start3A_142 = tpu.memref_slice %arg25[%dma_start3A_140, %dma_start3A_141] : memref<32x128xf32, #tpu.memory_space<vmem>> -> memref<8x128xf32, #tpu.memory_space<vmem>>
      tpu.enqueue_dma source(%dma_start3A_142 : memref<8x128xf32, #tpu.memory_space<vmem>>) target(%dma_start3A_139 : memref<8x128xf32, #tpu.memory_space<vmem_shared>>) target_semaphore(%run_scoped3A : memref<!tpu.dma_semaphore, #tpu.memory_space<semaphore_mem>>)
      %dma_wait3A_143 = arith.constant 0 : i32
      %dma_wait3A_144 = arith.constant 0 : i32
      %dma_wait3A_145 = tpu.memref_slice %arg25[%dma_wait3A_143, %dma_wait3A_144] : memref<32x128xf32, #tpu.memory_space<vmem>> -> memref<8x128xf32, #tpu.memory_space<vmem>>
      %dma_wait3A_146 = arith.constant 0 : i32
      %dma_wait3A_147 = tpu.memref_slice %arg9[%add3A_20, %dma_wait3A_146] : memref<10112x128xf32, #tpu.memory_space<vmem_shared>> -> memref<8x128xf32, #tpu.memory_space<vmem_shared>>
      %dma_wait3A_148 = arith.constant 0 : i32
      %dma_wait3A_149 = tpu.memref_slice %arg9[%add3A_20, %dma_wait3A_148] : memref<10112x128xf32, #tpu.memory_space<vmem_shared>> -> memref<8x128xf32, #tpu.memory_space<vmem_shared>>
      %dma_wait3A_150 = arith.constant 0 : i32
      %dma_wait3A_151 = arith.constant 0 : i32
      %dma_wait3A_152 = tpu.memref_slice %arg25[%dma_wait3A_150, %dma_wait3A_151] : memref<32x128xf32, #tpu.memory_space<vmem>> -> memref<8x128xf32, #tpu.memory_space<vmem>>
      tpu.wait_dma2 semaphore(%run_scoped3A : memref<!tpu.dma_semaphore, #tpu.memory_space<semaphore_mem>>) src(%dma_wait3A_152 : memref<8x128xf32, #tpu.memory_space<vmem>>) dst(%dma_wait3A_149 : memref<8x128xf32, #tpu.memory_space<vmem_shared>>)
      tpu.yield
    }) : () -> ()
    %add3A_21 = arith.constant 8 : i32
    %add3A_22 = arith.addi %add3A_20, %add3A_21 : i32
    %scan3A_23 = arith.constant 0 : i32
    %scan3A_24 = arith.constant 0 : i32
    %mul3A_25 = arith.constant 32 : i32
    %mul3A_26 = arith.muli %scan3A_24, %mul3A_25 : i32
    %add3A_27 = arith.addi %mul3A_4, %mul3A_26 : i32
    "tpu.region"() ({
      %run_scoped3A = tpu.sem_alloc : memref<!tpu.dma_semaphore, #tpu.memory_space<semaphore_mem>>
      %dma_start3A_133 = arith.constant 0 : i32
      %dma_start3A_134 = tpu.memref_slice %arg10[%add3A_27, %dma_start3A_133] : memref<640x128xf32, #tpu.memory_space<vmem_shared>> -> memref<32x128xf32, #tpu.memory_space<vmem_shared>>
      %dma_start3A_135 = arith.constant 0 : i32
      %dma_start3A_136 = tpu.memref_slice %arg10[%add3A_27, %dma_start3A_135] : memref<640x128xf32, #tpu.memory_space<vmem_shared>> -> memref<32x128xf32, #tpu.memory_space<vmem_shared>>
      tpu.enqueue_dma source(%arg29 : memref<32x128xf32, #tpu.memory_space<vmem>>) target(%dma_start3A_136 : memref<32x128xf32, #tpu.memory_space<vmem_shared>>) target_semaphore(%run_scoped3A : memref<!tpu.dma_semaphore, #tpu.memory_space<semaphore_mem>>)
      %dma_wait3A_137 = arith.constant 0 : i32
      %dma_wait3A_138 = tpu.memref_slice %arg10[%add3A_27, %dma_wait3A_137] : memref<640x128xf32, #tpu.memory_space<vmem_shared>> -> memref<32x128xf32, #tpu.memory_space<vmem_shared>>
      %dma_wait3A_139 = arith.constant 0 : i32
      %dma_wait3A_140 = tpu.memref_slice %arg10[%add3A_27, %dma_wait3A_139] : memref<640x128xf32, #tpu.memory_space<vmem_shared>> -> memref<32x128xf32, #tpu.memory_space<vmem_shared>>
      tpu.wait_dma2 semaphore(%run_scoped3A : memref<!tpu.dma_semaphore, #tpu.memory_space<semaphore_mem>>) src(%arg29 : memref<32x128xf32, #tpu.memory_space<vmem>>) dst(%dma_wait3A_140 : memref<32x128xf32, #tpu.memory_space<vmem_shared>>)
      tpu.yield
    }) : () -> ()
    %scan3A_28 = arith.constant 1 : i32
    %add3A_29 = arith.constant 32 : i32
    %add3A_30 = arith.addi %mul3A_4, %add3A_29 : i32
    "tpu.region"() ({
      %run_scoped3A = tpu.sem_alloc : memref<!tpu.dma_semaphore, #tpu.memory_space<semaphore_mem>>
      %dma_start3A_133 = arith.constant 0 : i32
      %dma_start3A_134 = arith.constant 0 : i32
      %dma_start3A_135 = tpu.memref_slice %arg29[%dma_start3A_133, %dma_start3A_134] : memref<32x128xf32, #tpu.memory_space<vmem>> -> memref<8x128xf32, #tpu.memory_space<vmem>>
      %dma_start3A_136 = arith.constant 0 : i32
      %dma_start3A_137 = tpu.memref_slice %arg10[%add3A_30, %dma_start3A_136] : memref<640x128xf32, #tpu.memory_space<vmem_shared>> -> memref<8x128xf32, #tpu.memory_space<vmem_shared>>
      %dma_start3A_138 = arith.constant 0 : i32
      %dma_start3A_139 = tpu.memref_slice %arg10[%add3A_30, %dma_start3A_138] : memref<640x128xf32, #tpu.memory_space<vmem_shared>> -> memref<8x128xf32, #tpu.memory_space<vmem_shared>>
      %dma_start3A_140 = arith.constant 0 : i32
      %dma_start3A_141 = arith.constant 0 : i32
      %dma_start3A_142 = tpu.memref_slice %arg29[%dma_start3A_140, %dma_start3A_141] : memref<32x128xf32, #tpu.memory_space<vmem>> -> memref<8x128xf32, #tpu.memory_space<vmem>>
      tpu.enqueue_dma source(%dma_start3A_142 : memref<8x128xf32, #tpu.memory_space<vmem>>) target(%dma_start3A_139 : memref<8x128xf32, #tpu.memory_space<vmem_shared>>) target_semaphore(%run_scoped3A : memref<!tpu.dma_semaphore, #tpu.memory_space<semaphore_mem>>)
      %dma_wait3A_143 = arith.constant 0 : i32
      %dma_wait3A_144 = arith.constant 0 : i32
      %dma_wait3A_145 = tpu.memref_slice %arg29[%dma_wait3A_143, %dma_wait3A_144] : memref<32x128xf32, #tpu.memory_space<vmem>> -> memref<8x128xf32, #tpu.memory_space<vmem>>
      %dma_wait3A_146 = arith.constant 0 : i32
      %dma_wait3A_147 = tpu.memref_slice %arg10[%add3A_30, %dma_wait3A_146] : memref<640x128xf32, #tpu.memory_space<vmem_shared>> -> memref<8x128xf32, #tpu.memory_space<vmem_shared>>
      %dma_wait3A_148 = arith.constant 0 : i32
      %dma_wait3A_149 = tpu.memref_slice %arg10[%add3A_30, %dma_wait3A_148] : memref<640x128xf32, #tpu.memory_space<vmem_shared>> -> memref<8x128xf32, #tpu.memory_space<vmem_shared>>
      %dma_wait3A_150 = arith.constant 0 : i32
      %dma_wait3A_151 = arith.constant 0 : i32
      %dma_wait3A_152 = tpu.memref_slice %arg29[%dma_wait3A_150, %dma_wait3A_151] : memref<32x128xf32, #tpu.memory_space<vmem>> -> memref<8x128xf32, #tpu.memory_space<vmem>>
      tpu.wait_dma2 semaphore(%run_scoped3A : memref<!tpu.dma_semaphore, #tpu.memory_space<semaphore_mem>>) src(%dma_wait3A_152 : memref<8x128xf32, #tpu.memory_space<vmem>>) dst(%dma_wait3A_149 : memref<8x128xf32, #tpu.memory_space<vmem_shared>>)
      tpu.yield
    }) : () -> ()
    %add3A_31 = arith.constant 8 : i32
    %add3A_32 = arith.addi %add3A_30, %add3A_31 : i32
    %barrier3A = arith.constant 0 : index
    tpu.barrier barrier_id(%barrier3A)
    %add3A_33 = arith.constant 0 : i32
    %add3A_34 = arith.addi %add3A, %add3A_33 : i32
    %mul3A_35 = arith.constant 32 : i32
    %mul3A_36 = arith.muli %add3A_34, %mul3A_35 : i32
    "tpu.region"() ({
      %run_scoped3A = tpu.sem_alloc : memref<!tpu.dma_semaphore, #tpu.memory_space<semaphore_mem>>
      %dma_start3A_133 = tpu.memref_slice %arg2[%mul3A_36] : memref<323584xi32, #tpu.memory_space<hbm>> -> memref<32xi32, #tpu.memory_space<hbm>>
      %dma_start3A_134 = tpu.memref_slice %arg2[%mul3A_36] : memref<323584xi32, #tpu.memory_space<hbm>> -> memref<32xi32, #tpu.memory_space<hbm>>
      tpu.enqueue_dma source(%dma_start3A_134 : memref<32xi32, #tpu.memory_space<hbm>>) target(%arg11 : memref<32xi32, #tpu.memory_space<vmem>>) target_semaphore(%run_scoped3A : memref<!tpu.dma_semaphore, #tpu.memory_space<semaphore_mem>>)
      %dma_wait3A_135 = tpu.memref_slice %arg2[%mul3A_36] : memref<323584xi32, #tpu.memory_space<hbm>> -> memref<32xi32, #tpu.memory_space<hbm>>
      %dma_wait3A_136 = tpu.memref_slice %arg2[%mul3A_36] : memref<323584xi32, #tpu.memory_space<hbm>> -> memref<32xi32, #tpu.memory_space<hbm>>
      tpu.wait_dma2 semaphore(%run_scoped3A : memref<!tpu.dma_semaphore, #tpu.memory_space<semaphore_mem>>) src(%dma_wait3A_136 : memref<32xi32, #tpu.memory_space<hbm>>) dst(%arg11 : memref<32xi32, #tpu.memory_space<vmem>>)
      tpu.yield
    }) : () -> ()
    %add3A_37 = arith.constant 0 : i32
    %add3A_38 = arith.addi %add3A, %add3A_37 : i32
    %mul3A_39 = arith.constant 32 : i32
    %mul3A_40 = arith.muli %add3A_38, %mul3A_39 : i32
    "tpu.region"() ({
      %run_scoped3A = tpu.sem_alloc : memref<!tpu.dma_semaphore, #tpu.memory_space<semaphore_mem>>
      %dma_start3A_133 = tpu.memref_slice %arg3[%mul3A_40] : memref<323584xi32, #tpu.memory_space<hbm>> -> memref<32xi32, #tpu.memory_space<hbm>>
      %dma_start3A_134 = tpu.memref_slice %arg3[%mul3A_40] : memref<323584xi32, #tpu.memory_space<hbm>> -> memref<32xi32, #tpu.memory_space<hbm>>
      tpu.enqueue_dma source(%dma_start3A_134 : memref<32xi32, #tpu.memory_space<hbm>>) target(%arg15 : memref<32xi32, #tpu.memory_space<vmem>>) target_semaphore(%run_scoped3A : memref<!tpu.dma_semaphore, #tpu.memory_space<semaphore_mem>>)
      %dma_wait3A_135 = tpu.memref_slice %arg3[%mul3A_40] : memref<323584xi32, #tpu.memory_space<hbm>> -> memref<32xi32, #tpu.memory_space<hbm>>
      %dma_wait3A_136 = tpu.memref_slice %arg3[%mul3A_40] : memref<323584xi32, #tpu.memory_space<hbm>> -> memref<32xi32, #tpu.memory_space<hbm>>
      tpu.wait_dma2 semaphore(%run_scoped3A : memref<!tpu.dma_semaphore, #tpu.memory_space<semaphore_mem>>) src(%dma_wait3A_136 : memref<32xi32, #tpu.memory_space<hbm>>) dst(%arg15 : memref<32xi32, #tpu.memory_space<vmem>>)
      tpu.yield
    }) : () -> ()
    %add3A_41 = arith.constant 32 : i32
    %add3A_42 = arith.addi %add3A, %add3A_41 : i32
    %mul3A_43 = arith.constant 32 : i32
    %mul3A_44 = arith.muli %add3A_42, %mul3A_43 : i32
    "tpu.region"() ({
      %run_scoped3A = tpu.sem_alloc : memref<!tpu.dma_semaphore, #tpu.memory_space<semaphore_mem>>
      %dma_start3A_133 = tpu.memref_slice %arg2[%mul3A_44] : memref<323584xi32, #tpu.memory_space<hbm>> -> memref<32xi32, #tpu.memory_space<hbm>>
      %dma_start3A_134 = tpu.memref_slice %arg2[%mul3A_44] : memref<323584xi32, #tpu.memory_space<hbm>> -> memref<32xi32, #tpu.memory_space<hbm>>
      tpu.enqueue_dma source(%dma_start3A_134 : memref<32xi32, #tpu.memory_space<hbm>>) target(%arg12 : memref<32xi32, #tpu.memory_space<vmem>>) target_semaphore(%run_scoped3A : memref<!tpu.dma_semaphore, #tpu.memory_space<semaphore_mem>>)
      %dma_wait3A_135 = tpu.memref_slice %arg2[%mul3A_44] : memref<323584xi32, #tpu.memory_space<hbm>> -> memref<32xi32, #tpu.memory_space<hbm>>
      %dma_wait3A_136 = tpu.memref_slice %arg2[%mul3A_44] : memref<323584xi32, #tpu.memory_space<hbm>> -> memref<32xi32, #tpu.memory_space<hbm>>
      tpu.wait_dma2 semaphore(%run_scoped3A : memref<!tpu.dma_semaphore, #tpu.memory_space<semaphore_mem>>) src(%dma_wait3A_136 : memref<32xi32, #tpu.memory_space<hbm>>) dst(%arg12 : memref<32xi32, #tpu.memory_space<vmem>>)
      tpu.yield
    }) : () -> ()
    %add3A_45 = arith.constant 32 : i32
    %add3A_46 = arith.addi %add3A, %add3A_45 : i32
    %mul3A_47 = arith.constant 32 : i32
    %mul3A_48 = arith.muli %add3A_46, %mul3A_47 : i32
    "tpu.region"() ({
      %run_scoped3A = tpu.sem_alloc : memref<!tpu.dma_semaphore, #tpu.memory_space<semaphore_mem>>
      %dma_start3A_133 = tpu.memref_slice %arg3[%mul3A_48] : memref<323584xi32, #tpu.memory_space<hbm>> -> memref<32xi32, #tpu.memory_space<hbm>>
      %dma_start3A_134 = tpu.memref_slice %arg3[%mul3A_48] : memref<323584xi32, #tpu.memory_space<hbm>> -> memref<32xi32, #tpu.memory_space<hbm>>
      tpu.enqueue_dma source(%dma_start3A_134 : memref<32xi32, #tpu.memory_space<hbm>>) target(%arg16 : memref<32xi32, #tpu.memory_space<vmem>>) target_semaphore(%run_scoped3A : memref<!tpu.dma_semaphore, #tpu.memory_space<semaphore_mem>>)
      %dma_wait3A_135 = tpu.memref_slice %arg3[%mul3A_48] : memref<323584xi32, #tpu.memory_space<hbm>> -> memref<32xi32, #tpu.memory_space<hbm>>
      %dma_wait3A_136 = tpu.memref_slice %arg3[%mul3A_48] : memref<323584xi32, #tpu.memory_space<hbm>> -> memref<32xi32, #tpu.memory_space<hbm>>
      tpu.wait_dma2 semaphore(%run_scoped3A : memref<!tpu.dma_semaphore, #tpu.memory_space<semaphore_mem>>) src(%dma_wait3A_136 : memref<32xi32, #tpu.memory_space<hbm>>) dst(%arg16 : memref<32xi32, #tpu.memory_space<vmem>>)
      tpu.yield
    }) : () -> ()
    %add3A_49 = arith.constant 64 : i32
    %add3A_50 = arith.addi %add3A, %add3A_49 : i32
    %mul3A_51 = arith.constant 32 : i32
    %mul3A_52 = arith.muli %add3A_50, %mul3A_51 : i32
    %dma_start3A = tpu.memref_slice %arg2[%mul3A_52] : memref<323584xi32, #tpu.memory_space<hbm>> -> memref<32xi32, #tpu.memory_space<hbm>>
    %dma_start3A_53 = tpu.memref_slice %arg2[%mul3A_52] : memref<323584xi32, #tpu.memory_space<hbm>> -> memref<32xi32, #tpu.memory_space<hbm>>
    tpu.enqueue_dma source(%dma_start3A_53 : memref<32xi32, #tpu.memory_space<hbm>>) target(%arg13 : memref<32xi32, #tpu.memory_space<vmem>>) target_semaphore(%arg32 : memref<!tpu.dma_semaphore, #tpu.memory_space<semaphore_mem>>)
    %add3A_54 = arith.constant 64 : i32
    %add3A_55 = arith.addi %add3A, %add3A_54 : i32
    %mul3A_56 = arith.constant 32 : i32
    %mul3A_57 = arith.muli %add3A_55, %mul3A_56 : i32
    %dma_start3A_58 = tpu.memref_slice %arg3[%mul3A_57] : memref<323584xi32, #tpu.memory_space<hbm>> -> memref<32xi32, #tpu.memory_space<hbm>>
    %dma_start3A_59 = tpu.memref_slice %arg3[%mul3A_57] : memref<323584xi32, #tpu.memory_space<hbm>> -> memref<32xi32, #tpu.memory_space<hbm>>
    tpu.enqueue_dma source(%dma_start3A_59 : memref<32xi32, #tpu.memory_space<hbm>>) target(%arg17 : memref<32xi32, #tpu.memory_space<vmem>>) target_semaphore(%arg32 : memref<!tpu.dma_semaphore, #tpu.memory_space<semaphore_mem>>)
    %dma_start3A_60 = arith.constant 0 : i32
    %dma_start3A_61 = arith.constant 0 : i32
    %dma_start3A_62 = tpu.memref_slice %arg5[%dma_start3A_60, %dma_start3A_61] : memref<10008x256xf32, #tpu.memory_space<hbm>> -> memref<10008x256xf32, #tpu.memory_space<hbm>>
    tpu.enqueue_indirect_dma source(%dma_start3A_62 : memref<10008x256xf32, #tpu.memory_space<hbm>>) target(%arg23 : memref<32x256xf32, #tpu.memory_space<vmem>>) offsets(%arg11 : memref<32xi32, #tpu.memory_space<vmem>>) semaphore(%arg34 : memref<!tpu.dma_semaphore, #tpu.memory_space<semaphore_mem>>)
    %dma_start3A_63 = arith.constant 0 : i32
    %dma_start3A_64 = arith.constant 0 : i32
    %dma_start3A_65 = tpu.memref_slice %arg4[%dma_start3A_63, %dma_start3A_64] : memref<10008x128xf32, #tpu.memory_space<hbm>> -> memref<10008x128xf32, #tpu.memory_space<hbm>>
    tpu.enqueue_indirect_dma source(%dma_start3A_65 : memref<10008x128xf32, #tpu.memory_space<hbm>>) target(%arg25 : memref<32x128xf32, #tpu.memory_space<vmem>>) offsets(%arg15 : memref<32xi32, #tpu.memory_space<vmem>>) semaphore(%arg36 : memref<!tpu.dma_semaphore, #tpu.memory_space<semaphore_mem>>)
    %add3A_66 = arith.constant 0 : i32
    %add3A_67 = arith.addi %add3A, %add3A_66 : i32
    %mul3A_68 = arith.constant 32 : i32
    %mul3A_69 = arith.muli %add3A_67, %mul3A_68 : i32
    %dma_start3A_70 = arith.constant 0 : i32
    %dma_start3A_71 = tpu.memref_slice %arg6[%mul3A_69, %dma_start3A_70] : memref<323584x128xf32, #tpu.memory_space<hbm>> -> memref<32x128xf32, #tpu.memory_space<hbm>>
    %dma_start3A_72 = arith.constant 0 : i32
    %dma_start3A_73 = tpu.memref_slice %arg6[%mul3A_69, %dma_start3A_72] : memref<323584x128xf32, #tpu.memory_space<hbm>> -> memref<32x128xf32, #tpu.memory_space<hbm>>
    tpu.enqueue_dma source(%dma_start3A_73 : memref<32x128xf32, #tpu.memory_space<hbm>>) target(%arg27 : memref<32x128xf32, #tpu.memory_space<vmem>>) target_semaphore(%arg38 : memref<!tpu.dma_semaphore, #tpu.memory_space<semaphore_mem>>)
    %dma_start3A_74 = arith.constant 0 : i32
    %dma_start3A_75 = arith.constant 0 : i32
    %dma_start3A_76 = tpu.memref_slice %arg5[%dma_start3A_74, %dma_start3A_75] : memref<10008x256xf32, #tpu.memory_space<hbm>> -> memref<10008x256xf32, #tpu.memory_space<hbm>>
    tpu.enqueue_indirect_dma source(%dma_start3A_76 : memref<10008x256xf32, #tpu.memory_space<hbm>>) target(%arg24 : memref<32x256xf32, #tpu.memory_space<vmem>>) offsets(%arg12 : memref<32xi32, #tpu.memory_space<vmem>>) semaphore(%arg35 : memref<!tpu.dma_semaphore, #tpu.memory_space<semaphore_mem>>)
    %dma_start3A_77 = arith.constant 0 : i32
    %dma_start3A_78 = arith.constant 0 : i32
    %dma_start3A_79 = tpu.memref_slice %arg4[%dma_start3A_77, %dma_start3A_78] : memref<10008x128xf32, #tpu.memory_space<hbm>> -> memref<10008x128xf32, #tpu.memory_space<hbm>>
    tpu.enqueue_indirect_dma source(%dma_start3A_79 : memref<10008x128xf32, #tpu.memory_space<hbm>>) target(%arg26 : memref<32x128xf32, #tpu.memory_space<vmem>>) offsets(%arg16 : memref<32xi32, #tpu.memory_space<vmem>>) semaphore(%arg37 : memref<!tpu.dma_semaphore, #tpu.memory_space<semaphore_mem>>)
    %scan3A_80 = arith.constant 0 : i32
    %scan3A_81 = arith.constant 0 : i32
    %scan3A_82 = arith.constant 2 : i32
    %scan3A_83 = arith.addi %scan3A_81, %scan3A_82 : i32
    %scan3A_84 = arith.constant 1 : i32
    scf.for %scan3A_133 = %scan3A_81 to %scan3A_83 step %scan3A_84  : i32 {
      %mul3A_134 = arith.constant 16 : i32
      %mul3A_135 = arith.muli %scan3A_133, %mul3A_134 : i32
      %get3A = arith.index_cast %mul3A_135 : i32 to index
      %get3A_136 = tpu.vector_load %arg15[%get3A] {strides = array<i32>} : memref<32xi32, #tpu.memory_space<vmem>>, vector<16xi32>,
      %mul3A_137 = arith.constant 16 : i32
      %mul3A_138 = arith.muli %scan3A_133, %mul3A_137 : i32
      %swap3A = arith.index_cast %mul3A_138 : i32 to index
      %swap3A_139 = tpu.vector_load %arg19[%swap3A] {strides = array<i32>} : memref<32xi32, #tpu.memory_space<vmem>>, vector<16xi32>,
      tpu.vector_store %arg19[%swap3A], %get3A_136 {strides = array<i32>} : memref<32xi32, #tpu.memory_space<vmem>>, vector<16xi32>,
      %shift_right_logical3A = arith.constant 4 : i32
      %shift_right_logical3A_140 = vector.broadcast %shift_right_logical3A : i32 to vector<16xi32>
      %shift_right_logical3A_141 = arith.shrui %get3A_136, %shift_right_logical3A_140 : vector<16xi32>
      %mul3A_142 = arith.constant 16 : i32
      %mul3A_143 = arith.muli %scan3A_133, %mul3A_142 : i32
      %swap3A_144 = arith.index_cast %mul3A_143 : i32 to index
      %swap3A_145 = tpu.vector_load %arg21[%swap3A_144] {strides = array<i32>} : memref<32xi32, #tpu.memory_space<vmem>>, vector<16xi32>,
      tpu.vector_store %arg21[%swap3A_144], %shift_right_logical3A_141 {strides = array<i32>} : memref<32xi32, #tpu.memory_space<vmem>>, vector<16xi32>,
    }
    %scan3A_85 = arith.constant 2 : i32
    %iota3A = tpu.iota {dimensions = array<i32: 0>} : vector<16xi32>
    %eq3A = arith.constant 0 : i32
    %eq3A_86 = vector.broadcast %eq3A : i32 to vector<16xi32>
    %eq3A_87 = arith.cmpi eq, %iota3A, %eq3A_86 : vector<16xi32>
    %xor3A = arith.constant 8 : i32
    %xor3A_88 = vector.broadcast %xor3A : i32 to vector<16xi32>
    %xor3A_89 = arith.xori %iota3A, %xor3A_88 : vector<16xi32>
    %xor3A_90 = arith.constant 4 : i32
    %xor3A_91 = vector.broadcast %xor3A_90 : i32 to vector<16xi32>
    %xor3A_92 = arith.xori %iota3A, %xor3A_91 : vector<16xi32>
    %xor3A_93 = arith.constant 2 : i32
    %xor3A_94 = vector.broadcast %xor3A_93 : i32 to vector<16xi32>
    %xor3A_95 = arith.xori %iota3A, %xor3A_94 : vector<16xi32>
    %xor3A_96 = arith.constant 1 : i32
    %xor3A_97 = vector.broadcast %xor3A_96 : i32 to vector<16xi32>
    %xor3A_98 = arith.xori %iota3A, %xor3A_97 : vector<16xi32>
    %scan3A_99 = arith.constant 0 : i32
    %scan3A_100 = arith.constant 0 : i32
    %scan3A_101 = arith.constant 79 : i32
    %scan3A_102 = arith.addi %scan3A_100, %scan3A_101 : i32
    %scan3A_103 = arith.constant 1 : i32
    scf.for %scan3A_133 = %scan3A_100 to %scan3A_102 step %scan3A_103  : i32 {
      %mul3A_134 = arith.constant 4 : i32
      %mul3A_135 = arith.muli %scan3A_133, %mul3A_134 : i32
      %add3A_136 = arith.constant 0 : i32
      %add3A_137 = arith.addi %mul3A_135, %add3A_136 : i32
      %dma_wait3A_138 = arith.constant 0 : i32
      %dma_wait3A_139 = arith.constant 0 : i32
      %dma_wait3A_140 = tpu.memref_slice %arg5[%dma_wait3A_138, %dma_wait3A_139] : memref<10008x256xf32, #tpu.memory_space<hbm>> -> memref<10008x256xf32, #tpu.memory_space<hbm>>
      tpu.wait_indirect_dma semaphore(%arg34 : memref<!tpu.dma_semaphore, #tpu.memory_space<semaphore_mem>>) src(%dma_wait3A_140 : memref<10008x256xf32, #tpu.memory_space<hbm>>) dst(%arg23 : memref<32x256xf32, #tpu.memory_space<vmem>>)
      %dma_wait3A_141 = arith.constant 0 : i32
      %dma_wait3A_142 = arith.constant 0 : i32
      %dma_wait3A_143 = tpu.memref_slice %arg4[%dma_wait3A_141, %dma_wait3A_142] : memref<10008x128xf32, #tpu.memory_space<hbm>> -> memref<10008x128xf32, #tpu.memory_space<hbm>>
      tpu.wait_indirect_dma semaphore(%arg36 : memref<!tpu.dma_semaphore, #tpu.memory_space<semaphore_mem>>) src(%dma_wait3A_143 : memref<10008x128xf32, #tpu.memory_space<hbm>>) dst(%arg25 : memref<32x128xf32, #tpu.memory_space<vmem>>)
      %dma_wait3A_144 = arith.constant 0 : i32
      %dma_wait3A_145 = arith.constant 0 : i32
      %dma_wait3A_146 = tpu.memref_slice %arg6[%dma_wait3A_144, %dma_wait3A_145] : memref<323584x128xf32, #tpu.memory_space<hbm>> -> memref<32x128xf32, #tpu.memory_space<hbm>>
      %dma_wait3A_147 = arith.constant 0 : i32
      %dma_wait3A_148 = arith.constant 0 : i32
      %dma_wait3A_149 = tpu.memref_slice %arg6[%dma_wait3A_147, %dma_wait3A_148] : memref<323584x128xf32, #tpu.memory_space<hbm>> -> memref<32x128xf32, #tpu.memory_space<hbm>>
      tpu.wait_dma2 semaphore(%arg38 : memref<!tpu.dma_semaphore, #tpu.memory_space<semaphore_mem>>) src(%dma_wait3A_149 : memref<32x128xf32, #tpu.memory_space<hbm>>) dst(%arg27 : memref<32x128xf32, #tpu.memory_space<vmem>>)
      %ge3A = arith.constant 1 : i32
      %ge3A_150 = arith.cmpi sge, %add3A_137, %ge3A : i32
      %convert_element_type3A = arith.extui %ge3A_150 : i1 to i32
      %cond3A = arith.constant 0 : i32
      %cond3A_151 = arith.cmpi ne, %convert_element_type3A, %cond3A : i32
      scf.if %cond3A_151 {
        %dma_wait3A_390 = arith.constant 0 : i32
        %dma_wait3A_391 = arith.constant 0 : i32
        %dma_wait3A_392 = tpu.memref_slice %arg10[%dma_wait3A_390, %dma_wait3A_391] : memref<640x128xf32, #tpu.memory_space<vmem_shared>> -> memref<640x128xf32, #tpu.memory_space<vmem_shared>>
        tpu.wait_indirect_dma semaphore(%arg42 : memref<!tpu.dma_semaphore, #tpu.memory_space<semaphore_mem>>) src(%arg29 : memref<32x128xf32, #tpu.memory_space<vmem>>) dst(%dma_wait3A_392 : memref<640x128xf32, #tpu.memory_space<vmem_shared>>)
      } else {
      }
      %scan3A_152 = arith.constant 0 : i32
      %scan3A_153 = arith.constant 0 : i32
      %scan3A_154 = arith.constant 32 : i32
      %scan3A_155 = arith.addi %scan3A_153, %scan3A_154 : i32
      %scan3A_156 = arith.constant 1 : i32
      scf.for %scan3A_390 = %scan3A_153 to %scan3A_155 step %scan3A_156  : i32 {
        %swap3A = arith.index_cast %scan3A_390 : i32 to index
        %swap3A_391 = arith.constant 0 : index
        %swap3A_392 = tpu.vector_load %arg29[%swap3A, %swap3A_391] {strides = array<i32>} : memref<32x128xf32, #tpu.memory_space<vmem>>, vector<16xf32>,
        tpu.vector_store %arg29[%swap3A, %swap3A_391], %broadcast_in_dim3A_5 {strides = array<i32>} : memref<32x128xf32, #tpu.memory_space<vmem>>, vector<16xf32>,
        %swap3A_393 = arith.index_cast %scan3A_390 : i32 to index
        %swap3A_394 = arith.constant 16 : index
        %swap3A_395 = tpu.vector_load %arg29[%swap3A_393, %swap3A_394] {strides = array<i32>} : memref<32x128xf32, #tpu.memory_space<vmem>>, vector<16xf32>,
        tpu.vector_store %arg29[%swap3A_393, %swap3A_394], %broadcast_in_dim3A_5 {strides = array<i32>} : memref<32x128xf32, #tpu.memory_space<vmem>>, vector<16xf32>,
        %swap3A_396 = arith.index_cast %scan3A_390 : i32 to index
        %swap3A_397 = arith.constant 32 : index
        %swap3A_398 = tpu.vector_load %arg29[%swap3A_396, %swap3A_397] {strides = array<i32>} : memref<32x128xf32, #tpu.memory_space<vmem>>, vector<16xf32>,
        tpu.vector_store %arg29[%swap3A_396, %swap3A_397], %broadcast_in_dim3A_5 {strides = array<i32>} : memref<32x128xf32, #tpu.memory_space<vmem>>, vector<16xf32>,
        %swap3A_399 = arith.index_cast %scan3A_390 : i32 to index
        %swap3A_400 = arith.constant 48 : index
        %swap3A_401 = tpu.vector_load %arg29[%swap3A_399, %swap3A_400] {strides = array<i32>} : memref<32x128xf32, #tpu.memory_space<vmem>>, vector<16xf32>,
        tpu.vector_store %arg29[%swap3A_399, %swap3A_400], %broadcast_in_dim3A_5 {strides = array<i32>} : memref<32x128xf32, #tpu.memory_space<vmem>>, vector<16xf32>,
        %swap3A_402 = arith.index_cast %scan3A_390 : i32 to index
        %swap3A_403 = arith.constant 64 : index
        %swap3A_404 = tpu.vector_load %arg29[%swap3A_402, %swap3A_403] {strides = array<i32>} : memref<32x128xf32, #tpu.memory_space<vmem>>, vector<16xf32>,
        tpu.vector_store %arg29[%swap3A_402, %swap3A_403], %broadcast_in_dim3A_5 {strides = array<i32>} : memref<32x128xf32, #tpu.memory_space<vmem>>, vector<16xf32>,
        %swap3A_405 = arith.index_cast %scan3A_390 : i32 to index
        %swap3A_406 = arith.constant 80 : index
        %swap3A_407 = tpu.vector_load %arg29[%swap3A_405, %swap3A_406] {strides = array<i32>} : memref<32x128xf32, #tpu.memory_space<vmem>>, vector<16xf32>,
        tpu.vector_store %arg29[%swap3A_405, %swap3A_406], %broadcast_in_dim3A_5 {strides = array<i32>} : memref<32x128xf32, #tpu.memory_space<vmem>>, vector<16xf32>,
        %swap3A_408 = arith.index_cast %scan3A_390 : i32 to index
        %swap3A_409 = arith.constant 96 : index
        %swap3A_410 = tpu.vector_load %arg29[%swap3A_408, %swap3A_409] {strides = array<i32>} : memref<32x128xf32, #tpu.memory_space<vmem>>, vector<16xf32>,
        tpu.vector_store %arg29[%swap3A_408, %swap3A_409], %broadcast_in_dim3A_5 {strides = array<i32>} : memref<32x128xf32, #tpu.memory_space<vmem>>, vector<16xf32>,
        %swap3A_411 = arith.index_cast %scan3A_390 : i32 to index
        %swap3A_412 = arith.constant 112 : index
        %swap3A_413 = tpu.vector_load %arg29[%swap3A_411, %swap3A_412] {strides = array<i32>} : memref<32x128xf32, #tpu.memory_space<vmem>>, vector<16xf32>,
        tpu.vector_store %arg29[%swap3A_411, %swap3A_412], %broadcast_in_dim3A_5 {strides = array<i32>} : memref<32x128xf32, #tpu.memory_space<vmem>>, vector<16xf32>,
      }
      %scan3A_157 = arith.constant 32 : i32
      %scan3A_158 = arith.constant 0 : i32
      %scan3A_159 = arith.constant 0 : i32
      %scan3A_160 = arith.constant 32 : i32
      %scan3A_161 = arith.addi %scan3A_159, %scan3A_160 : i32
      %scan3A_162 = arith.constant 1 : i32
      scf.for %scan3A_390 = %scan3A_159 to %scan3A_161 step %scan3A_162  : i32 {
        %and3A = arith.constant -16 : i32
        %and3A_391 = arith.andi %scan3A_390, %and3A : i32
        %get3A = arith.index_cast %and3A_391 : i32 to index
        %get3A_392 = tpu.vector_load %arg15[%get3A] {strides = array<i32>} : memref<32xi32, #tpu.memory_space<vmem>>, vector<16xi32>,
        %and3A_393 = arith.constant 15 : i32
        %and3A_394 = arith.andi %scan3A_390, %and3A_393 : i32
        %broadcast_in_dim3A_395 = vector.broadcast %and3A_394 : i32 to vector<16xi32>
        %broadcast_in_dim3A_396 = vector.shape_cast %broadcast_in_dim3A_395 : vector<16xi32> to vector<16x1xi32>
        %gather3A = vector.shape_cast %broadcast_in_dim3A_396 : vector<16x1xi32> to vector<16xi32>
        %gather3A_397 = tpu.dynamic_gather %get3A_392[%gather3A] in [0] : vector<16xi32>, vector<16xi32> -> vector<16xi32>
        %and3A_398 = arith.constant 15 : i32
        %and3A_399 = vector.broadcast %and3A_398 : i32 to vector<16xi32>
        %and3A_400 = arith.andi %gather3A_397, %and3A_399 : vector<16xi32>
        %mul3A_401 = arith.constant 8 : i32
        %mul3A_402 = vector.broadcast %mul3A_401 : i32 to vector<16xi32>
        %mul3A_403 = arith.muli %and3A_400, %mul3A_402 : vector<16xi32>
        %broadcast_in_dim3A_404 = vector.broadcast %scan3A_390 : i32 to vector<16xi32>
        %get3A_405 = arith.index_cast %scan3A_390 : i32 to index
        %get3A_406 = arith.constant 0 : index
        %get3A_407 = tpu.vector_load %arg25[%get3A_405, %get3A_406] {strides = array<i32>} : memref<32x128xf32, #tpu.memory_space<vmem>>, vector<16xf32>,
        %get3A_408 = arith.index_cast %scan3A_390 : i32 to index
        %get3A_409 = arith.constant 16 : index
        %get3A_410 = tpu.vector_load %arg25[%get3A_408, %get3A_409] {strides = array<i32>} : memref<32x128xf32, #tpu.memory_space<vmem>>, vector<16xf32>,
        %get3A_411 = arith.index_cast %scan3A_390 : i32 to index
        %get3A_412 = arith.constant 32 : index
        %get3A_413 = tpu.vector_load %arg25[%get3A_411, %get3A_412] {strides = array<i32>} : memref<32x128xf32, #tpu.memory_space<vmem>>, vector<16xf32>,
        %get3A_414 = arith.index_cast %scan3A_390 : i32 to index
        %get3A_415 = arith.constant 48 : index
        %get3A_416 = tpu.vector_load %arg25[%get3A_414, %get3A_415] {strides = array<i32>} : memref<32x128xf32, #tpu.memory_space<vmem>>, vector<16xf32>,
        %get3A_417 = arith.index_cast %scan3A_390 : i32 to index
        %get3A_418 = arith.constant 64 : index
        %get3A_419 = tpu.vector_load %arg25[%get3A_417, %get3A_418] {strides = array<i32>} : memref<32x128xf32, #tpu.memory_space<vmem>>, vector<16xf32>,
        %get3A_420 = arith.index_cast %scan3A_390 : i32 to index
        %get3A_421 = arith.constant 80 : index
        %get3A_422 = tpu.vector_load %arg25[%get3A_420, %get3A_421] {strides = array<i32>} : memref<32x128xf32, #tpu.memory_space<vmem>>, vector<16xf32>,
        %get3A_423 = arith.index_cast %scan3A_390 : i32 to index
        %get3A_424 = arith.constant 96 : index
        %get3A_425 = tpu.vector_load %arg25[%get3A_423, %get3A_424] {strides = array<i32>} : memref<32x128xf32, #tpu.memory_space<vmem>>, vector<16xf32>,
        %get3A_426 = arith.index_cast %scan3A_390 : i32 to index
        %get3A_427 = arith.constant 112 : index
        %get3A_428 = tpu.vector_load %arg25[%get3A_426, %get3A_427] {strides = array<i32>} : memref<32x128xf32, #tpu.memory_space<vmem>>, vector<16xf32>,
        %get3A_429 = arith.index_cast %scan3A_390 : i32 to index
        %get3A_430 = arith.constant 0 : index
        %get3A_431 = tpu.vector_load %arg23[%get3A_429, %get3A_430] {strides = array<i32>} : memref<32x256xf32, #tpu.memory_space<vmem>>, vector<16xf32>,
        %get3A_432 = arith.index_cast %scan3A_390 : i32 to index
        %get3A_433 = arith.constant 16 : index
        %get3A_434 = tpu.vector_load %arg23[%get3A_432, %get3A_433] {strides = array<i32>} : memref<32x256xf32, #tpu.memory_space<vmem>>, vector<16xf32>,
        %get3A_435 = arith.index_cast %scan3A_390 : i32 to index
        %get3A_436 = arith.constant 32 : index
        %get3A_437 = tpu.vector_load %arg23[%get3A_435, %get3A_436] {strides = array<i32>} : memref<32x256xf32, #tpu.memory_space<vmem>>, vector<16xf32>,
        %get3A_438 = arith.index_cast %scan3A_390 : i32 to index
        %get3A_439 = arith.constant 48 : index
        %get3A_440 = tpu.vector_load %arg23[%get3A_438, %get3A_439] {strides = array<i32>} : memref<32x256xf32, #tpu.memory_space<vmem>>, vector<16xf32>,
        %get3A_441 = arith.index_cast %scan3A_390 : i32 to index
        %get3A_442 = arith.constant 64 : index
        %get3A_443 = tpu.vector_load %arg23[%get3A_441, %get3A_442] {strides = array<i32>} : memref<32x256xf32, #tpu.memory_space<vmem>>, vector<16xf32>,
        %get3A_444 = arith.index_cast %scan3A_390 : i32 to index
        %get3A_445 = arith.constant 80 : index
        %get3A_446 = tpu.vector_load %arg23[%get3A_444, %get3A_445] {strides = array<i32>} : memref<32x256xf32, #tpu.memory_space<vmem>>, vector<16xf32>,
        %get3A_447 = arith.index_cast %scan3A_390 : i32 to index
        %get3A_448 = arith.constant 96 : index
        %get3A_449 = tpu.vector_load %arg23[%get3A_447, %get3A_448] {strides = array<i32>} : memref<32x256xf32, #tpu.memory_space<vmem>>, vector<16xf32>,
        %get3A_450 = arith.index_cast %scan3A_390 : i32 to index
        %get3A_451 = arith.constant 112 : index
        %get3A_452 = tpu.vector_load %arg23[%get3A_450, %get3A_451] {strides = array<i32>} : memref<32x256xf32, #tpu.memory_space<vmem>>, vector<16xf32>,
        %get3A_453 = arith.index_cast %scan3A_390 : i32 to index
        %get3A_454 = arith.constant 0 : index
        %get3A_455 = tpu.vector_load %arg27[%get3A_453, %get3A_454] {strides = array<i32>} : memref<32x128xf32, #tpu.memory_space<vmem>>, vector<16xf32>,
        %get3A_456 = arith.index_cast %scan3A_390 : i32 to index
        %get3A_457 = arith.constant 16 : index
        %get3A_458 = tpu.vector_load %arg27[%get3A_456, %get3A_457] {strides = array<i32>} : memref<32x128xf32, #tpu.memory_space<vmem>>, vector<16xf32>,
        %get3A_459 = arith.index_cast %scan3A_390 : i32 to index
        %get3A_460 = arith.constant 32 : index
        %get3A_461 = tpu.vector_load %arg27[%get3A_459, %get3A_460] {strides = array<i32>} : memref<32x128xf32, #tpu.memory_space<vmem>>, vector<16xf32>,
        %get3A_462 = arith.index_cast %scan3A_390 : i32 to index
        %get3A_463 = arith.constant 48 : index
        %get3A_464 = tpu.vector_load %arg27[%get3A_462, %get3A_463] {strides = array<i32>} : memref<32x128xf32, #tpu.memory_space<vmem>>, vector<16xf32>,
        %get3A_465 = arith.index_cast %scan3A_390 : i32 to index
        %get3A_466 = arith.constant 64 : index
        %get3A_467 = tpu.vector_load %arg27[%get3A_465, %get3A_466] {strides = array<i32>} : memref<32x128xf32, #tpu.memory_space<vmem>>, vector<16xf32>,
        %get3A_468 = arith.index_cast %scan3A_390 : i32 to index
        %get3A_469 = arith.constant 80 : index
        %get3A_470 = tpu.vector_load %arg27[%get3A_468, %get3A_469] {strides = array<i32>} : memref<32x128xf32, #tpu.memory_space<vmem>>, vector<16xf32>,
        %get3A_471 = arith.index_cast %scan3A_390 : i32 to index
        %get3A_472 = arith.constant 96 : index
        %get3A_473 = tpu.vector_load %arg27[%get3A_471, %get3A_472] {strides = array<i32>} : memref<32x128xf32, #tpu.memory_space<vmem>>, vector<16xf32>,
        %get3A_474 = arith.index_cast %scan3A_390 : i32 to index
        %get3A_475 = arith.constant 112 : index
        %get3A_476 = tpu.vector_load %arg27[%get3A_474, %get3A_475] {strides = array<i32>} : memref<32x128xf32, #tpu.memory_space<vmem>>, vector<16xf32>,
        %get3A_477 = arith.index_cast %scan3A_390 : i32 to index
        %get3A_478 = arith.constant 128 : index
        %get3A_479 = tpu.vector_load %arg23[%get3A_477, %get3A_478] {strides = array<i32>} : memref<32x256xf32, #tpu.memory_space<vmem>>, vector<16xf32>,
        %get3A_480 = arith.index_cast %scan3A_390 : i32 to index
        %get3A_481 = arith.constant 144 : index
        %get3A_482 = tpu.vector_load %arg23[%get3A_480, %get3A_481] {strides = array<i32>} : memref<32x256xf32, #tpu.memory_space<vmem>>, vector<16xf32>,
        %get3A_483 = arith.index_cast %scan3A_390 : i32 to index
        %get3A_484 = arith.constant 160 : index
        %get3A_485 = tpu.vector_load %arg23[%get3A_483, %get3A_484] {strides = array<i32>} : memref<32x256xf32, #tpu.memory_space<vmem>>, vector<16xf32>,
        %get3A_486 = arith.index_cast %scan3A_390 : i32 to index
        %get3A_487 = arith.constant 176 : index
        %get3A_488 = tpu.vector_load %arg23[%get3A_486, %get3A_487] {strides = array<i32>} : memref<32x256xf32, #tpu.memory_space<vmem>>, vector<16xf32>,
        %get3A_489 = arith.index_cast %scan3A_390 : i32 to index
        %get3A_490 = arith.constant 192 : index
        %get3A_491 = tpu.vector_load %arg23[%get3A_489, %get3A_490] {strides = array<i32>} : memref<32x256xf32, #tpu.memory_space<vmem>>, vector<16xf32>,
        %get3A_492 = arith.index_cast %scan3A_390 : i32 to index
        %get3A_493 = arith.constant 208 : index
        %get3A_494 = tpu.vector_load %arg23[%get3A_492, %get3A_493] {strides = array<i32>} : memref<32x256xf32, #tpu.memory_space<vmem>>, vector<16xf32>,
        %get3A_495 = arith.index_cast %scan3A_390 : i32 to index
        %get3A_496 = arith.constant 224 : index
        %get3A_497 = tpu.vector_load %arg23[%get3A_495, %get3A_496] {strides = array<i32>} : memref<32x256xf32, #tpu.memory_space<vmem>>, vector<16xf32>,
        %get3A_498 = arith.index_cast %scan3A_390 : i32 to index
        %get3A_499 = arith.constant 240 : index
        %get3A_500 = tpu.vector_load %arg23[%get3A_498, %get3A_499] {strides = array<i32>} : memref<32x256xf32, #tpu.memory_space<vmem>>, vector<16xf32>,
        %add3A_501 = arith.addf %get3A_431, %get3A_455 : vector<16xf32>
        %mul3A_502 = arith.mulf %get3A_407, %add3A_501 : vector<16xf32>
        %add3A_503 = arith.addf %get3A_434, %get3A_458 : vector<16xf32>
        %mul3A_504 = arith.mulf %get3A_410, %add3A_503 : vector<16xf32>
        %add3A_505 = arith.addf %get3A_437, %get3A_461 : vector<16xf32>
        %mul3A_506 = arith.mulf %get3A_413, %add3A_505 : vector<16xf32>
        %add3A_507 = arith.addf %get3A_440, %get3A_464 : vector<16xf32>
        %mul3A_508 = arith.mulf %get3A_416, %add3A_507 : vector<16xf32>
        %add3A_509 = arith.addf %get3A_443, %get3A_467 : vector<16xf32>
        %mul3A_510 = arith.mulf %get3A_419, %add3A_509 : vector<16xf32>
        %add3A_511 = arith.addf %get3A_446, %get3A_470 : vector<16xf32>
        %mul3A_512 = arith.mulf %get3A_422, %add3A_511 : vector<16xf32>
        %add3A_513 = arith.addf %get3A_449, %get3A_473 : vector<16xf32>
        %mul3A_514 = arith.mulf %get3A_425, %add3A_513 : vector<16xf32>
        %add3A_515 = arith.addf %get3A_452, %get3A_476 : vector<16xf32>
        %mul3A_516 = arith.mulf %get3A_428, %add3A_515 : vector<16xf32>
        %broadcast_in_dim3A_517 = vector.shape_cast %xor3A_89 : vector<16xi32> to vector<16x1xi32>
        %gather3A_518 = vector.shape_cast %broadcast_in_dim3A_517 : vector<16x1xi32> to vector<16xi32>
        %gather3A_519 = tpu.dynamic_gather %mul3A_502[%gather3A_518] in [0] : vector<16xf32>, vector<16xi32> -> vector<16xf32>
        %add3A_520 = arith.addf %mul3A_502, %gather3A_519 : vector<16xf32>
        %broadcast_in_dim3A_521 = vector.shape_cast %xor3A_89 : vector<16xi32> to vector<16x1xi32>
        %gather3A_522 = vector.shape_cast %broadcast_in_dim3A_521 : vector<16x1xi32> to vector<16xi32>
        %gather3A_523 = tpu.dynamic_gather %mul3A_504[%gather3A_522] in [0] : vector<16xf32>, vector<16xi32> -> vector<16xf32>
        %add3A_524 = arith.addf %mul3A_504, %gather3A_523 : vector<16xf32>
        %broadcast_in_dim3A_525 = vector.shape_cast %xor3A_89 : vector<16xi32> to vector<16x1xi32>
        %gather3A_526 = vector.shape_cast %broadcast_in_dim3A_525 : vector<16x1xi32> to vector<16xi32>
        %gather3A_527 = tpu.dynamic_gather %mul3A_506[%gather3A_526] in [0] : vector<16xf32>, vector<16xi32> -> vector<16xf32>
        %add3A_528 = arith.addf %mul3A_506, %gather3A_527 : vector<16xf32>
        %broadcast_in_dim3A_529 = vector.shape_cast %xor3A_89 : vector<16xi32> to vector<16x1xi32>
        %gather3A_530 = vector.shape_cast %broadcast_in_dim3A_529 : vector<16x1xi32> to vector<16xi32>
        %gather3A_531 = tpu.dynamic_gather %mul3A_508[%gather3A_530] in [0] : vector<16xf32>, vector<16xi32> -> vector<16xf32>
        %add3A_532 = arith.addf %mul3A_508, %gather3A_531 : vector<16xf32>
        %broadcast_in_dim3A_533 = vector.shape_cast %xor3A_89 : vector<16xi32> to vector<16x1xi32>
        %gather3A_534 = vector.shape_cast %broadcast_in_dim3A_533 : vector<16x1xi32> to vector<16xi32>
        %gather3A_535 = tpu.dynamic_gather %mul3A_510[%gather3A_534] in [0] : vector<16xf32>, vector<16xi32> -> vector<16xf32>
        %add3A_536 = arith.addf %mul3A_510, %gather3A_535 : vector<16xf32>
        %broadcast_in_dim3A_537 = vector.shape_cast %xor3A_89 : vector<16xi32> to vector<16x1xi32>
        %gather3A_538 = vector.shape_cast %broadcast_in_dim3A_537 : vector<16x1xi32> to vector<16xi32>
        %gather3A_539 = tpu.dynamic_gather %mul3A_512[%gather3A_538] in [0] : vector<16xf32>, vector<16xi32> -> vector<16xf32>
        %add3A_540 = arith.addf %mul3A_512, %gather3A_539 : vector<16xf32>
        %broadcast_in_dim3A_541 = vector.shape_cast %xor3A_89 : vector<16xi32> to vector<16x1xi32>
        %gather3A_542 = vector.shape_cast %broadcast_in_dim3A_541 : vector<16x1xi32> to vector<16xi32>
        %gather3A_543 = tpu.dynamic_gather %mul3A_514[%gather3A_542] in [0] : vector<16xf32>, vector<16xi32> -> vector<16xf32>
        %add3A_544 = arith.addf %mul3A_514, %gather3A_543 : vector<16xf32>
        %broadcast_in_dim3A_545 = vector.shape_cast %xor3A_89 : vector<16xi32> to vector<16x1xi32>
        %gather3A_546 = vector.shape_cast %broadcast_in_dim3A_545 : vector<16x1xi32> to vector<16xi32>
        %gather3A_547 = tpu.dynamic_gather %mul3A_516[%gather3A_546] in [0] : vector<16xf32>, vector<16xi32> -> vector<16xf32>
        %add3A_548 = arith.addf %mul3A_516, %gather3A_547 : vector<16xf32>
        %broadcast_in_dim3A_549 = vector.shape_cast %xor3A_92 : vector<16xi32> to vector<16x1xi32>
        %gather3A_550 = vector.shape_cast %broadcast_in_dim3A_549 : vector<16x1xi32> to vector<16xi32>
        %gather3A_551 = tpu.dynamic_gather %add3A_520[%gather3A_550] in [0] : vector<16xf32>, vector<16xi32> -> vector<16xf32>
        %add3A_552 = arith.addf %add3A_520, %gather3A_551 : vector<16xf32>
        %broadcast_in_dim3A_553 = vector.shape_cast %xor3A_92 : vector<16xi32> to vector<16x1xi32>
        %gather3A_554 = vector.shape_cast %broadcast_in_dim3A_553 : vector<16x1xi32> to vector<16xi32>
        %gather3A_555 = tpu.dynamic_gather %add3A_524[%gather3A_554] in [0] : vector<16xf32>, vector<16xi32> -> vector<16xf32>
        %add3A_556 = arith.addf %add3A_524, %gather3A_555 : vector<16xf32>
        %broadcast_in_dim3A_557 = vector.shape_cast %xor3A_92 : vector<16xi32> to vector<16x1xi32>
        %gather3A_558 = vector.shape_cast %broadcast_in_dim3A_557 : vector<16x1xi32> to vector<16xi32>
        %gather3A_559 = tpu.dynamic_gather %add3A_528[%gather3A_558] in [0] : vector<16xf32>, vector<16xi32> -> vector<16xf32>
        %add3A_560 = arith.addf %add3A_528, %gather3A_559 : vector<16xf32>
        %broadcast_in_dim3A_561 = vector.shape_cast %xor3A_92 : vector<16xi32> to vector<16x1xi32>
        %gather3A_562 = vector.shape_cast %broadcast_in_dim3A_561 : vector<16x1xi32> to vector<16xi32>
        %gather3A_563 = tpu.dynamic_gather %add3A_532[%gather3A_562] in [0] : vector<16xf32>, vector<16xi32> -> vector<16xf32>
        %add3A_564 = arith.addf %add3A_532, %gather3A_563 : vector<16xf32>
        %broadcast_in_dim3A_565 = vector.shape_cast %xor3A_92 : vector<16xi32> to vector<16x1xi32>
        %gather3A_566 = vector.shape_cast %broadcast_in_dim3A_565 : vector<16x1xi32> to vector<16xi32>
        %gather3A_567 = tpu.dynamic_gather %add3A_536[%gather3A_566] in [0] : vector<16xf32>, vector<16xi32> -> vector<16xf32>
        %add3A_568 = arith.addf %add3A_536, %gather3A_567 : vector<16xf32>
        %broadcast_in_dim3A_569 = vector.shape_cast %xor3A_92 : vector<16xi32> to vector<16x1xi32>
        %gather3A_570 = vector.shape_cast %broadcast_in_dim3A_569 : vector<16x1xi32> to vector<16xi32>
        %gather3A_571 = tpu.dynamic_gather %add3A_540[%gather3A_570] in [0] : vector<16xf32>, vector<16xi32> -> vector<16xf32>
        %add3A_572 = arith.addf %add3A_540, %gather3A_571 : vector<16xf32>
        %broadcast_in_dim3A_573 = vector.shape_cast %xor3A_92 : vector<16xi32> to vector<16x1xi32>
        %gather3A_574 = vector.shape_cast %broadcast_in_dim3A_573 : vector<16x1xi32> to vector<16xi32>
        %gather3A_575 = tpu.dynamic_gather %add3A_544[%gather3A_574] in [0] : vector<16xf32>, vector<16xi32> -> vector<16xf32>
        %add3A_576 = arith.addf %add3A_544, %gather3A_575 : vector<16xf32>
        %broadcast_in_dim3A_577 = vector.shape_cast %xor3A_92 : vector<16xi32> to vector<16x1xi32>
        %gather3A_578 = vector.shape_cast %broadcast_in_dim3A_577 : vector<16x1xi32> to vector<16xi32>
        %gather3A_579 = tpu.dynamic_gather %add3A_548[%gather3A_578] in [0] : vector<16xf32>, vector<16xi32> -> vector<16xf32>
        %add3A_580 = arith.addf %add3A_548, %gather3A_579 : vector<16xf32>
        %broadcast_in_dim3A_581 = vector.shape_cast %xor3A_95 : vector<16xi32> to vector<16x1xi32>
        %gather3A_582 = vector.shape_cast %broadcast_in_dim3A_581 : vector<16x1xi32> to vector<16xi32>
        %gather3A_583 = tpu.dynamic_gather %add3A_552[%gather3A_582] in [0] : vector<16xf32>, vector<16xi32> -> vector<16xf32>
        %add3A_584 = arith.addf %add3A_552, %gather3A_583 : vector<16xf32>
        %broadcast_in_dim3A_585 = vector.shape_cast %xor3A_95 : vector<16xi32> to vector<16x1xi32>
        %gather3A_586 = vector.shape_cast %broadcast_in_dim3A_585 : vector<16x1xi32> to vector<16xi32>
        %gather3A_587 = tpu.dynamic_gather %add3A_556[%gather3A_586] in [0] : vector<16xf32>, vector<16xi32> -> vector<16xf32>
        %add3A_588 = arith.addf %add3A_556, %gather3A_587 : vector<16xf32>
        %broadcast_in_dim3A_589 = vector.shape_cast %xor3A_95 : vector<16xi32> to vector<16x1xi32>
        %gather3A_590 = vector.shape_cast %broadcast_in_dim3A_589 : vector<16x1xi32> to vector<16xi32>
        %gather3A_591 = tpu.dynamic_gather %add3A_560[%gather3A_590] in [0] : vector<16xf32>, vector<16xi32> -> vector<16xf32>
        %add3A_592 = arith.addf %add3A_560, %gather3A_591 : vector<16xf32>
        %broadcast_in_dim3A_593 = vector.shape_cast %xor3A_95 : vector<16xi32> to vector<16x1xi32>
        %gather3A_594 = vector.shape_cast %broadcast_in_dim3A_593 : vector<16x1xi32> to vector<16xi32>
        %gather3A_595 = tpu.dynamic_gather %add3A_564[%gather3A_594] in [0] : vector<16xf32>, vector<16xi32> -> vector<16xf32>
        %add3A_596 = arith.addf %add3A_564, %gather3A_595 : vector<16xf32>
        %broadcast_in_dim3A_597 = vector.shape_cast %xor3A_95 : vector<16xi32> to vector<16x1xi32>
        %gather3A_598 = vector.shape_cast %broadcast_in_dim3A_597 : vector<16x1xi32> to vector<16xi32>
        %gather3A_599 = tpu.dynamic_gather %add3A_568[%gather3A_598] in [0] : vector<16xf32>, vector<16xi32> -> vector<16xf32>
        %add3A_600 = arith.addf %add3A_568, %gather3A_599 : vector<16xf32>
        %broadcast_in_dim3A_601 = vector.shape_cast %xor3A_95 : vector<16xi32> to vector<16x1xi32>
        %gather3A_602 = vector.shape_cast %broadcast_in_dim3A_601 : vector<16x1xi32> to vector<16xi32>
        %gather3A_603 = tpu.dynamic_gather %add3A_572[%gather3A_602] in [0] : vector<16xf32>, vector<16xi32> -> vector<16xf32>
        %add3A_604 = arith.addf %add3A_572, %gather3A_603 : vector<16xf32>
        %broadcast_in_dim3A_605 = vector.shape_cast %xor3A_95 : vector<16xi32> to vector<16x1xi32>
        %gather3A_606 = vector.shape_cast %broadcast_in_dim3A_605 : vector<16x1xi32> to vector<16xi32>
        %gather3A_607 = tpu.dynamic_gather %add3A_576[%gather3A_606] in [0] : vector<16xf32>, vector<16xi32> -> vector<16xf32>
        %add3A_608 = arith.addf %add3A_576, %gather3A_607 : vector<16xf32>
        %broadcast_in_dim3A_609 = vector.shape_cast %xor3A_95 : vector<16xi32> to vector<16x1xi32>
        %gather3A_610 = vector.shape_cast %broadcast_in_dim3A_609 : vector<16x1xi32> to vector<16xi32>
        %gather3A_611 = tpu.dynamic_gather %add3A_580[%gather3A_610] in [0] : vector<16xf32>, vector<16xi32> -> vector<16xf32>
        %add3A_612 = arith.addf %add3A_580, %gather3A_611 : vector<16xf32>
        %broadcast_in_dim3A_613 = vector.shape_cast %xor3A_98 : vector<16xi32> to vector<16x1xi32>
        %gather3A_614 = vector.shape_cast %broadcast_in_dim3A_613 : vector<16x1xi32> to vector<16xi32>
        %gather3A_615 = tpu.dynamic_gather %add3A_584[%gather3A_614] in [0] : vector<16xf32>, vector<16xi32> -> vector<16xf32>
        %add3A_616 = arith.addf %add3A_584, %gather3A_615 : vector<16xf32>
        %broadcast_in_dim3A_617 = vector.shape_cast %xor3A_98 : vector<16xi32> to vector<16x1xi32>
        %gather3A_618 = vector.shape_cast %broadcast_in_dim3A_617 : vector<16x1xi32> to vector<16xi32>
        %gather3A_619 = tpu.dynamic_gather %add3A_588[%gather3A_618] in [0] : vector<16xf32>, vector<16xi32> -> vector<16xf32>
        %add3A_620 = arith.addf %add3A_588, %gather3A_619 : vector<16xf32>
        %broadcast_in_dim3A_621 = vector.shape_cast %xor3A_98 : vector<16xi32> to vector<16x1xi32>
        %gather3A_622 = vector.shape_cast %broadcast_in_dim3A_621 : vector<16x1xi32> to vector<16xi32>
        %gather3A_623 = tpu.dynamic_gather %add3A_592[%gather3A_622] in [0] : vector<16xf32>, vector<16xi32> -> vector<16xf32>
        %add3A_624 = arith.addf %add3A_592, %gather3A_623 : vector<16xf32>
        %broadcast_in_dim3A_625 = vector.shape_cast %xor3A_98 : vector<16xi32> to vector<16x1xi32>
        %gather3A_626 = vector.shape_cast %broadcast_in_dim3A_625 : vector<16x1xi32> to vector<16xi32>
        %gather3A_627 = tpu.dynamic_gather %add3A_596[%gather3A_626] in [0] : vector<16xf32>, vector<16xi32> -> vector<16xf32>
        %add3A_628 = arith.addf %add3A_596, %gather3A_627 : vector<16xf32>
        %broadcast_in_dim3A_629 = vector.shape_cast %xor3A_98 : vector<16xi32> to vector<16x1xi32>
        %gather3A_630 = vector.shape_cast %broadcast_in_dim3A_629 : vector<16x1xi32> to vector<16xi32>
        %gather3A_631 = tpu.dynamic_gather %add3A_600[%gather3A_630] in [0] : vector<16xf32>, vector<16xi32> -> vector<16xf32>
        %add3A_632 = arith.addf %add3A_600, %gather3A_631 : vector<16xf32>
        %broadcast_in_dim3A_633 = vector.shape_cast %xor3A_98 : vector<16xi32> to vector<16x1xi32>
        %gather3A_634 = vector.shape_cast %broadcast_in_dim3A_633 : vector<16x1xi32> to vector<16xi32>
        %gather3A_635 = tpu.dynamic_gather %add3A_604[%gather3A_634] in [0] : vector<16xf32>, vector<16xi32> -> vector<16xf32>
        %add3A_636 = arith.addf %add3A_604, %gather3A_635 : vector<16xf32>
        %broadcast_in_dim3A_637 = vector.shape_cast %xor3A_98 : vector<16xi32> to vector<16x1xi32>
        %gather3A_638 = vector.shape_cast %broadcast_in_dim3A_637 : vector<16x1xi32> to vector<16xi32>
        %gather3A_639 = tpu.dynamic_gather %add3A_608[%gather3A_638] in [0] : vector<16xf32>, vector<16xi32> -> vector<16xf32>
        %add3A_640 = arith.addf %add3A_608, %gather3A_639 : vector<16xf32>
        %broadcast_in_dim3A_641 = vector.shape_cast %xor3A_98 : vector<16xi32> to vector<16x1xi32>
        %gather3A_642 = vector.shape_cast %broadcast_in_dim3A_641 : vector<16x1xi32> to vector<16xi32>
        %gather3A_643 = tpu.dynamic_gather %add3A_612[%gather3A_642] in [0] : vector<16xf32>, vector<16xi32> -> vector<16xf32>
        %add3A_644 = arith.addf %add3A_612, %gather3A_643 : vector<16xf32>
        %exp3A = math.exp %add3A_616 : vector<16xf32>
        %exp3A_645 = math.exp %add3A_620 : vector<16xf32>
        %exp3A_646 = math.exp %add3A_624 : vector<16xf32>
        %exp3A_647 = math.exp %add3A_628 : vector<16xf32>
        %exp3A_648 = math.exp %add3A_632 : vector<16xf32>
        %exp3A_649 = math.exp %add3A_636 : vector<16xf32>
        %exp3A_650 = math.exp %add3A_640 : vector<16xf32>
        %exp3A_651 = math.exp %add3A_644 : vector<16xf32>
        %add3A_652 = arith.constant 0 : i32
        %add3A_653 = vector.broadcast %add3A_652 : i32 to vector<16xi32>
        %add3A_654 = arith.addi %mul3A_403, %add3A_653 : vector<16xi32>
        tpu.vector_store_idx %arg29[%broadcast_in_dim3A_404, %add3A_654], %exp3A masked %eq3A_87 : memref<32x128xf32, #tpu.memory_space<vmem>>[vector<16xi32>, vector<16xi32>], vector<16xf32>, vector<16xi1>
        %add3A_655 = arith.constant 1 : i32
        %add3A_656 = vector.broadcast %add3A_655 : i32 to vector<16xi32>
        %add3A_657 = arith.addi %mul3A_403, %add3A_656 : vector<16xi32>
        tpu.vector_store_idx %arg29[%broadcast_in_dim3A_404, %add3A_657], %exp3A_645 masked %eq3A_87 : memref<32x128xf32, #tpu.memory_space<vmem>>[vector<16xi32>, vector<16xi32>], vector<16xf32>, vector<16xi1>
        %add3A_658 = arith.constant 2 : i32
        %add3A_659 = vector.broadcast %add3A_658 : i32 to vector<16xi32>
        %add3A_660 = arith.addi %mul3A_403, %add3A_659 : vector<16xi32>
        tpu.vector_store_idx %arg29[%broadcast_in_dim3A_404, %add3A_660], %exp3A_646 masked %eq3A_87 : memref<32x128xf32, #tpu.memory_space<vmem>>[vector<16xi32>, vector<16xi32>], vector<16xf32>, vector<16xi1>
        %add3A_661 = arith.constant 3 : i32
        %add3A_662 = vector.broadcast %add3A_661 : i32 to vector<16xi32>
        %add3A_663 = arith.addi %mul3A_403, %add3A_662 : vector<16xi32>
        tpu.vector_store_idx %arg29[%broadcast_in_dim3A_404, %add3A_663], %exp3A_647 masked %eq3A_87 : memref<32x128xf32, #tpu.memory_space<vmem>>[vector<16xi32>, vector<16xi32>], vector<16xf32>, vector<16xi1>
        %add3A_664 = arith.constant 4 : i32
        %add3A_665 = vector.broadcast %add3A_664 : i32 to vector<16xi32>
        %add3A_666 = arith.addi %mul3A_403, %add3A_665 : vector<16xi32>
        tpu.vector_store_idx %arg29[%broadcast_in_dim3A_404, %add3A_666], %exp3A_648 masked %eq3A_87 : memref<32x128xf32, #tpu.memory_space<vmem>>[vector<16xi32>, vector<16xi32>], vector<16xf32>, vector<16xi1>
        %add3A_667 = arith.constant 5 : i32
        %add3A_668 = vector.broadcast %add3A_667 : i32 to vector<16xi32>
        %add3A_669 = arith.addi %mul3A_403, %add3A_668 : vector<16xi32>
        tpu.vector_store_idx %arg29[%broadcast_in_dim3A_404, %add3A_669], %exp3A_649 masked %eq3A_87 : memref<32x128xf32, #tpu.memory_space<vmem>>[vector<16xi32>, vector<16xi32>], vector<16xf32>, vector<16xi1>
        %add3A_670 = arith.constant 6 : i32
        %add3A_671 = vector.broadcast %add3A_670 : i32 to vector<16xi32>
        %add3A_672 = arith.addi %mul3A_403, %add3A_671 : vector<16xi32>
        tpu.vector_store_idx %arg29[%broadcast_in_dim3A_404, %add3A_672], %exp3A_650 masked %eq3A_87 : memref<32x128xf32, #tpu.memory_space<vmem>>[vector<16xi32>, vector<16xi32>], vector<16xf32>, vector<16xi1>
        %add3A_673 = arith.constant 7 : i32
        %add3A_674 = vector.broadcast %add3A_673 : i32 to vector<16xi32>
        %add3A_675 = arith.addi %mul3A_403, %add3A_674 : vector<16xi32>
        tpu.vector_store_idx %arg29[%broadcast_in_dim3A_404, %add3A_675], %exp3A_651 masked %eq3A_87 : memref<32x128xf32, #tpu.memory_space<vmem>>[vector<16xi32>, vector<16xi32>], vector<16xf32>, vector<16xi1>
        %add3A_676 = arith.addf %get3A_479, %get3A_455 : vector<16xf32>
        %mul3A_677 = arith.mulf %add3A_676, %exp3A : vector<16xf32>
        %swap3A = arith.index_cast %scan3A_390 : i32 to index
        %swap3A_678 = arith.constant 0 : index
        %swap3A_679 = tpu.vector_load %arg27[%swap3A, %swap3A_678] {strides = array<i32>} : memref<32x128xf32, #tpu.memory_space<vmem>>, vector<16xf32>,
        tpu.vector_store %arg27[%swap3A, %swap3A_678], %mul3A_677 {strides = array<i32>} : memref<32x128xf32, #tpu.memory_space<vmem>>, vector<16xf32>,
        %add3A_680 = arith.addf %get3A_482, %get3A_458 : vector<16xf32>
        %mul3A_681 = arith.mulf %add3A_680, %exp3A_645 : vector<16xf32>
        %swap3A_682 = arith.index_cast %scan3A_390 : i32 to index
        %swap3A_683 = arith.constant 16 : index
        %swap3A_684 = tpu.vector_load %arg27[%swap3A_682, %swap3A_683] {strides = array<i32>} : memref<32x128xf32, #tpu.memory_space<vmem>>, vector<16xf32>,
        tpu.vector_store %arg27[%swap3A_682, %swap3A_683], %mul3A_681 {strides = array<i32>} : memref<32x128xf32, #tpu.memory_space<vmem>>, vector<16xf32>,
        %add3A_685 = arith.addf %get3A_485, %get3A_461 : vector<16xf32>
        %mul3A_686 = arith.mulf %add3A_685, %exp3A_646 : vector<16xf32>
        %swap3A_687 = arith.index_cast %scan3A_390 : i32 to index
        %swap3A_688 = arith.constant 32 : index
        %swap3A_689 = tpu.vector_load %arg27[%swap3A_687, %swap3A_688] {strides = array<i32>} : memref<32x128xf32, #tpu.memory_space<vmem>>, vector<16xf32>,
        tpu.vector_store %arg27[%swap3A_687, %swap3A_688], %mul3A_686 {strides = array<i32>} : memref<32x128xf32, #tpu.memory_space<vmem>>, vector<16xf32>,
        %add3A_690 = arith.addf %get3A_488, %get3A_464 : vector<16xf32>
        %mul3A_691 = arith.mulf %add3A_690, %exp3A_647 : vector<16xf32>
        %swap3A_692 = arith.index_cast %scan3A_390 : i32 to index
        %swap3A_693 = arith.constant 48 : index
        %swap3A_694 = tpu.vector_load %arg27[%swap3A_692, %swap3A_693] {strides = array<i32>} : memref<32x128xf32, #tpu.memory_space<vmem>>, vector<16xf32>,
        tpu.vector_store %arg27[%swap3A_692, %swap3A_693], %mul3A_691 {strides = array<i32>} : memref<32x128xf32, #tpu.memory_space<vmem>>, vector<16xf32>,
        %add3A_695 = arith.addf %get3A_491, %get3A_467 : vector<16xf32>
        %mul3A_696 = arith.mulf %add3A_695, %exp3A_648 : vector<16xf32>
        %swap3A_697 = arith.index_cast %scan3A_390 : i32 to index
        %swap3A_698 = arith.constant 64 : index
        %swap3A_699 = tpu.vector_load %arg27[%swap3A_697, %swap3A_698] {strides = array<i32>} : memref<32x128xf32, #tpu.memory_space<vmem>>, vector<16xf32>,
        tpu.vector_store %arg27[%swap3A_697, %swap3A_698], %mul3A_696 {strides = array<i32>} : memref<32x128xf32, #tpu.memory_space<vmem>>, vector<16xf32>,
        %add3A_700 = arith.addf %get3A_494, %get3A_470 : vector<16xf32>
        %mul3A_701 = arith.mulf %add3A_700, %exp3A_649 : vector<16xf32>
        %swap3A_702 = arith.index_cast %scan3A_390 : i32 to index
        %swap3A_703 = arith.constant 80 : index
        %swap3A_704 = tpu.vector_load %arg27[%swap3A_702, %swap3A_703] {strides = array<i32>} : memref<32x128xf32, #tpu.memory_space<vmem>>, vector<16xf32>,
        tpu.vector_store %arg27[%swap3A_702, %swap3A_703], %mul3A_701 {strides = array<i32>} : memref<32x128xf32, #tpu.memory_space<vmem>>, vector<16xf32>,
        %add3A_705 = arith.addf %get3A_497, %get3A_473 : vector<16xf32>
        %mul3A_706 = arith.mulf %add3A_705, %exp3A_650 : vector<16xf32>
        %swap3A_707 = arith.index_cast %scan3A_390 : i32 to index
        %swap3A_708 = arith.constant 96 : index
        %swap3A_709 = tpu.vector_load %arg27[%swap3A_707, %swap3A_708] {strides = array<i32>} : memref<32x128xf32, #tpu.memory_space<vmem>>, vector<16xf32>,
        tpu.vector_store %arg27[%swap3A_707, %swap3A_708], %mul3A_706 {strides = array<i32>} : memref<32x128xf32, #tpu.memory_space<vmem>>, vector<16xf32>,
        %add3A_710 = arith.addf %get3A_500, %get3A_476 : vector<16xf32>
        %mul3A_711 = arith.mulf %add3A_710, %exp3A_651 : vector<16xf32>
        %swap3A_712 = arith.index_cast %scan3A_390 : i32 to index
        %swap3A_713 = arith.constant 112 : index
        %swap3A_714 = tpu.vector_load %arg27[%swap3A_712, %swap3A_713] {strides = array<i32>} : memref<32x128xf32, #tpu.memory_space<vmem>>, vector<16xf32>,
        tpu.vector_store %arg27[%swap3A_712, %swap3A_713], %mul3A_711 {strides = array<i32>} : memref<32x128xf32, #tpu.memory_space<vmem>>, vector<16xf32>,
      }
      %scan3A_163 = arith.constant 32 : i32
      %dma_start3A_164 = arith.constant 0 : i32
      %dma_start3A_165 = arith.constant 0 : i32
      %dma_start3A_166 = tpu.memref_slice %arg10[%dma_start3A_164, %dma_start3A_165] : memref<640x128xf32, #tpu.memory_space<vmem_shared>> -> memref<640x128xf32, #tpu.memory_space<vmem_shared>>
      tpu.enqueue_indirect_dma source(%arg29 : memref<32x128xf32, #tpu.memory_space<vmem>>) target(%dma_start3A_166 : memref<640x128xf32, #tpu.memory_space<vmem_shared>>) offsets(%arg21 : memref<32xi32, #tpu.memory_space<vmem>>) semaphore(%arg42 : memref<!tpu.dma_semaphore, #tpu.memory_space<semaphore_mem>>) {add = true}
      %dma_start3A_167 = arith.constant 0 : i32
      %dma_start3A_168 = arith.constant 0 : i32
      %dma_start3A_169 = tpu.memref_slice %arg9[%dma_start3A_167, %dma_start3A_168] : memref<10112x128xf32, #tpu.memory_space<vmem_shared>> -> memref<10112x128xf32, #tpu.memory_space<vmem_shared>>
      tpu.enqueue_indirect_dma source(%arg27 : memref<32x128xf32, #tpu.memory_space<vmem>>) target(%dma_start3A_169 : memref<10112x128xf32, #tpu.memory_space<vmem_shared>>) offsets(%arg19 : memref<32xi32, #tpu.memory_space<vmem>>) semaphore(%arg40 : memref<!tpu.dma_semaphore, #tpu.memory_space<semaphore_mem>>) {add = true}
      %ge3A_170 = arith.constant 1 : i32
      %ge3A_171 = arith.cmpi sge, %add3A_137, %ge3A_170 : i32
      %convert_element_type3A_172 = arith.extui %ge3A_171 : i1 to i32
      %cond3A_173 = arith.constant 0 : i32
      %cond3A_174 = arith.cmpi ne, %convert_element_type3A_172, %cond3A_173 : i32
      scf.if %cond3A_174 {
        %dma_wait3A_390 = arith.constant 0 : i32
        %dma_wait3A_391 = arith.constant 0 : i32
        %dma_wait3A_392 = tpu.memref_slice %arg9[%dma_wait3A_390, %dma_wait3A_391] : memref<10112x128xf32, #tpu.memory_space<vmem_shared>> -> memref<10112x128xf32, #tpu.memory_space<vmem_shared>>
        tpu.wait_indirect_dma semaphore(%arg41 : memref<!tpu.dma_semaphore, #tpu.memory_space<semaphore_mem>>) src(%arg28 : memref<32x128xf32, #tpu.memory_space<vmem>>) dst(%dma_wait3A_392 : memref<10112x128xf32, #tpu.memory_space<vmem_shared>>)
      } else {
      }
      %add3A_175 = arith.constant 1 : i32
      %add3A_176 = arith.addi %add3A_137, %add3A_175 : i32
      %lt3A = arith.constant 316 : i32
      %lt3A_177 = arith.cmpi slt, %add3A_176, %lt3A : i32
      %convert_element_type3A_178 = arith.extui %lt3A_177 : i1 to i32
      %cond3A_179 = arith.constant 0 : i32
      %cond3A_180 = arith.cmpi ne, %convert_element_type3A_178, %cond3A_179 : i32
      scf.if %cond3A_180 {
        %add3A_390 = arith.constant 1 : i32
        %add3A_391 = arith.addi %add3A_137, %add3A_390 : i32
        %mul3A_392 = arith.constant 32 : i32
        %mul3A_393 = arith.muli %add3A_391, %mul3A_392 : i32
        %add3A_394 = arith.addi %add3A, %mul3A_393 : i32
        %mul3A_395 = arith.constant 32 : i32
        %mul3A_396 = arith.muli %add3A_394, %mul3A_395 : i32
        %dma_start3A_397 = arith.constant 0 : i32
        %dma_start3A_398 = tpu.memref_slice %arg6[%mul3A_396, %dma_start3A_397] : memref<323584x128xf32, #tpu.memory_space<hbm>> -> memref<32x128xf32, #tpu.memory_space<hbm>>
        %dma_start3A_399 = arith.constant 0 : i32
        %dma_start3A_400 = tpu.memref_slice %arg6[%mul3A_396, %dma_start3A_399] : memref<323584x128xf32, #tpu.memory_space<hbm>> -> memref<32x128xf32, #tpu.memory_space<hbm>>
        tpu.enqueue_dma source(%dma_start3A_400 : memref<32x128xf32, #tpu.memory_space<hbm>>) target(%arg28 : memref<32x128xf32, #tpu.memory_space<vmem>>) target_semaphore(%arg39 : memref<!tpu.dma_semaphore, #tpu.memory_space<semaphore_mem>>)
        %scan3A_401 = arith.constant 0 : i32
        %scan3A_402 = arith.constant 0 : i32
        %scan3A_403 = arith.constant 2 : i32
        %scan3A_404 = arith.addi %scan3A_402, %scan3A_403 : i32
        %scan3A_405 = arith.constant 1 : i32
        scf.for %scan3A_407 = %scan3A_402 to %scan3A_404 step %scan3A_405  : i32 {
          %mul3A_408 = arith.constant 16 : i32
          %mul3A_409 = arith.muli %scan3A_407, %mul3A_408 : i32
          %get3A = arith.index_cast %mul3A_409 : i32 to index
          %get3A_410 = tpu.vector_load %arg16[%get3A] {strides = array<i32>} : memref<32xi32, #tpu.memory_space<vmem>>, vector<16xi32>,
          %mul3A_411 = arith.constant 16 : i32
          %mul3A_412 = arith.muli %scan3A_407, %mul3A_411 : i32
          %swap3A = arith.index_cast %mul3A_412 : i32 to index
          %swap3A_413 = tpu.vector_load %arg20[%swap3A] {strides = array<i32>} : memref<32xi32, #tpu.memory_space<vmem>>, vector<16xi32>,
          tpu.vector_store %arg20[%swap3A], %get3A_410 {strides = array<i32>} : memref<32xi32, #tpu.memory_space<vmem>>, vector<16xi32>,
          %shift_right_logical3A = arith.constant 4 : i32
          %shift_right_logical3A_414 = vector.broadcast %shift_right_logical3A : i32 to vector<16xi32>
          %shift_right_logical3A_415 = arith.shrui %get3A_410, %shift_right_logical3A_414 : vector<16xi32>
          %mul3A_416 = arith.constant 16 : i32
          %mul3A_417 = arith.muli %scan3A_407, %mul3A_416 : i32
          %swap3A_418 = arith.index_cast %mul3A_417 : i32 to index
          %swap3A_419 = tpu.vector_load %arg22[%swap3A_418] {strides = array<i32>} : memref<32xi32, #tpu.memory_space<vmem>>, vector<16xi32>,
          tpu.vector_store %arg22[%swap3A_418], %shift_right_logical3A_415 {strides = array<i32>} : memref<32xi32, #tpu.memory_space<vmem>>, vector<16xi32>,
        }
        %scan3A_406 = arith.constant 2 : i32
      } else {
      }
      %add3A_181 = arith.constant 2 : i32
      %add3A_182 = arith.addi %add3A_137, %add3A_181 : i32
      %lt3A_183 = arith.constant 316 : i32
      %lt3A_184 = arith.cmpi slt, %add3A_182, %lt3A_183 : i32
      %convert_element_type3A_185 = arith.extui %lt3A_184 : i1 to i32
      %cond3A_186 = arith.constant 0 : i32
      %cond3A_187 = arith.cmpi ne, %convert_element_type3A_185, %cond3A_186 : i32
      scf.if %cond3A_187 {
        %dma_wait3A_390 = arith.constant 0 : i32
        %dma_wait3A_391 = tpu.memref_slice %arg2[%dma_wait3A_390] : memref<323584xi32, #tpu.memory_space<hbm>> -> memref<32xi32, #tpu.memory_space<hbm>>
        %dma_wait3A_392 = arith.constant 0 : i32
        %dma_wait3A_393 = tpu.memref_slice %arg2[%dma_wait3A_392] : memref<323584xi32, #tpu.memory_space<hbm>> -> memref<32xi32, #tpu.memory_space<hbm>>
        tpu.wait_dma2 semaphore(%arg32 : memref<!tpu.dma_semaphore, #tpu.memory_space<semaphore_mem>>) src(%dma_wait3A_393 : memref<32xi32, #tpu.memory_space<hbm>>) dst(%arg13 : memref<32xi32, #tpu.memory_space<vmem>>)
        %dma_wait3A_394 = arith.constant 0 : i32
        %dma_wait3A_395 = tpu.memref_slice %arg3[%dma_wait3A_394] : memref<323584xi32, #tpu.memory_space<hbm>> -> memref<32xi32, #tpu.memory_space<hbm>>
        %dma_wait3A_396 = arith.constant 0 : i32
        %dma_wait3A_397 = tpu.memref_slice %arg3[%dma_wait3A_396] : memref<323584xi32, #tpu.memory_space<hbm>> -> memref<32xi32, #tpu.memory_space<hbm>>
        tpu.wait_dma2 semaphore(%arg32 : memref<!tpu.dma_semaphore, #tpu.memory_space<semaphore_mem>>) src(%dma_wait3A_397 : memref<32xi32, #tpu.memory_space<hbm>>) dst(%arg17 : memref<32xi32, #tpu.memory_space<vmem>>)
        %dma_start3A_398 = arith.constant 0 : i32
        %dma_start3A_399 = arith.constant 0 : i32
        %dma_start3A_400 = tpu.memref_slice %arg5[%dma_start3A_398, %dma_start3A_399] : memref<10008x256xf32, #tpu.memory_space<hbm>> -> memref<10008x256xf32, #tpu.memory_space<hbm>>
        tpu.enqueue_indirect_dma source(%dma_start3A_400 : memref<10008x256xf32, #tpu.memory_space<hbm>>) target(%arg23 : memref<32x256xf32, #tpu.memory_space<vmem>>) offsets(%arg13 : memref<32xi32, #tpu.memory_space<vmem>>) semaphore(%arg34 : memref<!tpu.dma_semaphore, #tpu.memory_space<semaphore_mem>>)
        %dma_start3A_401 = arith.constant 0 : i32
        %dma_start3A_402 = arith.constant 0 : i32
        %dma_start3A_403 = tpu.memref_slice %arg4[%dma_start3A_401, %dma_start3A_402] : memref<10008x128xf32, #tpu.memory_space<hbm>> -> memref<10008x128xf32, #tpu.memory_space<hbm>>
        tpu.enqueue_indirect_dma source(%dma_start3A_403 : memref<10008x128xf32, #tpu.memory_space<hbm>>) target(%arg25 : memref<32x128xf32, #tpu.memory_space<vmem>>) offsets(%arg17 : memref<32xi32, #tpu.memory_space<vmem>>) semaphore(%arg36 : memref<!tpu.dma_semaphore, #tpu.memory_space<semaphore_mem>>)
      } else {
      }
      %add3A_188 = arith.constant 3 : i32
      %add3A_189 = arith.addi %add3A_137, %add3A_188 : i32
      %lt3A_190 = arith.constant 316 : i32
      %lt3A_191 = arith.cmpi slt, %add3A_189, %lt3A_190 : i32
      %convert_element_type3A_192 = arith.extui %lt3A_191 : i1 to i32
      %cond3A_193 = arith.constant 0 : i32
      %cond3A_194 = arith.cmpi ne, %convert_element_type3A_192, %cond3A_193 : i32
      scf.if %cond3A_194 {
        %add3A_390 = arith.constant 3 : i32
        %add3A_391 = arith.addi %add3A_137, %add3A_390 : i32
        %mul3A_392 = arith.constant 32 : i32
        %mul3A_393 = arith.muli %add3A_391, %mul3A_392 : i32
        %add3A_394 = arith.addi %add3A, %mul3A_393 : i32
        %mul3A_395 = arith.constant 32 : i32
        %mul3A_396 = arith.muli %add3A_394, %mul3A_395 : i32
        %dma_start3A_397 = tpu.memref_slice %arg2[%mul3A_396] : memref<323584xi32, #tpu.memory_space<hbm>> -> memref<32xi32, #tpu.memory_space<hbm>>
        %dma_start3A_398 = tpu.memref_slice %arg2[%mul3A_396] : memref<323584xi32, #tpu.memory_space<hbm>> -> memref<32xi32, #tpu.memory_space<hbm>>
        tpu.enqueue_dma source(%dma_start3A_398 : memref<32xi32, #tpu.memory_space<hbm>>) target(%arg14 : memref<32xi32, #tpu.memory_space<vmem>>) target_semaphore(%arg33 : memref<!tpu.dma_semaphore, #tpu.memory_space<semaphore_mem>>)
        %mul3A_399 = arith.constant 32 : i32
        %mul3A_400 = arith.muli %add3A_391, %mul3A_399 : i32
        %add3A_401 = arith.addi %add3A, %mul3A_400 : i32
        %mul3A_402 = arith.constant 32 : i32
        %mul3A_403 = arith.muli %add3A_401, %mul3A_402 : i32
        %dma_start3A_404 = tpu.memref_slice %arg3[%mul3A_403] : memref<323584xi32, #tpu.memory_space<hbm>> -> memref<32xi32, #tpu.memory_space<hbm>>
        %dma_start3A_405 = tpu.memref_slice %arg3[%mul3A_403] : memref<323584xi32, #tpu.memory_space<hbm>> -> memref<32xi32, #tpu.memory_space<hbm>>
        tpu.enqueue_dma source(%dma_start3A_405 : memref<32xi32, #tpu.memory_space<hbm>>) target(%arg18 : memref<32xi32, #tpu.memory_space<vmem>>) target_semaphore(%arg33 : memref<!tpu.dma_semaphore, #tpu.memory_space<semaphore_mem>>)
      } else {
      }
      %mul3A_195 = arith.constant 4 : i32
      %mul3A_196 = arith.muli %scan3A_133, %mul3A_195 : i32
      %add3A_197 = arith.constant 1 : i32
      %add3A_198 = arith.addi %mul3A_196, %add3A_197 : i32
      %dma_wait3A_199 = arith.constant 0 : i32
      %dma_wait3A_200 = arith.constant 0 : i32
      %dma_wait3A_201 = tpu.memref_slice %arg5[%dma_wait3A_199, %dma_wait3A_200] : memref<10008x256xf32, #tpu.memory_space<hbm>> -> memref<10008x256xf32, #tpu.memory_space<hbm>>
      tpu.wait_indirect_dma semaphore(%arg35 : memref<!tpu.dma_semaphore, #tpu.memory_space<semaphore_mem>>) src(%dma_wait3A_201 : memref<10008x256xf32, #tpu.memory_space<hbm>>) dst(%arg24 : memref<32x256xf32, #tpu.memory_space<vmem>>)
      %dma_wait3A_202 = arith.constant 0 : i32
      %dma_wait3A_203 = arith.constant 0 : i32
      %dma_wait3A_204 = tpu.memref_slice %arg4[%dma_wait3A_202, %dma_wait3A_203] : memref<10008x128xf32, #tpu.memory_space<hbm>> -> memref<10008x128xf32, #tpu.memory_space<hbm>>
      tpu.wait_indirect_dma semaphore(%arg37 : memref<!tpu.dma_semaphore, #tpu.memory_space<semaphore_mem>>) src(%dma_wait3A_204 : memref<10008x128xf32, #tpu.memory_space<hbm>>) dst(%arg26 : memref<32x128xf32, #tpu.memory_space<vmem>>)
      %dma_wait3A_205 = arith.constant 0 : i32
      %dma_wait3A_206 = arith.constant 0 : i32
      %dma_wait3A_207 = tpu.memref_slice %arg6[%dma_wait3A_205, %dma_wait3A_206] : memref<323584x128xf32, #tpu.memory_space<hbm>> -> memref<32x128xf32, #tpu.memory_space<hbm>>
      %dma_wait3A_208 = arith.constant 0 : i32
      %dma_wait3A_209 = arith.constant 0 : i32
      %dma_wait3A_210 = tpu.memref_slice %arg6[%dma_wait3A_208, %dma_wait3A_209] : memref<323584x128xf32, #tpu.memory_space<hbm>> -> memref<32x128xf32, #tpu.memory_space<hbm>>
      tpu.wait_dma2 semaphore(%arg39 : memref<!tpu.dma_semaphore, #tpu.memory_space<semaphore_mem>>) src(%dma_wait3A_210 : memref<32x128xf32, #tpu.memory_space<hbm>>) dst(%arg28 : memref<32x128xf32, #tpu.memory_space<vmem>>)
      %ge3A_211 = arith.constant 1 : i32
      %ge3A_212 = arith.cmpi sge, %add3A_198, %ge3A_211 : i32
      %convert_element_type3A_213 = arith.extui %ge3A_212 : i1 to i32
      %cond3A_214 = arith.constant 0 : i32
      %cond3A_215 = arith.cmpi ne, %convert_element_type3A_213, %cond3A_214 : i32
      scf.if %cond3A_215 {
        %dma_wait3A_390 = arith.constant 0 : i32
        %dma_wait3A_391 = arith.constant 0 : i32
        %dma_wait3A_392 = tpu.memref_slice %arg10[%dma_wait3A_390, %dma_wait3A_391] : memref<640x128xf32, #tpu.memory_space<vmem_shared>> -> memref<640x128xf32, #tpu.memory_space<vmem_shared>>
        tpu.wait_indirect_dma semaphore(%arg42 : memref<!tpu.dma_semaphore, #tpu.memory_space<semaphore_mem>>) src(%arg29 : memref<32x128xf32, #tpu.memory_space<vmem>>) dst(%dma_wait3A_392 : memref<640x128xf32, #tpu.memory_space<vmem_shared>>)
      } else {
      }
      %scan3A_216 = arith.constant 0 : i32
      %scan3A_217 = arith.constant 0 : i32
      %scan3A_218 = arith.constant 32 : i32
      %scan3A_219 = arith.addi %scan3A_217, %scan3A_218 : i32
      %scan3A_220 = arith.constant 1 : i32
      scf.for %scan3A_390 = %scan3A_217 to %scan3A_219 step %scan3A_220  : i32 {
        %swap3A = arith.index_cast %scan3A_390 : i32 to index
        %swap3A_391 = arith.constant 0 : index
        %swap3A_392 = tpu.vector_load %arg29[%swap3A, %swap3A_391] {strides = array<i32>} : memref<32x128xf32, #tpu.memory_space<vmem>>, vector<16xf32>,
        tpu.vector_store %arg29[%swap3A, %swap3A_391], %broadcast_in_dim3A_5 {strides = array<i32>} : memref<32x128xf32, #tpu.memory_space<vmem>>, vector<16xf32>,
        %swap3A_393 = arith.index_cast %scan3A_390 : i32 to index
        %swap3A_394 = arith.constant 16 : index
        %swap3A_395 = tpu.vector_load %arg29[%swap3A_393, %swap3A_394] {strides = array<i32>} : memref<32x128xf32, #tpu.memory_space<vmem>>, vector<16xf32>,
        tpu.vector_store %arg29[%swap3A_393, %swap3A_394], %broadcast_in_dim3A_5 {strides = array<i32>} : memref<32x128xf32, #tpu.memory_space<vmem>>, vector<16xf32>,
        %swap3A_396 = arith.index_cast %scan3A_390 : i32 to index
        %swap3A_397 = arith.constant 32 : index
        %swap3A_398 = tpu.vector_load %arg29[%swap3A_396, %swap3A_397] {strides = array<i32>} : memref<32x128xf32, #tpu.memory_space<vmem>>, vector<16xf32>,
        tpu.vector_store %arg29[%swap3A_396, %swap3A_397], %broadcast_in_dim3A_5 {strides = array<i32>} : memref<32x128xf32, #tpu.memory_space<vmem>>, vector<16xf32>,
        %swap3A_399 = arith.index_cast %scan3A_390 : i32 to index
        %swap3A_400 = arith.constant 48 : index
        %swap3A_401 = tpu.vector_load %arg29[%swap3A_399, %swap3A_400] {strides = array<i32>} : memref<32x128xf32, #tpu.memory_space<vmem>>, vector<16xf32>,
        tpu.vector_store %arg29[%swap3A_399, %swap3A_400], %broadcast_in_dim3A_5 {strides = array<i32>} : memref<32x128xf32, #tpu.memory_space<vmem>>, vector<16xf32>,
        %swap3A_402 = arith.index_cast %scan3A_390 : i32 to index
        %swap3A_403 = arith.constant 64 : index
        %swap3A_404 = tpu.vector_load %arg29[%swap3A_402, %swap3A_403] {strides = array<i32>} : memref<32x128xf32, #tpu.memory_space<vmem>>, vector<16xf32>,
        tpu.vector_store %arg29[%swap3A_402, %swap3A_403], %broadcast_in_dim3A_5 {strides = array<i32>} : memref<32x128xf32, #tpu.memory_space<vmem>>, vector<16xf32>,
        %swap3A_405 = arith.index_cast %scan3A_390 : i32 to index
        %swap3A_406 = arith.constant 80 : index
        %swap3A_407 = tpu.vector_load %arg29[%swap3A_405, %swap3A_406] {strides = array<i32>} : memref<32x128xf32, #tpu.memory_space<vmem>>, vector<16xf32>,
        tpu.vector_store %arg29[%swap3A_405, %swap3A_406], %broadcast_in_dim3A_5 {strides = array<i32>} : memref<32x128xf32, #tpu.memory_space<vmem>>, vector<16xf32>,
        %swap3A_408 = arith.index_cast %scan3A_390 : i32 to index
        %swap3A_409 = arith.constant 96 : index
        %swap3A_410 = tpu.vector_load %arg29[%swap3A_408, %swap3A_409] {strides = array<i32>} : memref<32x128xf32, #tpu.memory_space<vmem>>, vector<16xf32>,
        tpu.vector_store %arg29[%swap3A_408, %swap3A_409], %broadcast_in_dim3A_5 {strides = array<i32>} : memref<32x128xf32, #tpu.memory_space<vmem>>, vector<16xf32>,
        %swap3A_411 = arith.index_cast %scan3A_390 : i32 to index
        %swap3A_412 = arith.constant 112 : index
        %swap3A_413 = tpu.vector_load %arg29[%swap3A_411, %swap3A_412] {strides = array<i32>} : memref<32x128xf32, #tpu.memory_space<vmem>>, vector<16xf32>,
        tpu.vector_store %arg29[%swap3A_411, %swap3A_412], %broadcast_in_dim3A_5 {strides = array<i32>} : memref<32x128xf32, #tpu.memory_space<vmem>>, vector<16xf32>,
      }
      %scan3A_221 = arith.constant 32 : i32
      %scan3A_222 = arith.constant 0 : i32
      %scan3A_223 = arith.constant 0 : i32
      %scan3A_224 = arith.constant 32 : i32
      %scan3A_225 = arith.addi %scan3A_223, %scan3A_224 : i32
      %scan3A_226 = arith.constant 1 : i32
      scf.for %scan3A_390 = %scan3A_223 to %scan3A_225 step %scan3A_226  : i32 {
        %and3A = arith.constant -16 : i32
        %and3A_391 = arith.andi %scan3A_390, %and3A : i32
        %get3A = arith.index_cast %and3A_391 : i32 to index
        %get3A_392 = tpu.vector_load %arg16[%get3A] {strides = array<i32>} : memref<32xi32, #tpu.memory_space<vmem>>, vector<16xi32>,
        %and3A_393 = arith.constant 15 : i32
        %and3A_394 = arith.andi %scan3A_390, %and3A_393 : i32
        %broadcast_in_dim3A_395 = vector.broadcast %and3A_394 : i32 to vector<16xi32>
        %broadcast_in_dim3A_396 = vector.shape_cast %broadcast_in_dim3A_395 : vector<16xi32> to vector<16x1xi32>
        %gather3A = vector.shape_cast %broadcast_in_dim3A_396 : vector<16x1xi32> to vector<16xi32>
        %gather3A_397 = tpu.dynamic_gather %get3A_392[%gather3A] in [0] : vector<16xi32>, vector<16xi32> -> vector<16xi32>
        %and3A_398 = arith.constant 15 : i32
        %and3A_399 = vector.broadcast %and3A_398 : i32 to vector<16xi32>
        %and3A_400 = arith.andi %gather3A_397, %and3A_399 : vector<16xi32>
        %mul3A_401 = arith.constant 8 : i32
        %mul3A_402 = vector.broadcast %mul3A_401 : i32 to vector<16xi32>
        %mul3A_403 = arith.muli %and3A_400, %mul3A_402 : vector<16xi32>
        %broadcast_in_dim3A_404 = vector.broadcast %scan3A_390 : i32 to vector<16xi32>
        %get3A_405 = arith.index_cast %scan3A_390 : i32 to index
        %get3A_406 = arith.constant 0 : index
        %get3A_407 = tpu.vector_load %arg26[%get3A_405, %get3A_406] {strides = array<i32>} : memref<32x128xf32, #tpu.memory_space<vmem>>, vector<16xf32>,
        %get3A_408 = arith.index_cast %scan3A_390 : i32 to index
        %get3A_409 = arith.constant 16 : index
        %get3A_410 = tpu.vector_load %arg26[%get3A_408, %get3A_409] {strides = array<i32>} : memref<32x128xf32, #tpu.memory_space<vmem>>, vector<16xf32>,
        %get3A_411 = arith.index_cast %scan3A_390 : i32 to index
        %get3A_412 = arith.constant 32 : index
        %get3A_413 = tpu.vector_load %arg26[%get3A_411, %get3A_412] {strides = array<i32>} : memref<32x128xf32, #tpu.memory_space<vmem>>, vector<16xf32>,
        %get3A_414 = arith.index_cast %scan3A_390 : i32 to index
        %get3A_415 = arith.constant 48 : index
        %get3A_416 = tpu.vector_load %arg26[%get3A_414, %get3A_415] {strides = array<i32>} : memref<32x128xf32, #tpu.memory_space<vmem>>, vector<16xf32>,
        %get3A_417 = arith.index_cast %scan3A_390 : i32 to index
        %get3A_418 = arith.constant 64 : index
        %get3A_419 = tpu.vector_load %arg26[%get3A_417, %get3A_418] {strides = array<i32>} : memref<32x128xf32, #tpu.memory_space<vmem>>, vector<16xf32>,
        %get3A_420 = arith.index_cast %scan3A_390 : i32 to index
        %get3A_421 = arith.constant 80 : index
        %get3A_422 = tpu.vector_load %arg26[%get3A_420, %get3A_421] {strides = array<i32>} : memref<32x128xf32, #tpu.memory_space<vmem>>, vector<16xf32>,
        %get3A_423 = arith.index_cast %scan3A_390 : i32 to index
        %get3A_424 = arith.constant 96 : index
        %get3A_425 = tpu.vector_load %arg26[%get3A_423, %get3A_424] {strides = array<i32>} : memref<32x128xf32, #tpu.memory_space<vmem>>, vector<16xf32>,
        %get3A_426 = arith.index_cast %scan3A_390 : i32 to index
        %get3A_427 = arith.constant 112 : index
        %get3A_428 = tpu.vector_load %arg26[%get3A_426, %get3A_427] {strides = array<i32>} : memref<32x128xf32, #tpu.memory_space<vmem>>, vector<16xf32>,
        %get3A_429 = arith.index_cast %scan3A_390 : i32 to index
        %get3A_430 = arith.constant 0 : index
        %get3A_431 = tpu.vector_load %arg24[%get3A_429, %get3A_430] {strides = array<i32>} : memref<32x256xf32, #tpu.memory_space<vmem>>, vector<16xf32>,
        %get3A_432 = arith.index_cast %scan3A_390 : i32 to index
        %get3A_433 = arith.constant 16 : index
        %get3A_434 = tpu.vector_load %arg24[%get3A_432, %get3A_433] {strides = array<i32>} : memref<32x256xf32, #tpu.memory_space<vmem>>, vector<16xf32>,
        %get3A_435 = arith.index_cast %scan3A_390 : i32 to index
        %get3A_436 = arith.constant 32 : index
        %get3A_437 = tpu.vector_load %arg24[%get3A_435, %get3A_436] {strides = array<i32>} : memref<32x256xf32, #tpu.memory_space<vmem>>, vector<16xf32>,
        %get3A_438 = arith.index_cast %scan3A_390 : i32 to index
        %get3A_439 = arith.constant 48 : index
        %get3A_440 = tpu.vector_load %arg24[%get3A_438, %get3A_439] {strides = array<i32>} : memref<32x256xf32, #tpu.memory_space<vmem>>, vector<16xf32>,
        %get3A_441 = arith.index_cast %scan3A_390 : i32 to index
        %get3A_442 = arith.constant 64 : index
        %get3A_443 = tpu.vector_load %arg24[%get3A_441, %get3A_442] {strides = array<i32>} : memref<32x256xf32, #tpu.memory_space<vmem>>, vector<16xf32>,
        %get3A_444 = arith.index_cast %scan3A_390 : i32 to index
        %get3A_445 = arith.constant 80 : index
        %get3A_446 = tpu.vector_load %arg24[%get3A_444, %get3A_445] {strides = array<i32>} : memref<32x256xf32, #tpu.memory_space<vmem>>, vector<16xf32>,
        %get3A_447 = arith.index_cast %scan3A_390 : i32 to index
        %get3A_448 = arith.constant 96 : index
        %get3A_449 = tpu.vector_load %arg24[%get3A_447, %get3A_448] {strides = array<i32>} : memref<32x256xf32, #tpu.memory_space<vmem>>, vector<16xf32>,
        %get3A_450 = arith.index_cast %scan3A_390 : i32 to index
        %get3A_451 = arith.constant 112 : index
        %get3A_452 = tpu.vector_load %arg24[%get3A_450, %get3A_451] {strides = array<i32>} : memref<32x256xf32, #tpu.memory_space<vmem>>, vector<16xf32>,
        %get3A_453 = arith.index_cast %scan3A_390 : i32 to index
        %get3A_454 = arith.constant 0 : index
        %get3A_455 = tpu.vector_load %arg28[%get3A_453, %get3A_454] {strides = array<i32>} : memref<32x128xf32, #tpu.memory_space<vmem>>, vector<16xf32>,
        %get3A_456 = arith.index_cast %scan3A_390 : i32 to index
        %get3A_457 = arith.constant 16 : index
        %get3A_458 = tpu.vector_load %arg28[%get3A_456, %get3A_457] {strides = array<i32>} : memref<32x128xf32, #tpu.memory_space<vmem>>, vector<16xf32>,
        %get3A_459 = arith.index_cast %scan3A_390 : i32 to index
        %get3A_460 = arith.constant 32 : index
        %get3A_461 = tpu.vector_load %arg28[%get3A_459, %get3A_460] {strides = array<i32>} : memref<32x128xf32, #tpu.memory_space<vmem>>, vector<16xf32>,
        %get3A_462 = arith.index_cast %scan3A_390 : i32 to index
        %get3A_463 = arith.constant 48 : index
        %get3A_464 = tpu.vector_load %arg28[%get3A_462, %get3A_463] {strides = array<i32>} : memref<32x128xf32, #tpu.memory_space<vmem>>, vector<16xf32>,
        %get3A_465 = arith.index_cast %scan3A_390 : i32 to index
        %get3A_466 = arith.constant 64 : index
        %get3A_467 = tpu.vector_load %arg28[%get3A_465, %get3A_466] {strides = array<i32>} : memref<32x128xf32, #tpu.memory_space<vmem>>, vector<16xf32>,
        %get3A_468 = arith.index_cast %scan3A_390 : i32 to index
        %get3A_469 = arith.constant 80 : index
        %get3A_470 = tpu.vector_load %arg28[%get3A_468, %get3A_469] {strides = array<i32>} : memref<32x128xf32, #tpu.memory_space<vmem>>, vector<16xf32>,
        %get3A_471 = arith.index_cast %scan3A_390 : i32 to index
        %get3A_472 = arith.constant 96 : index
        %get3A_473 = tpu.vector_load %arg28[%get3A_471, %get3A_472] {strides = array<i32>} : memref<32x128xf32, #tpu.memory_space<vmem>>, vector<16xf32>,
        %get3A_474 = arith.index_cast %scan3A_390 : i32 to index
        %get3A_475 = arith.constant 112 : index
        %get3A_476 = tpu.vector_load %arg28[%get3A_474, %get3A_475] {strides = array<i32>} : memref<32x128xf32, #tpu.memory_space<vmem>>, vector<16xf32>,
        %get3A_477 = arith.index_cast %scan3A_390 : i32 to index
        %get3A_478 = arith.constant 128 : index
        %get3A_479 = tpu.vector_load %arg24[%get3A_477, %get3A_478] {strides = array<i32>} : memref<32x256xf32, #tpu.memory_space<vmem>>, vector<16xf32>,
        %get3A_480 = arith.index_cast %scan3A_390 : i32 to index
        %get3A_481 = arith.constant 144 : index
        %get3A_482 = tpu.vector_load %arg24[%get3A_480, %get3A_481] {strides = array<i32>} : memref<32x256xf32, #tpu.memory_space<vmem>>, vector<16xf32>,
        %get3A_483 = arith.index_cast %scan3A_390 : i32 to index
        %get3A_484 = arith.constant 160 : index
        %get3A_485 = tpu.vector_load %arg24[%get3A_483, %get3A_484] {strides = array<i32>} : memref<32x256xf32, #tpu.memory_space<vmem>>, vector<16xf32>,
        %get3A_486 = arith.index_cast %scan3A_390 : i32 to index
        %get3A_487 = arith.constant 176 : index
        %get3A_488 = tpu.vector_load %arg24[%get3A_486, %get3A_487] {strides = array<i32>} : memref<32x256xf32, #tpu.memory_space<vmem>>, vector<16xf32>,
        %get3A_489 = arith.index_cast %scan3A_390 : i32 to index
        %get3A_490 = arith.constant 192 : index
        %get3A_491 = tpu.vector_load %arg24[%get3A_489, %get3A_490] {strides = array<i32>} : memref<32x256xf32, #tpu.memory_space<vmem>>, vector<16xf32>,
        %get3A_492 = arith.index_cast %scan3A_390 : i32 to index
        %get3A_493 = arith.constant 208 : index
        %get3A_494 = tpu.vector_load %arg24[%get3A_492, %get3A_493] {strides = array<i32>} : memref<32x256xf32, #tpu.memory_space<vmem>>, vector<16xf32>,
        %get3A_495 = arith.index_cast %scan3A_390 : i32 to index
        %get3A_496 = arith.constant 224 : index
        %get3A_497 = tpu.vector_load %arg24[%get3A_495, %get3A_496] {strides = array<i32>} : memref<32x256xf32, #tpu.memory_space<vmem>>, vector<16xf32>,
        %get3A_498 = arith.index_cast %scan3A_390 : i32 to index
        %get3A_499 = arith.constant 240 : index
        %get3A_500 = tpu.vector_load %arg24[%get3A_498, %get3A_499] {strides = array<i32>} : memref<32x256xf32, #tpu.memory_space<vmem>>, vector<16xf32>,
        %add3A_501 = arith.addf %get3A_431, %get3A_455 : vector<16xf32>
        %mul3A_502 = arith.mulf %get3A_407, %add3A_501 : vector<16xf32>
        %add3A_503 = arith.addf %get3A_434, %get3A_458 : vector<16xf32>
        %mul3A_504 = arith.mulf %get3A_410, %add3A_503 : vector<16xf32>
        %add3A_505 = arith.addf %get3A_437, %get3A_461 : vector<16xf32>
        %mul3A_506 = arith.mulf %get3A_413, %add3A_505 : vector<16xf32>
        %add3A_507 = arith.addf %get3A_440, %get3A_464 : vector<16xf32>
        %mul3A_508 = arith.mulf %get3A_416, %add3A_507 : vector<16xf32>
        %add3A_509 = arith.addf %get3A_443, %get3A_467 : vector<16xf32>
        %mul3A_510 = arith.mulf %get3A_419, %add3A_509 : vector<16xf32>
        %add3A_511 = arith.addf %get3A_446, %get3A_470 : vector<16xf32>
        %mul3A_512 = arith.mulf %get3A_422, %add3A_511 : vector<16xf32>
        %add3A_513 = arith.addf %get3A_449, %get3A_473 : vector<16xf32>
        %mul3A_514 = arith.mulf %get3A_425, %add3A_513 : vector<16xf32>
        %add3A_515 = arith.addf %get3A_452, %get3A_476 : vector<16xf32>
        %mul3A_516 = arith.mulf %get3A_428, %add3A_515 : vector<16xf32>
        %broadcast_in_dim3A_517 = vector.shape_cast %xor3A_89 : vector<16xi32> to vector<16x1xi32>
        %gather3A_518 = vector.shape_cast %broadcast_in_dim3A_517 : vector<16x1xi32> to vector<16xi32>
        %gather3A_519 = tpu.dynamic_gather %mul3A_502[%gather3A_518] in [0] : vector<16xf32>, vector<16xi32> -> vector<16xf32>
        %add3A_520 = arith.addf %mul3A_502, %gather3A_519 : vector<16xf32>
        %broadcast_in_dim3A_521 = vector.shape_cast %xor3A_89 : vector<16xi32> to vector<16x1xi32>
        %gather3A_522 = vector.shape_cast %broadcast_in_dim3A_521 : vector<16x1xi32> to vector<16xi32>
        %gather3A_523 = tpu.dynamic_gather %mul3A_504[%gather3A_522] in [0] : vector<16xf32>, vector<16xi32> -> vector<16xf32>
        %add3A_524 = arith.addf %mul3A_504, %gather3A_523 : vector<16xf32>
        %broadcast_in_dim3A_525 = vector.shape_cast %xor3A_89 : vector<16xi32> to vector<16x1xi32>
        %gather3A_526 = vector.shape_cast %broadcast_in_dim3A_525 : vector<16x1xi32> to vector<16xi32>
        %gather3A_527 = tpu.dynamic_gather %mul3A_506[%gather3A_526] in [0] : vector<16xf32>, vector<16xi32> -> vector<16xf32>
        %add3A_528 = arith.addf %mul3A_506, %gather3A_527 : vector<16xf32>
        %broadcast_in_dim3A_529 = vector.shape_cast %xor3A_89 : vector<16xi32> to vector<16x1xi32>
        %gather3A_530 = vector.shape_cast %broadcast_in_dim3A_529 : vector<16x1xi32> to vector<16xi32>
        %gather3A_531 = tpu.dynamic_gather %mul3A_508[%gather3A_530] in [0] : vector<16xf32>, vector<16xi32> -> vector<16xf32>
        %add3A_532 = arith.addf %mul3A_508, %gather3A_531 : vector<16xf32>
        %broadcast_in_dim3A_533 = vector.shape_cast %xor3A_89 : vector<16xi32> to vector<16x1xi32>
        %gather3A_534 = vector.shape_cast %broadcast_in_dim3A_533 : vector<16x1xi32> to vector<16xi32>
        %gather3A_535 = tpu.dynamic_gather %mul3A_510[%gather3A_534] in [0] : vector<16xf32>, vector<16xi32> -> vector<16xf32>
        %add3A_536 = arith.addf %mul3A_510, %gather3A_535 : vector<16xf32>
        %broadcast_in_dim3A_537 = vector.shape_cast %xor3A_89 : vector<16xi32> to vector<16x1xi32>
        %gather3A_538 = vector.shape_cast %broadcast_in_dim3A_537 : vector<16x1xi32> to vector<16xi32>
        %gather3A_539 = tpu.dynamic_gather %mul3A_512[%gather3A_538] in [0] : vector<16xf32>, vector<16xi32> -> vector<16xf32>
        %add3A_540 = arith.addf %mul3A_512, %gather3A_539 : vector<16xf32>
        %broadcast_in_dim3A_541 = vector.shape_cast %xor3A_89 : vector<16xi32> to vector<16x1xi32>
        %gather3A_542 = vector.shape_cast %broadcast_in_dim3A_541 : vector<16x1xi32> to vector<16xi32>
        %gather3A_543 = tpu.dynamic_gather %mul3A_514[%gather3A_542] in [0] : vector<16xf32>, vector<16xi32> -> vector<16xf32>
        %add3A_544 = arith.addf %mul3A_514, %gather3A_543 : vector<16xf32>
        %broadcast_in_dim3A_545 = vector.shape_cast %xor3A_89 : vector<16xi32> to vector<16x1xi32>
        %gather3A_546 = vector.shape_cast %broadcast_in_dim3A_545 : vector<16x1xi32> to vector<16xi32>
        %gather3A_547 = tpu.dynamic_gather %mul3A_516[%gather3A_546] in [0] : vector<16xf32>, vector<16xi32> -> vector<16xf32>
        %add3A_548 = arith.addf %mul3A_516, %gather3A_547 : vector<16xf32>
        %broadcast_in_dim3A_549 = vector.shape_cast %xor3A_92 : vector<16xi32> to vector<16x1xi32>
        %gather3A_550 = vector.shape_cast %broadcast_in_dim3A_549 : vector<16x1xi32> to vector<16xi32>
        %gather3A_551 = tpu.dynamic_gather %add3A_520[%gather3A_550] in [0] : vector<16xf32>, vector<16xi32> -> vector<16xf32>
        %add3A_552 = arith.addf %add3A_520, %gather3A_551 : vector<16xf32>
        %broadcast_in_dim3A_553 = vector.shape_cast %xor3A_92 : vector<16xi32> to vector<16x1xi32>
        %gather3A_554 = vector.shape_cast %broadcast_in_dim3A_553 : vector<16x1xi32> to vector<16xi32>
        %gather3A_555 = tpu.dynamic_gather %add3A_524[%gather3A_554] in [0] : vector<16xf32>, vector<16xi32> -> vector<16xf32>
        %add3A_556 = arith.addf %add3A_524, %gather3A_555 : vector<16xf32>
        %broadcast_in_dim3A_557 = vector.shape_cast %xor3A_92 : vector<16xi32> to vector<16x1xi32>
        %gather3A_558 = vector.shape_cast %broadcast_in_dim3A_557 : vector<16x1xi32> to vector<16xi32>
        %gather3A_559 = tpu.dynamic_gather %add3A_528[%gather3A_558] in [0] : vector<16xf32>, vector<16xi32> -> vector<16xf32>
        %add3A_560 = arith.addf %add3A_528, %gather3A_559 : vector<16xf32>
        %broadcast_in_dim3A_561 = vector.shape_cast %xor3A_92 : vector<16xi32> to vector<16x1xi32>
        %gather3A_562 = vector.shape_cast %broadcast_in_dim3A_561 : vector<16x1xi32> to vector<16xi32>
        %gather3A_563 = tpu.dynamic_gather %add3A_532[%gather3A_562] in [0] : vector<16xf32>, vector<16xi32> -> vector<16xf32>
        %add3A_564 = arith.addf %add3A_532, %gather3A_563 : vector<16xf32>
        %broadcast_in_dim3A_565 = vector.shape_cast %xor3A_92 : vector<16xi32> to vector<16x1xi32>
        %gather3A_566 = vector.shape_cast %broadcast_in_dim3A_565 : vector<16x1xi32> to vector<16xi32>
        %gather3A_567 = tpu.dynamic_gather %add3A_536[%gather3A_566] in [0] : vector<16xf32>, vector<16xi32> -> vector<16xf32>
        %add3A_568 = arith.addf %add3A_536, %gather3A_567 : vector<16xf32>
        %broadcast_in_dim3A_569 = vector.shape_cast %xor3A_92 : vector<16xi32> to vector<16x1xi32>
        %gather3A_570 = vector.shape_cast %broadcast_in_dim3A_569 : vector<16x1xi32> to vector<16xi32>
        %gather3A_571 = tpu.dynamic_gather %add3A_540[%gather3A_570] in [0] : vector<16xf32>, vector<16xi32> -> vector<16xf32>
        %add3A_572 = arith.addf %add3A_540, %gather3A_571 : vector<16xf32>
        %broadcast_in_dim3A_573 = vector.shape_cast %xor3A_92 : vector<16xi32> to vector<16x1xi32>
        %gather3A_574 = vector.shape_cast %broadcast_in_dim3A_573 : vector<16x1xi32> to vector<16xi32>
        %gather3A_575 = tpu.dynamic_gather %add3A_544[%gather3A_574] in [0] : vector<16xf32>, vector<16xi32> -> vector<16xf32>
        %add3A_576 = arith.addf %add3A_544, %gather3A_575 : vector<16xf32>
        %broadcast_in_dim3A_577 = vector.shape_cast %xor3A_92 : vector<16xi32> to vector<16x1xi32>
        %gather3A_578 = vector.shape_cast %broadcast_in_dim3A_577 : vector<16x1xi32> to vector<16xi32>
        %gather3A_579 = tpu.dynamic_gather %add3A_548[%gather3A_578] in [0] : vector<16xf32>, vector<16xi32> -> vector<16xf32>
        %add3A_580 = arith.addf %add3A_548, %gather3A_579 : vector<16xf32>
        %broadcast_in_dim3A_581 = vector.shape_cast %xor3A_95 : vector<16xi32> to vector<16x1xi32>
        %gather3A_582 = vector.shape_cast %broadcast_in_dim3A_581 : vector<16x1xi32> to vector<16xi32>
        %gather3A_583 = tpu.dynamic_gather %add3A_552[%gather3A_582] in [0] : vector<16xf32>, vector<16xi32> -> vector<16xf32>
        %add3A_584 = arith.addf %add3A_552, %gather3A_583 : vector<16xf32>
        %broadcast_in_dim3A_585 = vector.shape_cast %xor3A_95 : vector<16xi32> to vector<16x1xi32>
        %gather3A_586 = vector.shape_cast %broadcast_in_dim3A_585 : vector<16x1xi32> to vector<16xi32>
        %gather3A_587 = tpu.dynamic_gather %add3A_556[%gather3A_586] in [0] : vector<16xf32>, vector<16xi32> -> vector<16xf32>
        %add3A_588 = arith.addf %add3A_556, %gather3A_587 : vector<16xf32>
        %broadcast_in_dim3A_589 = vector.shape_cast %xor3A_95 : vector<16xi32> to vector<16x1xi32>
        %gather3A_590 = vector.shape_cast %broadcast_in_dim3A_589 : vector<16x1xi32> to vector<16xi32>
        %gather3A_591 = tpu.dynamic_gather %add3A_560[%gather3A_590] in [0] : vector<16xf32>, vector<16xi32> -> vector<16xf32>
        %add3A_592 = arith.addf %add3A_560, %gather3A_591 : vector<16xf32>
        %broadcast_in_dim3A_593 = vector.shape_cast %xor3A_95 : vector<16xi32> to vector<16x1xi32>
        %gather3A_594 = vector.shape_cast %broadcast_in_dim3A_593 : vector<16x1xi32> to vector<16xi32>
        %gather3A_595 = tpu.dynamic_gather %add3A_564[%gather3A_594] in [0] : vector<16xf32>, vector<16xi32> -> vector<16xf32>
        %add3A_596 = arith.addf %add3A_564, %gather3A_595 : vector<16xf32>
        %broadcast_in_dim3A_597 = vector.shape_cast %xor3A_95 : vector<16xi32> to vector<16x1xi32>
        %gather3A_598 = vector.shape_cast %broadcast_in_dim3A_597 : vector<16x1xi32> to vector<16xi32>
        %gather3A_599 = tpu.dynamic_gather %add3A_568[%gather3A_598] in [0] : vector<16xf32>, vector<16xi32> -> vector<16xf32>
        %add3A_600 = arith.addf %add3A_568, %gather3A_599 : vector<16xf32>
        %broadcast_in_dim3A_601 = vector.shape_cast %xor3A_95 : vector<16xi32> to vector<16x1xi32>
        %gather3A_602 = vector.shape_cast %broadcast_in_dim3A_601 : vector<16x1xi32> to vector<16xi32>
        %gather3A_603 = tpu.dynamic_gather %add3A_572[%gather3A_602] in [0] : vector<16xf32>, vector<16xi32> -> vector<16xf32>
        %add3A_604 = arith.addf %add3A_572, %gather3A_603 : vector<16xf32>
        %broadcast_in_dim3A_605 = vector.shape_cast %xor3A_95 : vector<16xi32> to vector<16x1xi32>
        %gather3A_606 = vector.shape_cast %broadcast_in_dim3A_605 : vector<16x1xi32> to vector<16xi32>
        %gather3A_607 = tpu.dynamic_gather %add3A_576[%gather3A_606] in [0] : vector<16xf32>, vector<16xi32> -> vector<16xf32>
        %add3A_608 = arith.addf %add3A_576, %gather3A_607 : vector<16xf32>
        %broadcast_in_dim3A_609 = vector.shape_cast %xor3A_95 : vector<16xi32> to vector<16x1xi32>
        %gather3A_610 = vector.shape_cast %broadcast_in_dim3A_609 : vector<16x1xi32> to vector<16xi32>
        %gather3A_611 = tpu.dynamic_gather %add3A_580[%gather3A_610] in [0] : vector<16xf32>, vector<16xi32> -> vector<16xf32>
        %add3A_612 = arith.addf %add3A_580, %gather3A_611 : vector<16xf32>
        %broadcast_in_dim3A_613 = vector.shape_cast %xor3A_98 : vector<16xi32> to vector<16x1xi32>
        %gather3A_614 = vector.shape_cast %broadcast_in_dim3A_613 : vector<16x1xi32> to vector<16xi32>
        %gather3A_615 = tpu.dynamic_gather %add3A_584[%gather3A_614] in [0] : vector<16xf32>, vector<16xi32> -> vector<16xf32>
        %add3A_616 = arith.addf %add3A_584, %gather3A_615 : vector<16xf32>
        %broadcast_in_dim3A_617 = vector.shape_cast %xor3A_98 : vector<16xi32> to vector<16x1xi32>
        %gather3A_618 = vector.shape_cast %broadcast_in_dim3A_617 : vector<16x1xi32> to vector<16xi32>
        %gather3A_619 = tpu.dynamic_gather %add3A_588[%gather3A_618] in [0] : vector<16xf32>, vector<16xi32> -> vector<16xf32>
        %add3A_620 = arith.addf %add3A_588, %gather3A_619 : vector<16xf32>
        %broadcast_in_dim3A_621 = vector.shape_cast %xor3A_98 : vector<16xi32> to vector<16x1xi32>
        %gather3A_622 = vector.shape_cast %broadcast_in_dim3A_621 : vector<16x1xi32> to vector<16xi32>
        %gather3A_623 = tpu.dynamic_gather %add3A_592[%gather3A_622] in [0] : vector<16xf32>, vector<16xi32> -> vector<16xf32>
        %add3A_624 = arith.addf %add3A_592, %gather3A_623 : vector<16xf32>
        %broadcast_in_dim3A_625 = vector.shape_cast %xor3A_98 : vector<16xi32> to vector<16x1xi32>
        %gather3A_626 = vector.shape_cast %broadcast_in_dim3A_625 : vector<16x1xi32> to vector<16xi32>
        %gather3A_627 = tpu.dynamic_gather %add3A_596[%gather3A_626] in [0] : vector<16xf32>, vector<16xi32> -> vector<16xf32>
        %add3A_628 = arith.addf %add3A_596, %gather3A_627 : vector<16xf32>
        %broadcast_in_dim3A_629 = vector.shape_cast %xor3A_98 : vector<16xi32> to vector<16x1xi32>
        %gather3A_630 = vector.shape_cast %broadcast_in_dim3A_629 : vector<16x1xi32> to vector<16xi32>
        %gather3A_631 = tpu.dynamic_gather %add3A_600[%gather3A_630] in [0] : vector<16xf32>, vector<16xi32> -> vector<16xf32>
        %add3A_632 = arith.addf %add3A_600, %gather3A_631 : vector<16xf32>
        %broadcast_in_dim3A_633 = vector.shape_cast %xor3A_98 : vector<16xi32> to vector<16x1xi32>
        %gather3A_634 = vector.shape_cast %broadcast_in_dim3A_633 : vector<16x1xi32> to vector<16xi32>
        %gather3A_635 = tpu.dynamic_gather %add3A_604[%gather3A_634] in [0] : vector<16xf32>, vector<16xi32> -> vector<16xf32>
        %add3A_636 = arith.addf %add3A_604, %gather3A_635 : vector<16xf32>
        %broadcast_in_dim3A_637 = vector.shape_cast %xor3A_98 : vector<16xi32> to vector<16x1xi32>
        %gather3A_638 = vector.shape_cast %broadcast_in_dim3A_637 : vector<16x1xi32> to vector<16xi32>
        %gather3A_639 = tpu.dynamic_gather %add3A_608[%gather3A_638] in [0] : vector<16xf32>, vector<16xi32> -> vector<16xf32>
        %add3A_640 = arith.addf %add3A_608, %gather3A_639 : vector<16xf32>
        %broadcast_in_dim3A_641 = vector.shape_cast %xor3A_98 : vector<16xi32> to vector<16x1xi32>
        %gather3A_642 = vector.shape_cast %broadcast_in_dim3A_641 : vector<16x1xi32> to vector<16xi32>
        %gather3A_643 = tpu.dynamic_gather %add3A_612[%gather3A_642] in [0] : vector<16xf32>, vector<16xi32> -> vector<16xf32>
        %add3A_644 = arith.addf %add3A_612, %gather3A_643 : vector<16xf32>
        %exp3A = math.exp %add3A_616 : vector<16xf32>
        %exp3A_645 = math.exp %add3A_620 : vector<16xf32>
        %exp3A_646 = math.exp %add3A_624 : vector<16xf32>
        %exp3A_647 = math.exp %add3A_628 : vector<16xf32>
        %exp3A_648 = math.exp %add3A_632 : vector<16xf32>
        %exp3A_649 = math.exp %add3A_636 : vector<16xf32>
        %exp3A_650 = math.exp %add3A_640 : vector<16xf32>
        %exp3A_651 = math.exp %add3A_644 : vector<16xf32>
        %add3A_652 = arith.constant 0 : i32
        %add3A_653 = vector.broadcast %add3A_652 : i32 to vector<16xi32>
        %add3A_654 = arith.addi %mul3A_403, %add3A_653 : vector<16xi32>
        tpu.vector_store_idx %arg29[%broadcast_in_dim3A_404, %add3A_654], %exp3A masked %eq3A_87 : memref<32x128xf32, #tpu.memory_space<vmem>>[vector<16xi32>, vector<16xi32>], vector<16xf32>, vector<16xi1>
        %add3A_655 = arith.constant 1 : i32
        %add3A_656 = vector.broadcast %add3A_655 : i32 to vector<16xi32>
        %add3A_657 = arith.addi %mul3A_403, %add3A_656 : vector<16xi32>
        tpu.vector_store_idx %arg29[%broadcast_in_dim3A_404, %add3A_657], %exp3A_645 masked %eq3A_87 : memref<32x128xf32, #tpu.memory_space<vmem>>[vector<16xi32>, vector<16xi32>], vector<16xf32>, vector<16xi1>
        %add3A_658 = arith.constant 2 : i32
        %add3A_659 = vector.broadcast %add3A_658 : i32 to vector<16xi32>
        %add3A_660 = arith.addi %mul3A_403, %add3A_659 : vector<16xi32>
        tpu.vector_store_idx %arg29[%broadcast_in_dim3A_404, %add3A_660], %exp3A_646 masked %eq3A_87 : memref<32x128xf32, #tpu.memory_space<vmem>>[vector<16xi32>, vector<16xi32>], vector<16xf32>, vector<16xi1>
        %add3A_661 = arith.constant 3 : i32
        %add3A_662 = vector.broadcast %add3A_661 : i32 to vector<16xi32>
        %add3A_663 = arith.addi %mul3A_403, %add3A_662 : vector<16xi32>
        tpu.vector_store_idx %arg29[%broadcast_in_dim3A_404, %add3A_663], %exp3A_647 masked %eq3A_87 : memref<32x128xf32, #tpu.memory_space<vmem>>[vector<16xi32>, vector<16xi32>], vector<16xf32>, vector<16xi1>
        %add3A_664 = arith.constant 4 : i32
        %add3A_665 = vector.broadcast %add3A_664 : i32 to vector<16xi32>
        %add3A_666 = arith.addi %mul3A_403, %add3A_665 : vector<16xi32>
        tpu.vector_store_idx %arg29[%broadcast_in_dim3A_404, %add3A_666], %exp3A_648 masked %eq3A_87 : memref<32x128xf32, #tpu.memory_space<vmem>>[vector<16xi32>, vector<16xi32>], vector<16xf32>, vector<16xi1>
        %add3A_667 = arith.constant 5 : i32
        %add3A_668 = vector.broadcast %add3A_667 : i32 to vector<16xi32>
        %add3A_669 = arith.addi %mul3A_403, %add3A_668 : vector<16xi32>
        tpu.vector_store_idx %arg29[%broadcast_in_dim3A_404, %add3A_669], %exp3A_649 masked %eq3A_87 : memref<32x128xf32, #tpu.memory_space<vmem>>[vector<16xi32>, vector<16xi32>], vector<16xf32>, vector<16xi1>
        %add3A_670 = arith.constant 6 : i32
        %add3A_671 = vector.broadcast %add3A_670 : i32 to vector<16xi32>
        %add3A_672 = arith.addi %mul3A_403, %add3A_671 : vector<16xi32>
        tpu.vector_store_idx %arg29[%broadcast_in_dim3A_404, %add3A_672], %exp3A_650 masked %eq3A_87 : memref<32x128xf32, #tpu.memory_space<vmem>>[vector<16xi32>, vector<16xi32>], vector<16xf32>, vector<16xi1>
        %add3A_673 = arith.constant 7 : i32
        %add3A_674 = vector.broadcast %add3A_673 : i32 to vector<16xi32>
        %add3A_675 = arith.addi %mul3A_403, %add3A_674 : vector<16xi32>
        tpu.vector_store_idx %arg29[%broadcast_in_dim3A_404, %add3A_675], %exp3A_651 masked %eq3A_87 : memref<32x128xf32, #tpu.memory_space<vmem>>[vector<16xi32>, vector<16xi32>], vector<16xf32>, vector<16xi1>
        %add3A_676 = arith.addf %get3A_479, %get3A_455 : vector<16xf32>
        %mul3A_677 = arith.mulf %add3A_676, %exp3A : vector<16xf32>
        %swap3A = arith.index_cast %scan3A_390 : i32 to index
        %swap3A_678 = arith.constant 0 : index
        %swap3A_679 = tpu.vector_load %arg28[%swap3A, %swap3A_678] {strides = array<i32>} : memref<32x128xf32, #tpu.memory_space<vmem>>, vector<16xf32>,
        tpu.vector_store %arg28[%swap3A, %swap3A_678], %mul3A_677 {strides = array<i32>} : memref<32x128xf32, #tpu.memory_space<vmem>>, vector<16xf32>,
        %add3A_680 = arith.addf %get3A_482, %get3A_458 : vector<16xf32>
        %mul3A_681 = arith.mulf %add3A_680, %exp3A_645 : vector<16xf32>
        %swap3A_682 = arith.index_cast %scan3A_390 : i32 to index
        %swap3A_683 = arith.constant 16 : index
        %swap3A_684 = tpu.vector_load %arg28[%swap3A_682, %swap3A_683] {strides = array<i32>} : memref<32x128xf32, #tpu.memory_space<vmem>>, vector<16xf32>,
        tpu.vector_store %arg28[%swap3A_682, %swap3A_683], %mul3A_681 {strides = array<i32>} : memref<32x128xf32, #tpu.memory_space<vmem>>, vector<16xf32>,
        %add3A_685 = arith.addf %get3A_485, %get3A_461 : vector<16xf32>
        %mul3A_686 = arith.mulf %add3A_685, %exp3A_646 : vector<16xf32>
        %swap3A_687 = arith.index_cast %scan3A_390 : i32 to index
        %swap3A_688 = arith.constant 32 : index
        %swap3A_689 = tpu.vector_load %arg28[%swap3A_687, %swap3A_688] {strides = array<i32>} : memref<32x128xf32, #tpu.memory_space<vmem>>, vector<16xf32>,
        tpu.vector_store %arg28[%swap3A_687, %swap3A_688], %mul3A_686 {strides = array<i32>} : memref<32x128xf32, #tpu.memory_space<vmem>>, vector<16xf32>,
        %add3A_690 = arith.addf %get3A_488, %get3A_464 : vector<16xf32>
        %mul3A_691 = arith.mulf %add3A_690, %exp3A_647 : vector<16xf32>
        %swap3A_692 = arith.index_cast %scan3A_390 : i32 to index
        %swap3A_693 = arith.constant 48 : index
        %swap3A_694 = tpu.vector_load %arg28[%swap3A_692, %swap3A_693] {strides = array<i32>} : memref<32x128xf32, #tpu.memory_space<vmem>>, vector<16xf32>,
        tpu.vector_store %arg28[%swap3A_692, %swap3A_693], %mul3A_691 {strides = array<i32>} : memref<32x128xf32, #tpu.memory_space<vmem>>, vector<16xf32>,
        %add3A_695 = arith.addf %get3A_491, %get3A_467 : vector<16xf32>
        %mul3A_696 = arith.mulf %add3A_695, %exp3A_648 : vector<16xf32>
        %swap3A_697 = arith.index_cast %scan3A_390 : i32 to index
        %swap3A_698 = arith.constant 64 : index
        %swap3A_699 = tpu.vector_load %arg28[%swap3A_697, %swap3A_698] {strides = array<i32>} : memref<32x128xf32, #tpu.memory_space<vmem>>, vector<16xf32>,
        tpu.vector_store %arg28[%swap3A_697, %swap3A_698], %mul3A_696 {strides = array<i32>} : memref<32x128xf32, #tpu.memory_space<vmem>>, vector<16xf32>,
        %add3A_700 = arith.addf %get3A_494, %get3A_470 : vector<16xf32>
        %mul3A_701 = arith.mulf %add3A_700, %exp3A_649 : vector<16xf32>
        %swap3A_702 = arith.index_cast %scan3A_390 : i32 to index
        %swap3A_703 = arith.constant 80 : index
        %swap3A_704 = tpu.vector_load %arg28[%swap3A_702, %swap3A_703] {strides = array<i32>} : memref<32x128xf32, #tpu.memory_space<vmem>>, vector<16xf32>,
        tpu.vector_store %arg28[%swap3A_702, %swap3A_703], %mul3A_701 {strides = array<i32>} : memref<32x128xf32, #tpu.memory_space<vmem>>, vector<16xf32>,
        %add3A_705 = arith.addf %get3A_497, %get3A_473 : vector<16xf32>
        %mul3A_706 = arith.mulf %add3A_705, %exp3A_650 : vector<16xf32>
        %swap3A_707 = arith.index_cast %scan3A_390 : i32 to index
        %swap3A_708 = arith.constant 96 : index
        %swap3A_709 = tpu.vector_load %arg28[%swap3A_707, %swap3A_708] {strides = array<i32>} : memref<32x128xf32, #tpu.memory_space<vmem>>, vector<16xf32>,
        tpu.vector_store %arg28[%swap3A_707, %swap3A_708], %mul3A_706 {strides = array<i32>} : memref<32x128xf32, #tpu.memory_space<vmem>>, vector<16xf32>,
        %add3A_710 = arith.addf %get3A_500, %get3A_476 : vector<16xf32>
        %mul3A_711 = arith.mulf %add3A_710, %exp3A_651 : vector<16xf32>
        %swap3A_712 = arith.index_cast %scan3A_390 : i32 to index
        %swap3A_713 = arith.constant 112 : index
        %swap3A_714 = tpu.vector_load %arg28[%swap3A_712, %swap3A_713] {strides = array<i32>} : memref<32x128xf32, #tpu.memory_space<vmem>>, vector<16xf32>,
        tpu.vector_store %arg28[%swap3A_712, %swap3A_713], %mul3A_711 {strides = array<i32>} : memref<32x128xf32, #tpu.memory_space<vmem>>, vector<16xf32>,
      }
      %scan3A_227 = arith.constant 32 : i32
      %dma_start3A_228 = arith.constant 0 : i32
      %dma_start3A_229 = arith.constant 0 : i32
      %dma_start3A_230 = tpu.memref_slice %arg10[%dma_start3A_228, %dma_start3A_229] : memref<640x128xf32, #tpu.memory_space<vmem_shared>> -> memref<640x128xf32, #tpu.memory_space<vmem_shared>>
      tpu.enqueue_indirect_dma source(%arg29 : memref<32x128xf32, #tpu.memory_space<vmem>>) target(%dma_start3A_230 : memref<640x128xf32, #tpu.memory_space<vmem_shared>>) offsets(%arg22 : memref<32xi32, #tpu.memory_space<vmem>>) semaphore(%arg42 : memref<!tpu.dma_semaphore, #tpu.memory_space<semaphore_mem>>) {add = true}
      %dma_start3A_231 = arith.constant 0 : i32
      %dma_start3A_232 = arith.constant 0 : i32
      %dma_start3A_233 = tpu.memref_slice %arg9[%dma_start3A_231, %dma_start3A_232] : memref<10112x128xf32, #tpu.memory_space<vmem_shared>> -> memref<10112x128xf32, #tpu.memory_space<vmem_shared>>
      tpu.enqueue_indirect_dma source(%arg28 : memref<32x128xf32, #tpu.memory_space<vmem>>) target(%dma_start3A_233 : memref<10112x128xf32, #tpu.memory_space<vmem_shared>>) offsets(%arg20 : memref<32xi32, #tpu.memory_space<vmem>>) semaphore(%arg41 : memref<!tpu.dma_semaphore, #tpu.memory_space<semaphore_mem>>) {add = true}
      %ge3A_234 = arith.constant 1 : i32
      %ge3A_235 = arith.cmpi sge, %add3A_198, %ge3A_234 : i32
      %convert_element_type3A_236 = arith.extui %ge3A_235 : i1 to i32
      %cond3A_237 = arith.constant 0 : i32
      %cond3A_238 = arith.cmpi ne, %convert_element_type3A_236, %cond3A_237 : i32
      scf.if %cond3A_238 {
        %dma_wait3A_390 = arith.constant 0 : i32
        %dma_wait3A_391 = arith.constant 0 : i32
        %dma_wait3A_392 = tpu.memref_slice %arg9[%dma_wait3A_390, %dma_wait3A_391] : memref<10112x128xf32, #tpu.memory_space<vmem_shared>> -> memref<10112x128xf32, #tpu.memory_space<vmem_shared>>
        tpu.wait_indirect_dma semaphore(%arg40 : memref<!tpu.dma_semaphore, #tpu.memory_space<semaphore_mem>>) src(%arg27 : memref<32x128xf32, #tpu.memory_space<vmem>>) dst(%dma_wait3A_392 : memref<10112x128xf32, #tpu.memory_space<vmem_shared>>)
      } else {
      }
      %add3A_239 = arith.constant 1 : i32
      %add3A_240 = arith.addi %add3A_198, %add3A_239 : i32
      %lt3A_241 = arith.constant 316 : i32
      %lt3A_242 = arith.cmpi slt, %add3A_240, %lt3A_241 : i32
      %convert_element_type3A_243 = arith.extui %lt3A_242 : i1 to i32
      %cond3A_244 = arith.constant 0 : i32
      %cond3A_245 = arith.cmpi ne, %convert_element_type3A_243, %cond3A_244 : i32
      scf.if %cond3A_245 {
        %add3A_390 = arith.constant 1 : i32
        %add3A_391 = arith.addi %add3A_198, %add3A_390 : i32
        %mul3A_392 = arith.constant 32 : i32
        %mul3A_393 = arith.muli %add3A_391, %mul3A_392 : i32
        %add3A_394 = arith.addi %add3A, %mul3A_393 : i32
        %mul3A_395 = arith.constant 32 : i32
        %mul3A_396 = arith.muli %add3A_394, %mul3A_395 : i32
        %dma_start3A_397 = arith.constant 0 : i32
        %dma_start3A_398 = tpu.memref_slice %arg6[%mul3A_396, %dma_start3A_397] : memref<323584x128xf32, #tpu.memory_space<hbm>> -> memref<32x128xf32, #tpu.memory_space<hbm>>
        %dma_start3A_399 = arith.constant 0 : i32
        %dma_start3A_400 = tpu.memref_slice %arg6[%mul3A_396, %dma_start3A_399] : memref<323584x128xf32, #tpu.memory_space<hbm>> -> memref<32x128xf32, #tpu.memory_space<hbm>>
        tpu.enqueue_dma source(%dma_start3A_400 : memref<32x128xf32, #tpu.memory_space<hbm>>) target(%arg27 : memref<32x128xf32, #tpu.memory_space<vmem>>) target_semaphore(%arg38 : memref<!tpu.dma_semaphore, #tpu.memory_space<semaphore_mem>>)
        %scan3A_401 = arith.constant 0 : i32
        %scan3A_402 = arith.constant 0 : i32
        %scan3A_403 = arith.constant 2 : i32
        %scan3A_404 = arith.addi %scan3A_402, %scan3A_403 : i32
        %scan3A_405 = arith.constant 1 : i32
        scf.for %scan3A_407 = %scan3A_402 to %scan3A_404 step %scan3A_405  : i32 {
          %mul3A_408 = arith.constant 16 : i32
          %mul3A_409 = arith.muli %scan3A_407, %mul3A_408 : i32
          %get3A = arith.index_cast %mul3A_409 : i32 to index
          %get3A_410 = tpu.vector_load %arg17[%get3A] {strides = array<i32>} : memref<32xi32, #tpu.memory_space<vmem>>, vector<16xi32>,
          %mul3A_411 = arith.constant 16 : i32
          %mul3A_412 = arith.muli %scan3A_407, %mul3A_411 : i32
          %swap3A = arith.index_cast %mul3A_412 : i32 to index
          %swap3A_413 = tpu.vector_load %arg19[%swap3A] {strides = array<i32>} : memref<32xi32, #tpu.memory_space<vmem>>, vector<16xi32>,
          tpu.vector_store %arg19[%swap3A], %get3A_410 {strides = array<i32>} : memref<32xi32, #tpu.memory_space<vmem>>, vector<16xi32>,
          %shift_right_logical3A = arith.constant 4 : i32
          %shift_right_logical3A_414 = vector.broadcast %shift_right_logical3A : i32 to vector<16xi32>
          %shift_right_logical3A_415 = arith.shrui %get3A_410, %shift_right_logical3A_414 : vector<16xi32>
          %mul3A_416 = arith.constant 16 : i32
          %mul3A_417 = arith.muli %scan3A_407, %mul3A_416 : i32
          %swap3A_418 = arith.index_cast %mul3A_417 : i32 to index
          %swap3A_419 = tpu.vector_load %arg21[%swap3A_418] {strides = array<i32>} : memref<32xi32, #tpu.memory_space<vmem>>, vector<16xi32>,
          tpu.vector_store %arg21[%swap3A_418], %shift_right_logical3A_415 {strides = array<i32>} : memref<32xi32, #tpu.memory_space<vmem>>, vector<16xi32>,
        }
        %scan3A_406 = arith.constant 2 : i32
      } else {
      }
      %add3A_246 = arith.constant 2 : i32
      %add3A_247 = arith.addi %add3A_198, %add3A_246 : i32
      %lt3A_248 = arith.constant 316 : i32
      %lt3A_249 = arith.cmpi slt, %add3A_247, %lt3A_248 : i32
      %convert_element_type3A_250 = arith.extui %lt3A_249 : i1 to i32
      %cond3A_251 = arith.constant 0 : i32
      %cond3A_252 = arith.cmpi ne, %convert_element_type3A_250, %cond3A_251 : i32
      scf.if %cond3A_252 {
        %dma_wait3A_390 = arith.constant 0 : i32
        %dma_wait3A_391 = tpu.memref_slice %arg2[%dma_wait3A_390] : memref<323584xi32, #tpu.memory_space<hbm>> -> memref<32xi32, #tpu.memory_space<hbm>>
        %dma_wait3A_392 = arith.constant 0 : i32
        %dma_wait3A_393 = tpu.memref_slice %arg2[%dma_wait3A_392] : memref<323584xi32, #tpu.memory_space<hbm>> -> memref<32xi32, #tpu.memory_space<hbm>>
        tpu.wait_dma2 semaphore(%arg33 : memref<!tpu.dma_semaphore, #tpu.memory_space<semaphore_mem>>) src(%dma_wait3A_393 : memref<32xi32, #tpu.memory_space<hbm>>) dst(%arg14 : memref<32xi32, #tpu.memory_space<vmem>>)
        %dma_wait3A_394 = arith.constant 0 : i32
        %dma_wait3A_395 = tpu.memref_slice %arg3[%dma_wait3A_394] : memref<323584xi32, #tpu.memory_space<hbm>> -> memref<32xi32, #tpu.memory_space<hbm>>
        %dma_wait3A_396 = arith.constant 0 : i32
        %dma_wait3A_397 = tpu.memref_slice %arg3[%dma_wait3A_396] : memref<323584xi32, #tpu.memory_space<hbm>> -> memref<32xi32, #tpu.memory_space<hbm>>
        tpu.wait_dma2 semaphore(%arg33 : memref<!tpu.dma_semaphore, #tpu.memory_space<semaphore_mem>>) src(%dma_wait3A_397 : memref<32xi32, #tpu.memory_space<hbm>>) dst(%arg18 : memref<32xi32, #tpu.memory_space<vmem>>)
        %dma_start3A_398 = arith.constant 0 : i32
        %dma_start3A_399 = arith.constant 0 : i32
        %dma_start3A_400 = tpu.memref_slice %arg5[%dma_start3A_398, %dma_start3A_399] : memref<10008x256xf32, #tpu.memory_space<hbm>> -> memref<10008x256xf32, #tpu.memory_space<hbm>>
        tpu.enqueue_indirect_dma source(%dma_start3A_400 : memref<10008x256xf32, #tpu.memory_space<hbm>>) target(%arg24 : memref<32x256xf32, #tpu.memory_space<vmem>>) offsets(%arg14 : memref<32xi32, #tpu.memory_space<vmem>>) semaphore(%arg35 : memref<!tpu.dma_semaphore, #tpu.memory_space<semaphore_mem>>)
        %dma_start3A_401 = arith.constant 0 : i32
        %dma_start3A_402 = arith.constant 0 : i32
        %dma_start3A_403 = tpu.memref_slice %arg4[%dma_start3A_401, %dma_start3A_402] : memref<10008x128xf32, #tpu.memory_space<hbm>> -> memref<10008x128xf32, #tpu.memory_space<hbm>>
        tpu.enqueue_indirect_dma source(%dma_start3A_403 : memref<10008x128xf32, #tpu.memory_space<hbm>>) target(%arg26 : memref<32x128xf32, #tpu.memory_space<vmem>>) offsets(%arg18 : memref<32xi32, #tpu.memory_space<vmem>>) semaphore(%arg37 : memref<!tpu.dma_semaphore, #tpu.memory_space<semaphore_mem>>)
      } else {
      }
      %add3A_253 = arith.constant 3 : i32
      %add3A_254 = arith.addi %add3A_198, %add3A_253 : i32
      %lt3A_255 = arith.constant 316 : i32
      %lt3A_256 = arith.cmpi slt, %add3A_254, %lt3A_255 : i32
      %convert_element_type3A_257 = arith.extui %lt3A_256 : i1 to i32
      %cond3A_258 = arith.constant 0 : i32
      %cond3A_259 = arith.cmpi ne, %convert_element_type3A_257, %cond3A_258 : i32
      scf.if %cond3A_259 {
        %add3A_390 = arith.constant 3 : i32
        %add3A_391 = arith.addi %add3A_198, %add3A_390 : i32
        %mul3A_392 = arith.constant 32 : i32
        %mul3A_393 = arith.muli %add3A_391, %mul3A_392 : i32
        %add3A_394 = arith.addi %add3A, %mul3A_393 : i32
        %mul3A_395 = arith.constant 32 : i32
        %mul3A_396 = arith.muli %add3A_394, %mul3A_395 : i32
        %dma_start3A_397 = tpu.memref_slice %arg2[%mul3A_396] : memref<323584xi32, #tpu.memory_space<hbm>> -> memref<32xi32, #tpu.memory_space<hbm>>
        %dma_start3A_398 = tpu.memref_slice %arg2[%mul3A_396] : memref<323584xi32, #tpu.memory_space<hbm>> -> memref<32xi32, #tpu.memory_space<hbm>>
        tpu.enqueue_dma source(%dma_start3A_398 : memref<32xi32, #tpu.memory_space<hbm>>) target(%arg11 : memref<32xi32, #tpu.memory_space<vmem>>) target_semaphore(%arg30 : memref<!tpu.dma_semaphore, #tpu.memory_space<semaphore_mem>>)
        %mul3A_399 = arith.constant 32 : i32
        %mul3A_400 = arith.muli %add3A_391, %mul3A_399 : i32
        %add3A_401 = arith.addi %add3A, %mul3A_400 : i32
        %mul3A_402 = arith.constant 32 : i32
        %mul3A_403 = arith.muli %add3A_401, %mul3A_402 : i32
        %dma_start3A_404 = tpu.memref_slice %arg3[%mul3A_403] : memref<323584xi32, #tpu.memory_space<hbm>> -> memref<32xi32, #tpu.memory_space<hbm>>
        %dma_start3A_405 = tpu.memref_slice %arg3[%mul3A_403] : memref<323584xi32, #tpu.memory_space<hbm>> -> memref<32xi32, #tpu.memory_space<hbm>>
        tpu.enqueue_dma source(%dma_start3A_405 : memref<32xi32, #tpu.memory_space<hbm>>) target(%arg15 : memref<32xi32, #tpu.memory_space<vmem>>) target_semaphore(%arg30 : memref<!tpu.dma_semaphore, #tpu.memory_space<semaphore_mem>>)
      } else {
      }
      %mul3A_260 = arith.constant 4 : i32
      %mul3A_261 = arith.muli %scan3A_133, %mul3A_260 : i32
      %add3A_262 = arith.constant 2 : i32
      %add3A_263 = arith.addi %mul3A_261, %add3A_262 : i32
      %dma_wait3A_264 = arith.constant 0 : i32
      %dma_wait3A_265 = arith.constant 0 : i32
      %dma_wait3A_266 = tpu.memref_slice %arg5[%dma_wait3A_264, %dma_wait3A_265] : memref<10008x256xf32, #tpu.memory_space<hbm>> -> memref<10008x256xf32, #tpu.memory_space<hbm>>
      tpu.wait_indirect_dma semaphore(%arg34 : memref<!tpu.dma_semaphore, #tpu.memory_space<semaphore_mem>>) src(%dma_wait3A_266 : memref<10008x256xf32, #tpu.memory_space<hbm>>) dst(%arg23 : memref<32x256xf32, #tpu.memory_space<vmem>>)
      %dma_wait3A_267 = arith.constant 0 : i32
      %dma_wait3A_268 = arith.constant 0 : i32
      %dma_wait3A_269 = tpu.memref_slice %arg4[%dma_wait3A_267, %dma_wait3A_268] : memref<10008x128xf32, #tpu.memory_space<hbm>> -> memref<10008x128xf32, #tpu.memory_space<hbm>>
      tpu.wait_indirect_dma semaphore(%arg36 : memref<!tpu.dma_semaphore, #tpu.memory_space<semaphore_mem>>) src(%dma_wait3A_269 : memref<10008x128xf32, #tpu.memory_space<hbm>>) dst(%arg25 : memref<32x128xf32, #tpu.memory_space<vmem>>)
      %dma_wait3A_270 = arith.constant 0 : i32
      %dma_wait3A_271 = arith.constant 0 : i32
      %dma_wait3A_272 = tpu.memref_slice %arg6[%dma_wait3A_270, %dma_wait3A_271] : memref<323584x128xf32, #tpu.memory_space<hbm>> -> memref<32x128xf32, #tpu.memory_space<hbm>>
      %dma_wait3A_273 = arith.constant 0 : i32
      %dma_wait3A_274 = arith.constant 0 : i32
      %dma_wait3A_275 = tpu.memref_slice %arg6[%dma_wait3A_273, %dma_wait3A_274] : memref<323584x128xf32, #tpu.memory_space<hbm>> -> memref<32x128xf32, #tpu.memory_space<hbm>>
      tpu.wait_dma2 semaphore(%arg38 : memref<!tpu.dma_semaphore, #tpu.memory_space<semaphore_mem>>) src(%dma_wait3A_275 : memref<32x128xf32, #tpu.memory_space<hbm>>) dst(%arg27 : memref<32x128xf32, #tpu.memory_space<vmem>>)
      %ge3A_276 = arith.constant 1 : i32
      %ge3A_277 = arith.cmpi sge, %add3A_263, %ge3A_276 : i32
      %convert_element_type3A_278 = arith.extui %ge3A_277 : i1 to i32
      %cond3A_279 = arith.constant 0 : i32
      %cond3A_280 = arith.cmpi ne, %convert_element_type3A_278, %cond3A_279 : i32
      scf.if %cond3A_280 {
        %dma_wait3A_390 = arith.constant 0 : i32
        %dma_wait3A_391 = arith.constant 0 : i32
        %dma_wait3A_392 = tpu.memref_slice %arg10[%dma_wait3A_390, %dma_wait3A_391] : memref<640x128xf32, #tpu.memory_space<vmem_shared>> -> memref<640x128xf32, #tpu.memory_space<vmem_shared>>
        tpu.wait_indirect_dma semaphore(%arg42 : memref<!tpu.dma_semaphore, #tpu.memory_space<semaphore_mem>>) src(%arg29 : memref<32x128xf32, #tpu.memory_space<vmem>>) dst(%dma_wait3A_392 : memref<640x128xf32, #tpu.memory_space<vmem_shared>>)
      } else {
      }
      %scan3A_281 = arith.constant 0 : i32
      %scan3A_282 = arith.constant 0 : i32
      %scan3A_283 = arith.constant 32 : i32
      %scan3A_284 = arith.addi %scan3A_282, %scan3A_283 : i32
      %scan3A_285 = arith.constant 1 : i32
      scf.for %scan3A_390 = %scan3A_282 to %scan3A_284 step %scan3A_285  : i32 {
        %swap3A = arith.index_cast %scan3A_390 : i32 to index
        %swap3A_391 = arith.constant 0 : index
        %swap3A_392 = tpu.vector_load %arg29[%swap3A, %swap3A_391] {strides = array<i32>} : memref<32x128xf32, #tpu.memory_space<vmem>>, vector<16xf32>,
        tpu.vector_store %arg29[%swap3A, %swap3A_391], %broadcast_in_dim3A_5 {strides = array<i32>} : memref<32x128xf32, #tpu.memory_space<vmem>>, vector<16xf32>,
        %swap3A_393 = arith.index_cast %scan3A_390 : i32 to index
        %swap3A_394 = arith.constant 16 : index
        %swap3A_395 = tpu.vector_load %arg29[%swap3A_393, %swap3A_394] {strides = array<i32>} : memref<32x128xf32, #tpu.memory_space<vmem>>, vector<16xf32>,
        tpu.vector_store %arg29[%swap3A_393, %swap3A_394], %broadcast_in_dim3A_5 {strides = array<i32>} : memref<32x128xf32, #tpu.memory_space<vmem>>, vector<16xf32>,
        %swap3A_396 = arith.index_cast %scan3A_390 : i32 to index
        %swap3A_397 = arith.constant 32 : index
        %swap3A_398 = tpu.vector_load %arg29[%swap3A_396, %swap3A_397] {strides = array<i32>} : memref<32x128xf32, #tpu.memory_space<vmem>>, vector<16xf32>,
        tpu.vector_store %arg29[%swap3A_396, %swap3A_397], %broadcast_in_dim3A_5 {strides = array<i32>} : memref<32x128xf32, #tpu.memory_space<vmem>>, vector<16xf32>,
        %swap3A_399 = arith.index_cast %scan3A_390 : i32 to index
        %swap3A_400 = arith.constant 48 : index
        %swap3A_401 = tpu.vector_load %arg29[%swap3A_399, %swap3A_400] {strides = array<i32>} : memref<32x128xf32, #tpu.memory_space<vmem>>, vector<16xf32>,
        tpu.vector_store %arg29[%swap3A_399, %swap3A_400], %broadcast_in_dim3A_5 {strides = array<i32>} : memref<32x128xf32, #tpu.memory_space<vmem>>, vector<16xf32>,
        %swap3A_402 = arith.index_cast %scan3A_390 : i32 to index
        %swap3A_403 = arith.constant 64 : index
        %swap3A_404 = tpu.vector_load %arg29[%swap3A_402, %swap3A_403] {strides = array<i32>} : memref<32x128xf32, #tpu.memory_space<vmem>>, vector<16xf32>,
        tpu.vector_store %arg29[%swap3A_402, %swap3A_403], %broadcast_in_dim3A_5 {strides = array<i32>} : memref<32x128xf32, #tpu.memory_space<vmem>>, vector<16xf32>,
        %swap3A_405 = arith.index_cast %scan3A_390 : i32 to index
        %swap3A_406 = arith.constant 80 : index
        %swap3A_407 = tpu.vector_load %arg29[%swap3A_405, %swap3A_406] {strides = array<i32>} : memref<32x128xf32, #tpu.memory_space<vmem>>, vector<16xf32>,
        tpu.vector_store %arg29[%swap3A_405, %swap3A_406], %broadcast_in_dim3A_5 {strides = array<i32>} : memref<32x128xf32, #tpu.memory_space<vmem>>, vector<16xf32>,
        %swap3A_408 = arith.index_cast %scan3A_390 : i32 to index
        %swap3A_409 = arith.constant 96 : index
        %swap3A_410 = tpu.vector_load %arg29[%swap3A_408, %swap3A_409] {strides = array<i32>} : memref<32x128xf32, #tpu.memory_space<vmem>>, vector<16xf32>,
        tpu.vector_store %arg29[%swap3A_408, %swap3A_409], %broadcast_in_dim3A_5 {strides = array<i32>} : memref<32x128xf32, #tpu.memory_space<vmem>>, vector<16xf32>,
        %swap3A_411 = arith.index_cast %scan3A_390 : i32 to index
        %swap3A_412 = arith.constant 112 : index
        %swap3A_413 = tpu.vector_load %arg29[%swap3A_411, %swap3A_412] {strides = array<i32>} : memref<32x128xf32, #tpu.memory_space<vmem>>, vector<16xf32>,
        tpu.vector_store %arg29[%swap3A_411, %swap3A_412], %broadcast_in_dim3A_5 {strides = array<i32>} : memref<32x128xf32, #tpu.memory_space<vmem>>, vector<16xf32>,
      }
      %scan3A_286 = arith.constant 32 : i32
      %scan3A_287 = arith.constant 0 : i32
      %scan3A_288 = arith.constant 0 : i32
      %scan3A_289 = arith.constant 32 : i32
      %scan3A_290 = arith.addi %scan3A_288, %scan3A_289 : i32
      %scan3A_291 = arith.constant 1 : i32
      scf.for %scan3A_390 = %scan3A_288 to %scan3A_290 step %scan3A_291  : i32 {
        %and3A = arith.constant -16 : i32
        %and3A_391 = arith.andi %scan3A_390, %and3A : i32
        %get3A = arith.index_cast %and3A_391 : i32 to index
        %get3A_392 = tpu.vector_load %arg17[%get3A] {strides = array<i32>} : memref<32xi32, #tpu.memory_space<vmem>>, vector<16xi32>,
        %and3A_393 = arith.constant 15 : i32
        %and3A_394 = arith.andi %scan3A_390, %and3A_393 : i32
        %broadcast_in_dim3A_395 = vector.broadcast %and3A_394 : i32 to vector<16xi32>
        %broadcast_in_dim3A_396 = vector.shape_cast %broadcast_in_dim3A_395 : vector<16xi32> to vector<16x1xi32>
        %gather3A = vector.shape_cast %broadcast_in_dim3A_396 : vector<16x1xi32> to vector<16xi32>
        %gather3A_397 = tpu.dynamic_gather %get3A_392[%gather3A] in [0] : vector<16xi32>, vector<16xi32> -> vector<16xi32>
        %and3A_398 = arith.constant 15 : i32
        %and3A_399 = vector.broadcast %and3A_398 : i32 to vector<16xi32>
        %and3A_400 = arith.andi %gather3A_397, %and3A_399 : vector<16xi32>
        %mul3A_401 = arith.constant 8 : i32
        %mul3A_402 = vector.broadcast %mul3A_401 : i32 to vector<16xi32>
        %mul3A_403 = arith.muli %and3A_400, %mul3A_402 : vector<16xi32>
        %broadcast_in_dim3A_404 = vector.broadcast %scan3A_390 : i32 to vector<16xi32>
        %get3A_405 = arith.index_cast %scan3A_390 : i32 to index
        %get3A_406 = arith.constant 0 : index
        %get3A_407 = tpu.vector_load %arg25[%get3A_405, %get3A_406] {strides = array<i32>} : memref<32x128xf32, #tpu.memory_space<vmem>>, vector<16xf32>,
        %get3A_408 = arith.index_cast %scan3A_390 : i32 to index
        %get3A_409 = arith.constant 16 : index
        %get3A_410 = tpu.vector_load %arg25[%get3A_408, %get3A_409] {strides = array<i32>} : memref<32x128xf32, #tpu.memory_space<vmem>>, vector<16xf32>,
        %get3A_411 = arith.index_cast %scan3A_390 : i32 to index
        %get3A_412 = arith.constant 32 : index
        %get3A_413 = tpu.vector_load %arg25[%get3A_411, %get3A_412] {strides = array<i32>} : memref<32x128xf32, #tpu.memory_space<vmem>>, vector<16xf32>,
        %get3A_414 = arith.index_cast %scan3A_390 : i32 to index
        %get3A_415 = arith.constant 48 : index
        %get3A_416 = tpu.vector_load %arg25[%get3A_414, %get3A_415] {strides = array<i32>} : memref<32x128xf32, #tpu.memory_space<vmem>>, vector<16xf32>,
        %get3A_417 = arith.index_cast %scan3A_390 : i32 to index
        %get3A_418 = arith.constant 64 : index
        %get3A_419 = tpu.vector_load %arg25[%get3A_417, %get3A_418] {strides = array<i32>} : memref<32x128xf32, #tpu.memory_space<vmem>>, vector<16xf32>,
        %get3A_420 = arith.index_cast %scan3A_390 : i32 to index
        %get3A_421 = arith.constant 80 : index
        %get3A_422 = tpu.vector_load %arg25[%get3A_420, %get3A_421] {strides = array<i32>} : memref<32x128xf32, #tpu.memory_space<vmem>>, vector<16xf32>,
        %get3A_423 = arith.index_cast %scan3A_390 : i32 to index
        %get3A_424 = arith.constant 96 : index
        %get3A_425 = tpu.vector_load %arg25[%get3A_423, %get3A_424] {strides = array<i32>} : memref<32x128xf32, #tpu.memory_space<vmem>>, vector<16xf32>,
        %get3A_426 = arith.index_cast %scan3A_390 : i32 to index
        %get3A_427 = arith.constant 112 : index
        %get3A_428 = tpu.vector_load %arg25[%get3A_426, %get3A_427] {strides = array<i32>} : memref<32x128xf32, #tpu.memory_space<vmem>>, vector<16xf32>,
        %get3A_429 = arith.index_cast %scan3A_390 : i32 to index
        %get3A_430 = arith.constant 0 : index
        %get3A_431 = tpu.vector_load %arg23[%get3A_429, %get3A_430] {strides = array<i32>} : memref<32x256xf32, #tpu.memory_space<vmem>>, vector<16xf32>,
        %get3A_432 = arith.index_cast %scan3A_390 : i32 to index
        %get3A_433 = arith.constant 16 : index
        %get3A_434 = tpu.vector_load %arg23[%get3A_432, %get3A_433] {strides = array<i32>} : memref<32x256xf32, #tpu.memory_space<vmem>>, vector<16xf32>,
        %get3A_435 = arith.index_cast %scan3A_390 : i32 to index
        %get3A_436 = arith.constant 32 : index
        %get3A_437 = tpu.vector_load %arg23[%get3A_435, %get3A_436] {strides = array<i32>} : memref<32x256xf32, #tpu.memory_space<vmem>>, vector<16xf32>,
        %get3A_438 = arith.index_cast %scan3A_390 : i32 to index
        %get3A_439 = arith.constant 48 : index
        %get3A_440 = tpu.vector_load %arg23[%get3A_438, %get3A_439] {strides = array<i32>} : memref<32x256xf32, #tpu.memory_space<vmem>>, vector<16xf32>,
        %get3A_441 = arith.index_cast %scan3A_390 : i32 to index
        %get3A_442 = arith.constant 64 : index
        %get3A_443 = tpu.vector_load %arg23[%get3A_441, %get3A_442] {strides = array<i32>} : memref<32x256xf32, #tpu.memory_space<vmem>>, vector<16xf32>,
        %get3A_444 = arith.index_cast %scan3A_390 : i32 to index
        %get3A_445 = arith.constant 80 : index
        %get3A_446 = tpu.vector_load %arg23[%get3A_444, %get3A_445] {strides = array<i32>} : memref<32x256xf32, #tpu.memory_space<vmem>>, vector<16xf32>,
        %get3A_447 = arith.index_cast %scan3A_390 : i32 to index
        %get3A_448 = arith.constant 96 : index
        %get3A_449 = tpu.vector_load %arg23[%get3A_447, %get3A_448] {strides = array<i32>} : memref<32x256xf32, #tpu.memory_space<vmem>>, vector<16xf32>,
        %get3A_450 = arith.index_cast %scan3A_390 : i32 to index
        %get3A_451 = arith.constant 112 : index
        %get3A_452 = tpu.vector_load %arg23[%get3A_450, %get3A_451] {strides = array<i32>} : memref<32x256xf32, #tpu.memory_space<vmem>>, vector<16xf32>,
        %get3A_453 = arith.index_cast %scan3A_390 : i32 to index
        %get3A_454 = arith.constant 0 : index
        %get3A_455 = tpu.vector_load %arg27[%get3A_453, %get3A_454] {strides = array<i32>} : memref<32x128xf32, #tpu.memory_space<vmem>>, vector<16xf32>,
        %get3A_456 = arith.index_cast %scan3A_390 : i32 to index
        %get3A_457 = arith.constant 16 : index
        %get3A_458 = tpu.vector_load %arg27[%get3A_456, %get3A_457] {strides = array<i32>} : memref<32x128xf32, #tpu.memory_space<vmem>>, vector<16xf32>,
        %get3A_459 = arith.index_cast %scan3A_390 : i32 to index
        %get3A_460 = arith.constant 32 : index
        %get3A_461 = tpu.vector_load %arg27[%get3A_459, %get3A_460] {strides = array<i32>} : memref<32x128xf32, #tpu.memory_space<vmem>>, vector<16xf32>,
        %get3A_462 = arith.index_cast %scan3A_390 : i32 to index
        %get3A_463 = arith.constant 48 : index
        %get3A_464 = tpu.vector_load %arg27[%get3A_462, %get3A_463] {strides = array<i32>} : memref<32x128xf32, #tpu.memory_space<vmem>>, vector<16xf32>,
        %get3A_465 = arith.index_cast %scan3A_390 : i32 to index
        %get3A_466 = arith.constant 64 : index
        %get3A_467 = tpu.vector_load %arg27[%get3A_465, %get3A_466] {strides = array<i32>} : memref<32x128xf32, #tpu.memory_space<vmem>>, vector<16xf32>,
        %get3A_468 = arith.index_cast %scan3A_390 : i32 to index
        %get3A_469 = arith.constant 80 : index
        %get3A_470 = tpu.vector_load %arg27[%get3A_468, %get3A_469] {strides = array<i32>} : memref<32x128xf32, #tpu.memory_space<vmem>>, vector<16xf32>,
        %get3A_471 = arith.index_cast %scan3A_390 : i32 to index
        %get3A_472 = arith.constant 96 : index
        %get3A_473 = tpu.vector_load %arg27[%get3A_471, %get3A_472] {strides = array<i32>} : memref<32x128xf32, #tpu.memory_space<vmem>>, vector<16xf32>,
        %get3A_474 = arith.index_cast %scan3A_390 : i32 to index
        %get3A_475 = arith.constant 112 : index
        %get3A_476 = tpu.vector_load %arg27[%get3A_474, %get3A_475] {strides = array<i32>} : memref<32x128xf32, #tpu.memory_space<vmem>>, vector<16xf32>,
        %get3A_477 = arith.index_cast %scan3A_390 : i32 to index
        %get3A_478 = arith.constant 128 : index
        %get3A_479 = tpu.vector_load %arg23[%get3A_477, %get3A_478] {strides = array<i32>} : memref<32x256xf32, #tpu.memory_space<vmem>>, vector<16xf32>,
        %get3A_480 = arith.index_cast %scan3A_390 : i32 to index
        %get3A_481 = arith.constant 144 : index
        %get3A_482 = tpu.vector_load %arg23[%get3A_480, %get3A_481] {strides = array<i32>} : memref<32x256xf32, #tpu.memory_space<vmem>>, vector<16xf32>,
        %get3A_483 = arith.index_cast %scan3A_390 : i32 to index
        %get3A_484 = arith.constant 160 : index
        %get3A_485 = tpu.vector_load %arg23[%get3A_483, %get3A_484] {strides = array<i32>} : memref<32x256xf32, #tpu.memory_space<vmem>>, vector<16xf32>,
        %get3A_486 = arith.index_cast %scan3A_390 : i32 to index
        %get3A_487 = arith.constant 176 : index
        %get3A_488 = tpu.vector_load %arg23[%get3A_486, %get3A_487] {strides = array<i32>} : memref<32x256xf32, #tpu.memory_space<vmem>>, vector<16xf32>,
        %get3A_489 = arith.index_cast %scan3A_390 : i32 to index
        %get3A_490 = arith.constant 192 : index
        %get3A_491 = tpu.vector_load %arg23[%get3A_489, %get3A_490] {strides = array<i32>} : memref<32x256xf32, #tpu.memory_space<vmem>>, vector<16xf32>,
        %get3A_492 = arith.index_cast %scan3A_390 : i32 to index
        %get3A_493 = arith.constant 208 : index
        %get3A_494 = tpu.vector_load %arg23[%get3A_492, %get3A_493] {strides = array<i32>} : memref<32x256xf32, #tpu.memory_space<vmem>>, vector<16xf32>,
        %get3A_495 = arith.index_cast %scan3A_390 : i32 to index
        %get3A_496 = arith.constant 224 : index
        %get3A_497 = tpu.vector_load %arg23[%get3A_495, %get3A_496] {strides = array<i32>} : memref<32x256xf32, #tpu.memory_space<vmem>>, vector<16xf32>,
        %get3A_498 = arith.index_cast %scan3A_390 : i32 to index
        %get3A_499 = arith.constant 240 : index
        %get3A_500 = tpu.vector_load %arg23[%get3A_498, %get3A_499] {strides = array<i32>} : memref<32x256xf32, #tpu.memory_space<vmem>>, vector<16xf32>,
        %add3A_501 = arith.addf %get3A_431, %get3A_455 : vector<16xf32>
        %mul3A_502 = arith.mulf %get3A_407, %add3A_501 : vector<16xf32>
        %add3A_503 = arith.addf %get3A_434, %get3A_458 : vector<16xf32>
        %mul3A_504 = arith.mulf %get3A_410, %add3A_503 : vector<16xf32>
        %add3A_505 = arith.addf %get3A_437, %get3A_461 : vector<16xf32>
        %mul3A_506 = arith.mulf %get3A_413, %add3A_505 : vector<16xf32>
        %add3A_507 = arith.addf %get3A_440, %get3A_464 : vector<16xf32>
        %mul3A_508 = arith.mulf %get3A_416, %add3A_507 : vector<16xf32>
        %add3A_509 = arith.addf %get3A_443, %get3A_467 : vector<16xf32>
        %mul3A_510 = arith.mulf %get3A_419, %add3A_509 : vector<16xf32>
        %add3A_511 = arith.addf %get3A_446, %get3A_470 : vector<16xf32>
        %mul3A_512 = arith.mulf %get3A_422, %add3A_511 : vector<16xf32>
        %add3A_513 = arith.addf %get3A_449, %get3A_473 : vector<16xf32>
        %mul3A_514 = arith.mulf %get3A_425, %add3A_513 : vector<16xf32>
        %add3A_515 = arith.addf %get3A_452, %get3A_476 : vector<16xf32>
        %mul3A_516 = arith.mulf %get3A_428, %add3A_515 : vector<16xf32>
        %broadcast_in_dim3A_517 = vector.shape_cast %xor3A_89 : vector<16xi32> to vector<16x1xi32>
        %gather3A_518 = vector.shape_cast %broadcast_in_dim3A_517 : vector<16x1xi32> to vector<16xi32>
        %gather3A_519 = tpu.dynamic_gather %mul3A_502[%gather3A_518] in [0] : vector<16xf32>, vector<16xi32> -> vector<16xf32>
        %add3A_520 = arith.addf %mul3A_502, %gather3A_519 : vector<16xf32>
        %broadcast_in_dim3A_521 = vector.shape_cast %xor3A_89 : vector<16xi32> to vector<16x1xi32>
        %gather3A_522 = vector.shape_cast %broadcast_in_dim3A_521 : vector<16x1xi32> to vector<16xi32>
        %gather3A_523 = tpu.dynamic_gather %mul3A_504[%gather3A_522] in [0] : vector<16xf32>, vector<16xi32> -> vector<16xf32>
        %add3A_524 = arith.addf %mul3A_504, %gather3A_523 : vector<16xf32>
        %broadcast_in_dim3A_525 = vector.shape_cast %xor3A_89 : vector<16xi32> to vector<16x1xi32>
        %gather3A_526 = vector.shape_cast %broadcast_in_dim3A_525 : vector<16x1xi32> to vector<16xi32>
        %gather3A_527 = tpu.dynamic_gather %mul3A_506[%gather3A_526] in [0] : vector<16xf32>, vector<16xi32> -> vector<16xf32>
        %add3A_528 = arith.addf %mul3A_506, %gather3A_527 : vector<16xf32>
        %broadcast_in_dim3A_529 = vector.shape_cast %xor3A_89 : vector<16xi32> to vector<16x1xi32>
        %gather3A_530 = vector.shape_cast %broadcast_in_dim3A_529 : vector<16x1xi32> to vector<16xi32>
        %gather3A_531 = tpu.dynamic_gather %mul3A_508[%gather3A_530] in [0] : vector<16xf32>, vector<16xi32> -> vector<16xf32>
        %add3A_532 = arith.addf %mul3A_508, %gather3A_531 : vector<16xf32>
        %broadcast_in_dim3A_533 = vector.shape_cast %xor3A_89 : vector<16xi32> to vector<16x1xi32>
        %gather3A_534 = vector.shape_cast %broadcast_in_dim3A_533 : vector<16x1xi32> to vector<16xi32>
        %gather3A_535 = tpu.dynamic_gather %mul3A_510[%gather3A_534] in [0] : vector<16xf32>, vector<16xi32> -> vector<16xf32>
        %add3A_536 = arith.addf %mul3A_510, %gather3A_535 : vector<16xf32>
        %broadcast_in_dim3A_537 = vector.shape_cast %xor3A_89 : vector<16xi32> to vector<16x1xi32>
        %gather3A_538 = vector.shape_cast %broadcast_in_dim3A_537 : vector<16x1xi32> to vector<16xi32>
        %gather3A_539 = tpu.dynamic_gather %mul3A_512[%gather3A_538] in [0] : vector<16xf32>, vector<16xi32> -> vector<16xf32>
        %add3A_540 = arith.addf %mul3A_512, %gather3A_539 : vector<16xf32>
        %broadcast_in_dim3A_541 = vector.shape_cast %xor3A_89 : vector<16xi32> to vector<16x1xi32>
        %gather3A_542 = vector.shape_cast %broadcast_in_dim3A_541 : vector<16x1xi32> to vector<16xi32>
        %gather3A_543 = tpu.dynamic_gather %mul3A_514[%gather3A_542] in [0] : vector<16xf32>, vector<16xi32> -> vector<16xf32>
        %add3A_544 = arith.addf %mul3A_514, %gather3A_543 : vector<16xf32>
        %broadcast_in_dim3A_545 = vector.shape_cast %xor3A_89 : vector<16xi32> to vector<16x1xi32>
        %gather3A_546 = vector.shape_cast %broadcast_in_dim3A_545 : vector<16x1xi32> to vector<16xi32>
        %gather3A_547 = tpu.dynamic_gather %mul3A_516[%gather3A_546] in [0] : vector<16xf32>, vector<16xi32> -> vector<16xf32>
        %add3A_548 = arith.addf %mul3A_516, %gather3A_547 : vector<16xf32>
        %broadcast_in_dim3A_549 = vector.shape_cast %xor3A_92 : vector<16xi32> to vector<16x1xi32>
        %gather3A_550 = vector.shape_cast %broadcast_in_dim3A_549 : vector<16x1xi32> to vector<16xi32>
        %gather3A_551 = tpu.dynamic_gather %add3A_520[%gather3A_550] in [0] : vector<16xf32>, vector<16xi32> -> vector<16xf32>
        %add3A_552 = arith.addf %add3A_520, %gather3A_551 : vector<16xf32>
        %broadcast_in_dim3A_553 = vector.shape_cast %xor3A_92 : vector<16xi32> to vector<16x1xi32>
        %gather3A_554 = vector.shape_cast %broadcast_in_dim3A_553 : vector<16x1xi32> to vector<16xi32>
        %gather3A_555 = tpu.dynamic_gather %add3A_524[%gather3A_554] in [0] : vector<16xf32>, vector<16xi32> -> vector<16xf32>
        %add3A_556 = arith.addf %add3A_524, %gather3A_555 : vector<16xf32>
        %broadcast_in_dim3A_557 = vector.shape_cast %xor3A_92 : vector<16xi32> to vector<16x1xi32>
        %gather3A_558 = vector.shape_cast %broadcast_in_dim3A_557 : vector<16x1xi32> to vector<16xi32>
        %gather3A_559 = tpu.dynamic_gather %add3A_528[%gather3A_558] in [0] : vector<16xf32>, vector<16xi32> -> vector<16xf32>
        %add3A_560 = arith.addf %add3A_528, %gather3A_559 : vector<16xf32>
        %broadcast_in_dim3A_561 = vector.shape_cast %xor3A_92 : vector<16xi32> to vector<16x1xi32>
        %gather3A_562 = vector.shape_cast %broadcast_in_dim3A_561 : vector<16x1xi32> to vector<16xi32>
        %gather3A_563 = tpu.dynamic_gather %add3A_532[%gather3A_562] in [0] : vector<16xf32>, vector<16xi32> -> vector<16xf32>
        %add3A_564 = arith.addf %add3A_532, %gather3A_563 : vector<16xf32>
        %broadcast_in_dim3A_565 = vector.shape_cast %xor3A_92 : vector<16xi32> to vector<16x1xi32>
        %gather3A_566 = vector.shape_cast %broadcast_in_dim3A_565 : vector<16x1xi32> to vector<16xi32>
        %gather3A_567 = tpu.dynamic_gather %add3A_536[%gather3A_566] in [0] : vector<16xf32>, vector<16xi32> -> vector<16xf32>
        %add3A_568 = arith.addf %add3A_536, %gather3A_567 : vector<16xf32>
        %broadcast_in_dim3A_569 = vector.shape_cast %xor3A_92 : vector<16xi32> to vector<16x1xi32>
        %gather3A_570 = vector.shape_cast %broadcast_in_dim3A_569 : vector<16x1xi32> to vector<16xi32>
        %gather3A_571 = tpu.dynamic_gather %add3A_540[%gather3A_570] in [0] : vector<16xf32>, vector<16xi32> -> vector<16xf32>
        %add3A_572 = arith.addf %add3A_540, %gather3A_571 : vector<16xf32>
        %broadcast_in_dim3A_573 = vector.shape_cast %xor3A_92 : vector<16xi32> to vector<16x1xi32>
        %gather3A_574 = vector.shape_cast %broadcast_in_dim3A_573 : vector<16x1xi32> to vector<16xi32>
        %gather3A_575 = tpu.dynamic_gather %add3A_544[%gather3A_574] in [0] : vector<16xf32>, vector<16xi32> -> vector<16xf32>
        %add3A_576 = arith.addf %add3A_544, %gather3A_575 : vector<16xf32>
        %broadcast_in_dim3A_577 = vector.shape_cast %xor3A_92 : vector<16xi32> to vector<16x1xi32>
        %gather3A_578 = vector.shape_cast %broadcast_in_dim3A_577 : vector<16x1xi32> to vector<16xi32>
        %gather3A_579 = tpu.dynamic_gather %add3A_548[%gather3A_578] in [0] : vector<16xf32>, vector<16xi32> -> vector<16xf32>
        %add3A_580 = arith.addf %add3A_548, %gather3A_579 : vector<16xf32>
        %broadcast_in_dim3A_581 = vector.shape_cast %xor3A_95 : vector<16xi32> to vector<16x1xi32>
        %gather3A_582 = vector.shape_cast %broadcast_in_dim3A_581 : vector<16x1xi32> to vector<16xi32>
        %gather3A_583 = tpu.dynamic_gather %add3A_552[%gather3A_582] in [0] : vector<16xf32>, vector<16xi32> -> vector<16xf32>
        %add3A_584 = arith.addf %add3A_552, %gather3A_583 : vector<16xf32>
        %broadcast_in_dim3A_585 = vector.shape_cast %xor3A_95 : vector<16xi32> to vector<16x1xi32>
        %gather3A_586 = vector.shape_cast %broadcast_in_dim3A_585 : vector<16x1xi32> to vector<16xi32>
        %gather3A_587 = tpu.dynamic_gather %add3A_556[%gather3A_586] in [0] : vector<16xf32>, vector<16xi32> -> vector<16xf32>
        %add3A_588 = arith.addf %add3A_556, %gather3A_587 : vector<16xf32>
        %broadcast_in_dim3A_589 = vector.shape_cast %xor3A_95 : vector<16xi32> to vector<16x1xi32>
        %gather3A_590 = vector.shape_cast %broadcast_in_dim3A_589 : vector<16x1xi32> to vector<16xi32>
        %gather3A_591 = tpu.dynamic_gather %add3A_560[%gather3A_590] in [0] : vector<16xf32>, vector<16xi32> -> vector<16xf32>
        %add3A_592 = arith.addf %add3A_560, %gather3A_591 : vector<16xf32>
        %broadcast_in_dim3A_593 = vector.shape_cast %xor3A_95 : vector<16xi32> to vector<16x1xi32>
        %gather3A_594 = vector.shape_cast %broadcast_in_dim3A_593 : vector<16x1xi32> to vector<16xi32>
        %gather3A_595 = tpu.dynamic_gather %add3A_564[%gather3A_594] in [0] : vector<16xf32>, vector<16xi32> -> vector<16xf32>
        %add3A_596 = arith.addf %add3A_564, %gather3A_595 : vector<16xf32>
        %broadcast_in_dim3A_597 = vector.shape_cast %xor3A_95 : vector<16xi32> to vector<16x1xi32>
        %gather3A_598 = vector.shape_cast %broadcast_in_dim3A_597 : vector<16x1xi32> to vector<16xi32>
        %gather3A_599 = tpu.dynamic_gather %add3A_568[%gather3A_598] in [0] : vector<16xf32>, vector<16xi32> -> vector<16xf32>
        %add3A_600 = arith.addf %add3A_568, %gather3A_599 : vector<16xf32>
        %broadcast_in_dim3A_601 = vector.shape_cast %xor3A_95 : vector<16xi32> to vector<16x1xi32>
        %gather3A_602 = vector.shape_cast %broadcast_in_dim3A_601 : vector<16x1xi32> to vector<16xi32>
        %gather3A_603 = tpu.dynamic_gather %add3A_572[%gather3A_602] in [0] : vector<16xf32>, vector<16xi32> -> vector<16xf32>
        %add3A_604 = arith.addf %add3A_572, %gather3A_603 : vector<16xf32>
        %broadcast_in_dim3A_605 = vector.shape_cast %xor3A_95 : vector<16xi32> to vector<16x1xi32>
        %gather3A_606 = vector.shape_cast %broadcast_in_dim3A_605 : vector<16x1xi32> to vector<16xi32>
        %gather3A_607 = tpu.dynamic_gather %add3A_576[%gather3A_606] in [0] : vector<16xf32>, vector<16xi32> -> vector<16xf32>
        %add3A_608 = arith.addf %add3A_576, %gather3A_607 : vector<16xf32>
        %broadcast_in_dim3A_609 = vector.shape_cast %xor3A_95 : vector<16xi32> to vector<16x1xi32>
        %gather3A_610 = vector.shape_cast %broadcast_in_dim3A_609 : vector<16x1xi32> to vector<16xi32>
        %gather3A_611 = tpu.dynamic_gather %add3A_580[%gather3A_610] in [0] : vector<16xf32>, vector<16xi32> -> vector<16xf32>
        %add3A_612 = arith.addf %add3A_580, %gather3A_611 : vector<16xf32>
        %broadcast_in_dim3A_613 = vector.shape_cast %xor3A_98 : vector<16xi32> to vector<16x1xi32>
        %gather3A_614 = vector.shape_cast %broadcast_in_dim3A_613 : vector<16x1xi32> to vector<16xi32>
        %gather3A_615 = tpu.dynamic_gather %add3A_584[%gather3A_614] in [0] : vector<16xf32>, vector<16xi32> -> vector<16xf32>
        %add3A_616 = arith.addf %add3A_584, %gather3A_615 : vector<16xf32>
        %broadcast_in_dim3A_617 = vector.shape_cast %xor3A_98 : vector<16xi32> to vector<16x1xi32>
        %gather3A_618 = vector.shape_cast %broadcast_in_dim3A_617 : vector<16x1xi32> to vector<16xi32>
        %gather3A_619 = tpu.dynamic_gather %add3A_588[%gather3A_618] in [0] : vector<16xf32>, vector<16xi32> -> vector<16xf32>
        %add3A_620 = arith.addf %add3A_588, %gather3A_619 : vector<16xf32>
        %broadcast_in_dim3A_621 = vector.shape_cast %xor3A_98 : vector<16xi32> to vector<16x1xi32>
        %gather3A_622 = vector.shape_cast %broadcast_in_dim3A_621 : vector<16x1xi32> to vector<16xi32>
        %gather3A_623 = tpu.dynamic_gather %add3A_592[%gather3A_622] in [0] : vector<16xf32>, vector<16xi32> -> vector<16xf32>
        %add3A_624 = arith.addf %add3A_592, %gather3A_623 : vector<16xf32>
        %broadcast_in_dim3A_625 = vector.shape_cast %xor3A_98 : vector<16xi32> to vector<16x1xi32>
        %gather3A_626 = vector.shape_cast %broadcast_in_dim3A_625 : vector<16x1xi32> to vector<16xi32>
        %gather3A_627 = tpu.dynamic_gather %add3A_596[%gather3A_626] in [0] : vector<16xf32>, vector<16xi32> -> vector<16xf32>
        %add3A_628 = arith.addf %add3A_596, %gather3A_627 : vector<16xf32>
        %broadcast_in_dim3A_629 = vector.shape_cast %xor3A_98 : vector<16xi32> to vector<16x1xi32>
        %gather3A_630 = vector.shape_cast %broadcast_in_dim3A_629 : vector<16x1xi32> to vector<16xi32>
        %gather3A_631 = tpu.dynamic_gather %add3A_600[%gather3A_630] in [0] : vector<16xf32>, vector<16xi32> -> vector<16xf32>
        %add3A_632 = arith.addf %add3A_600, %gather3A_631 : vector<16xf32>
        %broadcast_in_dim3A_633 = vector.shape_cast %xor3A_98 : vector<16xi32> to vector<16x1xi32>
        %gather3A_634 = vector.shape_cast %broadcast_in_dim3A_633 : vector<16x1xi32> to vector<16xi32>
        %gather3A_635 = tpu.dynamic_gather %add3A_604[%gather3A_634] in [0] : vector<16xf32>, vector<16xi32> -> vector<16xf32>
        %add3A_636 = arith.addf %add3A_604, %gather3A_635 : vector<16xf32>
        %broadcast_in_dim3A_637 = vector.shape_cast %xor3A_98 : vector<16xi32> to vector<16x1xi32>
        %gather3A_638 = vector.shape_cast %broadcast_in_dim3A_637 : vector<16x1xi32> to vector<16xi32>
        %gather3A_639 = tpu.dynamic_gather %add3A_608[%gather3A_638] in [0] : vector<16xf32>, vector<16xi32> -> vector<16xf32>
        %add3A_640 = arith.addf %add3A_608, %gather3A_639 : vector<16xf32>
        %broadcast_in_dim3A_641 = vector.shape_cast %xor3A_98 : vector<16xi32> to vector<16x1xi32>
        %gather3A_642 = vector.shape_cast %broadcast_in_dim3A_641 : vector<16x1xi32> to vector<16xi32>
        %gather3A_643 = tpu.dynamic_gather %add3A_612[%gather3A_642] in [0] : vector<16xf32>, vector<16xi32> -> vector<16xf32>
        %add3A_644 = arith.addf %add3A_612, %gather3A_643 : vector<16xf32>
        %exp3A = math.exp %add3A_616 : vector<16xf32>
        %exp3A_645 = math.exp %add3A_620 : vector<16xf32>
        %exp3A_646 = math.exp %add3A_624 : vector<16xf32>
        %exp3A_647 = math.exp %add3A_628 : vector<16xf32>
        %exp3A_648 = math.exp %add3A_632 : vector<16xf32>
        %exp3A_649 = math.exp %add3A_636 : vector<16xf32>
        %exp3A_650 = math.exp %add3A_640 : vector<16xf32>
        %exp3A_651 = math.exp %add3A_644 : vector<16xf32>
        %add3A_652 = arith.constant 0 : i32
        %add3A_653 = vector.broadcast %add3A_652 : i32 to vector<16xi32>
        %add3A_654 = arith.addi %mul3A_403, %add3A_653 : vector<16xi32>
        tpu.vector_store_idx %arg29[%broadcast_in_dim3A_404, %add3A_654], %exp3A masked %eq3A_87 : memref<32x128xf32, #tpu.memory_space<vmem>>[vector<16xi32>, vector<16xi32>], vector<16xf32>, vector<16xi1>
        %add3A_655 = arith.constant 1 : i32
        %add3A_656 = vector.broadcast %add3A_655 : i32 to vector<16xi32>
        %add3A_657 = arith.addi %mul3A_403, %add3A_656 : vector<16xi32>
        tpu.vector_store_idx %arg29[%broadcast_in_dim3A_404, %add3A_657], %exp3A_645 masked %eq3A_87 : memref<32x128xf32, #tpu.memory_space<vmem>>[vector<16xi32>, vector<16xi32>], vector<16xf32>, vector<16xi1>
        %add3A_658 = arith.constant 2 : i32
        %add3A_659 = vector.broadcast %add3A_658 : i32 to vector<16xi32>
        %add3A_660 = arith.addi %mul3A_403, %add3A_659 : vector<16xi32>
        tpu.vector_store_idx %arg29[%broadcast_in_dim3A_404, %add3A_660], %exp3A_646 masked %eq3A_87 : memref<32x128xf32, #tpu.memory_space<vmem>>[vector<16xi32>, vector<16xi32>], vector<16xf32>, vector<16xi1>
        %add3A_661 = arith.constant 3 : i32
        %add3A_662 = vector.broadcast %add3A_661 : i32 to vector<16xi32>
        %add3A_663 = arith.addi %mul3A_403, %add3A_662 : vector<16xi32>
        tpu.vector_store_idx %arg29[%broadcast_in_dim3A_404, %add3A_663], %exp3A_647 masked %eq3A_87 : memref<32x128xf32, #tpu.memory_space<vmem>>[vector<16xi32>, vector<16xi32>], vector<16xf32>, vector<16xi1>
        %add3A_664 = arith.constant 4 : i32
        %add3A_665 = vector.broadcast %add3A_664 : i32 to vector<16xi32>
        %add3A_666 = arith.addi %mul3A_403, %add3A_665 : vector<16xi32>
        tpu.vector_store_idx %arg29[%broadcast_in_dim3A_404, %add3A_666], %exp3A_648 masked %eq3A_87 : memref<32x128xf32, #tpu.memory_space<vmem>>[vector<16xi32>, vector<16xi32>], vector<16xf32>, vector<16xi1>
        %add3A_667 = arith.constant 5 : i32
        %add3A_668 = vector.broadcast %add3A_667 : i32 to vector<16xi32>
        %add3A_669 = arith.addi %mul3A_403, %add3A_668 : vector<16xi32>
        tpu.vector_store_idx %arg29[%broadcast_in_dim3A_404, %add3A_669], %exp3A_649 masked %eq3A_87 : memref<32x128xf32, #tpu.memory_space<vmem>>[vector<16xi32>, vector<16xi32>], vector<16xf32>, vector<16xi1>
        %add3A_670 = arith.constant 6 : i32
        %add3A_671 = vector.broadcast %add3A_670 : i32 to vector<16xi32>
        %add3A_672 = arith.addi %mul3A_403, %add3A_671 : vector<16xi32>
        tpu.vector_store_idx %arg29[%broadcast_in_dim3A_404, %add3A_672], %exp3A_650 masked %eq3A_87 : memref<32x128xf32, #tpu.memory_space<vmem>>[vector<16xi32>, vector<16xi32>], vector<16xf32>, vector<16xi1>
        %add3A_673 = arith.constant 7 : i32
        %add3A_674 = vector.broadcast %add3A_673 : i32 to vector<16xi32>
        %add3A_675 = arith.addi %mul3A_403, %add3A_674 : vector<16xi32>
        tpu.vector_store_idx %arg29[%broadcast_in_dim3A_404, %add3A_675], %exp3A_651 masked %eq3A_87 : memref<32x128xf32, #tpu.memory_space<vmem>>[vector<16xi32>, vector<16xi32>], vector<16xf32>, vector<16xi1>
        %add3A_676 = arith.addf %get3A_479, %get3A_455 : vector<16xf32>
        %mul3A_677 = arith.mulf %add3A_676, %exp3A : vector<16xf32>
        %swap3A = arith.index_cast %scan3A_390 : i32 to index
        %swap3A_678 = arith.constant 0 : index
        %swap3A_679 = tpu.vector_load %arg27[%swap3A, %swap3A_678] {strides = array<i32>} : memref<32x128xf32, #tpu.memory_space<vmem>>, vector<16xf32>,
        tpu.vector_store %arg27[%swap3A, %swap3A_678], %mul3A_677 {strides = array<i32>} : memref<32x128xf32, #tpu.memory_space<vmem>>, vector<16xf32>,
        %add3A_680 = arith.addf %get3A_482, %get3A_458 : vector<16xf32>
        %mul3A_681 = arith.mulf %add3A_680, %exp3A_645 : vector<16xf32>
        %swap3A_682 = arith.index_cast %scan3A_390 : i32 to index
        %swap3A_683 = arith.constant 16 : index
        %swap3A_684 = tpu.vector_load %arg27[%swap3A_682, %swap3A_683] {strides = array<i32>} : memref<32x128xf32, #tpu.memory_space<vmem>>, vector<16xf32>,
        tpu.vector_store %arg27[%swap3A_682, %swap3A_683], %mul3A_681 {strides = array<i32>} : memref<32x128xf32, #tpu.memory_space<vmem>>, vector<16xf32>,
        %add3A_685 = arith.addf %get3A_485, %get3A_461 : vector<16xf32>
        %mul3A_686 = arith.mulf %add3A_685, %exp3A_646 : vector<16xf32>
        %swap3A_687 = arith.index_cast %scan3A_390 : i32 to index
        %swap3A_688 = arith.constant 32 : index
        %swap3A_689 = tpu.vector_load %arg27[%swap3A_687, %swap3A_688] {strides = array<i32>} : memref<32x128xf32, #tpu.memory_space<vmem>>, vector<16xf32>,
        tpu.vector_store %arg27[%swap3A_687, %swap3A_688], %mul3A_686 {strides = array<i32>} : memref<32x128xf32, #tpu.memory_space<vmem>>, vector<16xf32>,
        %add3A_690 = arith.addf %get3A_488, %get3A_464 : vector<16xf32>
        %mul3A_691 = arith.mulf %add3A_690, %exp3A_647 : vector<16xf32>
        %swap3A_692 = arith.index_cast %scan3A_390 : i32 to index
        %swap3A_693 = arith.constant 48 : index
        %swap3A_694 = tpu.vector_load %arg27[%swap3A_692, %swap3A_693] {strides = array<i32>} : memref<32x128xf32, #tpu.memory_space<vmem>>, vector<16xf32>,
        tpu.vector_store %arg27[%swap3A_692, %swap3A_693], %mul3A_691 {strides = array<i32>} : memref<32x128xf32, #tpu.memory_space<vmem>>, vector<16xf32>,
        %add3A_695 = arith.addf %get3A_491, %get3A_467 : vector<16xf32>
        %mul3A_696 = arith.mulf %add3A_695, %exp3A_648 : vector<16xf32>
        %swap3A_697 = arith.index_cast %scan3A_390 : i32 to index
        %swap3A_698 = arith.constant 64 : index
        %swap3A_699 = tpu.vector_load %arg27[%swap3A_697, %swap3A_698] {strides = array<i32>} : memref<32x128xf32, #tpu.memory_space<vmem>>, vector<16xf32>,
        tpu.vector_store %arg27[%swap3A_697, %swap3A_698], %mul3A_696 {strides = array<i32>} : memref<32x128xf32, #tpu.memory_space<vmem>>, vector<16xf32>,
        %add3A_700 = arith.addf %get3A_494, %get3A_470 : vector<16xf32>
        %mul3A_701 = arith.mulf %add3A_700, %exp3A_649 : vector<16xf32>
        %swap3A_702 = arith.index_cast %scan3A_390 : i32 to index
        %swap3A_703 = arith.constant 80 : index
        %swap3A_704 = tpu.vector_load %arg27[%swap3A_702, %swap3A_703] {strides = array<i32>} : memref<32x128xf32, #tpu.memory_space<vmem>>, vector<16xf32>,
        tpu.vector_store %arg27[%swap3A_702, %swap3A_703], %mul3A_701 {strides = array<i32>} : memref<32x128xf32, #tpu.memory_space<vmem>>, vector<16xf32>,
        %add3A_705 = arith.addf %get3A_497, %get3A_473 : vector<16xf32>
        %mul3A_706 = arith.mulf %add3A_705, %exp3A_650 : vector<16xf32>
        %swap3A_707 = arith.index_cast %scan3A_390 : i32 to index
        %swap3A_708 = arith.constant 96 : index
        %swap3A_709 = tpu.vector_load %arg27[%swap3A_707, %swap3A_708] {strides = array<i32>} : memref<32x128xf32, #tpu.memory_space<vmem>>, vector<16xf32>,
        tpu.vector_store %arg27[%swap3A_707, %swap3A_708], %mul3A_706 {strides = array<i32>} : memref<32x128xf32, #tpu.memory_space<vmem>>, vector<16xf32>,
        %add3A_710 = arith.addf %get3A_500, %get3A_476 : vector<16xf32>
        %mul3A_711 = arith.mulf %add3A_710, %exp3A_651 : vector<16xf32>
        %swap3A_712 = arith.index_cast %scan3A_390 : i32 to index
        %swap3A_713 = arith.constant 112 : index
        %swap3A_714 = tpu.vector_load %arg27[%swap3A_712, %swap3A_713] {strides = array<i32>} : memref<32x128xf32, #tpu.memory_space<vmem>>, vector<16xf32>,
        tpu.vector_store %arg27[%swap3A_712, %swap3A_713], %mul3A_711 {strides = array<i32>} : memref<32x128xf32, #tpu.memory_space<vmem>>, vector<16xf32>,
      }
      %scan3A_292 = arith.constant 32 : i32
      %dma_start3A_293 = arith.constant 0 : i32
      %dma_start3A_294 = arith.constant 0 : i32
      %dma_start3A_295 = tpu.memref_slice %arg10[%dma_start3A_293, %dma_start3A_294] : memref<640x128xf32, #tpu.memory_space<vmem_shared>> -> memref<640x128xf32, #tpu.memory_space<vmem_shared>>
      tpu.enqueue_indirect_dma source(%arg29 : memref<32x128xf32, #tpu.memory_space<vmem>>) target(%dma_start3A_295 : memref<640x128xf32, #tpu.memory_space<vmem_shared>>) offsets(%arg21 : memref<32xi32, #tpu.memory_space<vmem>>) semaphore(%arg42 : memref<!tpu.dma_semaphore, #tpu.memory_space<semaphore_mem>>) {add = true}
      %dma_start3A_296 = arith.constant 0 : i32
      %dma_start3A_297 = arith.constant 0 : i32
      %dma_start3A_298 = tpu.memref_slice %arg9[%dma_start3A_296, %dma_start3A_297] : memref<10112x128xf32, #tpu.memory_space<vmem_shared>> -> memref<10112x128xf32, #tpu.memory_space<vmem_shared>>
      tpu.enqueue_indirect_dma source(%arg27 : memref<32x128xf32, #tpu.memory_space<vmem>>) target(%dma_start3A_298 : memref<10112x128xf32, #tpu.memory_space<vmem_shared>>) offsets(%arg19 : memref<32xi32, #tpu.memory_space<vmem>>) semaphore(%arg40 : memref<!tpu.dma_semaphore, #tpu.memory_space<semaphore_mem>>) {add = true}
      %ge3A_299 = arith.constant 1 : i32
      %ge3A_300 = arith.cmpi sge, %add3A_263, %ge3A_299 : i32
      %convert_element_type3A_301 = arith.extui %ge3A_300 : i1 to i32
      %cond3A_302 = arith.constant 0 : i32
      %cond3A_303 = arith.cmpi ne, %convert_element_type3A_301, %cond3A_302 : i32
      scf.if %cond3A_303 {
        %dma_wait3A_390 = arith.constant 0 : i32
        %dma_wait3A_391 = arith.constant 0 : i32
        %dma_wait3A_392 = tpu.memref_slice %arg9[%dma_wait3A_390, %dma_wait3A_391] : memref<10112x128xf32, #tpu.memory_space<vmem_shared>> -> memref<10112x128xf32, #tpu.memory_space<vmem_shared>>
        tpu.wait_indirect_dma semaphore(%arg41 : memref<!tpu.dma_semaphore, #tpu.memory_space<semaphore_mem>>) src(%arg28 : memref<32x128xf32, #tpu.memory_space<vmem>>) dst(%dma_wait3A_392 : memref<10112x128xf32, #tpu.memory_space<vmem_shared>>)
      } else {
      }
      %add3A_304 = arith.constant 1 : i32
      %add3A_305 = arith.addi %add3A_263, %add3A_304 : i32
      %lt3A_306 = arith.constant 316 : i32
      %lt3A_307 = arith.cmpi slt, %add3A_305, %lt3A_306 : i32
      %convert_element_type3A_308 = arith.extui %lt3A_307 : i1 to i32
      %cond3A_309 = arith.constant 0 : i32
      %cond3A_310 = arith.cmpi ne, %convert_element_type3A_308, %cond3A_309 : i32
      scf.if %cond3A_310 {
        %add3A_390 = arith.constant 1 : i32
        %add3A_391 = arith.addi %add3A_263, %add3A_390 : i32
        %mul3A_392 = arith.constant 32 : i32
        %mul3A_393 = arith.muli %add3A_391, %mul3A_392 : i32
        %add3A_394 = arith.addi %add3A, %mul3A_393 : i32
        %mul3A_395 = arith.constant 32 : i32
        %mul3A_396 = arith.muli %add3A_394, %mul3A_395 : i32
        %dma_start3A_397 = arith.constant 0 : i32
        %dma_start3A_398 = tpu.memref_slice %arg6[%mul3A_396, %dma_start3A_397] : memref<323584x128xf32, #tpu.memory_space<hbm>> -> memref<32x128xf32, #tpu.memory_space<hbm>>
        %dma_start3A_399 = arith.constant 0 : i32
        %dma_start3A_400 = tpu.memref_slice %arg6[%mul3A_396, %dma_start3A_399] : memref<323584x128xf32, #tpu.memory_space<hbm>> -> memref<32x128xf32, #tpu.memory_space<hbm>>
        tpu.enqueue_dma source(%dma_start3A_400 : memref<32x128xf32, #tpu.memory_space<hbm>>) target(%arg28 : memref<32x128xf32, #tpu.memory_space<vmem>>) target_semaphore(%arg39 : memref<!tpu.dma_semaphore, #tpu.memory_space<semaphore_mem>>)
        %scan3A_401 = arith.constant 0 : i32
        %scan3A_402 = arith.constant 0 : i32
        %scan3A_403 = arith.constant 2 : i32
        %scan3A_404 = arith.addi %scan3A_402, %scan3A_403 : i32
        %scan3A_405 = arith.constant 1 : i32
        scf.for %scan3A_407 = %scan3A_402 to %scan3A_404 step %scan3A_405  : i32 {
          %mul3A_408 = arith.constant 16 : i32
          %mul3A_409 = arith.muli %scan3A_407, %mul3A_408 : i32
          %get3A = arith.index_cast %mul3A_409 : i32 to index
          %get3A_410 = tpu.vector_load %arg18[%get3A] {strides = array<i32>} : memref<32xi32, #tpu.memory_space<vmem>>, vector<16xi32>,
          %mul3A_411 = arith.constant 16 : i32
          %mul3A_412 = arith.muli %scan3A_407, %mul3A_411 : i32
          %swap3A = arith.index_cast %mul3A_412 : i32 to index
          %swap3A_413 = tpu.vector_load %arg20[%swap3A] {strides = array<i32>} : memref<32xi32, #tpu.memory_space<vmem>>, vector<16xi32>,
          tpu.vector_store %arg20[%swap3A], %get3A_410 {strides = array<i32>} : memref<32xi32, #tpu.memory_space<vmem>>, vector<16xi32>,
          %shift_right_logical3A = arith.constant 4 : i32
          %shift_right_logical3A_414 = vector.broadcast %shift_right_logical3A : i32 to vector<16xi32>
          %shift_right_logical3A_415 = arith.shrui %get3A_410, %shift_right_logical3A_414 : vector<16xi32>
          %mul3A_416 = arith.constant 16 : i32
          %mul3A_417 = arith.muli %scan3A_407, %mul3A_416 : i32
          %swap3A_418 = arith.index_cast %mul3A_417 : i32 to index
          %swap3A_419 = tpu.vector_load %arg22[%swap3A_418] {strides = array<i32>} : memref<32xi32, #tpu.memory_space<vmem>>, vector<16xi32>,
          tpu.vector_store %arg22[%swap3A_418], %shift_right_logical3A_415 {strides = array<i32>} : memref<32xi32, #tpu.memory_space<vmem>>, vector<16xi32>,
        }
        %scan3A_406 = arith.constant 2 : i32
      } else {
      }
      %add3A_311 = arith.constant 2 : i32
      %add3A_312 = arith.addi %add3A_263, %add3A_311 : i32
      %lt3A_313 = arith.constant 316 : i32
      %lt3A_314 = arith.cmpi slt, %add3A_312, %lt3A_313 : i32
      %convert_element_type3A_315 = arith.extui %lt3A_314 : i1 to i32
      %cond3A_316 = arith.constant 0 : i32
      %cond3A_317 = arith.cmpi ne, %convert_element_type3A_315, %cond3A_316 : i32
      scf.if %cond3A_317 {
        %dma_wait3A_390 = arith.constant 0 : i32
        %dma_wait3A_391 = tpu.memref_slice %arg2[%dma_wait3A_390] : memref<323584xi32, #tpu.memory_space<hbm>> -> memref<32xi32, #tpu.memory_space<hbm>>
        %dma_wait3A_392 = arith.constant 0 : i32
        %dma_wait3A_393 = tpu.memref_slice %arg2[%dma_wait3A_392] : memref<323584xi32, #tpu.memory_space<hbm>> -> memref<32xi32, #tpu.memory_space<hbm>>
        tpu.wait_dma2 semaphore(%arg30 : memref<!tpu.dma_semaphore, #tpu.memory_space<semaphore_mem>>) src(%dma_wait3A_393 : memref<32xi32, #tpu.memory_space<hbm>>) dst(%arg11 : memref<32xi32, #tpu.memory_space<vmem>>)
        %dma_wait3A_394 = arith.constant 0 : i32
        %dma_wait3A_395 = tpu.memref_slice %arg3[%dma_wait3A_394] : memref<323584xi32, #tpu.memory_space<hbm>> -> memref<32xi32, #tpu.memory_space<hbm>>
        %dma_wait3A_396 = arith.constant 0 : i32
        %dma_wait3A_397 = tpu.memref_slice %arg3[%dma_wait3A_396] : memref<323584xi32, #tpu.memory_space<hbm>> -> memref<32xi32, #tpu.memory_space<hbm>>
        tpu.wait_dma2 semaphore(%arg30 : memref<!tpu.dma_semaphore, #tpu.memory_space<semaphore_mem>>) src(%dma_wait3A_397 : memref<32xi32, #tpu.memory_space<hbm>>) dst(%arg15 : memref<32xi32, #tpu.memory_space<vmem>>)
        %dma_start3A_398 = arith.constant 0 : i32
        %dma_start3A_399 = arith.constant 0 : i32
        %dma_start3A_400 = tpu.memref_slice %arg5[%dma_start3A_398, %dma_start3A_399] : memref<10008x256xf32, #tpu.memory_space<hbm>> -> memref<10008x256xf32, #tpu.memory_space<hbm>>
        tpu.enqueue_indirect_dma source(%dma_start3A_400 : memref<10008x256xf32, #tpu.memory_space<hbm>>) target(%arg23 : memref<32x256xf32, #tpu.memory_space<vmem>>) offsets(%arg11 : memref<32xi32, #tpu.memory_space<vmem>>) semaphore(%arg34 : memref<!tpu.dma_semaphore, #tpu.memory_space<semaphore_mem>>)
        %dma_start3A_401 = arith.constant 0 : i32
        %dma_start3A_402 = arith.constant 0 : i32
        %dma_start3A_403 = tpu.memref_slice %arg4[%dma_start3A_401, %dma_start3A_402] : memref<10008x128xf32, #tpu.memory_space<hbm>> -> memref<10008x128xf32, #tpu.memory_space<hbm>>
        tpu.enqueue_indirect_dma source(%dma_start3A_403 : memref<10008x128xf32, #tpu.memory_space<hbm>>) target(%arg25 : memref<32x128xf32, #tpu.memory_space<vmem>>) offsets(%arg15 : memref<32xi32, #tpu.memory_space<vmem>>) semaphore(%arg36 : memref<!tpu.dma_semaphore, #tpu.memory_space<semaphore_mem>>)
      } else {
      }
      %add3A_318 = arith.constant 3 : i32
      %add3A_319 = arith.addi %add3A_263, %add3A_318 : i32
      %lt3A_320 = arith.constant 316 : i32
      %lt3A_321 = arith.cmpi slt, %add3A_319, %lt3A_320 : i32
      %convert_element_type3A_322 = arith.extui %lt3A_321 : i1 to i32
      %cond3A_323 = arith.constant 0 : i32
      %cond3A_324 = arith.cmpi ne, %convert_element_type3A_322, %cond3A_323 : i32
      scf.if %cond3A_324 {
        %add3A_390 = arith.constant 3 : i32
        %add3A_391 = arith.addi %add3A_263, %add3A_390 : i32
        %mul3A_392 = arith.constant 32 : i32
        %mul3A_393 = arith.muli %add3A_391, %mul3A_392 : i32
        %add3A_394 = arith.addi %add3A, %mul3A_393 : i32
        %mul3A_395 = arith.constant 32 : i32
        %mul3A_396 = arith.muli %add3A_394, %mul3A_395 : i32
        %dma_start3A_397 = tpu.memref_slice %arg2[%mul3A_396] : memref<323584xi32, #tpu.memory_space<hbm>> -> memref<32xi32, #tpu.memory_space<hbm>>
        %dma_start3A_398 = tpu.memref_slice %arg2[%mul3A_396] : memref<323584xi32, #tpu.memory_space<hbm>> -> memref<32xi32, #tpu.memory_space<hbm>>
        tpu.enqueue_dma source(%dma_start3A_398 : memref<32xi32, #tpu.memory_space<hbm>>) target(%arg12 : memref<32xi32, #tpu.memory_space<vmem>>) target_semaphore(%arg31 : memref<!tpu.dma_semaphore, #tpu.memory_space<semaphore_mem>>)
        %mul3A_399 = arith.constant 32 : i32
        %mul3A_400 = arith.muli %add3A_391, %mul3A_399 : i32
        %add3A_401 = arith.addi %add3A, %mul3A_400 : i32
        %mul3A_402 = arith.constant 32 : i32
        %mul3A_403 = arith.muli %add3A_401, %mul3A_402 : i32
        %dma_start3A_404 = tpu.memref_slice %arg3[%mul3A_403] : memref<323584xi32, #tpu.memory_space<hbm>> -> memref<32xi32, #tpu.memory_space<hbm>>
        %dma_start3A_405 = tpu.memref_slice %arg3[%mul3A_403] : memref<323584xi32, #tpu.memory_space<hbm>> -> memref<32xi32, #tpu.memory_space<hbm>>
        tpu.enqueue_dma source(%dma_start3A_405 : memref<32xi32, #tpu.memory_space<hbm>>) target(%arg16 : memref<32xi32, #tpu.memory_space<vmem>>) target_semaphore(%arg31 : memref<!tpu.dma_semaphore, #tpu.memory_space<semaphore_mem>>)
      } else {
      }
      %mul3A_325 = arith.constant 4 : i32
      %mul3A_326 = arith.muli %scan3A_133, %mul3A_325 : i32
      %add3A_327 = arith.constant 3 : i32
      %add3A_328 = arith.addi %mul3A_326, %add3A_327 : i32
      %dma_wait3A_329 = arith.constant 0 : i32
      %dma_wait3A_330 = arith.constant 0 : i32
      %dma_wait3A_331 = tpu.memref_slice %arg5[%dma_wait3A_329, %dma_wait3A_330] : memref<10008x256xf32, #tpu.memory_space<hbm>> -> memref<10008x256xf32, #tpu.memory_space<hbm>>
      tpu.wait_indirect_dma semaphore(%arg35 : memref<!tpu.dma_semaphore, #tpu.memory_space<semaphore_mem>>) src(%dma_wait3A_331 : memref<10008x256xf32, #tpu.memory_space<hbm>>) dst(%arg24 : memref<32x256xf32, #tpu.memory_space<vmem>>)
      %dma_wait3A_332 = arith.constant 0 : i32
      %dma_wait3A_333 = arith.constant 0 : i32
      %dma_wait3A_334 = tpu.memref_slice %arg4[%dma_wait3A_332, %dma_wait3A_333] : memref<10008x128xf32, #tpu.memory_space<hbm>> -> memref<10008x128xf32, #tpu.memory_space<hbm>>
      tpu.wait_indirect_dma semaphore(%arg37 : memref<!tpu.dma_semaphore, #tpu.memory_space<semaphore_mem>>) src(%dma_wait3A_334 : memref<10008x128xf32, #tpu.memory_space<hbm>>) dst(%arg26 : memref<32x128xf32, #tpu.memory_space<vmem>>)
      %dma_wait3A_335 = arith.constant 0 : i32
      %dma_wait3A_336 = arith.constant 0 : i32
      %dma_wait3A_337 = tpu.memref_slice %arg6[%dma_wait3A_335, %dma_wait3A_336] : memref<323584x128xf32, #tpu.memory_space<hbm>> -> memref<32x128xf32, #tpu.memory_space<hbm>>
      %dma_wait3A_338 = arith.constant 0 : i32
      %dma_wait3A_339 = arith.constant 0 : i32
      %dma_wait3A_340 = tpu.memref_slice %arg6[%dma_wait3A_338, %dma_wait3A_339] : memref<323584x128xf32, #tpu.memory_space<hbm>> -> memref<32x128xf32, #tpu.memory_space<hbm>>
      tpu.wait_dma2 semaphore(%arg39 : memref<!tpu.dma_semaphore, #tpu.memory_space<semaphore_mem>>) src(%dma_wait3A_340 : memref<32x128xf32, #tpu.memory_space<hbm>>) dst(%arg28 : memref<32x128xf32, #tpu.memory_space<vmem>>)
      %ge3A_341 = arith.constant 1 : i32
      %ge3A_342 = arith.cmpi sge, %add3A_328, %ge3A_341 : i32
      %convert_element_type3A_343 = arith.extui %ge3A_342 : i1 to i32
      %cond3A_344 = arith.constant 0 : i32
      %cond3A_345 = arith.cmpi ne, %convert_element_type3A_343, %cond3A_344 : i32
      scf.if %cond3A_345 {
        %dma_wait3A_390 = arith.constant 0 : i32
        %dma_wait3A_391 = arith.constant 0 : i32
        %dma_wait3A_392 = tpu.memref_slice %arg10[%dma_wait3A_390, %dma_wait3A_391] : memref<640x128xf32, #tpu.memory_space<vmem_shared>> -> memref<640x128xf32, #tpu.memory_space<vmem_shared>>
        tpu.wait_indirect_dma semaphore(%arg42 : memref<!tpu.dma_semaphore, #tpu.memory_space<semaphore_mem>>) src(%arg29 : memref<32x128xf32, #tpu.memory_space<vmem>>) dst(%dma_wait3A_392 : memref<640x128xf32, #tpu.memory_space<vmem_shared>>)
      } else {
      }
      %scan3A_346 = arith.constant 0 : i32
      %scan3A_347 = arith.constant 0 : i32
      %scan3A_348 = arith.constant 32 : i32
      %scan3A_349 = arith.addi %scan3A_347, %scan3A_348 : i32
      %scan3A_350 = arith.constant 1 : i32
      scf.for %scan3A_390 = %scan3A_347 to %scan3A_349 step %scan3A_350  : i32 {
        %swap3A = arith.index_cast %scan3A_390 : i32 to index
        %swap3A_391 = arith.constant 0 : index
        %swap3A_392 = tpu.vector_load %arg29[%swap3A, %swap3A_391] {strides = array<i32>} : memref<32x128xf32, #tpu.memory_space<vmem>>, vector<16xf32>,
        tpu.vector_store %arg29[%swap3A, %swap3A_391], %broadcast_in_dim3A_5 {strides = array<i32>} : memref<32x128xf32, #tpu.memory_space<vmem>>, vector<16xf32>,
        %swap3A_393 = arith.index_cast %scan3A_390 : i32 to index
        %swap3A_394 = arith.constant 16 : index
        %swap3A_395 = tpu.vector_load %arg29[%swap3A_393, %swap3A_394] {strides = array<i32>} : memref<32x128xf32, #tpu.memory_space<vmem>>, vector<16xf32>,
        tpu.vector_store %arg29[%swap3A_393, %swap3A_394], %broadcast_in_dim3A_5 {strides = array<i32>} : memref<32x128xf32, #tpu.memory_space<vmem>>, vector<16xf32>,
        %swap3A_396 = arith.index_cast %scan3A_390 : i32 to index
        %swap3A_397 = arith.constant 32 : index
        %swap3A_398 = tpu.vector_load %arg29[%swap3A_396, %swap3A_397] {strides = array<i32>} : memref<32x128xf32, #tpu.memory_space<vmem>>, vector<16xf32>,
        tpu.vector_store %arg29[%swap3A_396, %swap3A_397], %broadcast_in_dim3A_5 {strides = array<i32>} : memref<32x128xf32, #tpu.memory_space<vmem>>, vector<16xf32>,
        %swap3A_399 = arith.index_cast %scan3A_390 : i32 to index
        %swap3A_400 = arith.constant 48 : index
        %swap3A_401 = tpu.vector_load %arg29[%swap3A_399, %swap3A_400] {strides = array<i32>} : memref<32x128xf32, #tpu.memory_space<vmem>>, vector<16xf32>,
        tpu.vector_store %arg29[%swap3A_399, %swap3A_400], %broadcast_in_dim3A_5 {strides = array<i32>} : memref<32x128xf32, #tpu.memory_space<vmem>>, vector<16xf32>,
        %swap3A_402 = arith.index_cast %scan3A_390 : i32 to index
        %swap3A_403 = arith.constant 64 : index
        %swap3A_404 = tpu.vector_load %arg29[%swap3A_402, %swap3A_403] {strides = array<i32>} : memref<32x128xf32, #tpu.memory_space<vmem>>, vector<16xf32>,
        tpu.vector_store %arg29[%swap3A_402, %swap3A_403], %broadcast_in_dim3A_5 {strides = array<i32>} : memref<32x128xf32, #tpu.memory_space<vmem>>, vector<16xf32>,
        %swap3A_405 = arith.index_cast %scan3A_390 : i32 to index
        %swap3A_406 = arith.constant 80 : index
        %swap3A_407 = tpu.vector_load %arg29[%swap3A_405, %swap3A_406] {strides = array<i32>} : memref<32x128xf32, #tpu.memory_space<vmem>>, vector<16xf32>,
        tpu.vector_store %arg29[%swap3A_405, %swap3A_406], %broadcast_in_dim3A_5 {strides = array<i32>} : memref<32x128xf32, #tpu.memory_space<vmem>>, vector<16xf32>,
        %swap3A_408 = arith.index_cast %scan3A_390 : i32 to index
        %swap3A_409 = arith.constant 96 : index
        %swap3A_410 = tpu.vector_load %arg29[%swap3A_408, %swap3A_409] {strides = array<i32>} : memref<32x128xf32, #tpu.memory_space<vmem>>, vector<16xf32>,
        tpu.vector_store %arg29[%swap3A_408, %swap3A_409], %broadcast_in_dim3A_5 {strides = array<i32>} : memref<32x128xf32, #tpu.memory_space<vmem>>, vector<16xf32>,
        %swap3A_411 = arith.index_cast %scan3A_390 : i32 to index
        %swap3A_412 = arith.constant 112 : index
        %swap3A_413 = tpu.vector_load %arg29[%swap3A_411, %swap3A_412] {strides = array<i32>} : memref<32x128xf32, #tpu.memory_space<vmem>>, vector<16xf32>,
        tpu.vector_store %arg29[%swap3A_411, %swap3A_412], %broadcast_in_dim3A_5 {strides = array<i32>} : memref<32x128xf32, #tpu.memory_space<vmem>>, vector<16xf32>,
      }
      %scan3A_351 = arith.constant 32 : i32
      %scan3A_352 = arith.constant 0 : i32
      %scan3A_353 = arith.constant 0 : i32
      %scan3A_354 = arith.constant 32 : i32
      %scan3A_355 = arith.addi %scan3A_353, %scan3A_354 : i32
      %scan3A_356 = arith.constant 1 : i32
      scf.for %scan3A_390 = %scan3A_353 to %scan3A_355 step %scan3A_356  : i32 {
        %and3A = arith.constant -16 : i32
        %and3A_391 = arith.andi %scan3A_390, %and3A : i32
        %get3A = arith.index_cast %and3A_391 : i32 to index
        %get3A_392 = tpu.vector_load %arg18[%get3A] {strides = array<i32>} : memref<32xi32, #tpu.memory_space<vmem>>, vector<16xi32>,
        %and3A_393 = arith.constant 15 : i32
        %and3A_394 = arith.andi %scan3A_390, %and3A_393 : i32
        %broadcast_in_dim3A_395 = vector.broadcast %and3A_394 : i32 to vector<16xi32>
        %broadcast_in_dim3A_396 = vector.shape_cast %broadcast_in_dim3A_395 : vector<16xi32> to vector<16x1xi32>
        %gather3A = vector.shape_cast %broadcast_in_dim3A_396 : vector<16x1xi32> to vector<16xi32>
        %gather3A_397 = tpu.dynamic_gather %get3A_392[%gather3A] in [0] : vector<16xi32>, vector<16xi32> -> vector<16xi32>
        %and3A_398 = arith.constant 15 : i32
        %and3A_399 = vector.broadcast %and3A_398 : i32 to vector<16xi32>
        %and3A_400 = arith.andi %gather3A_397, %and3A_399 : vector<16xi32>
        %mul3A_401 = arith.constant 8 : i32
        %mul3A_402 = vector.broadcast %mul3A_401 : i32 to vector<16xi32>
        %mul3A_403 = arith.muli %and3A_400, %mul3A_402 : vector<16xi32>
        %broadcast_in_dim3A_404 = vector.broadcast %scan3A_390 : i32 to vector<16xi32>
        %get3A_405 = arith.index_cast %scan3A_390 : i32 to index
        %get3A_406 = arith.constant 0 : index
        %get3A_407 = tpu.vector_load %arg26[%get3A_405, %get3A_406] {strides = array<i32>} : memref<32x128xf32, #tpu.memory_space<vmem>>, vector<16xf32>,
        %get3A_408 = arith.index_cast %scan3A_390 : i32 to index
        %get3A_409 = arith.constant 16 : index
        %get3A_410 = tpu.vector_load %arg26[%get3A_408, %get3A_409] {strides = array<i32>} : memref<32x128xf32, #tpu.memory_space<vmem>>, vector<16xf32>,
        %get3A_411 = arith.index_cast %scan3A_390 : i32 to index
        %get3A_412 = arith.constant 32 : index
        %get3A_413 = tpu.vector_load %arg26[%get3A_411, %get3A_412] {strides = array<i32>} : memref<32x128xf32, #tpu.memory_space<vmem>>, vector<16xf32>,
        %get3A_414 = arith.index_cast %scan3A_390 : i32 to index
        %get3A_415 = arith.constant 48 : index
        %get3A_416 = tpu.vector_load %arg26[%get3A_414, %get3A_415] {strides = array<i32>} : memref<32x128xf32, #tpu.memory_space<vmem>>, vector<16xf32>,
        %get3A_417 = arith.index_cast %scan3A_390 : i32 to index
        %get3A_418 = arith.constant 64 : index
        %get3A_419 = tpu.vector_load %arg26[%get3A_417, %get3A_418] {strides = array<i32>} : memref<32x128xf32, #tpu.memory_space<vmem>>, vector<16xf32>,
        %get3A_420 = arith.index_cast %scan3A_390 : i32 to index
        %get3A_421 = arith.constant 80 : index
        %get3A_422 = tpu.vector_load %arg26[%get3A_420, %get3A_421] {strides = array<i32>} : memref<32x128xf32, #tpu.memory_space<vmem>>, vector<16xf32>,
        %get3A_423 = arith.index_cast %scan3A_390 : i32 to index
        %get3A_424 = arith.constant 96 : index
        %get3A_425 = tpu.vector_load %arg26[%get3A_423, %get3A_424] {strides = array<i32>} : memref<32x128xf32, #tpu.memory_space<vmem>>, vector<16xf32>,
        %get3A_426 = arith.index_cast %scan3A_390 : i32 to index
        %get3A_427 = arith.constant 112 : index
        %get3A_428 = tpu.vector_load %arg26[%get3A_426, %get3A_427] {strides = array<i32>} : memref<32x128xf32, #tpu.memory_space<vmem>>, vector<16xf32>,
        %get3A_429 = arith.index_cast %scan3A_390 : i32 to index
        %get3A_430 = arith.constant 0 : index
        %get3A_431 = tpu.vector_load %arg24[%get3A_429, %get3A_430] {strides = array<i32>} : memref<32x256xf32, #tpu.memory_space<vmem>>, vector<16xf32>,
        %get3A_432 = arith.index_cast %scan3A_390 : i32 to index
        %get3A_433 = arith.constant 16 : index
        %get3A_434 = tpu.vector_load %arg24[%get3A_432, %get3A_433] {strides = array<i32>} : memref<32x256xf32, #tpu.memory_space<vmem>>, vector<16xf32>,
        %get3A_435 = arith.index_cast %scan3A_390 : i32 to index
        %get3A_436 = arith.constant 32 : index
        %get3A_437 = tpu.vector_load %arg24[%get3A_435, %get3A_436] {strides = array<i32>} : memref<32x256xf32, #tpu.memory_space<vmem>>, vector<16xf32>,
        %get3A_438 = arith.index_cast %scan3A_390 : i32 to index
        %get3A_439 = arith.constant 48 : index
        %get3A_440 = tpu.vector_load %arg24[%get3A_438, %get3A_439] {strides = array<i32>} : memref<32x256xf32, #tpu.memory_space<vmem>>, vector<16xf32>,
        %get3A_441 = arith.index_cast %scan3A_390 : i32 to index
        %get3A_442 = arith.constant 64 : index
        %get3A_443 = tpu.vector_load %arg24[%get3A_441, %get3A_442] {strides = array<i32>} : memref<32x256xf32, #tpu.memory_space<vmem>>, vector<16xf32>,
        %get3A_444 = arith.index_cast %scan3A_390 : i32 to index
        %get3A_445 = arith.constant 80 : index
        %get3A_446 = tpu.vector_load %arg24[%get3A_444, %get3A_445] {strides = array<i32>} : memref<32x256xf32, #tpu.memory_space<vmem>>, vector<16xf32>,
        %get3A_447 = arith.index_cast %scan3A_390 : i32 to index
        %get3A_448 = arith.constant 96 : index
        %get3A_449 = tpu.vector_load %arg24[%get3A_447, %get3A_448] {strides = array<i32>} : memref<32x256xf32, #tpu.memory_space<vmem>>, vector<16xf32>,
        %get3A_450 = arith.index_cast %scan3A_390 : i32 to index
        %get3A_451 = arith.constant 112 : index
        %get3A_452 = tpu.vector_load %arg24[%get3A_450, %get3A_451] {strides = array<i32>} : memref<32x256xf32, #tpu.memory_space<vmem>>, vector<16xf32>,
        %get3A_453 = arith.index_cast %scan3A_390 : i32 to index
        %get3A_454 = arith.constant 0 : index
        %get3A_455 = tpu.vector_load %arg28[%get3A_453, %get3A_454] {strides = array<i32>} : memref<32x128xf32, #tpu.memory_space<vmem>>, vector<16xf32>,
        %get3A_456 = arith.index_cast %scan3A_390 : i32 to index
        %get3A_457 = arith.constant 16 : index
        %get3A_458 = tpu.vector_load %arg28[%get3A_456, %get3A_457] {strides = array<i32>} : memref<32x128xf32, #tpu.memory_space<vmem>>, vector<16xf32>,
        %get3A_459 = arith.index_cast %scan3A_390 : i32 to index
        %get3A_460 = arith.constant 32 : index
        %get3A_461 = tpu.vector_load %arg28[%get3A_459, %get3A_460] {strides = array<i32>} : memref<32x128xf32, #tpu.memory_space<vmem>>, vector<16xf32>,
        %get3A_462 = arith.index_cast %scan3A_390 : i32 to index
        %get3A_463 = arith.constant 48 : index
        %get3A_464 = tpu.vector_load %arg28[%get3A_462, %get3A_463] {strides = array<i32>} : memref<32x128xf32, #tpu.memory_space<vmem>>, vector<16xf32>,
        %get3A_465 = arith.index_cast %scan3A_390 : i32 to index
        %get3A_466 = arith.constant 64 : index
        %get3A_467 = tpu.vector_load %arg28[%get3A_465, %get3A_466] {strides = array<i32>} : memref<32x128xf32, #tpu.memory_space<vmem>>, vector<16xf32>,
        %get3A_468 = arith.index_cast %scan3A_390 : i32 to index
        %get3A_469 = arith.constant 80 : index
        %get3A_470 = tpu.vector_load %arg28[%get3A_468, %get3A_469] {strides = array<i32>} : memref<32x128xf32, #tpu.memory_space<vmem>>, vector<16xf32>,
        %get3A_471 = arith.index_cast %scan3A_390 : i32 to index
        %get3A_472 = arith.constant 96 : index
        %get3A_473 = tpu.vector_load %arg28[%get3A_471, %get3A_472] {strides = array<i32>} : memref<32x128xf32, #tpu.memory_space<vmem>>, vector<16xf32>,
        %get3A_474 = arith.index_cast %scan3A_390 : i32 to index
        %get3A_475 = arith.constant 112 : index
        %get3A_476 = tpu.vector_load %arg28[%get3A_474, %get3A_475] {strides = array<i32>} : memref<32x128xf32, #tpu.memory_space<vmem>>, vector<16xf32>,
        %get3A_477 = arith.index_cast %scan3A_390 : i32 to index
        %get3A_478 = arith.constant 128 : index
        %get3A_479 = tpu.vector_load %arg24[%get3A_477, %get3A_478] {strides = array<i32>} : memref<32x256xf32, #tpu.memory_space<vmem>>, vector<16xf32>,
        %get3A_480 = arith.index_cast %scan3A_390 : i32 to index
        %get3A_481 = arith.constant 144 : index
        %get3A_482 = tpu.vector_load %arg24[%get3A_480, %get3A_481] {strides = array<i32>} : memref<32x256xf32, #tpu.memory_space<vmem>>, vector<16xf32>,
        %get3A_483 = arith.index_cast %scan3A_390 : i32 to index
        %get3A_484 = arith.constant 160 : index
        %get3A_485 = tpu.vector_load %arg24[%get3A_483, %get3A_484] {strides = array<i32>} : memref<32x256xf32, #tpu.memory_space<vmem>>, vector<16xf32>,
        %get3A_486 = arith.index_cast %scan3A_390 : i32 to index
        %get3A_487 = arith.constant 176 : index
        %get3A_488 = tpu.vector_load %arg24[%get3A_486, %get3A_487] {strides = array<i32>} : memref<32x256xf32, #tpu.memory_space<vmem>>, vector<16xf32>,
        %get3A_489 = arith.index_cast %scan3A_390 : i32 to index
        %get3A_490 = arith.constant 192 : index
        %get3A_491 = tpu.vector_load %arg24[%get3A_489, %get3A_490] {strides = array<i32>} : memref<32x256xf32, #tpu.memory_space<vmem>>, vector<16xf32>,
        %get3A_492 = arith.index_cast %scan3A_390 : i32 to index
        %get3A_493 = arith.constant 208 : index
        %get3A_494 = tpu.vector_load %arg24[%get3A_492, %get3A_493] {strides = array<i32>} : memref<32x256xf32, #tpu.memory_space<vmem>>, vector<16xf32>,
        %get3A_495 = arith.index_cast %scan3A_390 : i32 to index
        %get3A_496 = arith.constant 224 : index
        %get3A_497 = tpu.vector_load %arg24[%get3A_495, %get3A_496] {strides = array<i32>} : memref<32x256xf32, #tpu.memory_space<vmem>>, vector<16xf32>,
        %get3A_498 = arith.index_cast %scan3A_390 : i32 to index
        %get3A_499 = arith.constant 240 : index
        %get3A_500 = tpu.vector_load %arg24[%get3A_498, %get3A_499] {strides = array<i32>} : memref<32x256xf32, #tpu.memory_space<vmem>>, vector<16xf32>,
        %add3A_501 = arith.addf %get3A_431, %get3A_455 : vector<16xf32>
        %mul3A_502 = arith.mulf %get3A_407, %add3A_501 : vector<16xf32>
        %add3A_503 = arith.addf %get3A_434, %get3A_458 : vector<16xf32>
        %mul3A_504 = arith.mulf %get3A_410, %add3A_503 : vector<16xf32>
        %add3A_505 = arith.addf %get3A_437, %get3A_461 : vector<16xf32>
        %mul3A_506 = arith.mulf %get3A_413, %add3A_505 : vector<16xf32>
        %add3A_507 = arith.addf %get3A_440, %get3A_464 : vector<16xf32>
        %mul3A_508 = arith.mulf %get3A_416, %add3A_507 : vector<16xf32>
        %add3A_509 = arith.addf %get3A_443, %get3A_467 : vector<16xf32>
        %mul3A_510 = arith.mulf %get3A_419, %add3A_509 : vector<16xf32>
        %add3A_511 = arith.addf %get3A_446, %get3A_470 : vector<16xf32>
        %mul3A_512 = arith.mulf %get3A_422, %add3A_511 : vector<16xf32>
        %add3A_513 = arith.addf %get3A_449, %get3A_473 : vector<16xf32>
        %mul3A_514 = arith.mulf %get3A_425, %add3A_513 : vector<16xf32>
        %add3A_515 = arith.addf %get3A_452, %get3A_476 : vector<16xf32>
        %mul3A_516 = arith.mulf %get3A_428, %add3A_515 : vector<16xf32>
        %broadcast_in_dim3A_517 = vector.shape_cast %xor3A_89 : vector<16xi32> to vector<16x1xi32>
        %gather3A_518 = vector.shape_cast %broadcast_in_dim3A_517 : vector<16x1xi32> to vector<16xi32>
        %gather3A_519 = tpu.dynamic_gather %mul3A_502[%gather3A_518] in [0] : vector<16xf32>, vector<16xi32> -> vector<16xf32>
        %add3A_520 = arith.addf %mul3A_502, %gather3A_519 : vector<16xf32>
        %broadcast_in_dim3A_521 = vector.shape_cast %xor3A_89 : vector<16xi32> to vector<16x1xi32>
        %gather3A_522 = vector.shape_cast %broadcast_in_dim3A_521 : vector<16x1xi32> to vector<16xi32>
        %gather3A_523 = tpu.dynamic_gather %mul3A_504[%gather3A_522] in [0] : vector<16xf32>, vector<16xi32> -> vector<16xf32>
        %add3A_524 = arith.addf %mul3A_504, %gather3A_523 : vector<16xf32>
        %broadcast_in_dim3A_525 = vector.shape_cast %xor3A_89 : vector<16xi32> to vector<16x1xi32>
        %gather3A_526 = vector.shape_cast %broadcast_in_dim3A_525 : vector<16x1xi32> to vector<16xi32>
        %gather3A_527 = tpu.dynamic_gather %mul3A_506[%gather3A_526] in [0] : vector<16xf32>, vector<16xi32> -> vector<16xf32>
        %add3A_528 = arith.addf %mul3A_506, %gather3A_527 : vector<16xf32>
        %broadcast_in_dim3A_529 = vector.shape_cast %xor3A_89 : vector<16xi32> to vector<16x1xi32>
        %gather3A_530 = vector.shape_cast %broadcast_in_dim3A_529 : vector<16x1xi32> to vector<16xi32>
        %gather3A_531 = tpu.dynamic_gather %mul3A_508[%gather3A_530] in [0] : vector<16xf32>, vector<16xi32> -> vector<16xf32>
        %add3A_532 = arith.addf %mul3A_508, %gather3A_531 : vector<16xf32>
        %broadcast_in_dim3A_533 = vector.shape_cast %xor3A_89 : vector<16xi32> to vector<16x1xi32>
        %gather3A_534 = vector.shape_cast %broadcast_in_dim3A_533 : vector<16x1xi32> to vector<16xi32>
        %gather3A_535 = tpu.dynamic_gather %mul3A_510[%gather3A_534] in [0] : vector<16xf32>, vector<16xi32> -> vector<16xf32>
        %add3A_536 = arith.addf %mul3A_510, %gather3A_535 : vector<16xf32>
        %broadcast_in_dim3A_537 = vector.shape_cast %xor3A_89 : vector<16xi32> to vector<16x1xi32>
        %gather3A_538 = vector.shape_cast %broadcast_in_dim3A_537 : vector<16x1xi32> to vector<16xi32>
        %gather3A_539 = tpu.dynamic_gather %mul3A_512[%gather3A_538] in [0] : vector<16xf32>, vector<16xi32> -> vector<16xf32>
        %add3A_540 = arith.addf %mul3A_512, %gather3A_539 : vector<16xf32>
        %broadcast_in_dim3A_541 = vector.shape_cast %xor3A_89 : vector<16xi32> to vector<16x1xi32>
        %gather3A_542 = vector.shape_cast %broadcast_in_dim3A_541 : vector<16x1xi32> to vector<16xi32>
        %gather3A_543 = tpu.dynamic_gather %mul3A_514[%gather3A_542] in [0] : vector<16xf32>, vector<16xi32> -> vector<16xf32>
        %add3A_544 = arith.addf %mul3A_514, %gather3A_543 : vector<16xf32>
        %broadcast_in_dim3A_545 = vector.shape_cast %xor3A_89 : vector<16xi32> to vector<16x1xi32>
        %gather3A_546 = vector.shape_cast %broadcast_in_dim3A_545 : vector<16x1xi32> to vector<16xi32>
        %gather3A_547 = tpu.dynamic_gather %mul3A_516[%gather3A_546] in [0] : vector<16xf32>, vector<16xi32> -> vector<16xf32>
        %add3A_548 = arith.addf %mul3A_516, %gather3A_547 : vector<16xf32>
        %broadcast_in_dim3A_549 = vector.shape_cast %xor3A_92 : vector<16xi32> to vector<16x1xi32>
        %gather3A_550 = vector.shape_cast %broadcast_in_dim3A_549 : vector<16x1xi32> to vector<16xi32>
        %gather3A_551 = tpu.dynamic_gather %add3A_520[%gather3A_550] in [0] : vector<16xf32>, vector<16xi32> -> vector<16xf32>
        %add3A_552 = arith.addf %add3A_520, %gather3A_551 : vector<16xf32>
        %broadcast_in_dim3A_553 = vector.shape_cast %xor3A_92 : vector<16xi32> to vector<16x1xi32>
        %gather3A_554 = vector.shape_cast %broadcast_in_dim3A_553 : vector<16x1xi32> to vector<16xi32>
        %gather3A_555 = tpu.dynamic_gather %add3A_524[%gather3A_554] in [0] : vector<16xf32>, vector<16xi32> -> vector<16xf32>
        %add3A_556 = arith.addf %add3A_524, %gather3A_555 : vector<16xf32>
        %broadcast_in_dim3A_557 = vector.shape_cast %xor3A_92 : vector<16xi32> to vector<16x1xi32>
        %gather3A_558 = vector.shape_cast %broadcast_in_dim3A_557 : vector<16x1xi32> to vector<16xi32>
        %gather3A_559 = tpu.dynamic_gather %add3A_528[%gather3A_558] in [0] : vector<16xf32>, vector<16xi32> -> vector<16xf32>
        %add3A_560 = arith.addf %add3A_528, %gather3A_559 : vector<16xf32>
        %broadcast_in_dim3A_561 = vector.shape_cast %xor3A_92 : vector<16xi32> to vector<16x1xi32>
        %gather3A_562 = vector.shape_cast %broadcast_in_dim3A_561 : vector<16x1xi32> to vector<16xi32>
        %gather3A_563 = tpu.dynamic_gather %add3A_532[%gather3A_562] in [0] : vector<16xf32>, vector<16xi32> -> vector<16xf32>
        %add3A_564 = arith.addf %add3A_532, %gather3A_563 : vector<16xf32>
        %broadcast_in_dim3A_565 = vector.shape_cast %xor3A_92 : vector<16xi32> to vector<16x1xi32>
        %gather3A_566 = vector.shape_cast %broadcast_in_dim3A_565 : vector<16x1xi32> to vector<16xi32>
        %gather3A_567 = tpu.dynamic_gather %add3A_536[%gather3A_566] in [0] : vector<16xf32>, vector<16xi32> -> vector<16xf32>
        %add3A_568 = arith.addf %add3A_536, %gather3A_567 : vector<16xf32>
        %broadcast_in_dim3A_569 = vector.shape_cast %xor3A_92 : vector<16xi32> to vector<16x1xi32>
        %gather3A_570 = vector.shape_cast %broadcast_in_dim3A_569 : vector<16x1xi32> to vector<16xi32>
        %gather3A_571 = tpu.dynamic_gather %add3A_540[%gather3A_570] in [0] : vector<16xf32>, vector<16xi32> -> vector<16xf32>
        %add3A_572 = arith.addf %add3A_540, %gather3A_571 : vector<16xf32>
        %broadcast_in_dim3A_573 = vector.shape_cast %xor3A_92 : vector<16xi32> to vector<16x1xi32>
        %gather3A_574 = vector.shape_cast %broadcast_in_dim3A_573 : vector<16x1xi32> to vector<16xi32>
        %gather3A_575 = tpu.dynamic_gather %add3A_544[%gather3A_574] in [0] : vector<16xf32>, vector<16xi32> -> vector<16xf32>
        %add3A_576 = arith.addf %add3A_544, %gather3A_575 : vector<16xf32>
        %broadcast_in_dim3A_577 = vector.shape_cast %xor3A_92 : vector<16xi32> to vector<16x1xi32>
        %gather3A_578 = vector.shape_cast %broadcast_in_dim3A_577 : vector<16x1xi32> to vector<16xi32>
        %gather3A_579 = tpu.dynamic_gather %add3A_548[%gather3A_578] in [0] : vector<16xf32>, vector<16xi32> -> vector<16xf32>
        %add3A_580 = arith.addf %add3A_548, %gather3A_579 : vector<16xf32>
        %broadcast_in_dim3A_581 = vector.shape_cast %xor3A_95 : vector<16xi32> to vector<16x1xi32>
        %gather3A_582 = vector.shape_cast %broadcast_in_dim3A_581 : vector<16x1xi32> to vector<16xi32>
        %gather3A_583 = tpu.dynamic_gather %add3A_552[%gather3A_582] in [0] : vector<16xf32>, vector<16xi32> -> vector<16xf32>
        %add3A_584 = arith.addf %add3A_552, %gather3A_583 : vector<16xf32>
        %broadcast_in_dim3A_585 = vector.shape_cast %xor3A_95 : vector<16xi32> to vector<16x1xi32>
        %gather3A_586 = vector.shape_cast %broadcast_in_dim3A_585 : vector<16x1xi32> to vector<16xi32>
        %gather3A_587 = tpu.dynamic_gather %add3A_556[%gather3A_586] in [0] : vector<16xf32>, vector<16xi32> -> vector<16xf32>
        %add3A_588 = arith.addf %add3A_556, %gather3A_587 : vector<16xf32>
        %broadcast_in_dim3A_589 = vector.shape_cast %xor3A_95 : vector<16xi32> to vector<16x1xi32>
        %gather3A_590 = vector.shape_cast %broadcast_in_dim3A_589 : vector<16x1xi32> to vector<16xi32>
        %gather3A_591 = tpu.dynamic_gather %add3A_560[%gather3A_590] in [0] : vector<16xf32>, vector<16xi32> -> vector<16xf32>
        %add3A_592 = arith.addf %add3A_560, %gather3A_591 : vector<16xf32>
        %broadcast_in_dim3A_593 = vector.shape_cast %xor3A_95 : vector<16xi32> to vector<16x1xi32>
        %gather3A_594 = vector.shape_cast %broadcast_in_dim3A_593 : vector<16x1xi32> to vector<16xi32>
        %gather3A_595 = tpu.dynamic_gather %add3A_564[%gather3A_594] in [0] : vector<16xf32>, vector<16xi32> -> vector<16xf32>
        %add3A_596 = arith.addf %add3A_564, %gather3A_595 : vector<16xf32>
        %broadcast_in_dim3A_597 = vector.shape_cast %xor3A_95 : vector<16xi32> to vector<16x1xi32>
        %gather3A_598 = vector.shape_cast %broadcast_in_dim3A_597 : vector<16x1xi32> to vector<16xi32>
        %gather3A_599 = tpu.dynamic_gather %add3A_568[%gather3A_598] in [0] : vector<16xf32>, vector<16xi32> -> vector<16xf32>
        %add3A_600 = arith.addf %add3A_568, %gather3A_599 : vector<16xf32>
        %broadcast_in_dim3A_601 = vector.shape_cast %xor3A_95 : vector<16xi32> to vector<16x1xi32>
        %gather3A_602 = vector.shape_cast %broadcast_in_dim3A_601 : vector<16x1xi32> to vector<16xi32>
        %gather3A_603 = tpu.dynamic_gather %add3A_572[%gather3A_602] in [0] : vector<16xf32>, vector<16xi32> -> vector<16xf32>
        %add3A_604 = arith.addf %add3A_572, %gather3A_603 : vector<16xf32>
        %broadcast_in_dim3A_605 = vector.shape_cast %xor3A_95 : vector<16xi32> to vector<16x1xi32>
        %gather3A_606 = vector.shape_cast %broadcast_in_dim3A_605 : vector<16x1xi32> to vector<16xi32>
        %gather3A_607 = tpu.dynamic_gather %add3A_576[%gather3A_606] in [0] : vector<16xf32>, vector<16xi32> -> vector<16xf32>
        %add3A_608 = arith.addf %add3A_576, %gather3A_607 : vector<16xf32>
        %broadcast_in_dim3A_609 = vector.shape_cast %xor3A_95 : vector<16xi32> to vector<16x1xi32>
        %gather3A_610 = vector.shape_cast %broadcast_in_dim3A_609 : vector<16x1xi32> to vector<16xi32>
        %gather3A_611 = tpu.dynamic_gather %add3A_580[%gather3A_610] in [0] : vector<16xf32>, vector<16xi32> -> vector<16xf32>
        %add3A_612 = arith.addf %add3A_580, %gather3A_611 : vector<16xf32>
        %broadcast_in_dim3A_613 = vector.shape_cast %xor3A_98 : vector<16xi32> to vector<16x1xi32>
        %gather3A_614 = vector.shape_cast %broadcast_in_dim3A_613 : vector<16x1xi32> to vector<16xi32>
        %gather3A_615 = tpu.dynamic_gather %add3A_584[%gather3A_614] in [0] : vector<16xf32>, vector<16xi32> -> vector<16xf32>
        %add3A_616 = arith.addf %add3A_584, %gather3A_615 : vector<16xf32>
        %broadcast_in_dim3A_617 = vector.shape_cast %xor3A_98 : vector<16xi32> to vector<16x1xi32>
        %gather3A_618 = vector.shape_cast %broadcast_in_dim3A_617 : vector<16x1xi32> to vector<16xi32>
        %gather3A_619 = tpu.dynamic_gather %add3A_588[%gather3A_618] in [0] : vector<16xf32>, vector<16xi32> -> vector<16xf32>
        %add3A_620 = arith.addf %add3A_588, %gather3A_619 : vector<16xf32>
        %broadcast_in_dim3A_621 = vector.shape_cast %xor3A_98 : vector<16xi32> to vector<16x1xi32>
        %gather3A_622 = vector.shape_cast %broadcast_in_dim3A_621 : vector<16x1xi32> to vector<16xi32>
        %gather3A_623 = tpu.dynamic_gather %add3A_592[%gather3A_622] in [0] : vector<16xf32>, vector<16xi32> -> vector<16xf32>
        %add3A_624 = arith.addf %add3A_592, %gather3A_623 : vector<16xf32>
        %broadcast_in_dim3A_625 = vector.shape_cast %xor3A_98 : vector<16xi32> to vector<16x1xi32>
        %gather3A_626 = vector.shape_cast %broadcast_in_dim3A_625 : vector<16x1xi32> to vector<16xi32>
        %gather3A_627 = tpu.dynamic_gather %add3A_596[%gather3A_626] in [0] : vector<16xf32>, vector<16xi32> -> vector<16xf32>
        %add3A_628 = arith.addf %add3A_596, %gather3A_627 : vector<16xf32>
        %broadcast_in_dim3A_629 = vector.shape_cast %xor3A_98 : vector<16xi32> to vector<16x1xi32>
        %gather3A_630 = vector.shape_cast %broadcast_in_dim3A_629 : vector<16x1xi32> to vector<16xi32>
        %gather3A_631 = tpu.dynamic_gather %add3A_600[%gather3A_630] in [0] : vector<16xf32>, vector<16xi32> -> vector<16xf32>
        %add3A_632 = arith.addf %add3A_600, %gather3A_631 : vector<16xf32>
        %broadcast_in_dim3A_633 = vector.shape_cast %xor3A_98 : vector<16xi32> to vector<16x1xi32>
        %gather3A_634 = vector.shape_cast %broadcast_in_dim3A_633 : vector<16x1xi32> to vector<16xi32>
        %gather3A_635 = tpu.dynamic_gather %add3A_604[%gather3A_634] in [0] : vector<16xf32>, vector<16xi32> -> vector<16xf32>
        %add3A_636 = arith.addf %add3A_604, %gather3A_635 : vector<16xf32>
        %broadcast_in_dim3A_637 = vector.shape_cast %xor3A_98 : vector<16xi32> to vector<16x1xi32>
        %gather3A_638 = vector.shape_cast %broadcast_in_dim3A_637 : vector<16x1xi32> to vector<16xi32>
        %gather3A_639 = tpu.dynamic_gather %add3A_608[%gather3A_638] in [0] : vector<16xf32>, vector<16xi32> -> vector<16xf32>
        %add3A_640 = arith.addf %add3A_608, %gather3A_639 : vector<16xf32>
        %broadcast_in_dim3A_641 = vector.shape_cast %xor3A_98 : vector<16xi32> to vector<16x1xi32>
        %gather3A_642 = vector.shape_cast %broadcast_in_dim3A_641 : vector<16x1xi32> to vector<16xi32>
        %gather3A_643 = tpu.dynamic_gather %add3A_612[%gather3A_642] in [0] : vector<16xf32>, vector<16xi32> -> vector<16xf32>
        %add3A_644 = arith.addf %add3A_612, %gather3A_643 : vector<16xf32>
        %exp3A = math.exp %add3A_616 : vector<16xf32>
        %exp3A_645 = math.exp %add3A_620 : vector<16xf32>
        %exp3A_646 = math.exp %add3A_624 : vector<16xf32>
        %exp3A_647 = math.exp %add3A_628 : vector<16xf32>
        %exp3A_648 = math.exp %add3A_632 : vector<16xf32>
        %exp3A_649 = math.exp %add3A_636 : vector<16xf32>
        %exp3A_650 = math.exp %add3A_640 : vector<16xf32>
        %exp3A_651 = math.exp %add3A_644 : vector<16xf32>
        %add3A_652 = arith.constant 0 : i32
        %add3A_653 = vector.broadcast %add3A_652 : i32 to vector<16xi32>
        %add3A_654 = arith.addi %mul3A_403, %add3A_653 : vector<16xi32>
        tpu.vector_store_idx %arg29[%broadcast_in_dim3A_404, %add3A_654], %exp3A masked %eq3A_87 : memref<32x128xf32, #tpu.memory_space<vmem>>[vector<16xi32>, vector<16xi32>], vector<16xf32>, vector<16xi1>
        %add3A_655 = arith.constant 1 : i32
        %add3A_656 = vector.broadcast %add3A_655 : i32 to vector<16xi32>
        %add3A_657 = arith.addi %mul3A_403, %add3A_656 : vector<16xi32>
        tpu.vector_store_idx %arg29[%broadcast_in_dim3A_404, %add3A_657], %exp3A_645 masked %eq3A_87 : memref<32x128xf32, #tpu.memory_space<vmem>>[vector<16xi32>, vector<16xi32>], vector<16xf32>, vector<16xi1>
        %add3A_658 = arith.constant 2 : i32
        %add3A_659 = vector.broadcast %add3A_658 : i32 to vector<16xi32>
        %add3A_660 = arith.addi %mul3A_403, %add3A_659 : vector<16xi32>
        tpu.vector_store_idx %arg29[%broadcast_in_dim3A_404, %add3A_660], %exp3A_646 masked %eq3A_87 : memref<32x128xf32, #tpu.memory_space<vmem>>[vector<16xi32>, vector<16xi32>], vector<16xf32>, vector<16xi1>
        %add3A_661 = arith.constant 3 : i32
        %add3A_662 = vector.broadcast %add3A_661 : i32 to vector<16xi32>
        %add3A_663 = arith.addi %mul3A_403, %add3A_662 : vector<16xi32>
        tpu.vector_store_idx %arg29[%broadcast_in_dim3A_404, %add3A_663], %exp3A_647 masked %eq3A_87 : memref<32x128xf32, #tpu.memory_space<vmem>>[vector<16xi32>, vector<16xi32>], vector<16xf32>, vector<16xi1>
        %add3A_664 = arith.constant 4 : i32
        %add3A_665 = vector.broadcast %add3A_664 : i32 to vector<16xi32>
        %add3A_666 = arith.addi %mul3A_403, %add3A_665 : vector<16xi32>
        tpu.vector_store_idx %arg29[%broadcast_in_dim3A_404, %add3A_666], %exp3A_648 masked %eq3A_87 : memref<32x128xf32, #tpu.memory_space<vmem>>[vector<16xi32>, vector<16xi32>], vector<16xf32>, vector<16xi1>
        %add3A_667 = arith.constant 5 : i32
        %add3A_668 = vector.broadcast %add3A_667 : i32 to vector<16xi32>
        %add3A_669 = arith.addi %mul3A_403, %add3A_668 : vector<16xi32>
        tpu.vector_store_idx %arg29[%broadcast_in_dim3A_404, %add3A_669], %exp3A_649 masked %eq3A_87 : memref<32x128xf32, #tpu.memory_space<vmem>>[vector<16xi32>, vector<16xi32>], vector<16xf32>, vector<16xi1>
        %add3A_670 = arith.constant 6 : i32
        %add3A_671 = vector.broadcast %add3A_670 : i32 to vector<16xi32>
        %add3A_672 = arith.addi %mul3A_403, %add3A_671 : vector<16xi32>
        tpu.vector_store_idx %arg29[%broadcast_in_dim3A_404, %add3A_672], %exp3A_650 masked %eq3A_87 : memref<32x128xf32, #tpu.memory_space<vmem>>[vector<16xi32>, vector<16xi32>], vector<16xf32>, vector<16xi1>
        %add3A_673 = arith.constant 7 : i32
        %add3A_674 = vector.broadcast %add3A_673 : i32 to vector<16xi32>
        %add3A_675 = arith.addi %mul3A_403, %add3A_674 : vector<16xi32>
        tpu.vector_store_idx %arg29[%broadcast_in_dim3A_404, %add3A_675], %exp3A_651 masked %eq3A_87 : memref<32x128xf32, #tpu.memory_space<vmem>>[vector<16xi32>, vector<16xi32>], vector<16xf32>, vector<16xi1>
        %add3A_676 = arith.addf %get3A_479, %get3A_455 : vector<16xf32>
        %mul3A_677 = arith.mulf %add3A_676, %exp3A : vector<16xf32>
        %swap3A = arith.index_cast %scan3A_390 : i32 to index
        %swap3A_678 = arith.constant 0 : index
        %swap3A_679 = tpu.vector_load %arg28[%swap3A, %swap3A_678] {strides = array<i32>} : memref<32x128xf32, #tpu.memory_space<vmem>>, vector<16xf32>,
        tpu.vector_store %arg28[%swap3A, %swap3A_678], %mul3A_677 {strides = array<i32>} : memref<32x128xf32, #tpu.memory_space<vmem>>, vector<16xf32>,
        %add3A_680 = arith.addf %get3A_482, %get3A_458 : vector<16xf32>
        %mul3A_681 = arith.mulf %add3A_680, %exp3A_645 : vector<16xf32>
        %swap3A_682 = arith.index_cast %scan3A_390 : i32 to index
        %swap3A_683 = arith.constant 16 : index
        %swap3A_684 = tpu.vector_load %arg28[%swap3A_682, %swap3A_683] {strides = array<i32>} : memref<32x128xf32, #tpu.memory_space<vmem>>, vector<16xf32>,
        tpu.vector_store %arg28[%swap3A_682, %swap3A_683], %mul3A_681 {strides = array<i32>} : memref<32x128xf32, #tpu.memory_space<vmem>>, vector<16xf32>,
        %add3A_685 = arith.addf %get3A_485, %get3A_461 : vector<16xf32>
        %mul3A_686 = arith.mulf %add3A_685, %exp3A_646 : vector<16xf32>
        %swap3A_687 = arith.index_cast %scan3A_390 : i32 to index
        %swap3A_688 = arith.constant 32 : index
        %swap3A_689 = tpu.vector_load %arg28[%swap3A_687, %swap3A_688] {strides = array<i32>} : memref<32x128xf32, #tpu.memory_space<vmem>>, vector<16xf32>,
        tpu.vector_store %arg28[%swap3A_687, %swap3A_688], %mul3A_686 {strides = array<i32>} : memref<32x128xf32, #tpu.memory_space<vmem>>, vector<16xf32>,
        %add3A_690 = arith.addf %get3A_488, %get3A_464 : vector<16xf32>
        %mul3A_691 = arith.mulf %add3A_690, %exp3A_647 : vector<16xf32>
        %swap3A_692 = arith.index_cast %scan3A_390 : i32 to index
        %swap3A_693 = arith.constant 48 : index
        %swap3A_694 = tpu.vector_load %arg28[%swap3A_692, %swap3A_693] {strides = array<i32>} : memref<32x128xf32, #tpu.memory_space<vmem>>, vector<16xf32>,
        tpu.vector_store %arg28[%swap3A_692, %swap3A_693], %mul3A_691 {strides = array<i32>} : memref<32x128xf32, #tpu.memory_space<vmem>>, vector<16xf32>,
        %add3A_695 = arith.addf %get3A_491, %get3A_467 : vector<16xf32>
        %mul3A_696 = arith.mulf %add3A_695, %exp3A_648 : vector<16xf32>
        %swap3A_697 = arith.index_cast %scan3A_390 : i32 to index
        %swap3A_698 = arith.constant 64 : index
        %swap3A_699 = tpu.vector_load %arg28[%swap3A_697, %swap3A_698] {strides = array<i32>} : memref<32x128xf32, #tpu.memory_space<vmem>>, vector<16xf32>,
        tpu.vector_store %arg28[%swap3A_697, %swap3A_698], %mul3A_696 {strides = array<i32>} : memref<32x128xf32, #tpu.memory_space<vmem>>, vector<16xf32>,
        %add3A_700 = arith.addf %get3A_494, %get3A_470 : vector<16xf32>
        %mul3A_701 = arith.mulf %add3A_700, %exp3A_649 : vector<16xf32>
        %swap3A_702 = arith.index_cast %scan3A_390 : i32 to index
        %swap3A_703 = arith.constant 80 : index
        %swap3A_704 = tpu.vector_load %arg28[%swap3A_702, %swap3A_703] {strides = array<i32>} : memref<32x128xf32, #tpu.memory_space<vmem>>, vector<16xf32>,
        tpu.vector_store %arg28[%swap3A_702, %swap3A_703], %mul3A_701 {strides = array<i32>} : memref<32x128xf32, #tpu.memory_space<vmem>>, vector<16xf32>,
        %add3A_705 = arith.addf %get3A_497, %get3A_473 : vector<16xf32>
        %mul3A_706 = arith.mulf %add3A_705, %exp3A_650 : vector<16xf32>
        %swap3A_707 = arith.index_cast %scan3A_390 : i32 to index
        %swap3A_708 = arith.constant 96 : index
        %swap3A_709 = tpu.vector_load %arg28[%swap3A_707, %swap3A_708] {strides = array<i32>} : memref<32x128xf32, #tpu.memory_space<vmem>>, vector<16xf32>,
        tpu.vector_store %arg28[%swap3A_707, %swap3A_708], %mul3A_706 {strides = array<i32>} : memref<32x128xf32, #tpu.memory_space<vmem>>, vector<16xf32>,
        %add3A_710 = arith.addf %get3A_500, %get3A_476 : vector<16xf32>
        %mul3A_711 = arith.mulf %add3A_710, %exp3A_651 : vector<16xf32>
        %swap3A_712 = arith.index_cast %scan3A_390 : i32 to index
        %swap3A_713 = arith.constant 112 : index
        %swap3A_714 = tpu.vector_load %arg28[%swap3A_712, %swap3A_713] {strides = array<i32>} : memref<32x128xf32, #tpu.memory_space<vmem>>, vector<16xf32>,
        tpu.vector_store %arg28[%swap3A_712, %swap3A_713], %mul3A_711 {strides = array<i32>} : memref<32x128xf32, #tpu.memory_space<vmem>>, vector<16xf32>,
      }
      %scan3A_357 = arith.constant 32 : i32
      %dma_start3A_358 = arith.constant 0 : i32
      %dma_start3A_359 = arith.constant 0 : i32
      %dma_start3A_360 = tpu.memref_slice %arg10[%dma_start3A_358, %dma_start3A_359] : memref<640x128xf32, #tpu.memory_space<vmem_shared>> -> memref<640x128xf32, #tpu.memory_space<vmem_shared>>
      tpu.enqueue_indirect_dma source(%arg29 : memref<32x128xf32, #tpu.memory_space<vmem>>) target(%dma_start3A_360 : memref<640x128xf32, #tpu.memory_space<vmem_shared>>) offsets(%arg22 : memref<32xi32, #tpu.memory_space<vmem>>) semaphore(%arg42 : memref<!tpu.dma_semaphore, #tpu.memory_space<semaphore_mem>>) {add = true}
      %dma_start3A_361 = arith.constant 0 : i32
      %dma_start3A_362 = arith.constant 0 : i32
      %dma_start3A_363 = tpu.memref_slice %arg9[%dma_start3A_361, %dma_start3A_362] : memref<10112x128xf32, #tpu.memory_space<vmem_shared>> -> memref<10112x128xf32, #tpu.memory_space<vmem_shared>>
      tpu.enqueue_indirect_dma source(%arg28 : memref<32x128xf32, #tpu.memory_space<vmem>>) target(%dma_start3A_363 : memref<10112x128xf32, #tpu.memory_space<vmem_shared>>) offsets(%arg20 : memref<32xi32, #tpu.memory_space<vmem>>) semaphore(%arg41 : memref<!tpu.dma_semaphore, #tpu.memory_space<semaphore_mem>>) {add = true}
      %ge3A_364 = arith.constant 1 : i32
      %ge3A_365 = arith.cmpi sge, %add3A_328, %ge3A_364 : i32
      %convert_element_type3A_366 = arith.extui %ge3A_365 : i1 to i32
      %cond3A_367 = arith.constant 0 : i32
      %cond3A_368 = arith.cmpi ne, %convert_element_type3A_366, %cond3A_367 : i32
      scf.if %cond3A_368 {
        %dma_wait3A_390 = arith.constant 0 : i32
        %dma_wait3A_391 = arith.constant 0 : i32
        %dma_wait3A_392 = tpu.memref_slice %arg9[%dma_wait3A_390, %dma_wait3A_391] : memref<10112x128xf32, #tpu.memory_space<vmem_shared>> -> memref<10112x128xf32, #tpu.memory_space<vmem_shared>>
        tpu.wait_indirect_dma semaphore(%arg40 : memref<!tpu.dma_semaphore, #tpu.memory_space<semaphore_mem>>) src(%arg27 : memref<32x128xf32, #tpu.memory_space<vmem>>) dst(%dma_wait3A_392 : memref<10112x128xf32, #tpu.memory_space<vmem_shared>>)
      } else {
      }
      %add3A_369 = arith.constant 1 : i32
      %add3A_370 = arith.addi %add3A_328, %add3A_369 : i32
      %lt3A_371 = arith.constant 316 : i32
      %lt3A_372 = arith.cmpi slt, %add3A_370, %lt3A_371 : i32
      %convert_element_type3A_373 = arith.extui %lt3A_372 : i1 to i32
      %cond3A_374 = arith.constant 0 : i32
      %cond3A_375 = arith.cmpi ne, %convert_element_type3A_373, %cond3A_374 : i32
      scf.if %cond3A_375 {
        %add3A_390 = arith.constant 1 : i32
        %add3A_391 = arith.addi %add3A_328, %add3A_390 : i32
        %mul3A_392 = arith.constant 32 : i32
        %mul3A_393 = arith.muli %add3A_391, %mul3A_392 : i32
        %add3A_394 = arith.addi %add3A, %mul3A_393 : i32
        %mul3A_395 = arith.constant 32 : i32
        %mul3A_396 = arith.muli %add3A_394, %mul3A_395 : i32
        %dma_start3A_397 = arith.constant 0 : i32
        %dma_start3A_398 = tpu.memref_slice %arg6[%mul3A_396, %dma_start3A_397] : memref<323584x128xf32, #tpu.memory_space<hbm>> -> memref<32x128xf32, #tpu.memory_space<hbm>>
        %dma_start3A_399 = arith.constant 0 : i32
        %dma_start3A_400 = tpu.memref_slice %arg6[%mul3A_396, %dma_start3A_399] : memref<323584x128xf32, #tpu.memory_space<hbm>> -> memref<32x128xf32, #tpu.memory_space<hbm>>
        tpu.enqueue_dma source(%dma_start3A_400 : memref<32x128xf32, #tpu.memory_space<hbm>>) target(%arg27 : memref<32x128xf32, #tpu.memory_space<vmem>>) target_semaphore(%arg38 : memref<!tpu.dma_semaphore, #tpu.memory_space<semaphore_mem>>)
        %scan3A_401 = arith.constant 0 : i32
        %scan3A_402 = arith.constant 0 : i32
        %scan3A_403 = arith.constant 2 : i32
        %scan3A_404 = arith.addi %scan3A_402, %scan3A_403 : i32
        %scan3A_405 = arith.constant 1 : i32
        scf.for %scan3A_407 = %scan3A_402 to %scan3A_404 step %scan3A_405  : i32 {
          %mul3A_408 = arith.constant 16 : i32
          %mul3A_409 = arith.muli %scan3A_407, %mul3A_408 : i32
          %get3A = arith.index_cast %mul3A_409 : i32 to index
          %get3A_410 = tpu.vector_load %arg15[%get3A] {strides = array<i32>} : memref<32xi32, #tpu.memory_space<vmem>>, vector<16xi32>,
          %mul3A_411 = arith.constant 16 : i32
          %mul3A_412 = arith.muli %scan3A_407, %mul3A_411 : i32
          %swap3A = arith.index_cast %mul3A_412 : i32 to index
          %swap3A_413 = tpu.vector_load %arg19[%swap3A] {strides = array<i32>} : memref<32xi32, #tpu.memory_space<vmem>>, vector<16xi32>,
          tpu.vector_store %arg19[%swap3A], %get3A_410 {strides = array<i32>} : memref<32xi32, #tpu.memory_space<vmem>>, vector<16xi32>,
          %shift_right_logical3A = arith.constant 4 : i32
          %shift_right_logical3A_414 = vector.broadcast %shift_right_logical3A : i32 to vector<16xi32>
          %shift_right_logical3A_415 = arith.shrui %get3A_410, %shift_right_logical3A_414 : vector<16xi32>
          %mul3A_416 = arith.constant 16 : i32
          %mul3A_417 = arith.muli %scan3A_407, %mul3A_416 : i32
          %swap3A_418 = arith.index_cast %mul3A_417 : i32 to index
          %swap3A_419 = tpu.vector_load %arg21[%swap3A_418] {strides = array<i32>} : memref<32xi32, #tpu.memory_space<vmem>>, vector<16xi32>,
          tpu.vector_store %arg21[%swap3A_418], %shift_right_logical3A_415 {strides = array<i32>} : memref<32xi32, #tpu.memory_space<vmem>>, vector<16xi32>,
        }
        %scan3A_406 = arith.constant 2 : i32
      } else {
      }
      %add3A_376 = arith.constant 2 : i32
      %add3A_377 = arith.addi %add3A_328, %add3A_376 : i32
      %lt3A_378 = arith.constant 316 : i32
      %lt3A_379 = arith.cmpi slt, %add3A_377, %lt3A_378 : i32
      %convert_element_type3A_380 = arith.extui %lt3A_379 : i1 to i32
      %cond3A_381 = arith.constant 0 : i32
      %cond3A_382 = arith.cmpi ne, %convert_element_type3A_380, %cond3A_381 : i32
      scf.if %cond3A_382 {
        %dma_wait3A_390 = arith.constant 0 : i32
        %dma_wait3A_391 = tpu.memref_slice %arg2[%dma_wait3A_390] : memref<323584xi32, #tpu.memory_space<hbm>> -> memref<32xi32, #tpu.memory_space<hbm>>
        %dma_wait3A_392 = arith.constant 0 : i32
        %dma_wait3A_393 = tpu.memref_slice %arg2[%dma_wait3A_392] : memref<323584xi32, #tpu.memory_space<hbm>> -> memref<32xi32, #tpu.memory_space<hbm>>
        tpu.wait_dma2 semaphore(%arg31 : memref<!tpu.dma_semaphore, #tpu.memory_space<semaphore_mem>>) src(%dma_wait3A_393 : memref<32xi32, #tpu.memory_space<hbm>>) dst(%arg12 : memref<32xi32, #tpu.memory_space<vmem>>)
        %dma_wait3A_394 = arith.constant 0 : i32
        %dma_wait3A_395 = tpu.memref_slice %arg3[%dma_wait3A_394] : memref<323584xi32, #tpu.memory_space<hbm>> -> memref<32xi32, #tpu.memory_space<hbm>>
        %dma_wait3A_396 = arith.constant 0 : i32
        %dma_wait3A_397 = tpu.memref_slice %arg3[%dma_wait3A_396] : memref<323584xi32, #tpu.memory_space<hbm>> -> memref<32xi32, #tpu.memory_space<hbm>>
        tpu.wait_dma2 semaphore(%arg31 : memref<!tpu.dma_semaphore, #tpu.memory_space<semaphore_mem>>) src(%dma_wait3A_397 : memref<32xi32, #tpu.memory_space<hbm>>) dst(%arg16 : memref<32xi32, #tpu.memory_space<vmem>>)
        %dma_start3A_398 = arith.constant 0 : i32
        %dma_start3A_399 = arith.constant 0 : i32
        %dma_start3A_400 = tpu.memref_slice %arg5[%dma_start3A_398, %dma_start3A_399] : memref<10008x256xf32, #tpu.memory_space<hbm>> -> memref<10008x256xf32, #tpu.memory_space<hbm>>
        tpu.enqueue_indirect_dma source(%dma_start3A_400 : memref<10008x256xf32, #tpu.memory_space<hbm>>) target(%arg24 : memref<32x256xf32, #tpu.memory_space<vmem>>) offsets(%arg12 : memref<32xi32, #tpu.memory_space<vmem>>) semaphore(%arg35 : memref<!tpu.dma_semaphore, #tpu.memory_space<semaphore_mem>>)
        %dma_start3A_401 = arith.constant 0 : i32
        %dma_start3A_402 = arith.constant 0 : i32
        %dma_start3A_403 = tpu.memref_slice %arg4[%dma_start3A_401, %dma_start3A_402] : memref<10008x128xf32, #tpu.memory_space<hbm>> -> memref<10008x128xf32, #tpu.memory_space<hbm>>
        tpu.enqueue_indirect_dma source(%dma_start3A_403 : memref<10008x128xf32, #tpu.memory_space<hbm>>) target(%arg26 : memref<32x128xf32, #tpu.memory_space<vmem>>) offsets(%arg16 : memref<32xi32, #tpu.memory_space<vmem>>) semaphore(%arg37 : memref<!tpu.dma_semaphore, #tpu.memory_space<semaphore_mem>>)
      } else {
      }
      %add3A_383 = arith.constant 3 : i32
      %add3A_384 = arith.addi %add3A_328, %add3A_383 : i32
      %lt3A_385 = arith.constant 316 : i32
      %lt3A_386 = arith.cmpi slt, %add3A_384, %lt3A_385 : i32
      %convert_element_type3A_387 = arith.extui %lt3A_386 : i1 to i32
      %cond3A_388 = arith.constant 0 : i32
      %cond3A_389 = arith.cmpi ne, %convert_element_type3A_387, %cond3A_388 : i32
      scf.if %cond3A_389 {
        %add3A_390 = arith.constant 3 : i32
        %add3A_391 = arith.addi %add3A_328, %add3A_390 : i32
        %mul3A_392 = arith.constant 32 : i32
        %mul3A_393 = arith.muli %add3A_391, %mul3A_392 : i32
        %add3A_394 = arith.addi %add3A, %mul3A_393 : i32
        %mul3A_395 = arith.constant 32 : i32
        %mul3A_396 = arith.muli %add3A_394, %mul3A_395 : i32
        %dma_start3A_397 = tpu.memref_slice %arg2[%mul3A_396] : memref<323584xi32, #tpu.memory_space<hbm>> -> memref<32xi32, #tpu.memory_space<hbm>>
        %dma_start3A_398 = tpu.memref_slice %arg2[%mul3A_396] : memref<323584xi32, #tpu.memory_space<hbm>> -> memref<32xi32, #tpu.memory_space<hbm>>
        tpu.enqueue_dma source(%dma_start3A_398 : memref<32xi32, #tpu.memory_space<hbm>>) target(%arg13 : memref<32xi32, #tpu.memory_space<vmem>>) target_semaphore(%arg32 : memref<!tpu.dma_semaphore, #tpu.memory_space<semaphore_mem>>)
        %mul3A_399 = arith.constant 32 : i32
        %mul3A_400 = arith.muli %add3A_391, %mul3A_399 : i32
        %add3A_401 = arith.addi %add3A, %mul3A_400 : i32
        %mul3A_402 = arith.constant 32 : i32
        %mul3A_403 = arith.muli %add3A_401, %mul3A_402 : i32
        %dma_start3A_404 = tpu.memref_slice %arg3[%mul3A_403] : memref<323584xi32, #tpu.memory_space<hbm>> -> memref<32xi32, #tpu.memory_space<hbm>>
        %dma_start3A_405 = tpu.memref_slice %arg3[%mul3A_403] : memref<323584xi32, #tpu.memory_space<hbm>> -> memref<32xi32, #tpu.memory_space<hbm>>
        tpu.enqueue_dma source(%dma_start3A_405 : memref<32xi32, #tpu.memory_space<hbm>>) target(%arg17 : memref<32xi32, #tpu.memory_space<vmem>>) target_semaphore(%arg32 : memref<!tpu.dma_semaphore, #tpu.memory_space<semaphore_mem>>)
      } else {
      }
    }
    %scan3A_104 = arith.constant 79 : i32
    %dma_wait3A = arith.constant 0 : i32
    %dma_wait3A_105 = arith.constant 0 : i32
    %dma_wait3A_106 = tpu.memref_slice %arg9[%dma_wait3A, %dma_wait3A_105] : memref<10112x128xf32, #tpu.memory_space<vmem_shared>> -> memref<10112x128xf32, #tpu.memory_space<vmem_shared>>
    tpu.wait_indirect_dma semaphore(%arg41 : memref<!tpu.dma_semaphore, #tpu.memory_space<semaphore_mem>>) src(%arg28 : memref<32x128xf32, #tpu.memory_space<vmem>>) dst(%dma_wait3A_106 : memref<10112x128xf32, #tpu.memory_space<vmem_shared>>)
    %dma_wait3A_107 = arith.constant 0 : i32
    %dma_wait3A_108 = arith.constant 0 : i32
    %dma_wait3A_109 = tpu.memref_slice %arg10[%dma_wait3A_107, %dma_wait3A_108] : memref<640x128xf32, #tpu.memory_space<vmem_shared>> -> memref<640x128xf32, #tpu.memory_space<vmem_shared>>
    tpu.wait_indirect_dma semaphore(%arg42 : memref<!tpu.dma_semaphore, #tpu.memory_space<semaphore_mem>>) src(%arg29 : memref<32x128xf32, #tpu.memory_space<vmem>>) dst(%dma_wait3A_109 : memref<640x128xf32, #tpu.memory_space<vmem_shared>>)
    %barrier3A_110 = arith.constant 0 : index
    tpu.barrier barrier_id(%barrier3A_110)
    %scan3A_111 = arith.constant 0 : i32
    %scan3A_112 = arith.constant 0 : i32
    %scan3A_113 = arith.constant 19 : i32
    %scan3A_114 = arith.addi %scan3A_112, %scan3A_113 : i32
    %scan3A_115 = arith.constant 1 : i32
    scf.for %scan3A_133 = %scan3A_112 to %scan3A_114 step %scan3A_115  : i32 {
      %mul3A_134 = arith.constant 32 : i32
      %mul3A_135 = arith.muli %scan3A_133, %mul3A_134 : i32
      %add3A_136 = arith.addi %mul3A_2, %mul3A_135 : i32
      "tpu.region"() ({
        %run_scoped3A = tpu.sem_alloc : memref<!tpu.dma_semaphore, #tpu.memory_space<semaphore_mem>>
        %dma_start3A_137 = arith.constant 0 : i32
        %dma_start3A_138 = tpu.memref_slice %arg9[%add3A_136, %dma_start3A_137] : memref<10112x128xf32, #tpu.memory_space<vmem_shared>> -> memref<32x128xf32, #tpu.memory_space<vmem_shared>>
        %dma_start3A_139 = arith.constant 0 : i32
        %dma_start3A_140 = tpu.memref_slice %arg9[%add3A_136, %dma_start3A_139] : memref<10112x128xf32, #tpu.memory_space<vmem_shared>> -> memref<32x128xf32, #tpu.memory_space<vmem_shared>>
        tpu.enqueue_dma source(%dma_start3A_140 : memref<32x128xf32, #tpu.memory_space<vmem_shared>>) target(%arg25 : memref<32x128xf32, #tpu.memory_space<vmem>>) target_semaphore(%run_scoped3A : memref<!tpu.dma_semaphore, #tpu.memory_space<semaphore_mem>>)
        %dma_wait3A_141 = arith.constant 0 : i32
        %dma_wait3A_142 = tpu.memref_slice %arg9[%add3A_136, %dma_wait3A_141] : memref<10112x128xf32, #tpu.memory_space<vmem_shared>> -> memref<32x128xf32, #tpu.memory_space<vmem_shared>>
        %dma_wait3A_143 = arith.constant 0 : i32
        %dma_wait3A_144 = tpu.memref_slice %arg9[%add3A_136, %dma_wait3A_143] : memref<10112x128xf32, #tpu.memory_space<vmem_shared>> -> memref<32x128xf32, #tpu.memory_space<vmem_shared>>
        tpu.wait_dma2 semaphore(%run_scoped3A : memref<!tpu.dma_semaphore, #tpu.memory_space<semaphore_mem>>) src(%dma_wait3A_144 : memref<32x128xf32, #tpu.memory_space<vmem_shared>>) dst(%arg25 : memref<32x128xf32, #tpu.memory_space<vmem>>)
        tpu.yield
      }) : () -> ()
      "tpu.region"() ({
        %run_scoped3A = tpu.sem_alloc : memref<!tpu.dma_semaphore, #tpu.memory_space<semaphore_mem>>
        %dma_start3A_137 = arith.constant 0 : i32
        %dma_start3A_138 = tpu.memref_slice %arg7[%arg0, %add3A_136, %dma_start3A_137] : memref<2x10112x128xf32, #tpu.memory_space<hbm>> -> memref<1x32x128xf32, #tpu.memory_space<hbm>>
        %dma_start3A_139 = tpu.memref_squeeze %dma_start3A_138 : memref<1x32x128xf32, #tpu.memory_space<hbm>> -> memref<32x128xf32, #tpu.memory_space<hbm>>
        %dma_start3A_140 = arith.constant 0 : i32
        %dma_start3A_141 = tpu.memref_slice %arg7[%arg0, %add3A_136, %dma_start3A_140] : memref<2x10112x128xf32, #tpu.memory_space<hbm>> -> memref<1x32x128xf32, #tpu.memory_space<hbm>>
        %dma_start3A_142 = tpu.memref_squeeze %dma_start3A_141 : memref<1x32x128xf32, #tpu.memory_space<hbm>> -> memref<32x128xf32, #tpu.memory_space<hbm>>
        tpu.enqueue_dma source(%arg25 : memref<32x128xf32, #tpu.memory_space<vmem>>) target(%dma_start3A_142 : memref<32x128xf32, #tpu.memory_space<hbm>>) target_semaphore(%run_scoped3A : memref<!tpu.dma_semaphore, #tpu.memory_space<semaphore_mem>>)
        %dma_wait3A_143 = arith.constant 0 : i32
        %dma_wait3A_144 = tpu.memref_slice %arg7[%arg0, %add3A_136, %dma_wait3A_143] : memref<2x10112x128xf32, #tpu.memory_space<hbm>> -> memref<1x32x128xf32, #tpu.memory_space<hbm>>
        %dma_wait3A_145 = tpu.memref_squeeze %dma_wait3A_144 : memref<1x32x128xf32, #tpu.memory_space<hbm>> -> memref<32x128xf32, #tpu.memory_space<hbm>>
        %dma_wait3A_146 = arith.constant 0 : i32
        %dma_wait3A_147 = tpu.memref_slice %arg7[%arg0, %add3A_136, %dma_wait3A_146] : memref<2x10112x128xf32, #tpu.memory_space<hbm>> -> memref<1x32x128xf32, #tpu.memory_space<hbm>>
        %dma_wait3A_148 = tpu.memref_squeeze %dma_wait3A_147 : memref<1x32x128xf32, #tpu.memory_space<hbm>> -> memref<32x128xf32, #tpu.memory_space<hbm>>
        tpu.wait_dma2 semaphore(%run_scoped3A : memref<!tpu.dma_semaphore, #tpu.memory_space<semaphore_mem>>) src(%arg25 : memref<32x128xf32, #tpu.memory_space<vmem>>) dst(%dma_wait3A_148 : memref<32x128xf32, #tpu.memory_space<hbm>>)
        tpu.yield
      }) : () -> ()
    }
    %scan3A_116 = arith.constant 19 : i32
    %add3A_117 = arith.constant 608 : i32
    %add3A_118 = arith.addi %mul3A_2, %add3A_117 : i32
    "tpu.region"() ({
      %run_scoped3A = tpu.sem_alloc : memref<!tpu.dma_semaphore, #tpu.memory_space<semaphore_mem>>
      %dma_start3A_133 = arith.constant 0 : i32
      %dma_start3A_134 = arith.constant 0 : i32
      %dma_start3A_135 = tpu.memref_slice %arg25[%dma_start3A_133, %dma_start3A_134] : memref<32x128xf32, #tpu.memory_space<vmem>> -> memref<16x128xf32, #tpu.memory_space<vmem>>
      %dma_start3A_136 = arith.constant 0 : i32
      %dma_start3A_137 = tpu.memref_slice %arg9[%add3A_118, %dma_start3A_136] : memref<10112x128xf32, #tpu.memory_space<vmem_shared>> -> memref<16x128xf32, #tpu.memory_space<vmem_shared>>
      %dma_start3A_138 = arith.constant 0 : i32
      %dma_start3A_139 = arith.constant 0 : i32
      %dma_start3A_140 = tpu.memref_slice %arg25[%dma_start3A_138, %dma_start3A_139] : memref<32x128xf32, #tpu.memory_space<vmem>> -> memref<16x128xf32, #tpu.memory_space<vmem>>
      %dma_start3A_141 = arith.constant 0 : i32
      %dma_start3A_142 = tpu.memref_slice %arg9[%add3A_118, %dma_start3A_141] : memref<10112x128xf32, #tpu.memory_space<vmem_shared>> -> memref<16x128xf32, #tpu.memory_space<vmem_shared>>
      tpu.enqueue_dma source(%dma_start3A_142 : memref<16x128xf32, #tpu.memory_space<vmem_shared>>) target(%dma_start3A_140 : memref<16x128xf32, #tpu.memory_space<vmem>>) target_semaphore(%run_scoped3A : memref<!tpu.dma_semaphore, #tpu.memory_space<semaphore_mem>>)
      %dma_wait3A_143 = arith.constant 0 : i32
      %dma_wait3A_144 = arith.constant 0 : i32
      %dma_wait3A_145 = tpu.memref_slice %arg25[%dma_wait3A_143, %dma_wait3A_144] : memref<32x128xf32, #tpu.memory_space<vmem>> -> memref<16x128xf32, #tpu.memory_space<vmem>>
      %dma_wait3A_146 = arith.constant 0 : i32
      %dma_wait3A_147 = tpu.memref_slice %arg9[%add3A_118, %dma_wait3A_146] : memref<10112x128xf32, #tpu.memory_space<vmem_shared>> -> memref<16x128xf32, #tpu.memory_space<vmem_shared>>
      %dma_wait3A_148 = arith.constant 0 : i32
      %dma_wait3A_149 = arith.constant 0 : i32
      %dma_wait3A_150 = tpu.memref_slice %arg25[%dma_wait3A_148, %dma_wait3A_149] : memref<32x128xf32, #tpu.memory_space<vmem>> -> memref<16x128xf32, #tpu.memory_space<vmem>>
      %dma_wait3A_151 = arith.constant 0 : i32
      %dma_wait3A_152 = tpu.memref_slice %arg9[%add3A_118, %dma_wait3A_151] : memref<10112x128xf32, #tpu.memory_space<vmem_shared>> -> memref<16x128xf32, #tpu.memory_space<vmem_shared>>
      tpu.wait_dma2 semaphore(%run_scoped3A : memref<!tpu.dma_semaphore, #tpu.memory_space<semaphore_mem>>) src(%dma_wait3A_152 : memref<16x128xf32, #tpu.memory_space<vmem_shared>>) dst(%dma_wait3A_150 : memref<16x128xf32, #tpu.memory_space<vmem>>)
      tpu.yield
    }) : () -> ()
    "tpu.region"() ({
      %run_scoped3A = tpu.sem_alloc : memref<!tpu.dma_semaphore, #tpu.memory_space<semaphore_mem>>
      %dma_start3A_133 = arith.constant 0 : i32
      %dma_start3A_134 = arith.constant 0 : i32
      %dma_start3A_135 = tpu.memref_slice %arg25[%dma_start3A_133, %dma_start3A_134] : memref<32x128xf32, #tpu.memory_space<vmem>> -> memref<16x128xf32, #tpu.memory_space<vmem>>
      %dma_start3A_136 = arith.constant 0 : i32
      %dma_start3A_137 = tpu.memref_slice %arg7[%arg0, %add3A_118, %dma_start3A_136] : memref<2x10112x128xf32, #tpu.memory_space<hbm>> -> memref<1x16x128xf32, #tpu.memory_space<hbm>>
      %dma_start3A_138 = tpu.memref_squeeze %dma_start3A_137 : memref<1x16x128xf32, #tpu.memory_space<hbm>> -> memref<16x128xf32, #tpu.memory_space<hbm>>
      %dma_start3A_139 = arith.constant 0 : i32
      %dma_start3A_140 = tpu.memref_slice %arg7[%arg0, %add3A_118, %dma_start3A_139] : memref<2x10112x128xf32, #tpu.memory_space<hbm>> -> memref<1x16x128xf32, #tpu.memory_space<hbm>>
      %dma_start3A_141 = tpu.memref_squeeze %dma_start3A_140 : memref<1x16x128xf32, #tpu.memory_space<hbm>> -> memref<16x128xf32, #tpu.memory_space<hbm>>
      %dma_start3A_142 = arith.constant 0 : i32
      %dma_start3A_143 = arith.constant 0 : i32
      %dma_start3A_144 = tpu.memref_slice %arg25[%dma_start3A_142, %dma_start3A_143] : memref<32x128xf32, #tpu.memory_space<vmem>> -> memref<16x128xf32, #tpu.memory_space<vmem>>
      tpu.enqueue_dma source(%dma_start3A_144 : memref<16x128xf32, #tpu.memory_space<vmem>>) target(%dma_start3A_141 : memref<16x128xf32, #tpu.memory_space<hbm>>) target_semaphore(%run_scoped3A : memref<!tpu.dma_semaphore, #tpu.memory_space<semaphore_mem>>)
      %dma_wait3A_145 = arith.constant 0 : i32
      %dma_wait3A_146 = arith.constant 0 : i32
      %dma_wait3A_147 = tpu.memref_slice %arg25[%dma_wait3A_145, %dma_wait3A_146] : memref<32x128xf32, #tpu.memory_space<vmem>> -> memref<16x128xf32, #tpu.memory_space<vmem>>
      %dma_wait3A_148 = arith.constant 0 : i32
      %dma_wait3A_149 = tpu.memref_slice %arg7[%arg0, %add3A_118, %dma_wait3A_148] : memref<2x10112x128xf32, #tpu.memory_space<hbm>> -> memref<1x16x128xf32, #tpu.memory_space<hbm>>
      %dma_wait3A_150 = tpu.memref_squeeze %dma_wait3A_149 : memref<1x16x128xf32, #tpu.memory_space<hbm>> -> memref<16x128xf32, #tpu.memory_space<hbm>>
      %dma_wait3A_151 = arith.constant 0 : i32
      %dma_wait3A_152 = tpu.memref_slice %arg7[%arg0, %add3A_118, %dma_wait3A_151] : memref<2x10112x128xf32, #tpu.memory_space<hbm>> -> memref<1x16x128xf32, #tpu.memory_space<hbm>>
      %dma_wait3A_153 = tpu.memref_squeeze %dma_wait3A_152 : memref<1x16x128xf32, #tpu.memory_space<hbm>> -> memref<16x128xf32, #tpu.memory_space<hbm>>
      %dma_wait3A_154 = arith.constant 0 : i32
      %dma_wait3A_155 = arith.constant 0 : i32
      %dma_wait3A_156 = tpu.memref_slice %arg25[%dma_wait3A_154, %dma_wait3A_155] : memref<32x128xf32, #tpu.memory_space<vmem>> -> memref<16x128xf32, #tpu.memory_space<vmem>>
      tpu.wait_dma2 semaphore(%run_scoped3A : memref<!tpu.dma_semaphore, #tpu.memory_space<semaphore_mem>>) src(%dma_wait3A_156 : memref<16x128xf32, #tpu.memory_space<vmem>>) dst(%dma_wait3A_153 : memref<16x128xf32, #tpu.memory_space<hbm>>)
      tpu.yield
    }) : () -> ()
    %add3A_119 = arith.constant 16 : i32
    %add3A_120 = arith.addi %add3A_118, %add3A_119 : i32
    "tpu.region"() ({
      %run_scoped3A = tpu.sem_alloc : memref<!tpu.dma_semaphore, #tpu.memory_space<semaphore_mem>>
      %dma_start3A_133 = arith.constant 0 : i32
      %dma_start3A_134 = arith.constant 0 : i32
      %dma_start3A_135 = tpu.memref_slice %arg25[%dma_start3A_133, %dma_start3A_134] : memref<32x128xf32, #tpu.memory_space<vmem>> -> memref<8x128xf32, #tpu.memory_space<vmem>>
      %dma_start3A_136 = arith.constant 0 : i32
      %dma_start3A_137 = tpu.memref_slice %arg9[%add3A_120, %dma_start3A_136] : memref<10112x128xf32, #tpu.memory_space<vmem_shared>> -> memref<8x128xf32, #tpu.memory_space<vmem_shared>>
      %dma_start3A_138 = arith.constant 0 : i32
      %dma_start3A_139 = arith.constant 0 : i32
      %dma_start3A_140 = tpu.memref_slice %arg25[%dma_start3A_138, %dma_start3A_139] : memref<32x128xf32, #tpu.memory_space<vmem>> -> memref<8x128xf32, #tpu.memory_space<vmem>>
      %dma_start3A_141 = arith.constant 0 : i32
      %dma_start3A_142 = tpu.memref_slice %arg9[%add3A_120, %dma_start3A_141] : memref<10112x128xf32, #tpu.memory_space<vmem_shared>> -> memref<8x128xf32, #tpu.memory_space<vmem_shared>>
      tpu.enqueue_dma source(%dma_start3A_142 : memref<8x128xf32, #tpu.memory_space<vmem_shared>>) target(%dma_start3A_140 : memref<8x128xf32, #tpu.memory_space<vmem>>) target_semaphore(%run_scoped3A : memref<!tpu.dma_semaphore, #tpu.memory_space<semaphore_mem>>)
      %dma_wait3A_143 = arith.constant 0 : i32
      %dma_wait3A_144 = arith.constant 0 : i32
      %dma_wait3A_145 = tpu.memref_slice %arg25[%dma_wait3A_143, %dma_wait3A_144] : memref<32x128xf32, #tpu.memory_space<vmem>> -> memref<8x128xf32, #tpu.memory_space<vmem>>
      %dma_wait3A_146 = arith.constant 0 : i32
      %dma_wait3A_147 = tpu.memref_slice %arg9[%add3A_120, %dma_wait3A_146] : memref<10112x128xf32, #tpu.memory_space<vmem_shared>> -> memref<8x128xf32, #tpu.memory_space<vmem_shared>>
      %dma_wait3A_148 = arith.constant 0 : i32
      %dma_wait3A_149 = arith.constant 0 : i32
      %dma_wait3A_150 = tpu.memref_slice %arg25[%dma_wait3A_148, %dma_wait3A_149] : memref<32x128xf32, #tpu.memory_space<vmem>> -> memref<8x128xf32, #tpu.memory_space<vmem>>
      %dma_wait3A_151 = arith.constant 0 : i32
      %dma_wait3A_152 = tpu.memref_slice %arg9[%add3A_120, %dma_wait3A_151] : memref<10112x128xf32, #tpu.memory_space<vmem_shared>> -> memref<8x128xf32, #tpu.memory_space<vmem_shared>>
      tpu.wait_dma2 semaphore(%run_scoped3A : memref<!tpu.dma_semaphore, #tpu.memory_space<semaphore_mem>>) src(%dma_wait3A_152 : memref<8x128xf32, #tpu.memory_space<vmem_shared>>) dst(%dma_wait3A_150 : memref<8x128xf32, #tpu.memory_space<vmem>>)
      tpu.yield
    }) : () -> ()
    "tpu.region"() ({
      %run_scoped3A = tpu.sem_alloc : memref<!tpu.dma_semaphore, #tpu.memory_space<semaphore_mem>>
      %dma_start3A_133 = arith.constant 0 : i32
      %dma_start3A_134 = arith.constant 0 : i32
      %dma_start3A_135 = tpu.memref_slice %arg25[%dma_start3A_133, %dma_start3A_134] : memref<32x128xf32, #tpu.memory_space<vmem>> -> memref<8x128xf32, #tpu.memory_space<vmem>>
      %dma_start3A_136 = arith.constant 0 : i32
      %dma_start3A_137 = tpu.memref_slice %arg7[%arg0, %add3A_120, %dma_start3A_136] : memref<2x10112x128xf32, #tpu.memory_space<hbm>> -> memref<1x8x128xf32, #tpu.memory_space<hbm>>
      %dma_start3A_138 = tpu.memref_squeeze %dma_start3A_137 : memref<1x8x128xf32, #tpu.memory_space<hbm>> -> memref<8x128xf32, #tpu.memory_space<hbm>>
      %dma_start3A_139 = arith.constant 0 : i32
      %dma_start3A_140 = tpu.memref_slice %arg7[%arg0, %add3A_120, %dma_start3A_139] : memref<2x10112x128xf32, #tpu.memory_space<hbm>> -> memref<1x8x128xf32, #tpu.memory_space<hbm>>
      %dma_start3A_141 = tpu.memref_squeeze %dma_start3A_140 : memref<1x8x128xf32, #tpu.memory_space<hbm>> -> memref<8x128xf32, #tpu.memory_space<hbm>>
      %dma_start3A_142 = arith.constant 0 : i32
      %dma_start3A_143 = arith.constant 0 : i32
      %dma_start3A_144 = tpu.memref_slice %arg25[%dma_start3A_142, %dma_start3A_143] : memref<32x128xf32, #tpu.memory_space<vmem>> -> memref<8x128xf32, #tpu.memory_space<vmem>>
      tpu.enqueue_dma source(%dma_start3A_144 : memref<8x128xf32, #tpu.memory_space<vmem>>) target(%dma_start3A_141 : memref<8x128xf32, #tpu.memory_space<hbm>>) target_semaphore(%run_scoped3A : memref<!tpu.dma_semaphore, #tpu.memory_space<semaphore_mem>>)
      %dma_wait3A_145 = arith.constant 0 : i32
      %dma_wait3A_146 = arith.constant 0 : i32
      %dma_wait3A_147 = tpu.memref_slice %arg25[%dma_wait3A_145, %dma_wait3A_146] : memref<32x128xf32, #tpu.memory_space<vmem>> -> memref<8x128xf32, #tpu.memory_space<vmem>>
      %dma_wait3A_148 = arith.constant 0 : i32
      %dma_wait3A_149 = tpu.memref_slice %arg7[%arg0, %add3A_120, %dma_wait3A_148] : memref<2x10112x128xf32, #tpu.memory_space<hbm>> -> memref<1x8x128xf32, #tpu.memory_space<hbm>>
      %dma_wait3A_150 = tpu.memref_squeeze %dma_wait3A_149 : memref<1x8x128xf32, #tpu.memory_space<hbm>> -> memref<8x128xf32, #tpu.memory_space<hbm>>
      %dma_wait3A_151 = arith.constant 0 : i32
      %dma_wait3A_152 = tpu.memref_slice %arg7[%arg0, %add3A_120, %dma_wait3A_151] : memref<2x10112x128xf32, #tpu.memory_space<hbm>> -> memref<1x8x128xf32, #tpu.memory_space<hbm>>
      %dma_wait3A_153 = tpu.memref_squeeze %dma_wait3A_152 : memref<1x8x128xf32, #tpu.memory_space<hbm>> -> memref<8x128xf32, #tpu.memory_space<hbm>>
      %dma_wait3A_154 = arith.constant 0 : i32
      %dma_wait3A_155 = arith.constant 0 : i32
      %dma_wait3A_156 = tpu.memref_slice %arg25[%dma_wait3A_154, %dma_wait3A_155] : memref<32x128xf32, #tpu.memory_space<vmem>> -> memref<8x128xf32, #tpu.memory_space<vmem>>
      tpu.wait_dma2 semaphore(%run_scoped3A : memref<!tpu.dma_semaphore, #tpu.memory_space<semaphore_mem>>) src(%dma_wait3A_156 : memref<8x128xf32, #tpu.memory_space<vmem>>) dst(%dma_wait3A_153 : memref<8x128xf32, #tpu.memory_space<hbm>>)
      tpu.yield
    }) : () -> ()
    %add3A_121 = arith.constant 8 : i32
    %add3A_122 = arith.addi %add3A_120, %add3A_121 : i32
    %scan3A_123 = arith.constant 0 : i32
    %scan3A_124 = arith.constant 0 : i32
    %mul3A_125 = arith.constant 32 : i32
    %mul3A_126 = arith.muli %scan3A_124, %mul3A_125 : i32
    %add3A_127 = arith.addi %mul3A_4, %mul3A_126 : i32
    "tpu.region"() ({
      %run_scoped3A = tpu.sem_alloc : memref<!tpu.dma_semaphore, #tpu.memory_space<semaphore_mem>>
      %dma_start3A_133 = arith.constant 0 : i32
      %dma_start3A_134 = tpu.memref_slice %arg10[%add3A_127, %dma_start3A_133] : memref<640x128xf32, #tpu.memory_space<vmem_shared>> -> memref<32x128xf32, #tpu.memory_space<vmem_shared>>
      %dma_start3A_135 = arith.constant 0 : i32
      %dma_start3A_136 = tpu.memref_slice %arg10[%add3A_127, %dma_start3A_135] : memref<640x128xf32, #tpu.memory_space<vmem_shared>> -> memref<32x128xf32, #tpu.memory_space<vmem_shared>>
      tpu.enqueue_dma source(%dma_start3A_136 : memref<32x128xf32, #tpu.memory_space<vmem_shared>>) target(%arg29 : memref<32x128xf32, #tpu.memory_space<vmem>>) target_semaphore(%run_scoped3A : memref<!tpu.dma_semaphore, #tpu.memory_space<semaphore_mem>>)
      %dma_wait3A_137 = arith.constant 0 : i32
      %dma_wait3A_138 = tpu.memref_slice %arg10[%add3A_127, %dma_wait3A_137] : memref<640x128xf32, #tpu.memory_space<vmem_shared>> -> memref<32x128xf32, #tpu.memory_space<vmem_shared>>
      %dma_wait3A_139 = arith.constant 0 : i32
      %dma_wait3A_140 = tpu.memref_slice %arg10[%add3A_127, %dma_wait3A_139] : memref<640x128xf32, #tpu.memory_space<vmem_shared>> -> memref<32x128xf32, #tpu.memory_space<vmem_shared>>
      tpu.wait_dma2 semaphore(%run_scoped3A : memref<!tpu.dma_semaphore, #tpu.memory_space<semaphore_mem>>) src(%dma_wait3A_140 : memref<32x128xf32, #tpu.memory_space<vmem_shared>>) dst(%arg29 : memref<32x128xf32, #tpu.memory_space<vmem>>)
      tpu.yield
    }) : () -> ()
    "tpu.region"() ({
      %run_scoped3A = tpu.sem_alloc : memref<!tpu.dma_semaphore, #tpu.memory_space<semaphore_mem>>
      %dma_start3A_133 = arith.constant 0 : i32
      %dma_start3A_134 = tpu.memref_slice %arg8[%arg0, %add3A_127, %dma_start3A_133] : memref<2x640x128xf32, #tpu.memory_space<hbm>> -> memref<1x32x128xf32, #tpu.memory_space<hbm>>
      %dma_start3A_135 = tpu.memref_squeeze %dma_start3A_134 : memref<1x32x128xf32, #tpu.memory_space<hbm>> -> memref<32x128xf32, #tpu.memory_space<hbm>>
      %dma_start3A_136 = arith.constant 0 : i32
      %dma_start3A_137 = tpu.memref_slice %arg8[%arg0, %add3A_127, %dma_start3A_136] : memref<2x640x128xf32, #tpu.memory_space<hbm>> -> memref<1x32x128xf32, #tpu.memory_space<hbm>>
      %dma_start3A_138 = tpu.memref_squeeze %dma_start3A_137 : memref<1x32x128xf32, #tpu.memory_space<hbm>> -> memref<32x128xf32, #tpu.memory_space<hbm>>
      tpu.enqueue_dma source(%arg29 : memref<32x128xf32, #tpu.memory_space<vmem>>) target(%dma_start3A_138 : memref<32x128xf32, #tpu.memory_space<hbm>>) target_semaphore(%run_scoped3A : memref<!tpu.dma_semaphore, #tpu.memory_space<semaphore_mem>>)
      %dma_wait3A_139 = arith.constant 0 : i32
      %dma_wait3A_140 = tpu.memref_slice %arg8[%arg0, %add3A_127, %dma_wait3A_139] : memref<2x640x128xf32, #tpu.memory_space<hbm>> -> memref<1x32x128xf32, #tpu.memory_space<hbm>>
      %dma_wait3A_141 = tpu.memref_squeeze %dma_wait3A_140 : memref<1x32x128xf32, #tpu.memory_space<hbm>> -> memref<32x128xf32, #tpu.memory_space<hbm>>
      %dma_wait3A_142 = arith.constant 0 : i32
      %dma_wait3A_143 = tpu.memref_slice %arg8[%arg0, %add3A_127, %dma_wait3A_142] : memref<2x640x128xf32, #tpu.memory_space<hbm>> -> memref<1x32x128xf32, #tpu.memory_space<hbm>>
      %dma_wait3A_144 = tpu.memref_squeeze %dma_wait3A_143 : memref<1x32x128xf32, #tpu.memory_space<hbm>> -> memref<32x128xf32, #tpu.memory_space<hbm>>
      tpu.wait_dma2 semaphore(%run_scoped3A : memref<!tpu.dma_semaphore, #tpu.memory_space<semaphore_mem>>) src(%arg29 : memref<32x128xf32, #tpu.memory_space<vmem>>) dst(%dma_wait3A_144 : memref<32x128xf32, #tpu.memory_space<hbm>>)
      tpu.yield
    }) : () -> ()
    %scan3A_128 = arith.constant 1 : i32
    %add3A_129 = arith.constant 32 : i32
    %add3A_130 = arith.addi %mul3A_4, %add3A_129 : i32
    "tpu.region"() ({
      %run_scoped3A = tpu.sem_alloc : memref<!tpu.dma_semaphore, #tpu.memory_space<semaphore_mem>>
      %dma_start3A_133 = arith.constant 0 : i32
      %dma_start3A_134 = arith.constant 0 : i32
      %dma_start3A_135 = tpu.memref_slice %arg29[%dma_start3A_133, %dma_start3A_134] : memref<32x128xf32, #tpu.memory_space<vmem>> -> memref<8x128xf32, #tpu.memory_space<vmem>>
      %dma_start3A_136 = arith.constant 0 : i32
      %dma_start3A_137 = tpu.memref_slice %arg10[%add3A_130, %dma_start3A_136] : memref<640x128xf32, #tpu.memory_space<vmem_shared>> -> memref<8x128xf32, #tpu.memory_space<vmem_shared>>
      %dma_start3A_138 = arith.constant 0 : i32
      %dma_start3A_139 = arith.constant 0 : i32
      %dma_start3A_140 = tpu.memref_slice %arg29[%dma_start3A_138, %dma_start3A_139] : memref<32x128xf32, #tpu.memory_space<vmem>> -> memref<8x128xf32, #tpu.memory_space<vmem>>
      %dma_start3A_141 = arith.constant 0 : i32
      %dma_start3A_142 = tpu.memref_slice %arg10[%add3A_130, %dma_start3A_141] : memref<640x128xf32, #tpu.memory_space<vmem_shared>> -> memref<8x128xf32, #tpu.memory_space<vmem_shared>>
      tpu.enqueue_dma source(%dma_start3A_142 : memref<8x128xf32, #tpu.memory_space<vmem_shared>>) target(%dma_start3A_140 : memref<8x128xf32, #tpu.memory_space<vmem>>) target_semaphore(%run_scoped3A : memref<!tpu.dma_semaphore, #tpu.memory_space<semaphore_mem>>)
      %dma_wait3A_143 = arith.constant 0 : i32
      %dma_wait3A_144 = arith.constant 0 : i32
      %dma_wait3A_145 = tpu.memref_slice %arg29[%dma_wait3A_143, %dma_wait3A_144] : memref<32x128xf32, #tpu.memory_space<vmem>> -> memref<8x128xf32, #tpu.memory_space<vmem>>
      %dma_wait3A_146 = arith.constant 0 : i32
      %dma_wait3A_147 = tpu.memref_slice %arg10[%add3A_130, %dma_wait3A_146] : memref<640x128xf32, #tpu.memory_space<vmem_shared>> -> memref<8x128xf32, #tpu.memory_space<vmem_shared>>
      %dma_wait3A_148 = arith.constant 0 : i32
      %dma_wait3A_149 = arith.constant 0 : i32
      %dma_wait3A_150 = tpu.memref_slice %arg29[%dma_wait3A_148, %dma_wait3A_149] : memref<32x128xf32, #tpu.memory_space<vmem>> -> memref<8x128xf32, #tpu.memory_space<vmem>>
      %dma_wait3A_151 = arith.constant 0 : i32
      %dma_wait3A_152 = tpu.memref_slice %arg10[%add3A_130, %dma_wait3A_151] : memref<640x128xf32, #tpu.memory_space<vmem_shared>> -> memref<8x128xf32, #tpu.memory_space<vmem_shared>>
      tpu.wait_dma2 semaphore(%run_scoped3A : memref<!tpu.dma_semaphore, #tpu.memory_space<semaphore_mem>>) src(%dma_wait3A_152 : memref<8x128xf32, #tpu.memory_space<vmem_shared>>) dst(%dma_wait3A_150 : memref<8x128xf32, #tpu.memory_space<vmem>>)
      tpu.yield
    }) : () -> ()
    "tpu.region"() ({
      %run_scoped3A = tpu.sem_alloc : memref<!tpu.dma_semaphore, #tpu.memory_space<semaphore_mem>>
      %dma_start3A_133 = arith.constant 0 : i32
      %dma_start3A_134 = arith.constant 0 : i32
      %dma_start3A_135 = tpu.memref_slice %arg29[%dma_start3A_133, %dma_start3A_134] : memref<32x128xf32, #tpu.memory_space<vmem>> -> memref<8x128xf32, #tpu.memory_space<vmem>>
      %dma_start3A_136 = arith.constant 0 : i32
      %dma_start3A_137 = tpu.memref_slice %arg8[%arg0, %add3A_130, %dma_start3A_136] : memref<2x640x128xf32, #tpu.memory_space<hbm>> -> memref<1x8x128xf32, #tpu.memory_space<hbm>>
      %dma_start3A_138 = tpu.memref_squeeze %dma_start3A_137 : memref<1x8x128xf32, #tpu.memory_space<hbm>> -> memref<8x128xf32, #tpu.memory_space<hbm>>
      %dma_start3A_139 = arith.constant 0 : i32
      %dma_start3A_140 = tpu.memref_slice %arg8[%arg0, %add3A_130, %dma_start3A_139] : memref<2x640x128xf32, #tpu.memory_space<hbm>> -> memref<1x8x128xf32, #tpu.memory_space<hbm>>
      %dma_start3A_141 = tpu.memref_squeeze %dma_start3A_140 : memref<1x8x128xf32, #tpu.memory_space<hbm>> -> memref<8x128xf32, #tpu.memory_space<hbm>>
      %dma_start3A_142 = arith.constant 0 : i32
      %dma_start3A_143 = arith.constant 0 : i32
      %dma_start3A_144 = tpu.memref_slice %arg29[%dma_start3A_142, %dma_start3A_143] : memref<32x128xf32, #tpu.memory_space<vmem>> -> memref<8x128xf32, #tpu.memory_space<vmem>>
      tpu.enqueue_dma source(%dma_start3A_144 : memref<8x128xf32, #tpu.memory_space<vmem>>) target(%dma_start3A_141 : memref<8x128xf32, #tpu.memory_space<hbm>>) target_semaphore(%run_scoped3A : memref<!tpu.dma_semaphore, #tpu.memory_space<semaphore_mem>>)
      %dma_wait3A_145 = arith.constant 0 : i32
      %dma_wait3A_146 = arith.constant 0 : i32
      %dma_wait3A_147 = tpu.memref_slice %arg29[%dma_wait3A_145, %dma_wait3A_146] : memref<32x128xf32, #tpu.memory_space<vmem>> -> memref<8x128xf32, #tpu.memory_space<vmem>>
      %dma_wait3A_148 = arith.constant 0 : i32
      %dma_wait3A_149 = tpu.memref_slice %arg8[%arg0, %add3A_130, %dma_wait3A_148] : memref<2x640x128xf32, #tpu.memory_space<hbm>> -> memref<1x8x128xf32, #tpu.memory_space<hbm>>
      %dma_wait3A_150 = tpu.memref_squeeze %dma_wait3A_149 : memref<1x8x128xf32, #tpu.memory_space<hbm>> -> memref<8x128xf32, #tpu.memory_space<hbm>>
      %dma_wait3A_151 = arith.constant 0 : i32
      %dma_wait3A_152 = tpu.memref_slice %arg8[%arg0, %add3A_130, %dma_wait3A_151] : memref<2x640x128xf32, #tpu.memory_space<hbm>> -> memref<1x8x128xf32, #tpu.memory_space<hbm>>
      %dma_wait3A_153 = tpu.memref_squeeze %dma_wait3A_152 : memref<1x8x128xf32, #tpu.memory_space<hbm>> -> memref<8x128xf32, #tpu.memory_space<hbm>>
      %dma_wait3A_154 = arith.constant 0 : i32
      %dma_wait3A_155 = arith.constant 0 : i32
      %dma_wait3A_156 = tpu.memref_slice %arg29[%dma_wait3A_154, %dma_wait3A_155] : memref<32x128xf32, #tpu.memory_space<vmem>> -> memref<8x128xf32, #tpu.memory_space<vmem>>
      tpu.wait_dma2 semaphore(%run_scoped3A : memref<!tpu.dma_semaphore, #tpu.memory_space<semaphore_mem>>) src(%dma_wait3A_156 : memref<8x128xf32, #tpu.memory_space<vmem>>) dst(%dma_wait3A_153 : memref<8x128xf32, #tpu.memory_space<hbm>>)
      tpu.yield
    }) : () -> ()
    %add3A_131 = arith.constant 8 : i32
    %add3A_132 = arith.addi %add3A_130, %add3A_131 : i32
    return
  }
}

module attributes {stable_mosaic.version = 14 : i64} {
  func.func @_prep_body(%arg0: i32, %arg1: memref<1000x128xf32, #tpu.memory_space<vmem>>, %arg2: memref<1000x128xf32, #tpu.memory_space<vmem>>, %arg3: memref<128x128xf32, #tpu.memory_space<vmem>>, %arg4: memref<1x128xf32, #tpu.memory_space<vmem>>, %arg5: memref<1x128xf32, #tpu.memory_space<vmem>>, %arg6: memref<1x128xf32, #tpu.memory_space<vmem>>, %arg7: memref<1x128xf32, #tpu.memory_space<vmem>>, %arg8: memref<1x128xf32, #tpu.memory_space<vmem>>, %arg9: memref<128x128xf32, #tpu.memory_space<vmem>>, %arg10: memref<1x128xf32, #tpu.memory_space<vmem>>, %arg11: memref<128x128xf32, #tpu.memory_space<vmem>>, %arg12: memref<1x128xf32, #tpu.memory_space<vmem>>, %arg13: memref<128x128xf32, #tpu.memory_space<vmem>>, %arg14: memref<1x128xf32, #tpu.memory_space<vmem>>, %arg15: memref<1x1xf32, #tpu.memory_space<vmem>>, %arg16: memref<1000x128xf32, #tpu.memory_space<vmem>>, %arg17: memref<1000x256xf32, #tpu.memory_space<vmem>>, %arg18: memref<1000x128xf32, #tpu.memory_space<vmem>>) attributes {dimension_semantics = [#tpu.dimension_semantics<arbitrary>], iteration_bounds = array<i64: 10>, scalar_prefetch = 0 : i64, scratch_operands = 0 : i64, tpu.core_type = #tpu.core_type<tc>, window_params = [{transform_indices = @transform_0, window_bounds = array<i64: 1000, 128>}, {transform_indices = @transform_1, window_bounds = array<i64: 1000, 128>}, {pipeline_mode = #tpu.pipeline_mode<synchronous>, transform_indices = @transform_2, window_bounds = array<i64: 128, 128>}, {pipeline_mode = #tpu.pipeline_mode<synchronous>, transform_indices = @transform_3, window_bounds = array<i64: 1, 128>}, {pipeline_mode = #tpu.pipeline_mode<synchronous>, transform_indices = @transform_4, window_bounds = array<i64: 1, 128>}, {pipeline_mode = #tpu.pipeline_mode<synchronous>, transform_indices = @transform_5, window_bounds = array<i64: 1, 128>}, {pipeline_mode = #tpu.pipeline_mode<synchronous>, transform_indices = @transform_6, window_bounds = array<i64: 1, 128>}, {pipeline_mode = #tpu.pipeline_mode<synchronous>, transform_indices = @transform_7, window_bounds = array<i64: 1, 128>}, {pipeline_mode = #tpu.pipeline_mode<synchronous>, transform_indices = @transform_8, window_bounds = array<i64: 128, 128>}, {pipeline_mode = #tpu.pipeline_mode<synchronous>, transform_indices = @transform_9, window_bounds = array<i64: 1, 128>}, {pipeline_mode = #tpu.pipeline_mode<synchronous>, transform_indices = @transform_10, window_bounds = array<i64: 128, 128>}, {pipeline_mode = #tpu.pipeline_mode<synchronous>, transform_indices = @transform_11, window_bounds = array<i64: 1, 128>}, {pipeline_mode = #tpu.pipeline_mode<synchronous>, transform_indices = @transform_12, window_bounds = array<i64: 128, 128>}, {pipeline_mode = #tpu.pipeline_mode<synchronous>, transform_indices = @transform_13, window_bounds = array<i64: 1, 128>}, {pipeline_mode = #tpu.pipeline_mode<synchronous>, transform_indices = @transform_14, window_bounds = array<i64: 1, 1>}, {transform_indices = @transform_15, window_bounds = array<i64: 1000, 128>}, {transform_indices = @transform_16, window_bounds = array<i64: 1000, 256>}, {transform_indices = @transform_17, window_bounds = array<i64: 1000, 128>}]} {
    %get3A = arith.constant 0 : index
    %get3A_0 = arith.constant 0 : index
    %get3A_1 = vector.load %arg2[%get3A, %get3A_0] : memref<1000x128xf32, #tpu.memory_space<vmem>>, vector<1000x128xf32>
    %get3A_2 = arith.constant 0 : index
    %get3A_3 = arith.constant 0 : index
    %get3A_4 = vector.load %arg3[%get3A_2, %get3A_3] : memref<128x128xf32, #tpu.memory_space<vmem>>, vector<128x128xf32>
    %dot_general3A = arith.constant dense<0.000000e+00> : vector<1000x128xf32>
    %dot_general3A_5 = tpu.matmul %get3A_1, %get3A_4, %dot_general3A {dimension_numbers = #tpu.dot_dimension_numbers<[1], [0], [0], [1], [0, 0, 1, 1], [], []>, transpose_lhs_hint = false} : vector<1000x128xf32>, vector<128x128xf32>, vector<1000x128xf32> -> vector<1000x128xf32>
    %get3A_6 = arith.constant 0 : index
    %get3A_7 = arith.constant 0 : index
    %get3A_8 = vector.load %arg4[%get3A_6, %get3A_7] : memref<1x128xf32, #tpu.memory_space<vmem>>, vector<1x128xf32>
    %add3A = vector.broadcast %get3A_8 : vector<1x128xf32> to vector<1000x128xf32>
    %add3A_9 = arith.addf %dot_general3A_5, %add3A : vector<1000x128xf32>
    %swap3A = arith.constant 0 : index
    %swap3A_10 = arith.constant 0 : index
    %swap3A_11 = vector.load %arg18[%swap3A, %swap3A_10] : memref<1000x128xf32, #tpu.memory_space<vmem>>, vector<1000x128xf32>
    tpu.vector_store %arg18[%swap3A, %swap3A_10], %add3A_9 {strides = array<i32>} : memref<1000x128xf32, #tpu.memory_space<vmem>>, vector<1000x128xf32>,
    %get3A_12 = arith.constant 0 : index
    %get3A_13 = arith.constant 0 : index
    %get3A_14 = vector.load %arg1[%get3A_12, %get3A_13] : memref<1000x128xf32, #tpu.memory_space<vmem>>, vector<1000x128xf32>
    %get3A_15 = arith.constant 0 : index
    %get3A_16 = arith.constant 0 : index
    %get3A_17 = vector.load %arg5[%get3A_15, %get3A_16] : memref<1x128xf32, #tpu.memory_space<vmem>>, vector<1x128xf32>
    %get3A_18 = arith.constant 0 : index
    %get3A_19 = arith.constant 0 : index
    %get3A_20 = vector.load %arg6[%get3A_18, %get3A_19] : memref<1x128xf32, #tpu.memory_space<vmem>>, vector<1x128xf32>
    %reduce_sum3A = arith.constant dense<0.000000e+00> : vector<1000xf32>
    %reduce_sum3A_21 = vector.multi_reduction <add>, %get3A_14, %reduce_sum3A [1] : vector<1000x128xf32> to vector<1000xf32>
    %broadcast_in_dim3A = vector.shape_cast %reduce_sum3A_21 : vector<1000xf32> to vector<1000x1xf32>
    %div3A = arith.constant 1.280000e+02 : f32
    %div3A_22 = vector.broadcast %div3A : f32 to vector<1000x1xf32>
    %div3A_23 = arith.divf %broadcast_in_dim3A, %div3A_22 : vector<1000x1xf32>
    %sub3A = vector.broadcast %div3A_23 : vector<1000x1xf32> to vector<1000x128xf32>
    %sub3A_24 = arith.subf %get3A_14, %sub3A : vector<1000x128xf32>
    %integer_pow3A = arith.mulf %sub3A_24, %sub3A_24 : vector<1000x128xf32>
    %reduce_sum3A_25 = arith.constant dense<0.000000e+00> : vector<1000xf32>
    %reduce_sum3A_26 = vector.multi_reduction <add>, %integer_pow3A, %reduce_sum3A_25 [1] : vector<1000x128xf32> to vector<1000xf32>
    %broadcast_in_dim3A_27 = vector.shape_cast %reduce_sum3A_26 : vector<1000xf32> to vector<1000x1xf32>
    %div3A_28 = arith.constant 1.280000e+02 : f32
    %div3A_29 = vector.broadcast %div3A_28 : f32 to vector<1000x1xf32>
    %div3A_30 = arith.divf %broadcast_in_dim3A_27, %div3A_29 : vector<1000x1xf32>
    %sub3A_31 = vector.broadcast %div3A_23 : vector<1000x1xf32> to vector<1000x128xf32>
    %sub3A_32 = arith.subf %get3A_14, %sub3A_31 : vector<1000x128xf32>
    %add3A_33 = arith.constant 9.99999974E-6 : f32
    %add3A_34 = vector.broadcast %add3A_33 : f32 to vector<1000x1xf32>
    %add3A_35 = arith.addf %div3A_30, %add3A_34 : vector<1000x1xf32>
    %sqrt3A = math.sqrt %add3A_35 : vector<1000x1xf32>
    %div3A_36 = vector.broadcast %sqrt3A : vector<1000x1xf32> to vector<1000x128xf32>
    %div3A_37 = arith.divf %sub3A_32, %div3A_36 : vector<1000x128xf32>
    %mul3A = vector.broadcast %get3A_17 : vector<1x128xf32> to vector<1000x128xf32>
    %mul3A_38 = arith.mulf %div3A_37, %mul3A : vector<1000x128xf32>
    %add3A_39 = vector.broadcast %get3A_20 : vector<1x128xf32> to vector<1000x128xf32>
    %add3A_40 = arith.addf %mul3A_38, %add3A_39 : vector<1000x128xf32>
    %get3A_41 = arith.constant 0 : index
    %get3A_42 = arith.constant 0 : index
    %get3A_43 = vector.load %arg7[%get3A_41, %get3A_42] : memref<1x128xf32, #tpu.memory_space<vmem>>, vector<1x128xf32>
    %get3A_44 = arith.constant 0 : index
    %get3A_45 = arith.constant 0 : index
    %get3A_46 = vector.load %arg8[%get3A_44, %get3A_45] : memref<1x128xf32, #tpu.memory_space<vmem>>, vector<1x128xf32>
    %reduce_sum3A_47 = arith.constant dense<0.000000e+00> : vector<1000xf32>
    %reduce_sum3A_48 = vector.multi_reduction <add>, %add3A_9, %reduce_sum3A_47 [1] : vector<1000x128xf32> to vector<1000xf32>
    %broadcast_in_dim3A_49 = vector.shape_cast %reduce_sum3A_48 : vector<1000xf32> to vector<1000x1xf32>
    %div3A_50 = arith.constant 1.280000e+02 : f32
    %div3A_51 = vector.broadcast %div3A_50 : f32 to vector<1000x1xf32>
    %div3A_52 = arith.divf %broadcast_in_dim3A_49, %div3A_51 : vector<1000x1xf32>
    %sub3A_53 = vector.broadcast %div3A_52 : vector<1000x1xf32> to vector<1000x128xf32>
    %sub3A_54 = arith.subf %add3A_9, %sub3A_53 : vector<1000x128xf32>
    %integer_pow3A_55 = arith.mulf %sub3A_54, %sub3A_54 : vector<1000x128xf32>
    %reduce_sum3A_56 = arith.constant dense<0.000000e+00> : vector<1000xf32>
    %reduce_sum3A_57 = vector.multi_reduction <add>, %integer_pow3A_55, %reduce_sum3A_56 [1] : vector<1000x128xf32> to vector<1000xf32>
    %broadcast_in_dim3A_58 = vector.shape_cast %reduce_sum3A_57 : vector<1000xf32> to vector<1000x1xf32>
    %div3A_59 = arith.constant 1.280000e+02 : f32
    %div3A_60 = vector.broadcast %div3A_59 : f32 to vector<1000x1xf32>
    %div3A_61 = arith.divf %broadcast_in_dim3A_58, %div3A_60 : vector<1000x1xf32>
    %sub3A_62 = vector.broadcast %div3A_52 : vector<1000x1xf32> to vector<1000x128xf32>
    %sub3A_63 = arith.subf %add3A_9, %sub3A_62 : vector<1000x128xf32>
    %add3A_64 = arith.constant 9.99999974E-6 : f32
    %add3A_65 = vector.broadcast %add3A_64 : f32 to vector<1000x1xf32>
    %add3A_66 = arith.addf %div3A_61, %add3A_65 : vector<1000x1xf32>
    %sqrt3A_67 = math.sqrt %add3A_66 : vector<1000x1xf32>
    %div3A_68 = vector.broadcast %sqrt3A_67 : vector<1000x1xf32> to vector<1000x128xf32>
    %div3A_69 = arith.divf %sub3A_63, %div3A_68 : vector<1000x128xf32>
    %mul3A_70 = vector.broadcast %get3A_43 : vector<1x128xf32> to vector<1000x128xf32>
    %mul3A_71 = arith.mulf %div3A_69, %mul3A_70 : vector<1000x128xf32>
    %add3A_72 = vector.broadcast %get3A_46 : vector<1x128xf32> to vector<1000x128xf32>
    %add3A_73 = arith.addf %mul3A_71, %add3A_72 : vector<1000x128xf32>
    %get3A_74 = arith.constant 0 : index
    %get3A_75 = arith.constant 0 : index
    %get3A_76 = vector.load %arg15[%get3A_74, %get3A_75] : memref<1x1xf32, #tpu.memory_space<vmem>>, vector<1x1xf32>
    %get3A_77 = vector.extract %get3A_76[0, 0] : f32 from vector<1x1xf32>
    %get3A_78 = arith.constant 0 : index
    %get3A_79 = arith.constant 0 : index
    %get3A_80 = vector.load %arg9[%get3A_78, %get3A_79] : memref<128x128xf32, #tpu.memory_space<vmem>>, vector<128x128xf32>
    %dot_general3A_81 = arith.constant dense<0.000000e+00> : vector<1000x128xf32>
    %dot_general3A_82 = tpu.matmul %add3A_73, %get3A_80, %dot_general3A_81 {dimension_numbers = #tpu.dot_dimension_numbers<[1], [0], [0], [1], [0, 0, 1, 1], [], []>, transpose_lhs_hint = false} : vector<1000x128xf32>, vector<128x128xf32>, vector<1000x128xf32> -> vector<1000x128xf32>
    %get3A_83 = arith.constant 0 : index
    %get3A_84 = arith.constant 0 : index
    %get3A_85 = vector.load %arg10[%get3A_83, %get3A_84] : memref<1x128xf32, #tpu.memory_space<vmem>>, vector<1x128xf32>
    %add3A_86 = vector.broadcast %get3A_85 : vector<1x128xf32> to vector<1000x128xf32>
    %add3A_87 = arith.addf %dot_general3A_82, %add3A_86 : vector<1000x128xf32>
    %mul3A_88 = vector.broadcast %get3A_77 : f32 to vector<1000x128xf32>
    %mul3A_89 = arith.mulf %add3A_87, %mul3A_88 : vector<1000x128xf32>
    %swap3A_90 = arith.constant 0 : index
    %swap3A_91 = arith.constant 0 : index
    %swap3A_92 = vector.load %arg16[%swap3A_90, %swap3A_91] : memref<1000x128xf32, #tpu.memory_space<vmem>>, vector<1000x128xf32>
    tpu.vector_store %arg16[%swap3A_90, %swap3A_91], %mul3A_89 {strides = array<i32>} : memref<1000x128xf32, #tpu.memory_space<vmem>>, vector<1000x128xf32>,
    %get3A_93 = arith.constant 0 : index
    %get3A_94 = arith.constant 0 : index
    %get3A_95 = vector.load %arg11[%get3A_93, %get3A_94] : memref<128x128xf32, #tpu.memory_space<vmem>>, vector<128x128xf32>
    %dot_general3A_96 = arith.constant dense<0.000000e+00> : vector<1000x128xf32>
    %dot_general3A_97 = tpu.matmul %add3A_40, %get3A_95, %dot_general3A_96 {dimension_numbers = #tpu.dot_dimension_numbers<[1], [0], [0], [1], [0, 0, 1, 1], [], []>, transpose_lhs_hint = false} : vector<1000x128xf32>, vector<128x128xf32>, vector<1000x128xf32> -> vector<1000x128xf32>
    %get3A_98 = arith.constant 0 : index
    %get3A_99 = arith.constant 0 : index
    %get3A_100 = vector.load %arg12[%get3A_98, %get3A_99] : memref<1x128xf32, #tpu.memory_space<vmem>>, vector<1x128xf32>
    %add3A_101 = vector.broadcast %get3A_100 : vector<1x128xf32> to vector<1000x128xf32>
    %add3A_102 = arith.addf %dot_general3A_97, %add3A_101 : vector<1000x128xf32>
    %swap3A_103 = arith.constant 0 : index
    %swap3A_104 = arith.constant 0 : index
    %swap3A_105 = vector.load %arg17[%swap3A_103, %swap3A_104] : memref<1000x256xf32, #tpu.memory_space<vmem>>, vector<1000x128xf32>
    tpu.vector_store %arg17[%swap3A_103, %swap3A_104], %add3A_102 {strides = array<i32>} : memref<1000x256xf32, #tpu.memory_space<vmem>>, vector<1000x128xf32>,
    %get3A_106 = arith.constant 0 : index
    %get3A_107 = arith.constant 0 : index
    %get3A_108 = vector.load %arg13[%get3A_106, %get3A_107] : memref<128x128xf32, #tpu.memory_space<vmem>>, vector<128x128xf32>
    %dot_general3A_109 = arith.constant dense<0.000000e+00> : vector<1000x128xf32>
    %dot_general3A_110 = tpu.matmul %add3A_40, %get3A_108, %dot_general3A_109 {dimension_numbers = #tpu.dot_dimension_numbers<[1], [0], [0], [1], [0, 0, 1, 1], [], []>, transpose_lhs_hint = false} : vector<1000x128xf32>, vector<128x128xf32>, vector<1000x128xf32> -> vector<1000x128xf32>
    %get3A_111 = arith.constant 0 : index
    %get3A_112 = arith.constant 0 : index
    %get3A_113 = vector.load %arg14[%get3A_111, %get3A_112] : memref<1x128xf32, #tpu.memory_space<vmem>>, vector<1x128xf32>
    %add3A_114 = vector.broadcast %get3A_113 : vector<1x128xf32> to vector<1000x128xf32>
    %add3A_115 = arith.addf %dot_general3A_110, %add3A_114 : vector<1000x128xf32>
    %swap3A_116 = arith.constant 0 : index
    %swap3A_117 = arith.constant 128 : index
    %swap3A_118 = vector.load %arg17[%swap3A_116, %swap3A_117] : memref<1000x256xf32, #tpu.memory_space<vmem>>, vector<1000x128xf32>
    tpu.vector_store %arg17[%swap3A_116, %swap3A_117], %add3A_115 {strides = array<i32>} : memref<1000x256xf32, #tpu.memory_space<vmem>>, vector<1000x128xf32>,
    return
  }
  func.func @transform_0(%arg0: i32) -> (i32, i32) {
    %c0_i32 = arith.constant 0 : i32
    %c0_i32_0 = arith.constant 0 : i32
    return %arg0, %c0_i32 : i32, i32
  }
  func.func @transform_1(%arg0: i32) -> (i32, i32) {
    %c0_i32 = arith.constant 0 : i32
    %c0_i32_0 = arith.constant 0 : i32
    return %arg0, %c0_i32 : i32, i32
  }
  func.func @transform_2(%arg0: i32) -> (i32, i32) {
    %c0_i32 = arith.constant 0 : i32
    %c0_i32_0 = arith.constant 0 : i32
    %c0_i32_1 = arith.constant 0 : i32
    return %c0_i32, %c0_i32_0 : i32, i32
  }
  func.func @transform_3(%arg0: i32) -> (i32, i32) {
    %c0_i32 = arith.constant 0 : i32
    %c0_i32_0 = arith.constant 0 : i32
    %c0_i32_1 = arith.constant 0 : i32
    return %c0_i32, %c0_i32_0 : i32, i32
  }
  func.func @transform_4(%arg0: i32) -> (i32, i32) {
    %c0_i32 = arith.constant 0 : i32
    %c0_i32_0 = arith.constant 0 : i32
    %c0_i32_1 = arith.constant 0 : i32
    return %c0_i32, %c0_i32_0 : i32, i32
  }
  func.func @transform_5(%arg0: i32) -> (i32, i32) {
    %c0_i32 = arith.constant 0 : i32
    %c0_i32_0 = arith.constant 0 : i32
    %c0_i32_1 = arith.constant 0 : i32
    return %c0_i32, %c0_i32_0 : i32, i32
  }
  func.func @transform_6(%arg0: i32) -> (i32, i32) {
    %c0_i32 = arith.constant 0 : i32
    %c0_i32_0 = arith.constant 0 : i32
    %c0_i32_1 = arith.constant 0 : i32
    return %c0_i32, %c0_i32_0 : i32, i32
  }
  func.func @transform_7(%arg0: i32) -> (i32, i32) {
    %c0_i32 = arith.constant 0 : i32
    %c0_i32_0 = arith.constant 0 : i32
    %c0_i32_1 = arith.constant 0 : i32
    return %c0_i32, %c0_i32_0 : i32, i32
  }
  func.func @transform_8(%arg0: i32) -> (i32, i32) {
    %c0_i32 = arith.constant 0 : i32
    %c0_i32_0 = arith.constant 0 : i32
    %c0_i32_1 = arith.constant 0 : i32
    return %c0_i32, %c0_i32_0 : i32, i32
  }
  func.func @transform_9(%arg0: i32) -> (i32, i32) {
    %c0_i32 = arith.constant 0 : i32
    %c0_i32_0 = arith.constant 0 : i32
    %c0_i32_1 = arith.constant 0 : i32
    return %c0_i32, %c0_i32_0 : i32, i32
  }
  func.func @transform_10(%arg0: i32) -> (i32, i32) {
    %c0_i32 = arith.constant 0 : i32
    %c0_i32_0 = arith.constant 0 : i32
    %c0_i32_1 = arith.constant 0 : i32
    return %c0_i32, %c0_i32_0 : i32, i32
  }
  func.func @transform_11(%arg0: i32) -> (i32, i32) {
    %c0_i32 = arith.constant 0 : i32
    %c0_i32_0 = arith.constant 0 : i32
    %c0_i32_1 = arith.constant 0 : i32
    return %c0_i32, %c0_i32_0 : i32, i32
  }
  func.func @transform_12(%arg0: i32) -> (i32, i32) {
    %c0_i32 = arith.constant 0 : i32
    %c0_i32_0 = arith.constant 0 : i32
    %c0_i32_1 = arith.constant 0 : i32
    return %c0_i32, %c0_i32_0 : i32, i32
  }
  func.func @transform_13(%arg0: i32) -> (i32, i32) {
    %c0_i32 = arith.constant 0 : i32
    %c0_i32_0 = arith.constant 0 : i32
    %c0_i32_1 = arith.constant 0 : i32
    return %c0_i32, %c0_i32_0 : i32, i32
  }
  func.func @transform_14(%arg0: i32) -> (i32, i32) {
    %c0_i32 = arith.constant 0 : i32
    %c0_i32_0 = arith.constant 0 : i32
    %c0_i32_1 = arith.constant 0 : i32
    return %c0_i32, %c0_i32_0 : i32, i32
  }
  func.func @transform_15(%arg0: i32) -> (i32, i32) {
    %c0_i32 = arith.constant 0 : i32
    %c0_i32_0 = arith.constant 0 : i32
    return %arg0, %c0_i32 : i32, i32
  }
  func.func @transform_16(%arg0: i32) -> (i32, i32) {
    %c0_i32 = arith.constant 0 : i32
    %c0_i32_0 = arith.constant 0 : i32
    return %arg0, %c0_i32 : i32, i32
  }
  func.func @transform_17(%arg0: i32) -> (i32, i32) {
    %c0_i32 = arith.constant 0 : i32
    %c0_i32_0 = arith.constant 0 : i32
    return %arg0, %c0_i32 : i32, i32
  }
}

module attributes {stable_mosaic.version = 14 : i64} {
  func.func @_eproj_body(%arg0: i32, %arg1: memref<512x128xf32, #tpu.memory_space<vmem>>, %arg2: memref<128x1024xf32, #tpu.memory_space<vmem>>, %arg3: memref<1x1024xf32, #tpu.memory_space<vmem>>, %arg4: memref<512x1024xf32, #tpu.memory_space<vmem>>) attributes {dimension_semantics = [#tpu.dimension_semantics<arbitrary>], iteration_bounds = array<i64: 79>, scalar_prefetch = 0 : i64, scratch_operands = 0 : i64, tpu.core_type = #tpu.core_type<tc>, window_params = [{transform_indices = @transform_0, window_bounds = array<i64: 512, 128>}, {pipeline_mode = #tpu.pipeline_mode<synchronous>, transform_indices = @transform_1, window_bounds = array<i64: 128, 1024>}, {pipeline_mode = #tpu.pipeline_mode<synchronous>, transform_indices = @transform_2, window_bounds = array<i64: 1, 1024>}, {transform_indices = @transform_3, window_bounds = array<i64: 512, 1024>}]} {
    %get3A = arith.constant 0 : index
    %get3A_0 = arith.constant 0 : index
    %get3A_1 = vector.load %arg1[%get3A, %get3A_0] : memref<512x128xf32, #tpu.memory_space<vmem>>, vector<512x128xf32>
    %get3A_2 = arith.constant 0 : index
    %get3A_3 = arith.constant 0 : index
    %get3A_4 = vector.load %arg2[%get3A_2, %get3A_3] : memref<128x1024xf32, #tpu.memory_space<vmem>>, vector<128x1024xf32>
    %dot_general3A = arith.constant dense<0.000000e+00> : vector<512x1024xf32>
    %dot_general3A_5 = tpu.matmul %get3A_1, %get3A_4, %dot_general3A {dimension_numbers = #tpu.dot_dimension_numbers<[1], [0], [0], [1], [0, 0, 1, 1], [], []>, transpose_lhs_hint = false} : vector<512x128xf32>, vector<128x1024xf32>, vector<512x1024xf32> -> vector<512x1024xf32>
    %get3A_6 = arith.constant 0 : index
    %get3A_7 = arith.constant 0 : index
    %get3A_8 = vector.load %arg3[%get3A_6, %get3A_7] : memref<1x1024xf32, #tpu.memory_space<vmem>>, vector<1x1024xf32>
    %add3A = vector.broadcast %get3A_8 : vector<1x1024xf32> to vector<512x1024xf32>
    %add3A_9 = arith.addf %dot_general3A_5, %add3A : vector<512x1024xf32>
    %swap3A = arith.constant 0 : index
    %swap3A_10 = arith.constant 0 : index
    %swap3A_11 = vector.load %arg4[%swap3A, %swap3A_10] : memref<512x1024xf32, #tpu.memory_space<vmem>>, vector<512x1024xf32>
    tpu.vector_store %arg4[%swap3A, %swap3A_10], %add3A_9 {strides = array<i32>} : memref<512x1024xf32, #tpu.memory_space<vmem>>, vector<512x1024xf32>,
    return
  }
  func.func @transform_0(%arg0: i32) -> (i32, i32) {
    %c0_i32 = arith.constant 0 : i32
    %c0_i32_0 = arith.constant 0 : i32
    return %arg0, %c0_i32 : i32, i32
  }
  func.func @transform_1(%arg0: i32) -> (i32, i32) {
    %c0_i32 = arith.constant 0 : i32
    %c0_i32_0 = arith.constant 0 : i32
    %c0_i32_1 = arith.constant 0 : i32
    return %c0_i32, %c0_i32_0 : i32, i32
  }
  func.func @transform_2(%arg0: i32) -> (i32, i32) {
    %c0_i32 = arith.constant 0 : i32
    %c0_i32_0 = arith.constant 0 : i32
    %c0_i32_1 = arith.constant 0 : i32
    return %c0_i32, %c0_i32_0 : i32, i32
  }
  func.func @transform_3(%arg0: i32) -> (i32, i32) {
    %c0_i32 = arith.constant 0 : i32
    %c0_i32_0 = arith.constant 0 : i32
    return %arg0, %c0_i32 : i32, i32
  }
}

module attributes {stable_mosaic.version = 14 : i64} {
  func.func @_post_body(%arg0: i32, %arg1: memref<2x1000x128xf32, #tpu.memory_space<vmem>>, %arg2: memref<2x1000x8xf32, #tpu.memory_space<vmem>>, %arg3: memref<1000x128xf32, #tpu.memory_space<vmem>>, %arg4: memref<8x128xf32, #tpu.memory_space<vmem>>, %arg5: memref<128x128xf32, #tpu.memory_space<vmem>>, %arg6: memref<1x128xf32, #tpu.memory_space<vmem>>, %arg7: memref<1x128xf32, #tpu.memory_space<vmem>>, %arg8: memref<1x128xf32, #tpu.memory_space<vmem>>, %arg9: memref<128x512xf32, #tpu.memory_space<vmem>>, %arg10: memref<1x512xf32, #tpu.memory_space<vmem>>, %arg11: memref<512x128xf32, #tpu.memory_space<vmem>>, %arg12: memref<1x128xf32, #tpu.memory_space<vmem>>, %arg13: memref<1000x128xf32, #tpu.memory_space<vmem>>) attributes {dimension_semantics = [#tpu.dimension_semantics<arbitrary>], iteration_bounds = array<i64: 10>, scalar_prefetch = 0 : i64, scratch_operands = 0 : i64, tpu.core_type = #tpu.core_type<tc>, window_params = [{transform_indices = @transform_0, window_bounds = array<i64: 2, 1000, 128>}, {transform_indices = @transform_1, window_bounds = array<i64: 2, 1000, 8>}, {transform_indices = @transform_2, window_bounds = array<i64: 1000, 128>}, {pipeline_mode = #tpu.pipeline_mode<synchronous>, transform_indices = @transform_3, window_bounds = array<i64: 8, 128>}, {pipeline_mode = #tpu.pipeline_mode<synchronous>, transform_indices = @transform_4, window_bounds = array<i64: 128, 128>}, {pipeline_mode = #tpu.pipeline_mode<synchronous>, transform_indices = @transform_5, window_bounds = array<i64: 1, 128>}, {pipeline_mode = #tpu.pipeline_mode<synchronous>, transform_indices = @transform_6, window_bounds = array<i64: 1, 128>}, {pipeline_mode = #tpu.pipeline_mode<synchronous>, transform_indices = @transform_7, window_bounds = array<i64: 1, 128>}, {pipeline_mode = #tpu.pipeline_mode<synchronous>, transform_indices = @transform_8, window_bounds = array<i64: 128, 512>}, {pipeline_mode = #tpu.pipeline_mode<synchronous>, transform_indices = @transform_9, window_bounds = array<i64: 1, 512>}, {pipeline_mode = #tpu.pipeline_mode<synchronous>, transform_indices = @transform_10, window_bounds = array<i64: 512, 128>}, {pipeline_mode = #tpu.pipeline_mode<synchronous>, transform_indices = @transform_11, window_bounds = array<i64: 1, 128>}, {transform_indices = @transform_12, window_bounds = array<i64: 1000, 128>}]} {
    %get3A = arith.constant 0 : index
    %get3A_0 = arith.constant 0 : index
    %get3A_1 = arith.constant 0 : index
    %get3A_2 = vector.load %arg1[%get3A, %get3A_0, %get3A_1] : memref<2x1000x128xf32, #tpu.memory_space<vmem>>, vector<1x1000x128xf32>
    %get3A_3 = vector.shape_cast %get3A_2 : vector<1x1000x128xf32> to vector<1000x128xf32>
    %get3A_4 = arith.constant 1 : index
    %get3A_5 = arith.constant 0 : index
    %get3A_6 = arith.constant 0 : index
    %get3A_7 = vector.load %arg1[%get3A_4, %get3A_5, %get3A_6] : memref<2x1000x128xf32, #tpu.memory_space<vmem>>, vector<1x1000x128xf32>
    %get3A_8 = vector.shape_cast %get3A_7 : vector<1x1000x128xf32> to vector<1000x128xf32>
    %add3A = arith.addf %get3A_3, %get3A_8 : vector<1000x128xf32>
    %get3A_9 = arith.constant 0 : index
    %get3A_10 = arith.constant 0 : index
    %get3A_11 = arith.constant 0 : index
    %get3A_12 = vector.load %arg2[%get3A_9, %get3A_10, %get3A_11] : memref<2x1000x8xf32, #tpu.memory_space<vmem>>, vector<1x1000x8xf32>
    %get3A_13 = vector.shape_cast %get3A_12 : vector<1x1000x8xf32> to vector<1000x8xf32>
    %get3A_14 = arith.constant 1 : index
    %get3A_15 = arith.constant 0 : index
    %get3A_16 = arith.constant 0 : index
    %get3A_17 = vector.load %arg2[%get3A_14, %get3A_15, %get3A_16] : memref<2x1000x8xf32, #tpu.memory_space<vmem>>, vector<1x1000x8xf32>
    %get3A_18 = vector.shape_cast %get3A_17 : vector<1x1000x8xf32> to vector<1000x8xf32>
    %add3A_19 = arith.addf %get3A_13, %get3A_18 : vector<1000x8xf32>
    %get3A_20 = arith.constant 0 : index
    %get3A_21 = arith.constant 0 : index
    %get3A_22 = vector.load %arg4[%get3A_20, %get3A_21] : memref<8x128xf32, #tpu.memory_space<vmem>>, vector<8x128xf32>
    %dot_general3A = arith.constant dense<0.000000e+00> : vector<1000x128xf32>
    %dot_general3A_23 = tpu.matmul %add3A_19, %get3A_22, %dot_general3A {dimension_numbers = #tpu.dot_dimension_numbers<[1], [0], [0], [1], [0, 0, 1, 1], [], []>, transpose_lhs_hint = false} : vector<1000x8xf32>, vector<8x128xf32>, vector<1000x128xf32> -> vector<1000x128xf32>
    %add3A_24 = arith.constant 1.000000e-16 : f32
    %add3A_25 = vector.broadcast %add3A_24 : f32 to vector<1000x128xf32>
    %add3A_26 = arith.addf %dot_general3A_23, %add3A_25 : vector<1000x128xf32>
    %div3A = arith.divf %add3A, %add3A_26 : vector<1000x128xf32>
    %get3A_27 = arith.constant 0 : index
    %get3A_28 = arith.constant 0 : index
    %get3A_29 = vector.load %arg3[%get3A_27, %get3A_28] : memref<1000x128xf32, #tpu.memory_space<vmem>>, vector<1000x128xf32>
    %get3A_30 = arith.constant 0 : index
    %get3A_31 = arith.constant 0 : index
    %get3A_32 = vector.load %arg5[%get3A_30, %get3A_31] : memref<128x128xf32, #tpu.memory_space<vmem>>, vector<128x128xf32>
    %dot_general3A_33 = arith.constant dense<0.000000e+00> : vector<1000x128xf32>
    %dot_general3A_34 = tpu.matmul %div3A, %get3A_32, %dot_general3A_33 {dimension_numbers = #tpu.dot_dimension_numbers<[1], [0], [0], [1], [0, 0, 1, 1], [], []>, transpose_lhs_hint = false} : vector<1000x128xf32>, vector<128x128xf32>, vector<1000x128xf32> -> vector<1000x128xf32>
    %add3A_35 = arith.addf %get3A_29, %dot_general3A_34 : vector<1000x128xf32>
    %get3A_36 = arith.constant 0 : index
    %get3A_37 = arith.constant 0 : index
    %get3A_38 = vector.load %arg6[%get3A_36, %get3A_37] : memref<1x128xf32, #tpu.memory_space<vmem>>, vector<1x128xf32>
    %add3A_39 = vector.broadcast %get3A_38 : vector<1x128xf32> to vector<1000x128xf32>
    %add3A_40 = arith.addf %add3A_35, %add3A_39 : vector<1000x128xf32>
    %get3A_41 = arith.constant 0 : index
    %get3A_42 = arith.constant 0 : index
    %get3A_43 = vector.load %arg7[%get3A_41, %get3A_42] : memref<1x128xf32, #tpu.memory_space<vmem>>, vector<1x128xf32>
    %get3A_44 = arith.constant 0 : index
    %get3A_45 = arith.constant 0 : index
    %get3A_46 = vector.load %arg8[%get3A_44, %get3A_45] : memref<1x128xf32, #tpu.memory_space<vmem>>, vector<1x128xf32>
    %reduce_sum3A = arith.constant dense<0.000000e+00> : vector<1000xf32>
    %reduce_sum3A_47 = vector.multi_reduction <add>, %add3A_40, %reduce_sum3A [1] : vector<1000x128xf32> to vector<1000xf32>
    %broadcast_in_dim3A = vector.shape_cast %reduce_sum3A_47 : vector<1000xf32> to vector<1000x1xf32>
    %div3A_48 = arith.constant 1.280000e+02 : f32
    %div3A_49 = vector.broadcast %div3A_48 : f32 to vector<1000x1xf32>
    %div3A_50 = arith.divf %broadcast_in_dim3A, %div3A_49 : vector<1000x1xf32>
    %sub3A = vector.broadcast %div3A_50 : vector<1000x1xf32> to vector<1000x128xf32>
    %sub3A_51 = arith.subf %add3A_40, %sub3A : vector<1000x128xf32>
    %integer_pow3A = arith.mulf %sub3A_51, %sub3A_51 : vector<1000x128xf32>
    %reduce_sum3A_52 = arith.constant dense<0.000000e+00> : vector<1000xf32>
    %reduce_sum3A_53 = vector.multi_reduction <add>, %integer_pow3A, %reduce_sum3A_52 [1] : vector<1000x128xf32> to vector<1000xf32>
    %broadcast_in_dim3A_54 = vector.shape_cast %reduce_sum3A_53 : vector<1000xf32> to vector<1000x1xf32>
    %div3A_55 = arith.constant 1.280000e+02 : f32
    %div3A_56 = vector.broadcast %div3A_55 : f32 to vector<1000x1xf32>
    %div3A_57 = arith.divf %broadcast_in_dim3A_54, %div3A_56 : vector<1000x1xf32>
    %sub3A_58 = vector.broadcast %div3A_50 : vector<1000x1xf32> to vector<1000x128xf32>
    %sub3A_59 = arith.subf %add3A_40, %sub3A_58 : vector<1000x128xf32>
    %add3A_60 = arith.constant 9.99999974E-6 : f32
    %add3A_61 = vector.broadcast %add3A_60 : f32 to vector<1000x1xf32>
    %add3A_62 = arith.addf %div3A_57, %add3A_61 : vector<1000x1xf32>
    %sqrt3A = math.sqrt %add3A_62 : vector<1000x1xf32>
    %div3A_63 = vector.broadcast %sqrt3A : vector<1000x1xf32> to vector<1000x128xf32>
    %div3A_64 = arith.divf %sub3A_59, %div3A_63 : vector<1000x128xf32>
    %mul3A = vector.broadcast %get3A_43 : vector<1x128xf32> to vector<1000x128xf32>
    %mul3A_65 = arith.mulf %div3A_64, %mul3A : vector<1000x128xf32>
    %add3A_66 = vector.broadcast %get3A_46 : vector<1x128xf32> to vector<1000x128xf32>
    %add3A_67 = arith.addf %mul3A_65, %add3A_66 : vector<1000x128xf32>
    %get3A_68 = arith.constant 0 : index
    %get3A_69 = arith.constant 0 : index
    %get3A_70 = vector.load %arg9[%get3A_68, %get3A_69] : memref<128x512xf32, #tpu.memory_space<vmem>>, vector<128x512xf32>
    %dot_general3A_71 = arith.constant dense<0.000000e+00> : vector<1000x512xf32>
    %dot_general3A_72 = tpu.matmul %add3A_67, %get3A_70, %dot_general3A_71 {dimension_numbers = #tpu.dot_dimension_numbers<[1], [0], [0], [1], [0, 0, 1, 1], [], []>, transpose_lhs_hint = false} : vector<1000x128xf32>, vector<128x512xf32>, vector<1000x512xf32> -> vector<1000x512xf32>
    %get3A_73 = arith.constant 0 : index
    %get3A_74 = arith.constant 0 : index
    %get3A_75 = vector.load %arg10[%get3A_73, %get3A_74] : memref<1x512xf32, #tpu.memory_space<vmem>>, vector<1x512xf32>
    %add3A_76 = vector.broadcast %get3A_75 : vector<1x512xf32> to vector<1000x512xf32>
    %add3A_77 = arith.addf %dot_general3A_72, %add3A_76 : vector<1000x512xf32>
    %integer_pow3A_78 = arith.mulf %add3A_77, %add3A_77 : vector<1000x512xf32>
    %integer_pow3A_79 = arith.mulf %add3A_77, %integer_pow3A_78 : vector<1000x512xf32>
    %mul3A_80 = arith.constant 4.471500e-02 : f32
    %mul3A_81 = vector.broadcast %mul3A_80 : f32 to vector<1000x512xf32>
    %mul3A_82 = arith.mulf %mul3A_81, %integer_pow3A_79 : vector<1000x512xf32>
    %add3A_83 = arith.addf %add3A_77, %mul3A_82 : vector<1000x512xf32>
    %mul3A_84 = arith.constant 0.797884583 : f32
    %mul3A_85 = vector.broadcast %mul3A_84 : f32 to vector<1000x512xf32>
    %mul3A_86 = arith.mulf %mul3A_85, %add3A_83 : vector<1000x512xf32>
    %tanh3A = math.tanh %mul3A_86 : vector<1000x512xf32>
    %add3A_87 = arith.constant 1.000000e+00 : f32
    %add3A_88 = vector.broadcast %add3A_87 : f32 to vector<1000x512xf32>
    %add3A_89 = arith.addf %add3A_88, %tanh3A : vector<1000x512xf32>
    %mul3A_90 = arith.constant 5.000000e-01 : f32
    %mul3A_91 = vector.broadcast %mul3A_90 : f32 to vector<1000x512xf32>
    %mul3A_92 = arith.mulf %mul3A_91, %add3A_89 : vector<1000x512xf32>
    %mul3A_93 = arith.mulf %add3A_77, %mul3A_92 : vector<1000x512xf32>
    %get3A_94 = arith.constant 0 : index
    %get3A_95 = arith.constant 0 : index
    %get3A_96 = vector.load %arg11[%get3A_94, %get3A_95] : memref<512x128xf32, #tpu.memory_space<vmem>>, vector<512x128xf32>
    %dot_general3A_97 = arith.constant dense<0.000000e+00> : vector<1000x128xf32>
    %dot_general3A_98 = tpu.matmul %mul3A_93, %get3A_96, %dot_general3A_97 {dimension_numbers = #tpu.dot_dimension_numbers<[1], [0], [0], [1], [0, 0, 1, 1], [], []>, transpose_lhs_hint = false} : vector<1000x512xf32>, vector<512x128xf32>, vector<1000x128xf32> -> vector<1000x128xf32>
    %get3A_99 = arith.constant 0 : index
    %get3A_100 = arith.constant 0 : index
    %get3A_101 = vector.load %arg12[%get3A_99, %get3A_100] : memref<1x128xf32, #tpu.memory_space<vmem>>, vector<1x128xf32>
    %add3A_102 = vector.broadcast %get3A_101 : vector<1x128xf32> to vector<1000x128xf32>
    %add3A_103 = arith.addf %dot_general3A_98, %add3A_102 : vector<1000x128xf32>
    %add3A_104 = arith.addf %add3A_40, %add3A_103 : vector<1000x128xf32>
    %swap3A = arith.constant 0 : index
    %swap3A_105 = arith.constant 0 : index
    %swap3A_106 = vector.load %arg13[%swap3A, %swap3A_105] : memref<1000x128xf32, #tpu.memory_space<vmem>>, vector<1000x128xf32>
    tpu.vector_store %arg13[%swap3A, %swap3A_105], %add3A_104 {strides = array<i32>} : memref<1000x128xf32, #tpu.memory_space<vmem>>, vector<1000x128xf32>,
    return
  }
  func.func @transform_0(%arg0: i32) -> (i32, i32, i32) {
    %c0_i32 = arith.constant 0 : i32
    %c0_i32_0 = arith.constant 0 : i32
    %c0_i32_1 = arith.constant 0 : i32
    return %c0_i32, %arg0, %c0_i32_0 : i32, i32, i32
  }
  func.func @transform_1(%arg0: i32) -> (i32, i32, i32) {
    %c0_i32 = arith.constant 0 : i32
    %c0_i32_0 = arith.constant 0 : i32
    %c0_i32_1 = arith.constant 0 : i32
    return %c0_i32, %arg0, %c0_i32_0 : i32, i32, i32
  }
  func.func @transform_2(%arg0: i32) -> (i32, i32) {
    %c0_i32 = arith.constant 0 : i32
    %c0_i32_0 = arith.constant 0 : i32
    return %arg0, %c0_i32 : i32, i32
  }
  func.func @transform_3(%arg0: i32) -> (i32, i32) {
    %c0_i32 = arith.constant 0 : i32
    %c0_i32_0 = arith.constant 0 : i32
    %c0_i32_1 = arith.constant 0 : i32
    return %c0_i32, %c0_i32_0 : i32, i32
  }
  func.func @transform_4(%arg0: i32) -> (i32, i32) {
    %c0_i32 = arith.constant 0 : i32
    %c0_i32_0 = arith.constant 0 : i32
    %c0_i32_1 = arith.constant 0 : i32
    return %c0_i32, %c0_i32_0 : i32, i32
  }
  func.func @transform_5(%arg0: i32) -> (i32, i32) {
    %c0_i32 = arith.constant 0 : i32
    %c0_i32_0 = arith.constant 0 : i32
    %c0_i32_1 = arith.constant 0 : i32
    return %c0_i32, %c0_i32_0 : i32, i32
  }
  func.func @transform_6(%arg0: i32) -> (i32, i32) {
    %c0_i32 = arith.constant 0 : i32
    %c0_i32_0 = arith.constant 0 : i32
    %c0_i32_1 = arith.constant 0 : i32
    return %c0_i32, %c0_i32_0 : i32, i32
  }
  func.func @transform_7(%arg0: i32) -> (i32, i32) {
    %c0_i32 = arith.constant 0 : i32
    %c0_i32_0 = arith.constant 0 : i32
    %c0_i32_1 = arith.constant 0 : i32
    return %c0_i32, %c0_i32_0 : i32, i32
  }
  func.func @transform_8(%arg0: i32) -> (i32, i32) {
    %c0_i32 = arith.constant 0 : i32
    %c0_i32_0 = arith.constant 0 : i32
    %c0_i32_1 = arith.constant 0 : i32
    return %c0_i32, %c0_i32_0 : i32, i32
  }
  func.func @transform_9(%arg0: i32) -> (i32, i32) {
    %c0_i32 = arith.constant 0 : i32
    %c0_i32_0 = arith.constant 0 : i32
    %c0_i32_1 = arith.constant 0 : i32
    return %c0_i32, %c0_i32_0 : i32, i32
  }
  func.func @transform_10(%arg0: i32) -> (i32, i32) {
    %c0_i32 = arith.constant 0 : i32
    %c0_i32_0 = arith.constant 0 : i32
    %c0_i32_1 = arith.constant 0 : i32
    return %c0_i32, %c0_i32_0 : i32, i32
  }
  func.func @transform_11(%arg0: i32) -> (i32, i32) {
    %c0_i32 = arith.constant 0 : i32
    %c0_i32_0 = arith.constant 0 : i32
    %c0_i32_1 = arith.constant 0 : i32
    return %c0_i32, %c0_i32_0 : i32, i32
  }
  func.func @transform_12(%arg0: i32) -> (i32, i32) {
    %c0_i32 = arith.constant 0 : i32
    %c0_i32_0 = arith.constant 0 : i32
    return %arg0, %c0_i32 : i32, i32
  }
}

</mosaic_0001>

<sc_bundles>
// kernel: kernel.6.cloned.1.call-start
scs
__scs_entry_jumppad:
0x0: {  	(pc) =	sbr.rel $0x88, $3  }
0x1: {  	(tag) =	ssettag $0x0;
	lr =	simm.s32 $0x1  }
0x2: {  	[smem:$0x3F87] =	sst lr;
	_ =	strace $0xD0000000  }
0x3: {  	_ = 	snop  }
0x4: {  	_ = 	snop  }
0x5: {  	_ = 	snop  }
0x6: {  	_ = 	snop  }
0x7: {  	_ = 	snop  }
__scs_overlays_trampoline_lowered:
0x8: {  	[smem:$0x3F96] =	sst s0  }
0x9: {  	[smem:$0x3F97] =	sst s1  }
0xa: {  	[smem:$0x3F98] =	sst s2  }
0xb: {  	[smem:$0x3F99] =	sst s3  }
0xc: {  	[smem:$0x3F9A] =	sst s4  }
0xd: {  	[smem:$0x3F9B] =	sst s5  }
0xe: {  	[smem:$0x3F9C] =	sst s6  }
0xf: {  	[smem:$0x3F9D] =	sst s7  }
0x10: {  	[smem:$0x3F9E] =	sst s8  }
0x11: {  	[smem:$0x3F9F] =	sst s9;
	s0 =	simm.s32 @!p0 $0x0  }
0x12: {  	s1 =	sld [smem:$0x3F85];
	s0 =	simm.s32 @p0 $0x1  }
0x13: {  	[smem:$0x3FA0] =	sst s0;
	s0 =	simm.s32 @!p1 $0x0  }
0x14: {  	s2 =	sld [smem:$0x3F84];
	s0 =	simm.s32 @p1 $0x1  }
0x15: {  	[smem:$0x3FA1] =	sst s0;
	s0 =	simm.s32 @!p2 $0x0  }
0x16: {  	s3 =	sld [smem:$0x3FDB];
	s0 =	simm.s32 @p2 $0x1  }
0x17: {  	s4 =	simm.s32 $0x1BF5;
	[smem:$0x3FA3] =	sst s0  }
0x18: {  	s0 =	sld [smem:$0x3F86];
	_ =	swait.ge [sflag:s4], $0x0  }
0x19: {  	s7 =	sld [smem:$0x3F87]  }
0x1a: {  	s8 =	sadd.s32 $0xFFFFE003, lr  }
0x1b: {  	s9 =	sadd.s32 $0xFFFFFEF7, lr;
	s5 =	simm.s32 $0xFFFFFFFF;
	p2 =	slt.u32 s8, $0xFFFFF086  }
0x1c: {  	p1 =	slt.u32 s9, $0xF7A;
	s5 =	simm.s32 @!p2 $0x0  }
0x1d: {  	s5 =	simm.s32 @p1 $0x1;
	p0 =	seq.s32 s7, s2  }
0x1e: {  	s7 =	smul.u32 @!p0 $0xF7A, s2;
	p2 =	seq.s32 @!p0 s5, $0x0  }
0x1f: {  	s9 =	smul.u32 $0xF7A, s1;
	s8 =	simm.s32 @!p0 $0x1BF5;
	p2 =	por !p2, p0  }
0x20: {  	[sflag:s8] =	ssyncset.s32 @!p0 $0xFFFFF086;
	s6 =	sadd.s32 @!p0 s3, s7;
	s7 =	simm.s32 @!p0 $0x108  }
0x21: {  	s3 =	sadd.s32 s3, s9;
	s6 =	sadd.s32 @!p0 $0x88, s6;
	s7 =	simm.s32 @p2 $0x1082  }
0x22: {  	[simem:s7], [sflag:s8] =	dma.local @!p0 [hbm:s6], $0xF7A  }
0x23: {  	s9 =	sor.u32 $0xD0000000, s2;
	s6 =	simm.s32 $0x108;
	_ =	swait.ge @!p0 [sflag:s8], $0x0  }
0x24: {  	s3 =	sadd.s32 $0x88, s3;
	s6 =	simm.s32 @!p1 $0x1082;
	[sflag:s4] =	ssyncset.s32 $0xFFFFF086  }
0x25: {  	[simem:s6], [sflag:s4] =	dma.local [hbm:s3], $0xF7A  }
0x26: {  	[smem:$0x3F87] =	sst s1;
	(tag) =	ssettag s2;
	_ =	strace s9  }
0x27: {  	s1 =	sld [smem:$0x3F97]  }
0x28: {  	s2 =	sld [smem:$0x3F98]  }
0x29: {  	s4 =	sld [smem:$0x3F9A]  }
0x2a: {  	p0 =	seq.s32 s5, $0x0;
	s5 =	sld [smem:$0x3F9B]  }
0x2b: {  	s6 =	sld [smem:$0x3F9C]  }
0x2c: {  	s7 =	sld [smem:$0x3F9D]  }
0x2d: {  	s3 =	simm.s32 $0x108;
	s8 =	sld [smem:$0x3F9E]  }
0x2e: {  	s3 =	simm.s32 @!p0 $0x1082;
	s9 =	sld [smem:$0x3F9F]  }
0x2f: {  	lr =	sadd.s32 s0, s3;
	s0 =	sld [smem:$0x3F96]  }
0x30: {  	s3 =	sld [smem:$0x3F99]  }
0x31: {  	[smem:$0x3FA2] =	sst s10  }
0x32: {  	s10 =	sld [smem:$0x3FA0];
	_ =	sdelay $0x3  }
0x33: {  	p0 =	seq.s32 s10, $0x1;
	s10 =	sld [smem:$0x3FA2];
	_ =	sdelay $0x3  }
0x34: {  	[smem:$0x3FA2] =	sst s10  }
0x35: {  	s10 =	sld [smem:$0x3FA1];
	_ =	sdelay $0x3  }
0x36: {  	p1 =	seq.s32 s10, $0x1;
	s10 =	sld [smem:$0x3FA2];
	_ =	sdelay $0x3  }
0x37: {  	[smem:$0x3FA2] =	sst s10  }
0x38: {  	s10 =	sld [smem:$0x3FA3]  }
0x39: {  	_ = 	snop;
	(pc) =	sbr.ind lr, $3  }
0x3a: {  	_ = 	snop  }
0x3b: {  	_ = 	snop  }
0x3c: {  	p2 =	seq.s32 s10, $0x1;
	s10 =	sld [smem:$0x3FA2]  }
0x3d: {  	_ =	shalt  }
0x3e: {  	_ =	shalt  }
0x3f: {  	_ =	shalt  }
0x40: {  	_ =	shalt  }
0x41: {  	_ =	shalt  }
0x42: {  	_ =	shalt  }
0x43: {  	_ =	shalt  }
0x44: {  	_ =	shalt  }
0x45: {  	_ =	shalt  }
0x46: {  	_ =	shalt  }
0x47: {  	_ =	shalt  }
0x48: {  	_ =	shalt  }
0x49: {  	_ =	shalt  }
0x4a: {  	_ =	shalt  }
0x4b: {  	_ =	shalt  }
0x4c: {  	_ =	shalt  }
0x4d: {  	_ =	shalt  }
0x4e: {  	_ =	shalt  }
0x4f: {  	_ =	shalt  }
0x50: {  	_ =	shalt  }
0x51: {  	_ =	shalt  }
0x52: {  	_ =	shalt  }
0x53: {  	_ =	shalt  }
0x54: {  	_ =	shalt  }
0x55: {  	_ =	shalt  }
0x56: {  	_ =	shalt  }
0x57: {  	_ =	shalt  }
0x58: {  	_ =	shalt  }
0x59: {  	_ =	shalt  }
0x5a: {  	_ =	shalt  }
0x5b: {  	_ =	shalt  }
0x5c: {  	_ =	shalt  }
0x5d: {  	_ =	shalt  }
0x5e: {  	_ =	shalt  }
0x5f: {  	_ =	shalt  }
0x60: {  	_ =	shalt  }
0x61: {  	_ =	shalt  }
0x62: {  	_ =	shalt  }
0x63: {  	_ =	shalt  }
0x64: {  	_ =	shalt  }
0x65: {  	_ =	shalt  }
0x66: {  	_ =	shalt  }
0x67: {  	_ =	shalt  }
0x68: {  	_ =	shalt  }
0x69: {  	_ =	shalt  }
0x6a: {  	_ =	shalt  }
0x6b: {  	_ =	shalt  }
0x6c: {  	_ =	shalt  }
0x6d: {  	_ =	shalt  }
0x6e: {  	_ =	shalt  }
0x6f: {  	_ =	shalt  }
0x70: {  	_ =	shalt  }
0x71: {  	_ =	shalt  }
0x72: {  	_ =	shalt  }
0x73: {  	_ =	shalt  }
0x74: {  	_ =	shalt  }
0x75: {  	_ =	shalt  }
0x76: {  	_ =	shalt  }
0x77: {  	_ =	shalt  }
0x78: {  	_ =	shalt  }
0x79: {  	_ =	shalt  }
0x7a: {  	_ =	shalt  }
0x7b: {  	_ =	shalt  }
0x7c: {  	_ =	shalt  }
0x7d: {  	_ =	shalt  }
0x7e: {  	_ =	shalt  }
0x7f: {  	_ =	shalt  }
0x80: {  	_ =	shalt  }
0x81: {  	_ =	shalt  }
0x82: {  	_ =	shalt  }
0x83: {  	_ =	shalt  }
0x84: {  	_ =	shalt  }
0x85: {  	_ =	shalt  }
0x86: {  	_ =	shalt  }
0x87: {  	_ =	shalt  }
.Lfunc_end0:
.L_simem_size_0:
called_computation_lowered:
.L_overlay_start_0:
0x88: {  	s2 =	sld [smem:$0x3FD9]  }
0x89: {  	s3 =	sld [smem:$0x3FFE];
	_ =	sdelay $0x1  }
0x8a: {  	s1 =	srdreg.scid  }
0x8b: {  	s0 =	sand.u32 $0x1, s1  }
0x8c: {  	s16 =	sshll.u32 s0, $0xA;
	s2 =	sadd.s32 s3, s2  }
0x8d: {  	s2 =	sadd.s32 s2, s16  }
0x8e: {  	[smem:$0x3FAE] =	sst s2  }
0x8f: {  	_ = 	snop  }
0x90: {  	(tm) =	ssettm $0x1  }
0x91: {  	s17 =	sld [smem:$0x3FFB];
	_ =	sdelay $0x3  }
0x92: {  	_ =	strace s17  }
0x93: {  	s2 =	sld [smem:$0x3FFC];
	_ =	sdelay $0x3  }
0x94: {  	_ =	strace s2  }
0x95: {  	s2 =	sld [smem:$0x3FFD];
	_ =	sdelay $0x3  }
0x96: {  	_ =	strace s2  }
0x97: {  	_ =	strace $0x8FFFFFFF  }
0x98: {  	s18 =	sld [smem:$0x3FDB];
	_ =	sdelay $0x1  }
0x99: {  	s19 =	simm.s32 $_scs_section_size  }
0x9a: {  	s4 =	simm.s32 $_size__tile_overlayer_lowered;
	s5 =	simm.s32 $_tile_overlayer_lowered  }
0x9b: {  	s22 =	simm.s32 $0x1BFF;
	s21 =	sshll.u32 s5, $0x1;
	s2 =	sadd.s32 s19, s18  }
0x9c: {  	s6 =	simm.s32 $0x0;
	s20 =	sshll.u32 s4, $0x1;
	s4 =	sadd.s32 s21, s2  }
0x9d: {  	[timem:s6], [sflag:s22] =	dma.local [hbm:s4], s20  }
0x9e: {  	_ =	swait.ge [sflag:s22], s20  }
0x9f: {  	s3 =	ssub.s32 $0x0, s20;
	[sflag:s22] =	ssyncset.done $0x0  }
0xa0: {  	[sflag:s22] =	ssyncadd.s32 s3;
	_ =	sdelay $0x1  }
0xa1: {  	s23 =	simm.s32 $0x1B8B  }
0xa2: {  	_ =	swait.ge [sflag:s23], $0x1  }
0xa3: {  	[sflag:s23] =	ssyncset.done $0x0  }
0xa4: {  	s25 =	simm.s32 $0x1B8E;
	s24 =	sld [smem:$0x3FFE];
	[sflag:s23] =	ssyncadd.s32 $0xFFFFFFFF  }
0xa5: {  	s26 =	simm.s32 $execute0_lowered;
	[smem:$0x3FD2] =	sst s25  }
0xa6: {  	s4 =	sshll.u32 s26, $0x1;
	_ =	strace $0x80000046;
	[dreg:$0x1] =	wrdreg $0xFFFFFFFF  }
0xa7: {  	s28 =	simm.s32 $_size_execute0_lowered;
	s2 =	sadd.s32 s2, s4;
	[dreg:$0x0] =	wrdreg $0x0  }
0xa8: {  	s4 =	sshll.u32 s28, $0x1;
	[dreg:$0x2] =	wrdreg s2  }
0xa9: {  	[dreg:$0x3] =	wrdreg s4  }
0xaa: {  	[dreg:$0x4] =	wrdreg $0xC0  }
0xab: {  	_ =	task [dreg:s6], $0x5FFFF  }
0xac: {  	[dreg:$0x1] =	wrdreg $0xFFFFFFFF  }
0xad: {  	[dreg:$0x0] =	wrdreg $0x60  }
0xae: {  	[dreg:$0x2] =	wrdreg s24  }
0xaf: {  	[dreg:$0x3] =	wrdreg $0x0  }
0xb0: {  	[dreg:$0x4] =	wrdreg $0x13C000  }
0xb1: {  	[dreg:$0x5] =	wrdreg $0x9  }
0xb2: {  	_ =	task.clear_ibuf [dreg:s6], $0x6FFFF;
	_ =	strace $0x90000046  }
0xb3: {  	s29 =	simm.s32 $0x9;
	_ =	strace $0x80000048  }
0xb4: {  	_ =	swait.ge [sflag:s29], $0x1  }
0xb5: {  	[sflag:s29] =	ssyncadd.s32 $0xFFFFFFFF  }
0xb6: {  	_ =	strace $0x90000048  }
0xb7: {  	_ =	sfence  }
0xb8: {  	s30 =	sld [smem:$0x0];
	_ =	sdelay $0x2  }
0xb9: {  	s31 =	sshll.u32 s1, $0xD;
	s1 =	sshrl.u32 s1, $0x2  }
0xba: {  	s3 =	sand.u32 $0x4000, s31;
	s1 =	sadd.s32 s1, s30  }
0xbb: {  	s0 =	sor.u32 s3, s0;
	s1 =	sshll.u32 s1, $0x11  }
0xbc: {  	s0 =	sor.u32 s1, s0  }
0xbd: {  	s0 =	sadd.s32 $0x8F2B, s0  }
0xbe: {  	[sflag:s0] =	ssyncadd.remote.s32 $0x1  }
0xbf: {  	_ =	sfence.sel $0xFFFF  }
0xc0: {  	[dreg:$0x0] =	wrdreg $0xFFFFFFFF;
	(pc) =	sbr.abs _section_cstart, $3  }
0xc1: {  	[dreg:$0x1] =	wrdreg $0xFFFFFFFF  }
0xc2: {  	_ =	task.clear_ibuf [dreg:s6], $0x2FFFF;
	_ =	strace $0x9FFFFFFF  }
0xc3: {  	(tm) =	ssettm $0x7FFFFFFF  }
tec
execute0_lowered:
.L_overlay_start_1:
0x0: {  	(tag) =	ssettag $0x1  }
0x1: {  	s0 =	rddreg [dreg:$0x0]  }
0x2: {  	s28 =	rddreg [dreg:$0x1]  }
0x3: {  	s31 =	rddreg [dreg:$0x2];
	s1 =	srdreg.scid  }
0x4: {  	s4 =	simm.s32 $0x0;
	s15 =	stileid.u32;
	s1 =	sand.u32 $0x1, s1  }
0x5: {  	[smem:$0x7FF] =	sst s4;
	s5 =	sadd.s32 $0x40000, s0;
	s9 =	smul.u32 $0x4F000, s15  }
0x6: {  	s6 =	sadd.s32 $0x2C400, s0;
	s10 =	sadd.s32 $0x49E00, s0;
	s12 =	smul.u32 $0x13C00, s15  }
0x7: {  	s14 =	smul.u32 $0x5000, s15;
	s2 =	sshll.u32 s1, $0x4;
	_ =	strace $0x80000047  }
0x8: {  	s11 =	ssub.s32 $0x2, s1;
	s16 =	smul.u32 $0x14000, s1;
	s2 =	sor.u32 s15, s2  }
0x9: {  	s13 =	sshrl.u32 s11, $0x1;
	s9 =	sshrl.u32 s9, $0x2;
	s3 =	sshll.u32 s2, $0x9  }
0xa: {  	s15 =	smul.u32 $0x1400, s15;
	s22 =	sshll.u32 s2, $0x2;
	[dreg:$0x4] =	wrdreg s3  }
0xb: {  	s21 =	sadd.s32 $0x13000, s12;
	s17 =	sadd.s32 s9, s28;
	[dreg:$0xa] =	wrdreg s22  }
0xc: {  	s23 =	sadd.s32 $0x13800, s12;
	s18 =	sadd.s32 s21, s28;
	[dreg:$0x5] =	wrdreg s17  }
0xd: {  	s14 =	sshrl.u32 s14, $0x2;
	s19 =	sadd.s32 s23, s28;
	[dreg:$0x6] =	wrdreg s18  }
0xe: {  	s11 =	ssub.s32 s11, s13;
	s20 =	sadd.s32 s14, s31;
	[dreg:$0x7] =	wrdreg s19  }
0xf: {  	s1 =	smul.u32 $0x13C000, s1;
	s11 =	smax.u32 s11, $0x1;
	[dreg:$0x8] =	wrdreg s20  }
0x10: {  	s24 =	sadd.s32 $0x1000, s15;
	s13 =	sadd.s32 s6, s22;
	[dreg:$0x16] =	wrdreg s11  }
0x11: {  	s9 =	sadd.s32 s15, s16;
	s15 =	sor.u32 $0x280, s22;
	[dreg:$0x18] =	wrdreg s13  }
0x12: {  	s16 =	sadd.s32 s16, s24;
	[dreg:$0x19] =	wrdreg s15;
	s11 =	sadd.s32 $0xA000, s17  }
0x13: {  	s14 =	sadd.s32 s24, s31;
	s13 =	sadd.s32 $0xC000, s17;
	[smem:$0x7F5] =	sst s11  }
0x14: {  	s25 =	sshrl.u32 s9, $0x3;
	s15 =	sadd.s32 $0xD000, s17;
	[smem:$0x7F7] =	sst s13  }
0x15: {  	s26 =	sshrl.u32 s16, $0x3;
	s2 =	sadd.s32 s10, s25;
	[smem:$0x7F8] =	sst s15  }
0x16: {  	s16 =	sadd.s32 s1, s21;
	s21 =	sadd.s32 s1, s23;
	[dreg:$0x9] =	wrdreg s14  }
0x17: {  	s1 =	sadd.s32 s12, s1;
	s12 =	sadd.s32 s5, s22;
	[dreg:$0xb] =	wrdreg s2  }
0x18: {  	s9 =	sadd.s32 s10, s26;
	s10 =	sor.u32 $0x80, s22;
	[dreg:$0x17] =	wrdreg s12  }
0x19: {  	s24 =	sshrl.u32 s16, $0x3;
	s16 =	sor.u32 $0x300, s22;
	[dreg:$0xc] =	wrdreg s9  }
0x1a: {  	s26 =	sor.u32 $0x100, s22;
	s22 =	sadd.s32 $0x1000, s17;
	[dreg:$0x1a] =	wrdreg s16  }
0x1b: {  	s8 =	sadd.s32 $0xA1800, s0;
	s12 =	sadd.s32 $0xB000, s17;
	[dreg:$0x1b] =	wrdreg s22  }
0x1c: {  	s25 =	sshrl.u32 s21, $0x3;
	s23 =	sadd.s32 s5, s10;
	[smem:$0x7F6] =	sst s12  }
0x1d: {  	s1 =	sshrl.u32 s1, $0x3;
	s2 =	sadd.s32 s6, s10;
	[dreg:$0xd] =	wrdreg s23  }
0x1e: {  	s21 =	sadd.s32 s1, s8;
	s1 =	sadd.s32 s6, s26;
	[dreg:$0xe] =	wrdreg s2  }
0x1f: {  	s3 =	sadd.s32 s3, s0;
	s10 =	sadd.s32 $0x595800, s0;
	[dreg:$0x13] =	wrdreg s1  }
0x20: {  	s9 =	sadd.s32 $0x591800, s3;
	s3 =	sadd.s32 $0x7000, s17;
	[dreg:$0x14] =	wrdreg s10  }
0x21: {  	s16 =	sadd.s32 $0xE000, s17;
	[smem:$0x7F2] =	sst s3  }
0x22: {  	s22 =	sadd.s32 $0xF000, s17;
	[smem:$0x7F9] =	sst s16  }
0x23: {  	[smem:$0x7FA] =	sst s22  }
0x24: {  	v1 =	vimm.s32 $0x76543210;
	s7 =	sadd.s32 $0x5200, s0;
	s2 =	sadd.s32 s8, s24;
	[dreg:$0x11] =	wrdreg s9  }
0x25: {  	v0 =	vimm.s32 $0xBA98FEDC;
	s23 =	sadd.s32 $0x53400, s0;
	s0 =	sadd.s32 $0x599800, s0;
	[dreg:$0xf] =	wrdreg s2  }
0x26: {  	v2 =	vimm.s32 $0xFEDCBA98;
	v4 =	vimm.s32 $0x32107654;
	s24 =	sadd.s32 $0x2000, s17;
	[dreg:$0x15] =	wrdreg s0  }
0x27: {  	v5 =	vimm.s32 $0xDCFE98BA;
	v6 =	vimm.s32 $0x54761032;
	s1 =	sadd.s32 $0x5000, s17;
	[dreg:$0x1c] =	wrdreg s24  }
0x28: {  	v7 =	vimm.s32 $0xEFCDAB89;
	v8 =	vimm.s32 $0x67452301;
	vm0 =	vmmov $0xffff;
	s10 =	sadd.s32 $0x9000, s17;
	[dreg:$0x1f] =	wrdreg s1  }
0x29: {  	v3 =	vunpack.c.l.s4.s8 v0;
	v0 =	vimm.f32 $0.0e+00;
	v4 =	vunpack.c.l.s4.s8 v4;
	s2 =	sadd.s32 s8, s25;
	[smem:$0x7F4] =	sst s10  }
0x2a: {  	v1 =	vunpack.c.l.s4.s8 v1;
	v5 =	vunpack.c.l.s4.s8 v5;
	v6 =	vunpack.c.l.s4.s8 v6;
	s8 =	sadd.s32 s5, s26;
	[dreg:$0x10] =	wrdreg s2  }
0x2b: {  	v7 =	vunpack.c.l.s4.s8 v7;
	v3 =	vunpack.c.0.s8.s32 v3;
	v4 =	vunpack.c.0.s8.s32 v4;
	s25 =	sadd.s32 $0x3000, s17;
	[dreg:$0x12] =	wrdreg s8  }
0x2c: {  	v8 =	vunpack.c.l.s4.s8 v8;
	v2 =	vunpack.c.l.s4.s8 v2;
	v5 =	vunpack.c.0.s8.s32 v5;
	s26 =	sadd.s32 $0x4000, s17;
	[dreg:$0x1d] =	wrdreg s25  }
0x2d: {  	s29 =	simm.s32 $0xE;
	v6 =	vunpack.c.0.s8.s32 v6;
	v9 =	vcombine.low v4, v3;
	v3 =	vunpack.c.0.s8.s32 v7;
	s24 =	sadd.s32 $0x10000, s17;
	[dreg:$0x1e] =	wrdreg s26  }
0x2e: {  	s30 =	simm.s32 $0x1D600;
	v4 =	vunpack.c.0.s8.s32 v8;
	v7 =	vlaneseq.u32;
	v8 =	vunpack.c.0.s8.s32 v2;
	s2 =	sadd.s32 $0x6000, s17;
	[smem:$0x7FB] =	sst s24  }
0x2f: {  	v6 =	vcombine.low v6, v5;
	v5 =	vunpack.c.0.s8.s32 v1;
	v2 =	vshrl.u32 v7, $0x3;
	s11 =	simm.s32 $0xD;
	s8 =	sadd.s32 $0x8000, s17;
	[smem:$0x7F1] =	sst s2  }
0x30: {  	v1 =	vand.u32 $0x7, v7;
	v10 =	vcombine.low v4, v3;
	v2 =	vmul.u32 $0x8, v2;
	s15 =	simm.s32 $0x4;
	s25 =	sadd.s32 $0x11000, s17;
	[smem:$0x7F3] =	sst s8  }
0x31: {  	v4 =	vand.u32 $0xF, v8;
	v3 =	vor.u32 $0x8, v7;
	v6 =	vand.u32 $0xF, v6;
	s1 =	simm.s32 $0x0;
	s26 =	sadd.s32 $0x12000, s17;
	[smem:$0x7FC] =	sst s25  }
0x32: {  	v4 =	vcombine.low v4, v5;
	v5 =	vand.u32 $0xF, v9;
	v7 =	vand.u32 $0xF, v10;
	s24 =	simm.s32 $0x20;
	[smem:$0x7FD] =	sst s26;
	s25 =	simm.s32 $0x19600  }
.LBB2_1:
0x33: {  	[smem:$0x7F0] =	sst s1;
	s1 =	simm.s32 $0x0;
	s2 =	simm.s32 $0x200  }
.LBB2_2:
0x34: {  	p0 =	sne.s32 s2, $0x3E00;
	[tilespmem:s1+$0x1D670] =	vst v0  }
0x35: {  	[tilespmem:s1+$0x19600] =	vst v0  }
0x36: {  	[tilespmem:s1+$0x1D600] =	vst v0  }
0x37: {  	[tilespmem:s1+$0x19610] =	vst v0  }
0x38: {  	[tilespmem:s1+$0x1D610] =	vst v0  }
0x39: {  	[tilespmem:s1+$0x19620] =	vst v0  }
0x3a: {  	[tilespmem:s1+$0x1D620] =	vst v0  }
0x3b: {  	[tilespmem:s1+$0x19630] =	vst v0  }
0x3c: {  	[tilespmem:s1+$0x1D630] =	vst v0  }
0x3d: {  	[tilespmem:s1+$0x19640] =	vst v0  }
0x3e: {  	[tilespmem:s1+$0x1D640] =	vst v0  }
.Ltmp0:
0x3f: {  	[tilespmem:s1+$0x19650] =	vst v0;
	(pc) =	sbr.rel @p0 .LBB2_2-.Ltmp0, $4  }
0x40: {  	[tilespmem:s1+$0x1D650] =	vst v0  }
0x41: {  	[tilespmem:s1+$0x19660] =	vst v0  }
0x42: {  	[tilespmem:s1+$0x1D660] =	vst v0  }
0x43: {  	[tilespmem:s1+$0x19670] =	vst v0;
	s1 =	sshra.s32 s2, $0x2;
	s2 =	sadd.s32 $0x200, s2  }
0x44: {  	[tilespmem:s1+$0x1D670] =	vst v0  }
0x45: {  	[tilespmem:s1+$0x19600] =	vst v0  }
0x46: {  	[tilespmem:s1+$0x1D600] =	vst v0  }
0x47: {  	[tilespmem:s1+$0x19610] =	vst v0  }
0x48: {  	[tilespmem:s1+$0x1D610] =	vst v0  }
0x49: {  	[tilespmem:s1+$0x19620] =	vst v0  }
0x4a: {  	[tilespmem:s1+$0x1D620] =	vst v0  }
0x4b: {  	[tilespmem:s1+$0x19630] =	vst v0  }
0x4c: {  	[tilespmem:s1+$0x1D630] =	vst v0  }
0x4d: {  	[tilespmem:s1+$0x19640] =	vst v0  }
0x4e: {  	[tilespmem:s1+$0x1D640] =	vst v0  }
0x4f: {  	[tilespmem:s1+$0x19650] =	vst v0  }
0x50: {  	[tilespmem:s1+$0x1D650] =	vst v0  }
0x51: {  	[tilespmem:s1+$0x19660] =	vst v0  }
0x52: {  	[tilespmem:s1+$0x1D660] =	vst v0  }
0x53: {  	[tilespmem:s1+$0x19670] =	vst v0  }
0x54: {  	[spmem:s17] =	stream.linear.scatter [tilespmem:s25], [sflag:$0xE], $0x1000, $0x38;
	[tilespmem:$0x1E600] =	vst v63  }
0x55: {  	_ =	swait.ge [sflag:s29], $0x1000  }
0x56: {  	[sflag:s29] =	ssyncset.done $0x0  }
0x57: {  	s0 =	rddreg [dreg:$0x1b];
	[sflag:s29] =	ssyncadd.s32 $0xFFFFF000  }
0x58: {  	[spmem:s0] =	stream.linear.scatter [tilespmem:s25], [sflag:$0xE], $0x1000, $0x38;
	[tilespmem:$0x1E600] =	vst v63  }
0x59: {  	_ =	swait.ge [sflag:s29], $0x1000  }
0x5a: {  	[sflag:s29] =	ssyncset.done $0x0  }
0x5b: {  	s2 =	rddreg [dreg:$0x1c];
	[sflag:s29] =	ssyncadd.s32 $0xFFFFF000  }
0x5c: {  	[spmem:s2] =	stream.linear.scatter [tilespmem:s25], [sflag:$0xE], $0x1000, $0x38;
	[tilespmem:$0x1E600] =	vst v63  }
0x5d: {  	_ =	swait.ge [sflag:s29], $0x1000  }
0x5e: {  	[sflag:s29] =	ssyncset.done $0x0  }
0x5f: {  	s3 =	rddreg [dreg:$0x1d];
	[sflag:s29] =	ssyncadd.s32 $0xFFFFF000  }
0x60: {  	[spmem:s3] =	stream.linear.scatter [tilespmem:s25], [sflag:$0xE], $0x1000, $0x38;
	[tilespmem:$0x1E600] =	vst v63  }
0x61: {  	_ =	swait.ge [sflag:s29], $0x1000  }
0x62: {  	[sflag:s29] =	ssyncset.done $0x0  }
0x63: {  	s8 =	rddreg [dreg:$0x1e];
	[sflag:s29] =	ssyncadd.s32 $0xFFFFF000  }
0x64: {  	[spmem:s8] =	stream.linear.scatter [tilespmem:s25], [sflag:$0xE], $0x1000, $0x38;
	[tilespmem:$0x1E600] =	vst v63  }
0x65: {  	_ =	swait.ge [sflag:s29], $0x1000  }
0x66: {  	[sflag:s29] =	ssyncset.done $0x0  }
0x67: {  	s10 =	rddreg [dreg:$0x1f];
	[sflag:s29] =	ssyncadd.s32 $0xFFFFF000  }
0x68: {  	[spmem:s10] =	stream.linear.scatter [tilespmem:s25], [sflag:$0xE], $0x1000, $0x38;
	[tilespmem:$0x1E600] =	vst v63  }
0x69: {  	_ =	swait.ge [sflag:s29], $0x1000  }
0x6a: {  	s12 =	sld [smem:$0x7F1]  }
0x6b: {  	[sflag:s29] =	ssyncset.done $0x0  }
0x6c: {  	[sflag:s29] =	ssyncadd.s32 $0xFFFFF000  }
0x6d: {  	[spmem:s12] =	stream.linear.scatter [tilespmem:s25], [sflag:$0xE], $0x1000, $0x38;
	[tilespmem:$0x1E600] =	vst v63  }
0x6e: {  	_ =	swait.ge [sflag:s29], $0x1000  }
0x6f: {  	s13 =	sld [smem:$0x7F2]  }
0x70: {  	[sflag:s29] =	ssyncset.done $0x0  }
0x71: {  	[sflag:s29] =	ssyncadd.s32 $0xFFFFF000  }
0x72: {  	[spmem:s13] =	stream.linear.scatter [tilespmem:s25], [sflag:$0xE], $0x1000, $0x38;
	[tilespmem:$0x1E600] =	vst v63  }
0x73: {  	_ =	swait.ge [sflag:s29], $0x1000  }
0x74: {  	s16 =	sld [smem:$0x7F3]  }
0x75: {  	[sflag:s29] =	ssyncset.done $0x0  }
0x76: {  	[sflag:s29] =	ssyncadd.s32 $0xFFFFF000  }
0x77: {  	[spmem:s16] =	stream.linear.scatter [tilespmem:s25], [sflag:$0xE], $0x1000, $0x38;
	[tilespmem:$0x1E600] =	vst v63  }
0x78: {  	_ =	swait.ge [sflag:s29], $0x1000  }
0x79: {  	s17 =	sld [smem:$0x7F4]  }
0x7a: {  	[sflag:s29] =	ssyncset.done $0x0  }
0x7b: {  	[sflag:s29] =	ssyncadd.s32 $0xFFFFF000  }
0x7c: {  	[spmem:s17] =	stream.linear.scatter [tilespmem:s25], [sflag:$0xE], $0x1000, $0x38;
	[tilespmem:$0x1E600] =	vst v63  }
0x7d: {  	_ =	swait.ge [sflag:s29], $0x1000  }
0x7e: {  	s22 =	sld [smem:$0x7F5]  }
0x7f: {  	[sflag:s29] =	ssyncset.done $0x0  }
0x80: {  	[sflag:s29] =	ssyncadd.s32 $0xFFFFF000  }
0x81: {  	[spmem:s22] =	stream.linear.scatter [tilespmem:s25], [sflag:$0xE], $0x1000, $0x38;
	[tilespmem:$0x1E600] =	vst v63  }
0x82: {  	_ =	swait.ge [sflag:s29], $0x1000  }
0x83: {  	s26 =	sld [smem:$0x7F6]  }
0x84: {  	[sflag:s29] =	ssyncset.done $0x0  }
0x85: {  	[sflag:s29] =	ssyncadd.s32 $0xFFFFF000  }
0x86: {  	[spmem:s26] =	stream.linear.scatter [tilespmem:s25], [sflag:$0xE], $0x1000, $0x38;
	[tilespmem:$0x1E600] =	vst v63  }
0x87: {  	_ =	swait.ge [sflag:s29], $0x1000  }
0x88: {  	s1 =	sld [smem:$0x7F7]  }
0x89: {  	[sflag:s29] =	ssyncset.done $0x0  }
0x8a: {  	[sflag:s29] =	ssyncadd.s32 $0xFFFFF000  }
0x8b: {  	[spmem:s1] =	stream.linear.scatter [tilespmem:s25], [sflag:$0xE], $0x1000, $0x38;
	[tilespmem:$0x1E600] =	vst v63  }
0x8c: {  	_ =	swait.ge [sflag:s29], $0x1000  }
0x8d: {  	s2 =	sld [smem:$0x7F8]  }
0x8e: {  	[sflag:s29] =	ssyncset.done $0x0  }
0x8f: {  	[sflag:s29] =	ssyncadd.s32 $0xFFFFF000  }
0x90: {  	[spmem:s2] =	stream.linear.scatter [tilespmem:s25], [sflag:$0xE], $0x1000, $0x38;
	[tilespmem:$0x1E600] =	vst v63  }
0x91: {  	_ =	swait.ge [sflag:s29], $0x1000  }
0x92: {  	s3 =	sld [smem:$0x7F9]  }
0x93: {  	[sflag:s29] =	ssyncset.done $0x0  }
0x94: {  	[sflag:s29] =	ssyncadd.s32 $0xFFFFF000  }
0x95: {  	[spmem:s3] =	stream.linear.scatter [tilespmem:s25], [sflag:$0xE], $0x1000, $0x38;
	[tilespmem:$0x1E600] =	vst v63  }
0x96: {  	_ =	swait.ge [sflag:s29], $0x1000  }
0x97: {  	s8 =	sld [smem:$0x7FA]  }
0x98: {  	[sflag:s29] =	ssyncset.done $0x0  }
0x99: {  	[sflag:s29] =	ssyncadd.s32 $0xFFFFF000  }
0x9a: {  	[spmem:s8] =	stream.linear.scatter [tilespmem:s25], [sflag:$0xE], $0x1000, $0x38;
	[tilespmem:$0x1E600] =	vst v63  }
0x9b: {  	_ =	swait.ge [sflag:s29], $0x1000  }
0x9c: {  	s10 =	sld [smem:$0x7FB]  }
0x9d: {  	[sflag:s29] =	ssyncset.done $0x0  }
0x9e: {  	[sflag:s29] =	ssyncadd.s32 $0xFFFFF000  }
0x9f: {  	[spmem:s10] =	stream.linear.scatter [tilespmem:s25], [sflag:$0xE], $0x1000, $0x38;
	[tilespmem:$0x1E600] =	vst v63  }
0xa0: {  	_ =	swait.ge [sflag:s29], $0x1000  }
0xa1: {  	s12 =	sld [smem:$0x7FC]  }
0xa2: {  	[sflag:s29] =	ssyncset.done $0x0  }
0xa3: {  	[sflag:s29] =	ssyncadd.s32 $0xFFFFF000  }
0xa4: {  	[spmem:s12] =	stream.linear.scatter [tilespmem:s25], [sflag:$0xE], $0x1000, $0x38;
	[tilespmem:$0x1E600] =	vst v63  }
0xa5: {  	_ =	swait.ge [sflag:s29], $0x1000  }
0xa6: {  	s13 =	sld [smem:$0x7FD]  }
0xa7: {  	[sflag:s29] =	ssyncset.done $0x0  }
0xa8: {  	[sflag:s29] =	ssyncadd.s32 $0xFFFFF000  }
0xa9: {  	[spmem:s13] =	stream.linear.scatter [tilespmem:s25], [sflag:$0xE], $0x1000, $0x38;
	[tilespmem:$0x1E600] =	vst v63  }
0xaa: {  	_ =	swait.ge [sflag:s29], $0x1000  }
0xab: {  	[sflag:s29] =	ssyncset.done $0x0  }
0xac: {  	[sflag:s29] =	ssyncadd.s32 $0xFFFFF000  }
0xad: {  	[spmem:s18] =	stream.linear.scatter [tilespmem:s25], [sflag:$0xE], $0x800, $0x38;
	[tilespmem:$0x1E600] =	vst v63  }
0xae: {  	_ =	swait.ge [sflag:s29], $0x800  }
0xaf: {  	[sflag:s29] =	ssyncset.done $0x0  }
0xb0: {  	[sflag:s29] =	ssyncadd.s32 $0xFFFFF800  }
0xb1: {  	[spmem:s19] =	stream.linear.scatter [tilespmem:s25], [sflag:$0xE], $0x400, $0x38;
	[tilespmem:$0x1E600] =	vst v63  }
0xb2: {  	_ =	swait.ge [sflag:s29], $0x400  }
0xb3: {  	[sflag:s29] =	ssyncset.done $0x0  }
0xb4: {  	[sflag:s29] =	ssyncadd.s32 $0xFFFFFC00  }
0xb5: {  	[spmem:s20] =	stream.linear.scatter [tilespmem:s30], [sflag:$0xE], $0x1000, $0x38;
	[tilespmem:$0x1E600] =	vst v63  }
0xb6: {  	_ =	swait.ge [sflag:s29], $0x1000  }
0xb7: {  	[sflag:s29] =	ssyncset.done $0x0  }
0xb8: {  	[sflag:s29] =	ssyncadd.s32 $0xFFFFF000  }
0xb9: {  	[spmem:s14] =	stream.linear.scatter [tilespmem:s30], [sflag:$0xE], $0x400, $0x38;
	[tilespmem:$0x1E600] =	vst v63  }
0xba: {  	_ =	swait.ge [sflag:s29], $0x400  }
0xbb: {  	[sflag:s29] =	ssyncset.done $0x0  }
0xbc: {  	[sflag:s29] =	ssyncadd.s32 $0xFFFFFC00  }
0xbd: {  	[bflag:$0x0] =	sbarrier.arrive $0xFFFF  }
0xbe: {  	s16 =	simm.s32 $0x15000;
	s26 =	simm.s32 $0x0;
	s14 =	rddreg [dreg:$0x17]  }
0xbf: {  	[tilespmem:s16], [sflag:$0xE] =	stream.linear.gather [hbm4b:s14+s26], $0x20, $0x38;
	[tilespmem:$0x1E600] =	vst v63  }
0xc0: {  	_ =	swait.ge [sflag:s29], $0x20  }
0xc1: {  	[sflag:s29] =	ssyncset.done $0x0  }
0xc2: {  	s18 =	simm.s32 $0x15200;
	s17 =	rddreg [dreg:$0x18];
	[sflag:s29] =	ssyncadd.s32 $0xFFFFFFE0  }
0xc3: {  	[tilespmem:s18], [sflag:$0xE] =	stream.linear.gather [hbm4b:s17+s26], $0x20, $0x38;
	[tilespmem:$0x1E600] =	vst v63  }
0xc4: {  	_ =	swait.ge [sflag:s29], $0x20  }
0xc5: {  	[sflag:s29] =	ssyncset.done $0x0  }
0xc6: {  	s2 =	simm.s32 $0x15080;
	s19 =	rddreg [dreg:$0xd];
	[sflag:s29] =	ssyncadd.s32 $0xFFFFFFE0  }
0xc7: {  	[tilespmem:s2], [sflag:$0xE] =	stream.linear.gather [hbm4b:s19+s26], $0x20, $0x38;
	[tilespmem:$0x1E600] =	vst v63  }
0xc8: {  	_ =	swait.ge [sflag:s29], $0x20  }
0xc9: {  	[sflag:s29] =	ssyncset.done $0x0  }
0xca: {  	s2 =	simm.s32 $0x15280;
	s20 =	rddreg [dreg:$0xe];
	[sflag:s29] =	ssyncadd.s32 $0xFFFFFFE0  }
0xcb: {  	[tilespmem:s2], [sflag:$0xE] =	stream.linear.gather [hbm4b:s20+s26], $0x20, $0x38;
	[tilespmem:$0x1E600] =	vst v63  }
0xcc: {  	_ =	swait.ge [sflag:s29], $0x20  }
0xcd: {  	[sflag:s29] =	ssyncset.done $0x0  }
0xce: {  	s3 =	simm.s32 $0x15100;
	s22 =	rddreg [dreg:$0x12];
	[sflag:s29] =	ssyncadd.s32 $0xFFFFFFE0  }
0xcf: {  	[tilespmem:s3], [sflag:$0x3] =	stream.linear.gather [hbm4b:s22+s26], $0x20, $0x38;
	[tilespmem:$0x1E600] =	vst v63  }
0xd0: {  	s8 =	simm.s32 $0x15300;
	s3 =	rddreg [dreg:$0x13]  }
0xd1: {  	[tilespmem:s8], [sflag:$0x3] =	stream.linear.gather [hbm4b:s3+s26], $0x20, $0x38;
	[tilespmem:$0x1E600] =	vst v63  }
0xd2: {  	v8 =	vld [tilespmem:$0x15000];
	_ =	sdelay $0x4  }
0xd3: {  	v9 =	vshll.u32 v8, $0x1  }
0xd4: {  	v8 =	vand.u32 $0x7, v8;
	v9 =	vand.u32 $0xFFFFFFF0, v9  }
0xd5: {  	v8 =	vor.u32 v8, v9  }
0xd6: {  	v9 =	vperm.xlane v8, v1;
	_ =	sdelay $0x1  }
0xd7: {  	v8 =	vperm.xlane v8, v3;
	v9 =	vadd.s32 v2, v9;
	_ =	sdelay $0x1  }
0xd8: {  	v8 =	vadd.s32 v2, v8;
	_ =	sdelay $0x1  }
0xd9: {  	s10 =	simm.s32 $0x15600  }
0xda: {  	[tilespmem:s10], [sflag:$0x5] =	stream.indirect_vreg.gather [hbm4b:s23+s26], $0x80, v9, vm0, $0xb8;
	[tilespmem:$0x1E600] =	vst v63  }
0xdb: {  	s12 =	simm.s32 $0x15E00  }
0xdc: {  	[tilespmem:s12], [sflag:$0x5] =	stream.indirect_vreg.gather [hbm4b:s23+s26], $0x80, v8, vm0, $0xb8;
	[tilespmem:$0x1E600] =	vst v63  }
0xdd: {  	v8 =	vld [tilespmem:$0x15010];
	_ =	sdelay $0x4  }
0xde: {  	v61 =	vshll.u32 v8, $0x1  }
0xdf: {  	v8 =	vand.u32 $0x7, v8;
	v9 =	vand.u32 $0xFFFFFFF0, v61  }
0xe0: {  	v8 =	vor.u32 v8, v9  }
0xe1: {  	v9 =	vperm.xlane v8, v1;
	_ =	sdelay $0x1  }
0xe2: {  	v8 =	vperm.xlane v8, v3;
	v9 =	vadd.s32 v2, v9;
	_ =	sdelay $0x1  }
0xe3: {  	v8 =	vadd.s32 v2, v8;
	_ =	sdelay $0x1  }
0xe4: {  	s13 =	simm.s32 $0x16600  }
0xe5: {  	[tilespmem:s13], [sflag:$0x5] =	stream.indirect_vreg.gather [hbm4b:s23+s26], $0x80, v9, vm0, $0xb8;
	[tilespmem:$0x1E600] =	vst v63  }
0xe6: {  	s14 =	simm.s32 $0x16E00  }
0xe7: {  	[tilespmem:s14], [sflag:$0x5] =	stream.indirect_vreg.gather [hbm4b:s23+s26], $0x80, v8, vm0, $0xb8;
	[tilespmem:$0x1E600] =	vst v63  }
0xe8: {  	_ = 	snop  }
0xe9: {  	[tilespmem:s25], [sflag:$0x7] =	stream.indirect.gather [hbm4b:s7+s24], $0x80, s18, s24, $0xb8;
	[tilespmem:$0x1E600] =	vst v63  }
0xea: {  	s16 =	simm.s32 $0x1B600  }
0xeb: {  	[tilespmem:s16], [sflag:$0x9] =	stream.linear.gather [hbm4b:s9+s26], $0x1000, $0x38;
	[tilespmem:$0x1E600] =	vst v63  }
0xec: {  	v8 =	vld [tilespmem:$0x15080];
	_ =	sdelay $0x4  }
0xed: {  	v62 =	vshll.u32 v8, $0x1  }
0xee: {  	v8 =	vand.u32 $0x7, v8;
	v9 =	vand.u32 $0xFFFFFFF0, v62  }
0xef: {  	v8 =	vor.u32 v8, v9  }
0xf0: {  	v9 =	vperm.xlane v8, v1;
	_ =	sdelay $0x1  }
0xf1: {  	v8 =	vperm.xlane v8, v3;
	v9 =	vadd.s32 v2, v9;
	_ =	sdelay $0x1  }
0xf2: {  	v8 =	vadd.s32 v2, v8;
	_ =	sdelay $0x1  }
0xf3: {  	s17 =	simm.s32 $0x17600  }
0xf4: {  	[tilespmem:s17], [sflag:$0x6] =	stream.indirect_vreg.gather [hbm4b:s23+s26], $0x80, v9, vm0, $0xb8;
	[tilespmem:$0x1E600] =	vst v63  }
0xf5: {  	s18 =	simm.s32 $0x17E00  }
0xf6: {  	[tilespmem:s18], [sflag:$0x6] =	stream.indirect_vreg.gather [hbm4b:s23+s26], $0x80, v8, vm0, $0xb8;
	[tilespmem:$0x1E600] =	vst v63  }
0xf7: {  	v8 =	vld [tilespmem:$0x15090];
	_ =	sdelay $0x4  }
0xf8: {  	v63 =	vshll.u32 v8, $0x1  }
0xf9: {  	v8 =	vand.u32 $0x7, v8;
	v9 =	vand.u32 $0xFFFFFFF0, v63  }
0xfa: {  	v8 =	vor.u32 v8, v9  }
0xfb: {  	v9 =	vperm.xlane v8, v1;
	_ =	sdelay $0x1  }
0xfc: {  	v8 =	vperm.xlane v8, v3;
	v9 =	vadd.s32 v2, v9;
	_ =	sdelay $0x1  }
0xfd: {  	v8 =	vadd.s32 v2, v8;
	_ =	sdelay $0x1  }
0xfe: {  	s19 =	simm.s32 $0x18600  }
0xff: {  	[tilespmem:s19], [sflag:$0x6] =	stream.indirect_vreg.gather [hbm4b:s23+s26], $0x80, v9, vm0, $0xb8;
	[tilespmem:$0x1E600] =	vst v63  }
0x100: {  	s20 =	simm.s32 $0x18E00  }
0x101: {  	[tilespmem:s20], [sflag:$0x6] =	stream.indirect_vreg.gather [hbm4b:s23+s26], $0x80, v8, vm0, $0xb8;
	[tilespmem:$0x1E600] =	vst v63  }
0x102: {  	s22 =	simm.s32 $0x1A600  }
0x103: {  	[tilespmem:s22], [sflag:$0x8] =	stream.indirect.gather [hbm4b:s7+s24], $0x80, s2, s24, $0xb8;
	[tilespmem:$0x1E600] =	vst v63  }
0x104: {  	v8 =	vld [tilespmem:$0x15200]  }
0x105: {  	v9 =	vld [tilespmem:$0x15210];
	_ =	sdelay $0x3  }
0x106: {  	[tilespmem:$0x15400] =	vst v8  }
0x107: {  	v8 =	vshrl.u32 v8, $0x4;
	[tilespmem:$0x15410] =	vst v9  }
0x108: {  	[tilespmem:$0x15500] =	vst v8;
	v8 =	vshrl.u32 v9, $0x4  }
0x109: {  	[tilespmem:$0x15510] =	vst v8  }
.LBB2_4:
0x10a: {  	s0 =	simm.s32 $0x5  }
0x10b: {  	_ =	swait.ge [sflag:s0], $0x2000  }
0x10c: {  	[sflag:s0] =	ssyncset.done $0x0  }
0x10d: {  	s22 =	simm.s32 $0x7;
	[sflag:s0] =	ssyncadd.s32 $0xFFFFE000  }
0x10e: {  	_ =	swait.ge [sflag:s22], $0x1000  }
0x10f: {  	[sflag:s22] =	ssyncset.done $0x0  }
0x110: {  	s9 =	smov.u32 s31;
	s31 =	simm.s32 $0x9;
	[sflag:s22] =	ssyncadd.s32 $0xFFFFF000  }
0x111: {  	_ =	swait.ge [sflag:s31], $0x1000  }
0x112: {  	p0 =	seq.s32 s26, $0x0;
	[sflag:s31] =	ssyncset.done $0x0  }
0x113: {  	s1 =	simm.s32 @!p0 $0xD;
	[sflag:s31] =	ssyncadd.s32 $0xFFFFF000  }
0x114: {  	_ =	swait.ge @!p0 [sflag:s1], $0x1000  }
0x115: {  	s12 =	sshll.u32 s26, $0x2;
	[sflag:s1] =	ssyncset.done @!p0 $0x0  }
0x116: {  	s2 =	simm.s32 $0x200;
	[sflag:s1] =	ssyncadd.s32 @!p0 $0xFFFFF000;
	s1 =	simm.s32 $0x0  }
.LBB2_5:
0x117: {  	p1 =	sne.s32 s2, $0x3E00;
	[tilespmem:s1+$0x1D670] =	vst v0  }
0x118: {  	[tilespmem:s1+$0x1D600] =	vst v0  }
0x119: {  	[tilespmem:s1+$0x1D610] =	vst v0  }
.Ltmp1:
0x11a: {  	[tilespmem:s1+$0x1D620] =	vst v0;
	(pc) =	sbr.rel @p1 .LBB2_5-.Ltmp1, $4  }
0x11b: {  	[tilespmem:s1+$0x1D630] =	vst v0  }
0x11c: {  	[tilespmem:s1+$0x1D640] =	vst v0  }
0x11d: {  	[tilespmem:s1+$0x1D650] =	vst v0  }
0x11e: {  	[tilespmem:s1+$0x1D660] =	vst v0;
	s1 =	sshra.s32 s2, $0x2;
	s2 =	sadd.s32 $0x200, s2  }
0x11f: {  	[tilespmem:s1+$0x1D670] =	vst v0  }
0x120: {  	[tilespmem:s1+$0x1D600] =	vst v0  }
0x121: {  	[tilespmem:s1+$0x1D610] =	vst v0  }
0x122: {  	[tilespmem:s1+$0x1D620] =	vst v0  }
0x123: {  	[tilespmem:s1+$0x1D630] =	vst v0  }
0x124: {  	[tilespmem:s1+$0x1D640] =	vst v0  }
0x125: {  	[tilespmem:s1+$0x1D650] =	vst v0  }
0x126: {  	[tilespmem:s1+$0x1D660] =	vst v0;
	s14 =	simm.s32 $0x1B640  }
0x127: {  	v8 =	vld [tilespmem:s14+$0xFFFFFFF0]  }
0x128: {  	v9 =	vld [tilespmem:s14+$0xFFFFFFC0]  }
0x129: {  	v10 =	vld [tilespmem:s14+$0xFFFFFFE0]  }
0x12a: {  	v11 =	vld [tilespmem:s14+$0x0]  }
0x12b: {  	s19 =	simm.s32 $0x19640;
	v12 =	vld [tilespmem:s14+$0xFFFFFFD0]  }
0x12c: {  	v16 =	vld [tilespmem:s19+$0xFFFFFFF0]  }
0x12d: {  	s10 =	simm.s32 $0x0;
	v15 =	vld [tilespmem:s19+$0xFFFFFFC0]  }
0x12e: {  	s31 =	sand.u32 $0x1800, s10;
	s2 =	sand.u32 $0x380, s10;
	v17 =	vld [tilespmem:s19+$0xFFFFFFE0]  }
0x12f: {  	v21 =	vld [tilespmem:s19+$0x0];
	s2 =	sor.u32 s2, s31  }
0x130: {  	s1 =	sadd.s32 $0x15600, s2;
	v14 =	vld [tilespmem:s2+$0x15600]  }
0x131: {  	v18 =	vld [tilespmem:s1+$0x30]  }
0x132: {  	v19 =	vld [tilespmem:s1+$0x20]  }
0x133: {  	v13 =	vld [tilespmem:s1+$0x40]  }
0x134: {  	v20 =	vld [tilespmem:s1+$0x10]  }
0x135: {  	v24 =	vld [tilespmem:s19+$0xFFFFFFD0];
	v14 =	vadd.f32 v9, v14  }
0x136: {  	v25 =	vld [tilespmem:s1+$0x50];
	v18 =	vadd.f32 v8, v18  }
0x137: {  	v19 =	vadd.f32 v10, v19;
	v26 =	vmul.f32 v14, v15;
	v14 =	vld [tilespmem:s14+$0x10]  }
0x138: {  	v22 =	vld [tilespmem:s19+$0x10];
	v13 =	vadd.f32 v11, v13;
	v16 =	vmul.f32 v18, v16  }
0x139: {  	v15 =	vld [tilespmem:s14+$0x20];
	v18 =	vadd.f32 v12, v20;
	v29 =	vmul.f32 v19, v17;
	v27 =	vperm.xlane v26, v4  }
0x13a: {  	v23 =	vmul.f32 v13, v21;
	v20 =	vld [tilespmem:s1+$0x60];
	v17 =	vperm.xlane v16, v4  }
0x13b: {  	v13 =	vld [tilespmem:s14+$0x30];
	v18 =	vmul.f32 v18, v24;
	v24 =	vperm.xlane v29, v4;
	v21 =	vadd.f32 v27, v26  }
0x13c: {  	s3 =	simm.s32 $0x1;
	s20 =	simm.s32 $0x196C0;
	v19 =	vld [tilespmem:s19+$0x20];
	v28 =	vperm.xlane v23, v4;
	v27 =	vadd.f32 v14, v25;
	v16 =	vadd.f32 v17, v16  }
0x13d: {  	s22 =	simm.s32 $0x0;
	s13 =	simm.s32 $0x0;
	s2 =	simm.s32 $0x1B640;
	v17 =	vld [tilespmem:s1+$0x70];
	v25 =	vperm.xlane v18, v4;
	v24 =	vadd.f32 v24, v29;
	v26 =	vperm.xlane v21, v5  }
.LBB2_7:
0x13e: {  	v22 =	vmul.f32 v27, v22;
	v23 =	vadd.f32 v28, v23;
	v27 =	vperm.xlane v16, v5;
	s10 =	sadd.s32 $0x100, s10;
	s22 =	sadd.s32 $0x80, s22;
	s14 =	sadd.s32 $0x80, s14  }
0x13f: {  	p1 =	sne.s32 s3, $0x1F;
	s18 =	smov.u32 s3;
	s3 =	sadd.s32 $0x1, s3;
	v20 =	vadd.f32 v15, v20;
	v21 =	vadd.f32 v26, v21;
	v26 =	vperm.xlane v24, v5  }
0x140: {  	v18 =	vadd.f32 v25, v18;
	v25 =	vperm.xlane v22, v4;
	v28 =	vperm.xlane v23, v5  }
0x141: {  	v19 =	vmul.f32 v20, v19;
	v20 =	vadd.f32 v26, v24  }
0x142: {  	v26 =	vperm.xlane v18, v5;
	v24 =	vld [tilespmem:s19+$0x30];
	v23 =	vadd.f32 v28, v23;
	v28 =	vperm.xlane v21, v6;
	s19 =	smov.u32 s20  }
0x143: {  	v29 =	vmov s13;
	v22 =	vadd.f32 v25, v22;
	v25 =	vperm.xlane v20, v6  }
0x144: {  	v17 =	vadd.f32 v13, v17;
	v18 =	vadd.f32 v26, v18;
	v26 =	vperm.xlane v23, v6  }
0x145: {  	v30 =	vperm.xlane v19, v4;
	v21 =	vadd.f32 v28, v21;
	v20 =	vadd.f32 v25, v20  }
0x146: {  	v25 =	vperm.xlane v22, v5;
	v28 =	vperm.xlane v18, v6;
	v23 =	vadd.f32 v26, v23  }
0x147: {  	v19 =	vadd.f32 v30, v19;
	v17 =	vmul.f32 v17, v24;
	v24 =	vperm.xlane v20, v7  }
0x148: {  	v16 =	vadd.f32 v27, v16;
	v22 =	vadd.f32 v25, v22;
	v25 =	vperm.xlane v23, v7  }
0x149: {  	v27 =	vperm.xlane v21, v7;
	v26 =	vperm.xlane v19, v5;
	v18 =	vadd.f32 v28, v18  }
0x14a: {  	v28 =	vperm.xlane v16, v6;
	v30 =	vperm.xlane v22, v6;
	v20 =	vadd.f32 v24, v20  }
0x14b: {  	v24 =	vperm.xlane v17, v4;
	v19 =	vadd.f32 v26, v19;
	v26 =	vperm.xlane v18, v7  }
0x14c: {  	s8 =	sand.u32 $0x10, s13;
	v16 =	vadd.f32 v28, v16;
	v22 =	vadd.f32 v30, v22;
	v20 =	vmul.f32 $1.442695020e+00, v20  }
0x14d: {  	v21 =	vadd.f32 v27, v21;
	v17 =	vadd.f32 v24, v17;
	v24 =	vperm.xlane v19, v6;
	v28 =	vld [tilespmem:s8+$0x15200]  }
0x14e: {  	v18 =	vadd.f32 v26, v18;
	v26 =	vperm.xlane v16, v7;
	v27 =	vperm.xlane v22, v7  }
0x14f: {  	v21 =	vmul.f32 $1.442695020e+00, v21;
	v30 =	vperm.xlane v17, v5;
	v19 =	vadd.f32 v24, v19  }
0x150: {  	v16 =	vadd.f32 v26, v16;
	v18 =	vmul.f32 $1.442695020e+00, v18;
	v22 =	vadd.f32 v27, v22  }
0x151: {  	v17 =	vadd.f32 v30, v17;
	v24 =	vperm.xlane v19, v7;
	(erf) = vpow2.f32 v21  }
0x152: {  	v23 =	vadd.f32 v25, v23;
	v22 =	vmul.f32 $1.442695020e+00, v22;
	v21 =	vperm.xlane v28, v29  }
0x153: {  	s17 =	sand.u32 $0x380, s22;
	s8 =	sand.u32 $0x1800, s10;
	v26 =	vperm.xlane v17, v6;
	v19 =	vadd.f32 v24, v19;
	v25 =	vld [tilespmem:s1+$0x470];
	(erf) = vpow2.f32 v20  }
0x154: {  	v23 =	vmul.f32 $1.442695020e+00, v23;
	s17 =	sor.u32 s17, s8;
	v20 =	vshll.u32 v21, $0x3;
	v21 =	vld [tilespmem:s1+$0x460];
	(erf) = vpow2.f32 v22  }
0x155: {  	s31 =	sshll.u32 s13, $0x7;
	s13 =	smov.u32 s18;
	s8 =	sadd.s32 $0x15600, s17;
	v17 =	vadd.f32 v26, v17;
	v19 =	vmul.f32 $1.442695020e+00, v19;
	v20 =	vand.u32 $0x78, v20;
	v22 =	vld [tilespmem:s1+$0x450]  }
0x156: {  	v16 =	vmul.f32 $1.442695020e+00, v16;
	v24 =	vld [tilespmem:s1+$0x440];
	v20 =	vor.u32 s31, v20;
	(erf) = vpow2.f32 v18  }
0x157: {  	v26 =	vperm.xlane v17, v7;
	v18 =	vld [tilespmem:s1+$0x430];
	(erf) = vpow2.f32 v19  }
0x158: {  	v19 =	vld [tilespmem:s1+$0x420];
	(erf) = vpow2.f32 v16  }
0x159: {  	v17 =	vadd.f32 v26, v17;
	v16 =	vld [tilespmem:s1+$0x410];
	v15 =	vadd.f32 v21, v15;
	(erf) = vpow2.f32 v23  }
0x15a: {  	v21 =	vld [tilespmem:s1+$0x400];
	v14 =	vadd.f32 v22, v14;
	v22 =	vpop (erf);
	s1 =	smov.u32 s8  }
0x15b: {  	v17 =	vmul.f32 $1.442695020e+00, v17;
	v23 =	vor.u32 $0x1, v20;
	[tilespmem:v20+s30+$0x0] =	vst.idx.msk $0x1, v22;
	v11 =	vadd.f32 v24, v11  }
0x15c: {  	v24 =	vor.u32 $0x2, v20;
	v18 =	vadd.f32 v18, v8;
	v8 =	vpop (erf)  }
0x15d: {  	v26 =	vor.u32 $0x3, v20;
	v10 =	vadd.f32 v19, v10;
	v19 =	vpop (erf);
	(erf) = vpow2.f32 v17  }
0x15e: {  	v17 =	vor.u32 $0x4, v20;
	v12 =	vadd.f32 v16, v12  }
0x15f: {  	v16 =	vor.u32 $0x5, v20;
	v9 =	vadd.f32 v21, v9;
	v21 =	vpop (erf)  }
0x160: {  	[tilespmem:v23+s30+$0x0] =	vst.idx.msk $0x1, v21;
	v23 =	vor.u32 $0x6, v20;
	v27 =	vpop (erf)  }
0x161: {  	[tilespmem:v24+s30+$0x0] =	vst.idx.msk $0x1, v8;
	v24 =	vpop (erf)  }
0x162: {  	v20 =	vor.u32 $0x7, v20;
	[tilespmem:v26+s30+$0x0] =	vst.idx.msk $0x1, v24;
	v26 =	vpop (erf)  }
0x163: {  	[tilespmem:v17+s30+$0x0] =	vst.idx.msk $0x1, v26  }
0x164: {  	[tilespmem:v16+s30+$0x0] =	vst.idx.msk $0x1, v19  }
0x165: {  	v13 =	vadd.f32 v25, v13;
	[tilespmem:v23+s30+$0x0] =	vst.idx.msk $0x1, v27  }
0x166: {  	v9 =	vmul.f32 v22, v9;
	v16 =	vpop (erf)  }
0x167: {  	v8 =	vmul.f32 v8, v10;
	[tilespmem:v20+s30+$0x0] =	vst.idx.msk $0x1, v16;
	v10 =	vmul.f32 v16, v13  }
0x168: {  	[tilespmem:s2+$0xFFFFFFC0] =	vst v9;
	v9 =	vmul.f32 v21, v12  }
0x169: {  	[tilespmem:s2+$0xFFFFFFE0] =	vst v8  }
0x16a: {  	v12 =	vmul.f32 v24, v18;
	v8 =	vld [tilespmem:s14+$0xFFFFFFF0];
	[tilespmem:s2+$0xFFFFFFD0] =	vst v9  }
0x16b: {  	v11 =	vmul.f32 v26, v11;
	v9 =	vld [tilespmem:s14+$0xFFFFFFC0];
	[tilespmem:s2+$0x30] =	vst v10  }
0x16c: {  	[tilespmem:s2+$0xFFFFFFF0] =	vst v12;
	v12 =	vmul.f32 v19, v14  }
0x16d: {  	v13 =	vmul.f32 v27, v15;
	v10 =	vld [tilespmem:s14+$0xFFFFFFE0];
	[tilespmem:s2+$0x0] =	vst v11  }
0x16e: {  	v11 =	vld [tilespmem:s14+$0x0];
	[tilespmem:s2+$0x10] =	vst v12  }
0x16f: {  	v12 =	vld [tilespmem:s14+$0xFFFFFFD0];
	[tilespmem:s2+$0x20] =	vst v13;
	s2 =	smov.u32 s14  }
0x170: {  	v13 =	vld [tilespmem:s1+$0x40]  }
0x171: {  	v14 =	vld [tilespmem:s17+$0x15600]  }
0x172: {  	v16 =	vld [tilespmem:s20+$0xFFFFFFF0]  }
0x173: {  	v15 =	vld [tilespmem:s20+$0xFFFFFFC0]  }
0x174: {  	v17 =	vld [tilespmem:s20+$0xFFFFFFE0]  }
0x175: {  	v18 =	vld [tilespmem:s1+$0x30]  }
0x176: {  	v19 =	vld [tilespmem:s1+$0x20]  }
0x177: {  	v20 =	vld [tilespmem:s1+$0x10]  }
0x178: {  	v14 =	vadd.f32 v9, v14;
	v21 =	vld [tilespmem:s20+$0x0]  }
0x179: {  	v24 =	vld [tilespmem:s20+$0xFFFFFFD0]  }
0x17a: {  	v26 =	vmul.f32 v14, v15;
	v25 =	vld [tilespmem:s1+$0x50];
	v18 =	vadd.f32 v8, v18  }
0x17b: {  	v13 =	vadd.f32 v11, v13;
	v14 =	vld [tilespmem:s14+$0x10];
	v19 =	vadd.f32 v10, v19  }
0x17c: {  	v28 =	vperm.xlane v26, v4;
	v15 =	vld [tilespmem:s14+$0x20];
	v27 =	vadd.f32 v12, v20;
	v16 =	vmul.f32 v18, v16  }
.Ltmp2:
0x17d: {  	v22 =	vld [tilespmem:s20+$0x10];
	v29 =	vmul.f32 v19, v17;
	v23 =	vmul.f32 v13, v21;
	(pc) =	sbr.rel @p1 .LBB2_7-.Ltmp2, $4  }
0x17e: {  	v21 =	vadd.f32 v28, v26;
	v20 =	vld [tilespmem:s1+$0x60];
	v18 =	vmul.f32 v27, v24;
	v17 =	vperm.xlane v16, v4  }
0x17f: {  	v13 =	vld [tilespmem:s14+$0x30];
	v24 =	vperm.xlane v29, v4  }
0x180: {  	v28 =	vperm.xlane v23, v4;
	v19 =	vld [tilespmem:s20+$0x20];
	v27 =	vadd.f32 v14, v25;
	v16 =	vadd.f32 v17, v16  }
0x181: {  	v26 =	vperm.xlane v21, v5;
	v25 =	vperm.xlane v18, v4;
	s20 =	sadd.s32 $0x80, s20;
	v17 =	vld [tilespmem:s1+$0x70];
	v24 =	vadd.f32 v24, v29  }
0x182: {  	v22 =	vmul.f32 v27, v22;
	v23 =	vadd.f32 v28, v23;
	v35 =	vperm.xlane v16, v5  }
0x183: {  	v29 =	vmov s13;
	v20 =	vadd.f32 v15, v20;
	v36 =	vperm.xlane v24, v5  }
0x184: {  	v18 =	vadd.f32 v25, v18;
	v21 =	vadd.f32 v26, v21;
	v37 =	vperm.xlane v22, v4  }
0x185: {  	v41 =	vld [tilespmem:s19+$0x30];
	s3 =	sand.u32 $0x10, s13;
	v38 =	vperm.xlane v23, v5;
	v16 =	vadd.f32 v35, v16;
	v19 =	vmul.f32 v20, v19  }
0x186: {  	v55 =	vld [tilespmem:s3+$0x15200];
	v39 =	vadd.f32 v36, v24;
	v40 =	vperm.xlane v18, v5;
	v42 =	vperm.xlane v21, v6  }
0x187: {  	v23 =	vadd.f32 v38, v23;
	v22 =	vadd.f32 v37, v22;
	v52 =	vperm.xlane v16, v6  }
0x188: {  	v17 =	vadd.f32 v13, v17;
	v43 =	vperm.xlane v39, v6;
	v30 =	vperm.xlane v19, v4  }
0x189: {  	v18 =	vadd.f32 v40, v18;
	v21 =	vadd.f32 v42, v21;
	v44 =	vperm.xlane v23, v6  }
0x18a: {  	v45 =	vperm.xlane v22, v5;
	v17 =	vmul.f32 v17, v41;
	v19 =	vadd.f32 v30, v19  }
0x18b: {  	v16 =	vadd.f32 v52, v16;
	v60 =	vperm.xlane v55, v29;
	v20 =	vadd.f32 v43, v39  }
0x18c: {  	v46 =	vperm.xlane v18, v6;
	v22 =	vadd.f32 v45, v22;
	v49 =	vperm.xlane v19, v5  }
0x18d: {  	v51 =	vperm.xlane v21, v7;
	v23 =	vadd.f32 v44, v23;
	v28 =	vperm.xlane v17, v4  }
0x18e: {  	v56 =	vperm.xlane v16, v7;
	v50 =	vperm.xlane v22, v6;
	v19 =	vadd.f32 v49, v19  }
0x18f: {  	v47 =	vperm.xlane v20, v7;
	v18 =	vadd.f32 v46, v18;
	v17 =	vadd.f32 v28, v17  }
0x190: {  	v21 =	vadd.f32 v51, v21;
	v22 =	vadd.f32 v50, v22;
	v27 =	vperm.xlane v19, v6  }
0x191: {  	v48 =	vperm.xlane v23, v7;
	v16 =	vadd.f32 v56, v16;
	v28 =	vperm.xlane v17, v5  }
0x192: {  	v20 =	vadd.f32 v47, v20;
	v54 =	vperm.xlane v22, v7;
	v19 =	vadd.f32 v27, v19  }
0x193: {  	v53 =	vperm.xlane v18, v7;
	v21 =	vmul.f32 $1.442695020e+00, v21;
	v17 =	vadd.f32 v28, v17  }
0x194: {  	v16 =	vmul.f32 $1.442695020e+00, v16;
	v22 =	vadd.f32 v54, v22;
	v57 =	vperm.xlane v19, v7  }
0x195: {  	v20 =	vmul.f32 $1.442695020e+00, v20;
	v18 =	vadd.f32 v53, v18;
	v59 =	vperm.xlane v17, v6  }
0x196: {  	(erf) = vpow2.f32 v21;
	v58 =	vmul.f32 $1.442695020e+00, v22;
	v19 =	vadd.f32 v57, v19  }
0x197: {  	v18 =	vmul.f32 $1.442695020e+00, v18;
	(erf) = vpow2.f32 v20;
	v17 =	vadd.f32 v59, v17  }
0x198: {  	v61 =	vadd.f32 v48, v23;
	(erf) = vpow2.f32 v58;
	v19 =	vmul.f32 $1.442695020e+00, v19  }
0x199: {  	v62 =	vperm.xlane v17, v7;
	(erf) = vpow2.f32 v18  }
0x19a: {  	v21 =	vmul.f32 $1.442695020e+00, v61;
	(erf) = vpow2.f32 v19  }
0x19b: {  	v63 =	vld [tilespmem:s1+$0x470];
	v36 =	vshll.u32 v60, $0x3;
	v38 =	vadd.f32 v62, v17;
	(erf) = vpow2.f32 v16  }
0x19c: {  	s8 =	sshll.u32 s13, $0x7;
	v37 =	vld [tilespmem:s1+$0x460];
	v39 =	vand.u32 $0x78, v36;
	(erf) = vpow2.f32 v21  }
0x19d: {  	v40 =	vld [tilespmem:s1+$0x450];
	v17 =	vor.u32 s8, v39;
	v16 =	vmul.f32 $1.442695020e+00, v38  }
0x19e: {  	v42 =	vld [tilespmem:s1+$0x430];
	v43 =	vor.u32 $0x1, v17  }
0x19f: {  	v41 =	vld [tilespmem:s1+$0x440];
	v45 =	vpop (erf);
	v46 =	vor.u32 $0x2, v17;
	(erf) = vpow2.f32 v16  }
0x1a0: {  	v44 =	vld [tilespmem:s1+$0x420];
	v49 =	vor.u32 $0x3, v17;
	v48 =	vpop (erf)  }
0x1a1: {  	v50 =	vld [tilespmem:s1+$0x400];
	v31 =	vor.u32 $0x4, v17;
	v51 =	vpop (erf)  }
0x1a2: {  	v47 =	vld [tilespmem:s1+$0x410];
	v32 =	vor.u32 $0x5, v17;
	[tilespmem:v17+s30+$0x0] =	vst.idx.msk $0x1, v45;
	v33 =	vpop (erf)  }
0x1a3: {  	v52 =	vor.u32 $0x6, v17;
	[tilespmem:v43+s30+$0x0] =	vst.idx.msk $0x1, v33;
	v34 =	vpop (erf)  }
0x1a4: {  	v17 =	vor.u32 $0x7, v17;
	[tilespmem:v46+s30+$0x0] =	vst.idx.msk $0x1, v48;
	v53 =	vpop (erf)  }
0x1a5: {  	[tilespmem:v49+s30+$0x0] =	vst.idx.msk $0x1, v53;
	v54 =	vpop (erf)  }
0x1a6: {  	v9 =	vadd.f32 v50, v9;
	[tilespmem:v31+s30+$0x0] =	vst.idx.msk $0x1, v54  }
0x1a7: {  	v10 =	vadd.f32 v44, v10;
	[tilespmem:v32+s30+$0x0] =	vst.idx.msk $0x1, v51  }
0x1a8: {  	v12 =	vadd.f32 v47, v12;
	v9 =	vmul.f32 v45, v9;
	v55 =	vpop (erf);
	[tilespmem:v52+s30+$0x0] =	vst.idx.msk $0x1, v34  }
0x1a9: {  	v56 =	vadd.f32 v63, v13;
	v10 =	vmul.f32 v48, v10;
	[tilespmem:v17+s30+$0x0] =	vst.idx.msk $0x1, v55  }
0x1aa: {  	v8 =	vadd.f32 v42, v8;
	v57 =	vmul.f32 v33, v12;
	[tilespmem:s2+$0xFFFFFFC0] =	vst v9  }
0x1ab: {  	v11 =	vadd.f32 v41, v11;
	v58 =	vmul.f32 v55, v56;
	[tilespmem:s2+$0xFFFFFFE0] =	vst v10  }
0x1ac: {  	v59 =	vadd.f32 v40, v14;
	v8 =	vmul.f32 v53, v8;
	[tilespmem:s2+$0xFFFFFFD0] =	vst v57  }
0x1ad: {  	v60 =	vadd.f32 v37, v15;
	v11 =	vmul.f32 v54, v11;
	[tilespmem:s2+$0x30] =	vst v58  }
0x1ae: {  	[tilespmem:s2+$0xFFFFFFF0] =	vst v8;
	v8 =	vmul.f32 v51, v59  }
0x1af: {  	[tilespmem:s2+$0x0] =	vst v11;
	v9 =	vmul.f32 v34, v60  }
0x1b0: {  	[tilespmem:s2+$0x10] =	vst v8  }
0x1b1: {  	s0 =	simm.s32 $0x15500;
	[tilespmem:s2+$0x20] =	vst v9  }
0x1b2: {  	[spmem:s9] =	stream.indirect.scatter.add.f32 [tilespmem:s30], [sflag:$0xD], $0x80, s0, s24, $0xb8;
	[tilespmem:$0x1E600] =	vst v63  }
0x1b3: {  	s10 =	simm.s32 $0x1B600;
	s13 =	simm.s32 $0x15400;
	s1 =	simm.s32 @!p0 $0xC  }
0x1b4: {  	[spmem:s28] =	stream.indirect.scatter.add.f32 [tilespmem:s10], [sflag:$0xB], $0x80, s13, s24, $0xb8;
	[tilespmem:$0x1E600] =	vst v63  }
0x1b5: {  	_ =	swait.ge @!p0 [sflag:s1], $0x1000  }
0x1b6: {  	s14 =	sshll.u32 s26, $0x10;
	s20 =	simm.s32 $0x1C600;
	s17 =	rddreg [dreg:$0x4]  }
0x1b7: {  	[sflag:s1] =	ssyncset.done @!p0 $0x0;
	s18 =	rddreg [dreg:$0x14];
	s19 =	sor.u32 s17, s14  }
0x1b8: {  	[sflag:s1] =	ssyncadd.s32 @!p0 $0xFFFFF000;
	s1 =	simm.s32 $0x0;
	s2 =	sadd.s32 s19, s18  }
0x1b9: {  	[tilespmem:s20], [sflag:$0xA] =	stream.linear.gather [hbm4b:s2+s1], $0x1000, $0x38;
	[tilespmem:$0x1E600] =	vst v63  }
0x1ba: {  	v8 =	vld [tilespmem:$0x15280]  }
0x1bb: {  	v61 =	vld [tilespmem:$0x15290];
	_ =	sdelay $0x3  }
0x1bc: {  	[tilespmem:$0x15480] =	vst v8  }
0x1bd: {  	v8 =	vshrl.u32 v8, $0x4;
	[tilespmem:$0x15490] =	vst v61  }
0x1be: {  	[tilespmem:$0x15580] =	vst v8;
	v8 =	vshrl.u32 v61, $0x4  }
0x1bf: {  	s22 =	simm.s32 $0x3;
	[tilespmem:$0x15590] =	vst v8  }
0x1c0: {  	_ =	swait.ge [sflag:s22], $0x20  }
0x1c1: {  	[sflag:s22] =	ssyncset.done $0x0  }
0x1c2: {  	[sflag:s22] =	ssyncadd.s32 $0xFFFFFFE0  }
0x1c3: {  	_ =	swait.ge [sflag:s22], $0x20  }
0x1c4: {  	[sflag:s22] =	ssyncset.done $0x0  }
0x1c5: {  	[sflag:s22] =	ssyncadd.s32 $0xFFFFFFE0  }
0x1c6: {  	v8 =	vld [tilespmem:$0x15100];
	_ =	sdelay $0x4  }
0x1c7: {  	v62 =	vshll.u32 v8, $0x1  }
0x1c8: {  	v8 =	vand.u32 $0x7, v8;
	v9 =	vand.u32 $0xFFFFFFF0, v62  }
0x1c9: {  	v8 =	vor.u32 v8, v9  }
0x1ca: {  	v9 =	vperm.xlane v8, v1;
	_ =	sdelay $0x1  }
0x1cb: {  	v8 =	vperm.xlane v8, v3;
	v9 =	vadd.s32 v2, v9;
	_ =	sdelay $0x1  }
0x1cc: {  	v8 =	vadd.s32 v2, v8;
	_ =	sdelay $0x1  }
0x1cd: {  	s16 =	smov.u32 s28;
	s28 =	simm.s32 $0x15600  }
0x1ce: {  	[tilespmem:s28], [sflag:$0x5] =	stream.indirect_vreg.gather [hbm4b:s23+s1], $0x80, v9, vm0, $0xb8;
	[tilespmem:$0x1E600] =	vst v63  }
0x1cf: {  	s31 =	simm.s32 $0x15E00  }
0x1d0: {  	[tilespmem:s31], [sflag:$0x5] =	stream.indirect_vreg.gather [hbm4b:s23+s1], $0x80, v8, vm0, $0xb8;
	[tilespmem:$0x1E600] =	vst v63  }
0x1d1: {  	v8 =	vld [tilespmem:$0x15110];
	_ =	sdelay $0x4  }
0x1d2: {  	v63 =	vshll.u32 v8, $0x1  }
0x1d3: {  	v8 =	vand.u32 $0x7, v8;
	v9 =	vand.u32 $0xFFFFFFF0, v63  }
0x1d4: {  	v8 =	vor.u32 v8, v9  }
0x1d5: {  	v9 =	vperm.xlane v8, v1;
	_ =	sdelay $0x1  }
0x1d6: {  	v8 =	vperm.xlane v8, v3;
	v9 =	vadd.s32 v2, v9;
	_ =	sdelay $0x1  }
0x1d7: {  	v8 =	vadd.s32 v2, v8;
	_ =	sdelay $0x1  }
0x1d8: {  	s13 =	sor.u32 $0x3, s12;
	s2 =	simm.s32 $0x16600  }
0x1d9: {  	[tilespmem:s2], [sflag:$0x5] =	stream.indirect_vreg.gather [hbm4b:s23+s1], $0x80, v9, vm0, $0xb8;
	[tilespmem:$0x1E600] =	vst v63  }
0x1da: {  	s3 =	simm.s32 $0x16E00;
	s10 =	sshll.u32 s13, $0x7;
	s14 =	rddreg [dreg:$0xa]  }
0x1db: {  	[tilespmem:s3], [sflag:$0x5] =	stream.indirect_vreg.gather [hbm4b:s23+s1], $0x80, v8, vm0, $0xb8;
	[tilespmem:$0x1E600] =	vst v63  }
0x1dc: {  	s8 =	simm.s32 $0x15300;
	s2 =	sor.u32 s14, s10  }
0x1dd: {  	[tilespmem:s25], [sflag:$0x7] =	stream.indirect.gather [hbm4b:s7+s24], $0x80, s8, s24, $0xb8;
	[tilespmem:$0x1E600] =	vst v63  }
0x1de: {  	s18 =	simm.s32 $0x15180;
	s17 =	sadd.s32 s5, s2  }
0x1df: {  	[tilespmem:s18], [sflag:$0x4] =	stream.linear.gather [hbm4b:s17+s1], $0x20, $0x38;
	[tilespmem:$0x1E600] =	vst v63  }
0x1e0: {  	s20 =	simm.s32 $0x15380;
	s22 =	simm.s32 $0x6;
	s2 =	sadd.s32 s6, s2  }
0x1e1: {  	[tilespmem:s20], [sflag:$0x4] =	stream.linear.gather [hbm4b:s2+s1], $0x20, $0x38;
	[tilespmem:$0x1E600] =	vst v63  }
0x1e2: {  	_ =	swait.ge [sflag:s22], $0x2000  }
0x1e3: {  	[sflag:s22] =	ssyncset.done $0x0  }
0x1e4: {  	s28 =	simm.s32 $0x8;
	[sflag:s22] =	ssyncadd.s32 $0xFFFFE000  }
0x1e5: {  	_ =	swait.ge [sflag:s28], $0x1000  }
0x1e6: {  	[sflag:s28] =	ssyncset.done $0x0  }
0x1e7: {  	s31 =	simm.s32 $0xA;
	[sflag:s28] =	ssyncadd.s32 $0xFFFFF000  }
0x1e8: {  	_ =	swait.ge [sflag:s31], $0x1000  }
0x1e9: {  	[sflag:s31] =	ssyncset.done $0x0  }
0x1ea: {  	[sflag:s31] =	ssyncadd.s32 $0xFFFFF000  }
0x1eb: {  	_ =	swait.ge [sflag:s11], $0x1000  }
0x1ec: {  	[sflag:s11] =	ssyncset.done $0x0  }
0x1ed: {  	s3 =	simm.s32 $0x200;
	s2 =	simm.s32 $0x0;
	[sflag:s11] =	ssyncadd.s32 $0xFFFFF000  }
.LBB2_9:
0x1ee: {  	p0 =	sne.s32 s3, $0x3E00;
	[tilespmem:s2+$0x1D670] =	vst v0  }
0x1ef: {  	[tilespmem:s2+$0x1D600] =	vst v0  }
0x1f0: {  	[tilespmem:s2+$0x1D610] =	vst v0  }
.Ltmp3:
0x1f1: {  	[tilespmem:s2+$0x1D620] =	vst v0;
	(pc) =	sbr.rel @p0 .LBB2_9-.Ltmp3, $4  }
0x1f2: {  	[tilespmem:s2+$0x1D630] =	vst v0  }
0x1f3: {  	[tilespmem:s2+$0x1D640] =	vst v0  }
0x1f4: {  	[tilespmem:s2+$0x1D650] =	vst v0  }
0x1f5: {  	[tilespmem:s2+$0x1D660] =	vst v0;
	s2 =	sshra.s32 s3, $0x2;
	s3 =	sadd.s32 $0x200, s3  }
0x1f6: {  	[tilespmem:s2+$0x1D670] =	vst v0  }
0x1f7: {  	[tilespmem:s2+$0x1D600] =	vst v0  }
0x1f8: {  	[tilespmem:s2+$0x1D610] =	vst v0  }
0x1f9: {  	[tilespmem:s2+$0x1D620] =	vst v0  }
0x1fa: {  	[tilespmem:s2+$0x1D630] =	vst v0  }
0x1fb: {  	[tilespmem:s2+$0x1D640] =	vst v0  }
0x1fc: {  	[tilespmem:s2+$0x1D650] =	vst v0  }
0x1fd: {  	[tilespmem:s2+$0x1D660] =	vst v0;
	s10 =	simm.s32 $0x1C640  }
0x1fe: {  	v8 =	vld [tilespmem:s10+$0xFFFFFFF0]  }
0x1ff: {  	v9 =	vld [tilespmem:s10+$0xFFFFFFC0]  }
0x200: {  	v10 =	vld [tilespmem:s10+$0xFFFFFFE0]  }
0x201: {  	s28 =	sand.u32 $0x1800, s1;
	s3 =	sand.u32 $0x380, s1;
	v11 =	vld [tilespmem:s10+$0x0]  }
0x202: {  	s8 =	sor.u32 s3, s28;
	v12 =	vld [tilespmem:s10+$0xFFFFFFD0]  }
0x203: {  	s3 =	simm.s32 $0x1A640;
	v14 =	vld [tilespmem:s8+$0x17600]  }
0x204: {  	v16 =	vld [tilespmem:s3+$0xFFFFFFF0]  }
0x205: {  	v15 =	vld [tilespmem:s3+$0xFFFFFFC0]  }
0x206: {  	v17 =	vld [tilespmem:s3+$0xFFFFFFE0]  }
0x207: {  	s2 =	sadd.s32 $0x17600, s8;
	v21 =	vld [tilespmem:s3+$0x0]  }
0x208: {  	v18 =	vld [tilespmem:s2+$0x30]  }
0x209: {  	v19 =	vld [tilespmem:s2+$0x20]  }
0x20a: {  	v13 =	vld [tilespmem:s2+$0x40]  }
0x20b: {  	v20 =	vld [tilespmem:s2+$0x10]  }
0x20c: {  	v24 =	vld [tilespmem:s3+$0xFFFFFFD0];
	v14 =	vadd.f32 v9, v14  }
0x20d: {  	v25 =	vld [tilespmem:s2+$0x50];
	v18 =	vadd.f32 v8, v18  }
0x20e: {  	v19 =	vadd.f32 v10, v19;
	v26 =	vmul.f32 v14, v15;
	v14 =	vld [tilespmem:s10+$0x10]  }
0x20f: {  	v22 =	vld [tilespmem:s3+$0x10];
	v13 =	vadd.f32 v11, v13;
	v16 =	vmul.f32 v18, v16  }
0x210: {  	v15 =	vld [tilespmem:s10+$0x20];
	v18 =	vadd.f32 v12, v20;
	v29 =	vmul.f32 v19, v17;
	v27 =	vperm.xlane v26, v4  }
0x211: {  	v23 =	vmul.f32 v13, v21;
	v20 =	vld [tilespmem:s2+$0x60];
	v17 =	vperm.xlane v16, v4  }
0x212: {  	v13 =	vld [tilespmem:s10+$0x30];
	v18 =	vmul.f32 v18, v24;
	v24 =	vperm.xlane v29, v4;
	v21 =	vadd.f32 v27, v26  }
0x213: {  	s20 =	simm.s32 $0x1;
	s31 =	simm.s32 $0x1A6C0;
	v19 =	vld [tilespmem:s3+$0x20];
	v28 =	vperm.xlane v23, v4;
	v27 =	vadd.f32 v14, v25;
	v16 =	vadd.f32 v17, v16  }
0x214: {  	s17 =	simm.s32 $0x0;
	s22 =	simm.s32 $0x0;
	s14 =	simm.s32 $0x1C640;
	v17 =	vld [tilespmem:s2+$0x70];
	v25 =	vperm.xlane v18, v4;
	v24 =	vadd.f32 v24, v29;
	v26 =	vperm.xlane v21, v5  }
.LBB2_11:
0x215: {  	v22 =	vmul.f32 v27, v22;
	v23 =	vadd.f32 v28, v23;
	v27 =	vperm.xlane v16, v5;
	s1 =	sadd.s32 $0x100, s1;
	s17 =	sadd.s32 $0x80, s17;
	s10 =	sadd.s32 $0x80, s10  }
0x216: {  	p0 =	sne.s32 s20, $0x1F;
	s8 =	smov.u32 s20;
	s20 =	sadd.s32 $0x1, s20;
	v20 =	vadd.f32 v15, v20;
	v21 =	vadd.f32 v26, v21;
	v26 =	vperm.xlane v24, v5  }
0x217: {  	v18 =	vadd.f32 v25, v18;
	v25 =	vperm.xlane v22, v4;
	v28 =	vperm.xlane v23, v5  }
0x218: {  	v19 =	vmul.f32 v20, v19;
	v20 =	vadd.f32 v26, v24  }
0x219: {  	v26 =	vperm.xlane v18, v5;
	v24 =	vld [tilespmem:s3+$0x30];
	v23 =	vadd.f32 v28, v23;
	v28 =	vperm.xlane v21, v6;
	s3 =	smov.u32 s31  }
0x21a: {  	v29 =	vmov s22;
	v22 =	vadd.f32 v25, v22;
	v25 =	vperm.xlane v20, v6  }
0x21b: {  	v17 =	vadd.f32 v13, v17;
	v18 =	vadd.f32 v26, v18;
	v26 =	vperm.xlane v23, v6  }
0x21c: {  	v30 =	vperm.xlane v19, v4;
	v21 =	vadd.f32 v28, v21;
	v20 =	vadd.f32 v25, v20  }
0x21d: {  	v25 =	vperm.xlane v22, v5;
	v28 =	vperm.xlane v18, v6;
	v23 =	vadd.f32 v26, v23  }
0x21e: {  	v19 =	vadd.f32 v30, v19;
	v17 =	vmul.f32 v17, v24;
	v24 =	vperm.xlane v20, v7  }
0x21f: {  	v16 =	vadd.f32 v27, v16;
	v22 =	vadd.f32 v25, v22;
	v25 =	vperm.xlane v23, v7  }
0x220: {  	v27 =	vperm.xlane v21, v7;
	v26 =	vperm.xlane v19, v5;
	v18 =	vadd.f32 v28, v18  }
0x221: {  	v28 =	vperm.xlane v16, v6;
	v30 =	vperm.xlane v22, v6;
	v20 =	vadd.f32 v24, v20  }
0x222: {  	v24 =	vperm.xlane v17, v4;
	v19 =	vadd.f32 v26, v19;
	v26 =	vperm.xlane v18, v7  }
0x223: {  	s18 =	sand.u32 $0x10, s22;
	v16 =	vadd.f32 v28, v16;
	v22 =	vadd.f32 v30, v22;
	v20 =	vmul.f32 $1.442695020e+00, v20  }
0x224: {  	v21 =	vadd.f32 v27, v21;
	v17 =	vadd.f32 v24, v17;
	v24 =	vperm.xlane v19, v6;
	v28 =	vld [tilespmem:s18+$0x15280]  }
0x225: {  	v18 =	vadd.f32 v26, v18;
	v26 =	vperm.xlane v16, v7;
	v27 =	vperm.xlane v22, v7  }
0x226: {  	v21 =	vmul.f32 $1.442695020e+00, v21;
	v30 =	vperm.xlane v17, v5;
	v19 =	vadd.f32 v24, v19  }
0x227: {  	v16 =	vadd.f32 v26, v16;
	v18 =	vmul.f32 $1.442695020e+00, v18;
	v22 =	vadd.f32 v27, v22  }
0x228: {  	v17 =	vadd.f32 v30, v17;
	v24 =	vperm.xlane v19, v7;
	(erf) = vpow2.f32 v21  }
0x229: {  	v23 =	vadd.f32 v25, v23;
	v22 =	vmul.f32 $1.442695020e+00, v22;
	v21 =	vperm.xlane v28, v29  }
0x22a: {  	s28 =	sand.u32 $0x380, s17;
	s18 =	sand.u32 $0x1800, s1;
	v26 =	vperm.xlane v17, v6;
	v19 =	vadd.f32 v24, v19;
	v25 =	vld [tilespmem:s2+$0x470];
	(erf) = vpow2.f32 v20  }
0x22b: {  	v23 =	vmul.f32 $1.442695020e+00, v23;
	s18 =	sor.u32 s28, s18;
	v20 =	vshll.u32 v21, $0x3;
	v21 =	vld [tilespmem:s2+$0x460];
	(erf) = vpow2.f32 v22  }
0x22c: {  	s0 =	sshll.u32 s22, $0x7;
	s22 =	smov.u32 s8;
	s28 =	sadd.s32 $0x17600, s18;
	v17 =	vadd.f32 v26, v17;
	v19 =	vmul.f32 $1.442695020e+00, v19;
	v20 =	vand.u32 $0x78, v20;
	v22 =	vld [tilespmem:s2+$0x450]  }
0x22d: {  	v16 =	vmul.f32 $1.442695020e+00, v16;
	v24 =	vld [tilespmem:s2+$0x440];
	v20 =	vor.u32 s0, v20;
	(erf) = vpow2.f32 v18  }
0x22e: {  	v26 =	vperm.xlane v17, v7;
	v18 =	vld [tilespmem:s2+$0x430];
	(erf) = vpow2.f32 v19  }
0x22f: {  	v19 =	vld [tilespmem:s2+$0x420];
	(erf) = vpow2.f32 v16  }
0x230: {  	v17 =	vadd.f32 v26, v17;
	v16 =	vld [tilespmem:s2+$0x410];
	v15 =	vadd.f32 v21, v15;
	(erf) = vpow2.f32 v23  }
0x231: {  	v21 =	vld [tilespmem:s2+$0x400];
	v14 =	vadd.f32 v22, v14;
	v22 =	vpop (erf);
	s2 =	smov.u32 s28  }
0x232: {  	v17 =	vmul.f32 $1.442695020e+00, v17;
	v23 =	vor.u32 $0x1, v20;
	[tilespmem:v20+s30+$0x0] =	vst.idx.msk $0x1, v22;
	v11 =	vadd.f32 v24, v11  }
0x233: {  	v24 =	vor.u32 $0x2, v20;
	v18 =	vadd.f32 v18, v8;
	v8 =	vpop (erf)  }
0x234: {  	v26 =	vor.u32 $0x3, v20;
	v10 =	vadd.f32 v19, v10;
	v19 =	vpop (erf);
	(erf) = vpow2.f32 v17  }
0x235: {  	v17 =	vor.u32 $0x4, v20;
	v12 =	vadd.f32 v16, v12  }
0x236: {  	v16 =	vor.u32 $0x5, v20;
	v9 =	vadd.f32 v21, v9;
	v21 =	vpop (erf)  }
0x237: {  	[tilespmem:v23+s30+$0x0] =	vst.idx.msk $0x1, v21;
	v23 =	vor.u32 $0x6, v20;
	v27 =	vpop (erf)  }
0x238: {  	[tilespmem:v24+s30+$0x0] =	vst.idx.msk $0x1, v8;
	v24 =	vpop (erf)  }
0x239: {  	v20 =	vor.u32 $0x7, v20;
	[tilespmem:v26+s30+$0x0] =	vst.idx.msk $0x1, v24;
	v26 =	vpop (erf)  }
0x23a: {  	[tilespmem:v17+s30+$0x0] =	vst.idx.msk $0x1, v26  }
0x23b: {  	[tilespmem:v16+s30+$0x0] =	vst.idx.msk $0x1, v19  }
0x23c: {  	v13 =	vadd.f32 v25, v13;
	[tilespmem:v23+s30+$0x0] =	vst.idx.msk $0x1, v27  }
0x23d: {  	v9 =	vmul.f32 v22, v9;
	v16 =	vpop (erf)  }
0x23e: {  	v8 =	vmul.f32 v8, v10;
	[tilespmem:v20+s30+$0x0] =	vst.idx.msk $0x1, v16;
	v10 =	vmul.f32 v16, v13  }
0x23f: {  	[tilespmem:s14+$0xFFFFFFC0] =	vst v9;
	v9 =	vmul.f32 v21, v12  }
0x240: {  	[tilespmem:s14+$0xFFFFFFE0] =	vst v8  }
0x241: {  	v12 =	vmul.f32 v24, v18;
	v8 =	vld [tilespmem:s10+$0xFFFFFFF0];
	[tilespmem:s14+$0xFFFFFFD0] =	vst v9  }
0x242: {  	v11 =	vmul.f32 v26, v11;
	v9 =	vld [tilespmem:s10+$0xFFFFFFC0];
	[tilespmem:s14+$0x30] =	vst v10  }
0x243: {  	[tilespmem:s14+$0xFFFFFFF0] =	vst v12;
	v12 =	vmul.f32 v19, v14  }
0x244: {  	v13 =	vmul.f32 v27, v15;
	v10 =	vld [tilespmem:s10+$0xFFFFFFE0];
	[tilespmem:s14+$0x0] =	vst v11  }
0x245: {  	v11 =	vld [tilespmem:s10+$0x0];
	[tilespmem:s14+$0x10] =	vst v12  }
0x246: {  	v12 =	vld [tilespmem:s10+$0xFFFFFFD0];
	[tilespmem:s14+$0x20] =	vst v13;
	s14 =	smov.u32 s10  }
0x247: {  	v13 =	vld [tilespmem:s2+$0x40]  }
0x248: {  	v14 =	vld [tilespmem:s18+$0x17600]  }
0x249: {  	v16 =	vld [tilespmem:s31+$0xFFFFFFF0]  }
0x24a: {  	v15 =	vld [tilespmem:s31+$0xFFFFFFC0]  }
0x24b: {  	v17 =	vld [tilespmem:s31+$0xFFFFFFE0]  }
0x24c: {  	v18 =	vld [tilespmem:s2+$0x30]  }
0x24d: {  	v19 =	vld [tilespmem:s2+$0x20]  }
0x24e: {  	v20 =	vld [tilespmem:s2+$0x10]  }
0x24f: {  	v14 =	vadd.f32 v9, v14;
	v21 =	vld [tilespmem:s31+$0x0]  }
0x250: {  	v24 =	vld [tilespmem:s31+$0xFFFFFFD0]  }
0x251: {  	v26 =	vmul.f32 v14, v15;
	v25 =	vld [tilespmem:s2+$0x50];
	v18 =	vadd.f32 v8, v18  }
0x252: {  	v13 =	vadd.f32 v11, v13;
	v14 =	vld [tilespmem:s10+$0x10];
	v19 =	vadd.f32 v10, v19  }
0x253: {  	v28 =	vperm.xlane v26, v4;
	v15 =	vld [tilespmem:s10+$0x20];
	v27 =	vadd.f32 v12, v20;
	v16 =	vmul.f32 v18, v16  }
.Ltmp4:
0x254: {  	v22 =	vld [tilespmem:s31+$0x10];
	v29 =	vmul.f32 v19, v17;
	v23 =	vmul.f32 v13, v21;
	(pc) =	sbr.rel @p0 .LBB2_11-.Ltmp4, $4  }
0x255: {  	v21 =	vadd.f32 v28, v26;
	v20 =	vld [tilespmem:s2+$0x60];
	v18 =	vmul.f32 v27, v24;
	v17 =	vperm.xlane v16, v4  }
0x256: {  	v13 =	vld [tilespmem:s10+$0x30];
	v24 =	vperm.xlane v29, v4  }
0x257: {  	v28 =	vperm.xlane v23, v4;
	v19 =	vld [tilespmem:s31+$0x20];
	v27 =	vadd.f32 v14, v25;
	v16 =	vadd.f32 v17, v16  }
0x258: {  	v26 =	vperm.xlane v21, v5;
	v25 =	vperm.xlane v18, v4;
	s31 =	sadd.s32 $0x80, s31;
	v17 =	vld [tilespmem:s2+$0x70];
	v24 =	vadd.f32 v24, v29  }
0x259: {  	v22 =	vmul.f32 v27, v22;
	v23 =	vadd.f32 v28, v23;
	v35 =	vperm.xlane v16, v5  }
0x25a: {  	v29 =	vmov s22;
	v20 =	vadd.f32 v15, v20;
	v36 =	vperm.xlane v24, v5  }
0x25b: {  	v18 =	vadd.f32 v25, v18;
	v21 =	vadd.f32 v26, v21;
	v37 =	vperm.xlane v22, v4  }
0x25c: {  	v41 =	vld [tilespmem:s3+$0x30];
	s0 =	sand.u32 $0x10, s22;
	v38 =	vperm.xlane v23, v5;
	v16 =	vadd.f32 v35, v16;
	v19 =	vmul.f32 v20, v19  }
0x25d: {  	v55 =	vld [tilespmem:s0+$0x15280];
	v39 =	vadd.f32 v36, v24;
	v40 =	vperm.xlane v18, v5;
	v42 =	vperm.xlane v21, v6  }
0x25e: {  	v23 =	vadd.f32 v38, v23;
	v22 =	vadd.f32 v37, v22;
	v52 =	vperm.xlane v16, v6  }
0x25f: {  	v17 =	vadd.f32 v13, v17;
	v43 =	vperm.xlane v39, v6;
	v30 =	vperm.xlane v19, v4  }
0x260: {  	v18 =	vadd.f32 v40, v18;
	v21 =	vadd.f32 v42, v21;
	v44 =	vperm.xlane v23, v6  }
0x261: {  	v45 =	vperm.xlane v22, v5;
	v17 =	vmul.f32 v17, v41;
	v19 =	vadd.f32 v30, v19  }
0x262: {  	v16 =	vadd.f32 v52, v16;
	v60 =	vperm.xlane v55, v29;
	v20 =	vadd.f32 v43, v39  }
0x263: {  	v46 =	vperm.xlane v18, v6;
	v22 =	vadd.f32 v45, v22;
	v49 =	vperm.xlane v19, v5  }
0x264: {  	v51 =	vperm.xlane v21, v7;
	v23 =	vadd.f32 v44, v23;
	v28 =	vperm.xlane v17, v4  }
0x265: {  	v56 =	vperm.xlane v16, v7;
	v50 =	vperm.xlane v22, v6;
	v19 =	vadd.f32 v49, v19  }
0x266: {  	v47 =	vperm.xlane v20, v7;
	v18 =	vadd.f32 v46, v18;
	v17 =	vadd.f32 v28, v17  }
0x267: {  	v21 =	vadd.f32 v51, v21;
	v22 =	vadd.f32 v50, v22;
	v27 =	vperm.xlane v19, v6  }
0x268: {  	v48 =	vperm.xlane v23, v7;
	v16 =	vadd.f32 v56, v16;
	v28 =	vperm.xlane v17, v5  }
0x269: {  	v20 =	vadd.f32 v47, v20;
	v54 =	vperm.xlane v22, v7;
	v19 =	vadd.f32 v27, v19  }
0x26a: {  	v53 =	vperm.xlane v18, v7;
	v21 =	vmul.f32 $1.442695020e+00, v21;
	v17 =	vadd.f32 v28, v17  }
0x26b: {  	v16 =	vmul.f32 $1.442695020e+00, v16;
	v22 =	vadd.f32 v54, v22;
	v57 =	vperm.xlane v19, v7  }
0x26c: {  	v20 =	vmul.f32 $1.442695020e+00, v20;
	v18 =	vadd.f32 v53, v18;
	v59 =	vperm.xlane v17, v6  }
0x26d: {  	(erf) = vpow2.f32 v21;
	v58 =	vmul.f32 $1.442695020e+00, v22;
	v19 =	vadd.f32 v57, v19  }
0x26e: {  	v18 =	vmul.f32 $1.442695020e+00, v18;
	(erf) = vpow2.f32 v20;
	v17 =	vadd.f32 v59, v17  }
0x26f: {  	v61 =	vadd.f32 v48, v23;
	(erf) = vpow2.f32 v58;
	v19 =	vmul.f32 $1.442695020e+00, v19  }
0x270: {  	v62 =	vperm.xlane v17, v7;
	(erf) = vpow2.f32 v18  }
0x271: {  	v21 =	vmul.f32 $1.442695020e+00, v61;
	(erf) = vpow2.f32 v19  }
0x272: {  	v63 =	vld [tilespmem:s2+$0x470];
	v36 =	vshll.u32 v60, $0x3;
	v38 =	vadd.f32 v62, v17;
	(erf) = vpow2.f32 v16  }
0x273: {  	s20 =	sshll.u32 s22, $0x7;
	v37 =	vld [tilespmem:s2+$0x460];
	v39 =	vand.u32 $0x78, v36;
	(erf) = vpow2.f32 v21  }
0x274: {  	v40 =	vld [tilespmem:s2+$0x450];
	v17 =	vor.u32 s20, v39;
	v16 =	vmul.f32 $1.442695020e+00, v38  }
0x275: {  	v42 =	vld [tilespmem:s2+$0x430];
	v43 =	vor.u32 $0x1, v17  }
0x276: {  	v41 =	vld [tilespmem:s2+$0x440];
	v45 =	vpop (erf);
	v46 =	vor.u32 $0x2, v17;
	(erf) = vpow2.f32 v16  }
0x277: {  	v44 =	vld [tilespmem:s2+$0x420];
	v49 =	vor.u32 $0x3, v17;
	v48 =	vpop (erf)  }
0x278: {  	v50 =	vld [tilespmem:s2+$0x400];
	v31 =	vor.u32 $0x4, v17;
	v51 =	vpop (erf)  }
0x279: {  	v47 =	vld [tilespmem:s2+$0x410];
	v32 =	vor.u32 $0x5, v17;
	[tilespmem:v17+s30+$0x0] =	vst.idx.msk $0x1, v45;
	v33 =	vpop (erf)  }
0x27a: {  	v52 =	vor.u32 $0x6, v17;
	[tilespmem:v43+s30+$0x0] =	vst.idx.msk $0x1, v33;
	v34 =	vpop (erf)  }
0x27b: {  	v17 =	vor.u32 $0x7, v17;
	[tilespmem:v46+s30+$0x0] =	vst.idx.msk $0x1, v48;
	v53 =	vpop (erf)  }
0x27c: {  	[tilespmem:v49+s30+$0x0] =	vst.idx.msk $0x1, v53;
	v54 =	vpop (erf)  }
0x27d: {  	v9 =	vadd.f32 v50, v9;
	[tilespmem:v31+s30+$0x0] =	vst.idx.msk $0x1, v54  }
0x27e: {  	v10 =	vadd.f32 v44, v10;
	[tilespmem:v32+s30+$0x0] =	vst.idx.msk $0x1, v51  }
0x27f: {  	v12 =	vadd.f32 v47, v12;
	v9 =	vmul.f32 v45, v9;
	v55 =	vpop (erf);
	[tilespmem:v52+s30+$0x0] =	vst.idx.msk $0x1, v34  }
0x280: {  	v56 =	vadd.f32 v63, v13;
	v10 =	vmul.f32 v48, v10;
	[tilespmem:v17+s30+$0x0] =	vst.idx.msk $0x1, v55  }
0x281: {  	v8 =	vadd.f32 v42, v8;
	v57 =	vmul.f32 v33, v12;
	[tilespmem:s14+$0xFFFFFFC0] =	vst v9  }
0x282: {  	v11 =	vadd.f32 v41, v11;
	v58 =	vmul.f32 v55, v56;
	[tilespmem:s14+$0xFFFFFFE0] =	vst v10  }
0x283: {  	v59 =	vadd.f32 v40, v14;
	v8 =	vmul.f32 v53, v8;
	[tilespmem:s14+$0xFFFFFFD0] =	vst v57  }
0x284: {  	v60 =	vadd.f32 v37, v15;
	v11 =	vmul.f32 v54, v11;
	[tilespmem:s14+$0x30] =	vst v58  }
0x285: {  	[tilespmem:s14+$0xFFFFFFF0] =	vst v8;
	v8 =	vmul.f32 v51, v59  }
0x286: {  	[tilespmem:s14+$0x0] =	vst v11;
	v9 =	vmul.f32 v34, v60  }
0x287: {  	[tilespmem:s14+$0x10] =	vst v8  }
0x288: {  	s22 =	simm.s32 $0x15580;
	[tilespmem:s14+$0x20] =	vst v9  }
0x289: {  	[spmem:s9] =	stream.indirect.scatter.add.f32 [tilespmem:s30], [sflag:$0xD], $0x80, s22, s24, $0xb8;
	[tilespmem:$0x1E600] =	vst v63  }
0x28a: {  	s28 =	simm.s32 $0x1C600;
	s1 =	simm.s32 $0x15480;
	s2 =	simm.s32 $0xB  }
0x28b: {  	[spmem:s16] =	stream.indirect.scatter.add.f32 [tilespmem:s28], [sflag:$0xC], $0x80, s1, s24, $0xb8;
	[tilespmem:$0x1E600] =	vst v63  }
0x28c: {  	_ =	swait.ge [sflag:s2], $0x1000  }
0x28d: {  	[sflag:s2] =	ssyncset.done $0x0;
	s3 =	rddreg [dreg:$0x15]  }
0x28e: {  	s8 =	simm.s32 $0x1B600;
	[sflag:s2] =	ssyncadd.s32 $0xFFFFF000;
	s0 =	sadd.s32 s19, s3  }
0x28f: {  	[tilespmem:s8], [sflag:$0x9] =	stream.linear.gather [hbm4b:s0+s4], $0x1000, $0x38;
	[tilespmem:$0x1E600] =	vst v63  }
0x290: {  	v8 =	vld [tilespmem:$0x15300]  }
0x291: {  	v61 =	vld [tilespmem:$0x15310];
	_ =	sdelay $0x3  }
0x292: {  	[tilespmem:$0x15400] =	vst v8  }
0x293: {  	v8 =	vshrl.u32 v8, $0x4;
	[tilespmem:$0x15410] =	vst v61  }
0x294: {  	[tilespmem:$0x15500] =	vst v8;
	v8 =	vshrl.u32 v61, $0x4  }
0x295: {  	[tilespmem:$0x15510] =	vst v8  }
0x296: {  	_ =	swait.ge [sflag:s15], $0x20  }
0x297: {  	[sflag:s15] =	ssyncset.done $0x0  }
0x298: {  	[sflag:s15] =	ssyncadd.s32 $0xFFFFFFE0  }
0x299: {  	_ =	swait.ge [sflag:s15], $0x20  }
0x29a: {  	[sflag:s15] =	ssyncset.done $0x0  }
0x29b: {  	[sflag:s15] =	ssyncadd.s32 $0xFFFFFFE0  }
0x29c: {  	v8 =	vld [tilespmem:$0x15180];
	_ =	sdelay $0x4  }
0x29d: {  	v62 =	vshll.u32 v8, $0x1  }
0x29e: {  	v8 =	vand.u32 $0x7, v8;
	v9 =	vand.u32 $0xFFFFFFF0, v62  }
0x29f: {  	v8 =	vor.u32 v8, v9  }
0x2a0: {  	v9 =	vperm.xlane v8, v1;
	_ =	sdelay $0x1  }
0x2a1: {  	v8 =	vperm.xlane v8, v3;
	v9 =	vadd.s32 v2, v9;
	_ =	sdelay $0x1  }
0x2a2: {  	v8 =	vadd.s32 v2, v8;
	_ =	sdelay $0x1  }
0x2a3: {  	s31 =	smov.u32 s9;
	s9 =	simm.s32 $0x17600  }
0x2a4: {  	[tilespmem:s9], [sflag:$0x6] =	stream.indirect_vreg.gather [hbm4b:s23+s4], $0x80, v9, vm0, $0xb8;
	[tilespmem:$0x1E600] =	vst v63  }
0x2a5: {  	s10 =	simm.s32 $0x17E00  }
0x2a6: {  	[tilespmem:s10], [sflag:$0x6] =	stream.indirect_vreg.gather [hbm4b:s23+s4], $0x80, v8, vm0, $0xb8;
	[tilespmem:$0x1E600] =	vst v63  }
0x2a7: {  	v8 =	vld [tilespmem:$0x15190];
	_ =	sdelay $0x4  }
0x2a8: {  	v63 =	vshll.u32 v8, $0x1  }
0x2a9: {  	v8 =	vand.u32 $0x7, v8;
	v9 =	vand.u32 $0xFFFFFFF0, v63  }
0x2aa: {  	v8 =	vor.u32 v8, v9  }
0x2ab: {  	v9 =	vperm.xlane v8, v1;
	_ =	sdelay $0x1  }
0x2ac: {  	v8 =	vperm.xlane v8, v3;
	v9 =	vadd.s32 v2, v9;
	_ =	sdelay $0x1  }
0x2ad: {  	v8 =	vadd.s32 v2, v8;
	_ =	sdelay $0x1  }
0x2ae: {  	s12 =	sadd.s32 $0x4, s12;
	p0 =	seq.s32 s26, $0x4E;
	s14 =	simm.s32 $0x18600  }
0x2af: {  	[tilespmem:s14], [sflag:$0x6] =	stream.indirect_vreg.gather [hbm4b:s23+s4], $0x80, v9, vm0, $0xb8;
	[tilespmem:$0x1E600] =	vst v63  }
0x2b0: {  	s17 =	simm.s32 $0x18E00;
	s0 =	sshll.u32 @!p0 s12, $0x7;
	s1 =	rddreg [dreg:$0xa]  }
0x2b1: {  	[tilespmem:s17], [sflag:$0x6] =	stream.indirect_vreg.gather [hbm4b:s23+s4], $0x80, v8, vm0, $0xb8;
	[tilespmem:$0x1E600] =	vst v63  }
0x2b2: {  	s18 =	simm.s32 $0x1A600;
	s19 =	simm.s32 $0x15380;
	s0 =	sor.u32 @!p0 s1, s0  }
0x2b3: {  	[tilespmem:s18], [sflag:$0x8] =	stream.indirect.gather [hbm4b:s7+s24], $0x80, s19, s24, $0xb8;
	[tilespmem:$0x1E600] =	vst v63  }
0x2b4: {  	s2 =	simm.s32 @!p0 $0x0;
	s3 =	simm.s32 @!p0 $0x15000;
	s1 =	sadd.s32 @!p0 s5, s0  }
0x2b5: {  	[tilespmem:s3], [sflag:$0x1] =	stream.linear.gather @!p0 [hbm4b:s1+s2], $0x20, $0x38;
	[tilespmem:$0x1E600] =	vst v63  }
0x2b6: {  	s20 =	simm.s32 $0x5;
	s0 =	sadd.s32 @!p0 s6, s0;
	s1 =	simm.s32 @!p0 $0x15200  }
0x2b7: {  	[tilespmem:s1], [sflag:$0x1] =	stream.linear.gather @!p0 [hbm4b:s0+s2], $0x20, $0x38;
	[tilespmem:$0x1E600] =	vst v63  }
0x2b8: {  	_ =	swait.ge [sflag:s20], $0x2000  }
0x2b9: {  	[sflag:s20] =	ssyncset.done $0x0  }
0x2ba: {  	s22 =	simm.s32 $0x7;
	[sflag:s20] =	ssyncadd.s32 $0xFFFFE000  }
0x2bb: {  	_ =	swait.ge [sflag:s22], $0x1000  }
0x2bc: {  	[sflag:s22] =	ssyncset.done $0x0  }
0x2bd: {  	s28 =	simm.s32 $0x9;
	[sflag:s22] =	ssyncadd.s32 $0xFFFFF000  }
0x2be: {  	_ =	swait.ge [sflag:s28], $0x1000  }
0x2bf: {  	[sflag:s28] =	ssyncset.done $0x0  }
0x2c0: {  	[sflag:s28] =	ssyncadd.s32 $0xFFFFF000  }
0x2c1: {  	_ =	swait.ge [sflag:s11], $0x1000  }
0x2c2: {  	s14 =	simm.s32 $0x0;
	[sflag:s11] =	ssyncset.done $0x0  }
0x2c3: {  	s1 =	simm.s32 $0x0;
	s2 =	simm.s32 $0x200;
	[sflag:s11] =	ssyncadd.s32 $0xFFFFF000  }
.LBB2_13:
0x2c4: {  	p1 =	sne.s32 s2, $0x3E00;
	[tilespmem:s1+$0x1D670] =	vst v0  }
0x2c5: {  	[tilespmem:s1+$0x1D600] =	vst v0  }
0x2c6: {  	[tilespmem:s1+$0x1D610] =	vst v0  }
.Ltmp5:
0x2c7: {  	[tilespmem:s1+$0x1D620] =	vst v0;
	(pc) =	sbr.rel @p1 .LBB2_13-.Ltmp5, $4  }
0x2c8: {  	[tilespmem:s1+$0x1D630] =	vst v0  }
0x2c9: {  	[tilespmem:s1+$0x1D640] =	vst v0  }
0x2ca: {  	[tilespmem:s1+$0x1D650] =	vst v0  }
0x2cb: {  	[tilespmem:s1+$0x1D660] =	vst v0;
	s1 =	sshra.s32 s2, $0x2;
	s2 =	sadd.s32 $0x200, s2  }
0x2cc: {  	[tilespmem:s1+$0x1D670] =	vst v0  }
0x2cd: {  	[tilespmem:s1+$0x1D600] =	vst v0  }
0x2ce: {  	[tilespmem:s1+$0x1D610] =	vst v0  }
0x2cf: {  	[tilespmem:s1+$0x1D620] =	vst v0  }
0x2d0: {  	[tilespmem:s1+$0x1D630] =	vst v0  }
0x2d1: {  	[tilespmem:s1+$0x1D640] =	vst v0  }
0x2d2: {  	[tilespmem:s1+$0x1D650] =	vst v0  }
0x2d3: {  	[tilespmem:s1+$0x1D660] =	vst v0;
	s10 =	simm.s32 $0x1B640  }
0x2d4: {  	v8 =	vld [tilespmem:s10+$0xFFFFFFF0]  }
0x2d5: {  	v9 =	vld [tilespmem:s10+$0xFFFFFFC0]  }
0x2d6: {  	v10 =	vld [tilespmem:s10+$0xFFFFFFE0]  }
0x2d7: {  	v11 =	vld [tilespmem:s10+$0x0]  }
0x2d8: {  	s3 =	simm.s32 $0x19640;
	v12 =	vld [tilespmem:s10+$0xFFFFFFD0]  }
0x2d9: {  	v16 =	vld [tilespmem:s3+$0xFFFFFFF0]  }
0x2da: {  	v15 =	vld [tilespmem:s3+$0xFFFFFFC0]  }
0x2db: {  	s0 =	sand.u32 $0x1800, s14;
	s28 =	sand.u32 $0x380, s14;
	v17 =	vld [tilespmem:s3+$0xFFFFFFE0]  }
0x2dc: {  	s0 =	sor.u32 s28, s0;
	v21 =	vld [tilespmem:s3+$0x0]  }
0x2dd: {  	s1 =	sadd.s32 $0x15600, s0;
	v14 =	vld [tilespmem:s0+$0x15600]  }
0x2de: {  	v18 =	vld [tilespmem:s1+$0x30]  }
0x2df: {  	v19 =	vld [tilespmem:s1+$0x20]  }
0x2e0: {  	v13 =	vld [tilespmem:s1+$0x40]  }
0x2e1: {  	v20 =	vld [tilespmem:s1+$0x10]  }
0x2e2: {  	v24 =	vld [tilespmem:s3+$0xFFFFFFD0];
	v14 =	vadd.f32 v9, v14  }
0x2e3: {  	v25 =	vld [tilespmem:s1+$0x50];
	v18 =	vadd.f32 v8, v18  }
0x2e4: {  	v19 =	vadd.f32 v10, v19;
	v26 =	vmul.f32 v14, v15;
	v14 =	vld [tilespmem:s10+$0x10]  }
0x2e5: {  	v22 =	vld [tilespmem:s3+$0x10];
	v13 =	vadd.f32 v11, v13;
	v16 =	vmul.f32 v18, v16  }
0x2e6: {  	v15 =	vld [tilespmem:s10+$0x20];
	v18 =	vadd.f32 v12, v20;
	v29 =	vmul.f32 v19, v17;
	v27 =	vperm.xlane v26, v4  }
0x2e7: {  	v23 =	vmul.f32 v13, v21;
	v20 =	vld [tilespmem:s1+$0x60];
	v17 =	vperm.xlane v16, v4  }
0x2e8: {  	v13 =	vld [tilespmem:s10+$0x30];
	v18 =	vmul.f32 v18, v24;
	v24 =	vperm.xlane v29, v4;
	v21 =	vadd.f32 v27, v26  }
0x2e9: {  	s20 =	simm.s32 $0x1;
	s22 =	simm.s32 $0x196C0;
	s17 =	simm.s32 $0x0;
	v19 =	vld [tilespmem:s3+$0x20];
	v28 =	vperm.xlane v23, v4;
	v27 =	vadd.f32 v14, v25;
	v16 =	vadd.f32 v17, v16  }
0x2ea: {  	s19 =	simm.s32 $0x0;
	s2 =	simm.s32 $0x1B640;
	s9 =	rddreg [dreg:$0x11];
	v17 =	vld [tilespmem:s1+$0x70];
	v25 =	vperm.xlane v18, v4;
	v24 =	vadd.f32 v24, v29;
	v26 =	vperm.xlane v21, v5  }
.LBB2_15:
0x2eb: {  	v22 =	vmul.f32 v27, v22;
	v23 =	vadd.f32 v28, v23;
	v27 =	vperm.xlane v16, v5;
	s14 =	sadd.s32 $0x100, s14;
	s17 =	sadd.s32 $0x80, s17;
	s10 =	sadd.s32 $0x80, s10  }
0x2ec: {  	p1 =	sne.s32 s20, $0x1F;
	s8 =	smov.u32 s20;
	s20 =	sadd.s32 $0x1, s20;
	v20 =	vadd.f32 v15, v20;
	v21 =	vadd.f32 v26, v21;
	v26 =	vperm.xlane v24, v5  }
0x2ed: {  	v18 =	vadd.f32 v25, v18;
	v25 =	vperm.xlane v22, v4;
	v28 =	vperm.xlane v23, v5  }
0x2ee: {  	v19 =	vmul.f32 v20, v19;
	v20 =	vadd.f32 v26, v24  }
0x2ef: {  	v26 =	vperm.xlane v18, v5;
	v24 =	vld [tilespmem:s3+$0x30];
	v23 =	vadd.f32 v28, v23;
	v28 =	vperm.xlane v21, v6;
	s3 =	smov.u32 s22  }
0x2f0: {  	v29 =	vmov s19;
	v22 =	vadd.f32 v25, v22;
	v25 =	vperm.xlane v20, v6  }
0x2f1: {  	v17 =	vadd.f32 v13, v17;
	v18 =	vadd.f32 v26, v18;
	v26 =	vperm.xlane v23, v6  }
0x2f2: {  	v30 =	vperm.xlane v19, v4;
	v21 =	vadd.f32 v28, v21;
	v20 =	vadd.f32 v25, v20  }
0x2f3: {  	v25 =	vperm.xlane v22, v5;
	v28 =	vperm.xlane v18, v6;
	v23 =	vadd.f32 v26, v23  }
0x2f4: {  	v19 =	vadd.f32 v30, v19;
	v17 =	vmul.f32 v17, v24;
	v24 =	vperm.xlane v20, v7  }
0x2f5: {  	v16 =	vadd.f32 v27, v16;
	v22 =	vadd.f32 v25, v22;
	v25 =	vperm.xlane v23, v7  }
0x2f6: {  	v27 =	vperm.xlane v21, v7;
	v26 =	vperm.xlane v19, v5;
	v18 =	vadd.f32 v28, v18  }
0x2f7: {  	v28 =	vperm.xlane v16, v6;
	v30 =	vperm.xlane v22, v6;
	v20 =	vadd.f32 v24, v20  }
0x2f8: {  	v24 =	vperm.xlane v17, v4;
	v19 =	vadd.f32 v26, v19;
	v26 =	vperm.xlane v18, v7  }
0x2f9: {  	s0 =	sand.u32 $0x10, s19;
	v16 =	vadd.f32 v28, v16;
	v22 =	vadd.f32 v30, v22;
	v20 =	vmul.f32 $1.442695020e+00, v20  }
0x2fa: {  	v21 =	vadd.f32 v27, v21;
	v17 =	vadd.f32 v24, v17;
	v24 =	vperm.xlane v19, v6;
	v28 =	vld [tilespmem:s0+$0x15300]  }
0x2fb: {  	v18 =	vadd.f32 v26, v18;
	v26 =	vperm.xlane v16, v7;
	v27 =	vperm.xlane v22, v7  }
0x2fc: {  	v21 =	vmul.f32 $1.442695020e+00, v21;
	v30 =	vperm.xlane v17, v5;
	v19 =	vadd.f32 v24, v19  }
0x2fd: {  	v16 =	vadd.f32 v26, v16;
	v18 =	vmul.f32 $1.442695020e+00, v18;
	v22 =	vadd.f32 v27, v22  }
0x2fe: {  	v17 =	vadd.f32 v30, v17;
	v24 =	vperm.xlane v19, v7;
	(erf) = vpow2.f32 v21  }
0x2ff: {  	v23 =	vadd.f32 v25, v23;
	v22 =	vmul.f32 $1.442695020e+00, v22;
	v21 =	vperm.xlane v28, v29  }
0x300: {  	s18 =	sand.u32 $0x380, s17;
	s0 =	sand.u32 $0x1800, s14;
	v26 =	vperm.xlane v17, v6;
	v19 =	vadd.f32 v24, v19;
	v25 =	vld [tilespmem:s1+$0x470];
	(erf) = vpow2.f32 v20  }
0x301: {  	v23 =	vmul.f32 $1.442695020e+00, v23;
	s18 =	sor.u32 s18, s0;
	v20 =	vshll.u32 v21, $0x3;
	v21 =	vld [tilespmem:s1+$0x460];
	(erf) = vpow2.f32 v22  }
0x302: {  	s28 =	sshll.u32 s19, $0x7;
	s19 =	smov.u32 s8;
	s0 =	sadd.s32 $0x15600, s18;
	v17 =	vadd.f32 v26, v17;
	v19 =	vmul.f32 $1.442695020e+00, v19;
	v20 =	vand.u32 $0x78, v20;
	v22 =	vld [tilespmem:s1+$0x450]  }
0x303: {  	v16 =	vmul.f32 $1.442695020e+00, v16;
	v24 =	vld [tilespmem:s1+$0x440];
	v20 =	vor.u32 s28, v20;
	(erf) = vpow2.f32 v18  }
0x304: {  	v26 =	vperm.xlane v17, v7;
	v18 =	vld [tilespmem:s1+$0x430];
	(erf) = vpow2.f32 v19  }
0x305: {  	v19 =	vld [tilespmem:s1+$0x420];
	(erf) = vpow2.f32 v16  }
0x306: {  	v17 =	vadd.f32 v26, v17;
	v16 =	vld [tilespmem:s1+$0x410];
	v15 =	vadd.f32 v21, v15;
	(erf) = vpow2.f32 v23  }
0x307: {  	v21 =	vld [tilespmem:s1+$0x400];
	v14 =	vadd.f32 v22, v14;
	v22 =	vpop (erf);
	s1 =	smov.u32 s0  }
0x308: {  	v17 =	vmul.f32 $1.442695020e+00, v17;
	v23 =	vor.u32 $0x1, v20;
	[tilespmem:v20+s30+$0x0] =	vst.idx.msk $0x1, v22;
	v11 =	vadd.f32 v24, v11  }
0x309: {  	v24 =	vor.u32 $0x2, v20;
	v18 =	vadd.f32 v18, v8;
	v8 =	vpop (erf)  }
0x30a: {  	v26 =	vor.u32 $0x3, v20;
	v10 =	vadd.f32 v19, v10;
	v19 =	vpop (erf);
	(erf) = vpow2.f32 v17  }
0x30b: {  	v17 =	vor.u32 $0x4, v20;
	v12 =	vadd.f32 v16, v12  }
0x30c: {  	v16 =	vor.u32 $0x5, v20;
	v9 =	vadd.f32 v21, v9;
	v21 =	vpop (erf)  }
0x30d: {  	[tilespmem:v23+s30+$0x0] =	vst.idx.msk $0x1, v21;
	v23 =	vor.u32 $0x6, v20;
	v27 =	vpop (erf)  }
0x30e: {  	[tilespmem:v24+s30+$0x0] =	vst.idx.msk $0x1, v8;
	v24 =	vpop (erf)  }
0x30f: {  	v20 =	vor.u32 $0x7, v20;
	[tilespmem:v26+s30+$0x0] =	vst.idx.msk $0x1, v24;
	v26 =	vpop (erf)  }
0x310: {  	[tilespmem:v17+s30+$0x0] =	vst.idx.msk $0x1, v26  }
0x311: {  	[tilespmem:v16+s30+$0x0] =	vst.idx.msk $0x1, v19  }
0x312: {  	v13 =	vadd.f32 v25, v13;
	[tilespmem:v23+s30+$0x0] =	vst.idx.msk $0x1, v27  }
0x313: {  	v9 =	vmul.f32 v22, v9;
	v16 =	vpop (erf)  }
0x314: {  	v8 =	vmul.f32 v8, v10;
	[tilespmem:v20+s30+$0x0] =	vst.idx.msk $0x1, v16;
	v10 =	vmul.f32 v16, v13  }
0x315: {  	[tilespmem:s2+$0xFFFFFFC0] =	vst v9;
	v9 =	vmul.f32 v21, v12  }
0x316: {  	[tilespmem:s2+$0xFFFFFFE0] =	vst v8  }
0x317: {  	v12 =	vmul.f32 v24, v18;
	v8 =	vld [tilespmem:s10+$0xFFFFFFF0];
	[tilespmem:s2+$0xFFFFFFD0] =	vst v9  }
0x318: {  	v11 =	vmul.f32 v26, v11;
	v9 =	vld [tilespmem:s10+$0xFFFFFFC0];
	[tilespmem:s2+$0x30] =	vst v10  }
0x319: {  	[tilespmem:s2+$0xFFFFFFF0] =	vst v12;
	v12 =	vmul.f32 v19, v14  }
0x31a: {  	v13 =	vmul.f32 v27, v15;
	v10 =	vld [tilespmem:s10+$0xFFFFFFE0];
	[tilespmem:s2+$0x0] =	vst v11  }
0x31b: {  	v11 =	vld [tilespmem:s10+$0x0];
	[tilespmem:s2+$0x10] =	vst v12  }
0x31c: {  	v12 =	vld [tilespmem:s10+$0xFFFFFFD0];
	[tilespmem:s2+$0x20] =	vst v13;
	s2 =	smov.u32 s10  }
0x31d: {  	v13 =	vld [tilespmem:s1+$0x40]  }
0x31e: {  	v14 =	vld [tilespmem:s18+$0x15600]  }
0x31f: {  	v16 =	vld [tilespmem:s22+$0xFFFFFFF0]  }
0x320: {  	v15 =	vld [tilespmem:s22+$0xFFFFFFC0]  }
0x321: {  	v17 =	vld [tilespmem:s22+$0xFFFFFFE0]  }
0x322: {  	v18 =	vld [tilespmem:s1+$0x30]  }
0x323: {  	v19 =	vld [tilespmem:s1+$0x20]  }
0x324: {  	v20 =	vld [tilespmem:s1+$0x10]  }
0x325: {  	v14 =	vadd.f32 v9, v14;
	v21 =	vld [tilespmem:s22+$0x0]  }
0x326: {  	v24 =	vld [tilespmem:s22+$0xFFFFFFD0]  }
0x327: {  	v26 =	vmul.f32 v14, v15;
	v25 =	vld [tilespmem:s1+$0x50];
	v18 =	vadd.f32 v8, v18  }
0x328: {  	v13 =	vadd.f32 v11, v13;
	v14 =	vld [tilespmem:s10+$0x10];
	v19 =	vadd.f32 v10, v19  }
0x329: {  	v28 =	vperm.xlane v26, v4;
	v15 =	vld [tilespmem:s10+$0x20];
	v27 =	vadd.f32 v12, v20;
	v16 =	vmul.f32 v18, v16  }
.Ltmp6:
0x32a: {  	v22 =	vld [tilespmem:s22+$0x10];
	v29 =	vmul.f32 v19, v17;
	v23 =	vmul.f32 v13, v21;
	(pc) =	sbr.rel @p1 .LBB2_15-.Ltmp6, $4  }
0x32b: {  	v21 =	vadd.f32 v28, v26;
	v20 =	vld [tilespmem:s1+$0x60];
	v18 =	vmul.f32 v27, v24;
	v17 =	vperm.xlane v16, v4  }
0x32c: {  	v13 =	vld [tilespmem:s10+$0x30];
	v24 =	vperm.xlane v29, v4  }
0x32d: {  	v28 =	vperm.xlane v23, v4;
	v19 =	vld [tilespmem:s22+$0x20];
	v27 =	vadd.f32 v14, v25;
	v16 =	vadd.f32 v17, v16  }
0x32e: {  	v26 =	vperm.xlane v21, v5;
	v25 =	vperm.xlane v18, v4;
	s22 =	sadd.s32 $0x80, s22;
	v17 =	vld [tilespmem:s1+$0x70];
	v24 =	vadd.f32 v24, v29  }
0x32f: {  	v22 =	vmul.f32 v27, v22;
	v23 =	vadd.f32 v28, v23;
	v42 =	vperm.xlane v16, v5  }
0x330: {  	v29 =	vmov s19;
	v20 =	vadd.f32 v15, v20;
	v43 =	vperm.xlane v24, v5  }
0x331: {  	v18 =	vadd.f32 v25, v18;
	v21 =	vadd.f32 v26, v21;
	v44 =	vperm.xlane v22, v4  }
0x332: {  	v48 =	vld [tilespmem:s3+$0x30];
	s0 =	sand.u32 $0x10, s19;
	v45 =	vperm.xlane v23, v5;
	v16 =	vadd.f32 v42, v16;
	v19 =	vmul.f32 v20, v19  }
0x333: {  	v62 =	vld [tilespmem:s0+$0x15300];
	v46 =	vadd.f32 v43, v24;
	v47 =	vperm.xlane v18, v5;
	v49 =	vperm.xlane v21, v6  }
0x334: {  	v23 =	vadd.f32 v45, v23;
	v22 =	vadd.f32 v44, v22;
	v59 =	vperm.xlane v16, v6  }
0x335: {  	v17 =	vadd.f32 v13, v17;
	v50 =	vperm.xlane v46, v6;
	v30 =	vperm.xlane v19, v4  }
0x336: {  	v18 =	vadd.f32 v47, v18;
	v21 =	vadd.f32 v49, v21;
	v51 =	vperm.xlane v23, v6  }
0x337: {  	v52 =	vperm.xlane v22, v5;
	v17 =	vmul.f32 v17, v48;
	v19 =	vadd.f32 v30, v19  }
0x338: {  	v16 =	vadd.f32 v59, v16;
	v34 =	vperm.xlane v62, v29;
	v20 =	vadd.f32 v50, v46  }
0x339: {  	v53 =	vperm.xlane v18, v6;
	v22 =	vadd.f32 v52, v22;
	v56 =	vperm.xlane v19, v5  }
0x33a: {  	v58 =	vperm.xlane v21, v7;
	v23 =	vadd.f32 v51, v23;
	v28 =	vperm.xlane v17, v4  }
0x33b: {  	v63 =	vperm.xlane v16, v7;
	v57 =	vperm.xlane v22, v6;
	v19 =	vadd.f32 v56, v19  }
0x33c: {  	v54 =	vperm.xlane v20, v7;
	v18 =	vadd.f32 v53, v18;
	v17 =	vadd.f32 v28, v17  }
0x33d: {  	v21 =	vadd.f32 v58, v21;
	v22 =	vadd.f32 v57, v22;
	v27 =	vperm.xlane v19, v6  }
0x33e: {  	v55 =	vperm.xlane v23, v7;
	v16 =	vadd.f32 v63, v16;
	v28 =	vperm.xlane v17, v5  }
0x33f: {  	v20 =	vadd.f32 v54, v20;
	v61 =	vperm.xlane v22, v7;
	v19 =	vadd.f32 v27, v19  }
0x340: {  	v60 =	vperm.xlane v18, v7;
	v21 =	vmul.f32 $1.442695020e+00, v21;
	v17 =	vadd.f32 v28, v17  }
0x341: {  	v16 =	vmul.f32 $1.442695020e+00, v16;
	v22 =	vadd.f32 v61, v22;
	v31 =	vperm.xlane v19, v7  }
0x342: {  	v20 =	vmul.f32 $1.442695020e+00, v20;
	v18 =	vadd.f32 v60, v18;
	v33 =	vperm.xlane v17, v6  }
0x343: {  	(erf) = vpow2.f32 v21;
	v32 =	vmul.f32 $1.442695020e+00, v22;
	v19 =	vadd.f32 v31, v19  }
0x344: {  	v18 =	vmul.f32 $1.442695020e+00, v18;
	(erf) = vpow2.f32 v20;
	v17 =	vadd.f32 v33, v17  }
0x345: {  	v35 =	vadd.f32 v55, v23;
	(erf) = vpow2.f32 v32;
	v19 =	vmul.f32 $1.442695020e+00, v19  }
0x346: {  	v36 =	vperm.xlane v17, v7;
	(erf) = vpow2.f32 v18  }
0x347: {  	v21 =	vmul.f32 $1.442695020e+00, v35;
	(erf) = vpow2.f32 v19  }
0x348: {  	v37 =	vld [tilespmem:s1+$0x470];
	v38 =	vshll.u32 v34, $0x3;
	v40 =	vadd.f32 v36, v17;
	(erf) = vpow2.f32 v16  }
0x349: {  	v39 =	vld [tilespmem:s1+$0x460];
	s3 =	sshll.u32 s19, $0x7;
	v41 =	vand.u32 $0x78, v38;
	(erf) = vpow2.f32 v21  }
0x34a: {  	v42 =	vld [tilespmem:s1+$0x450];
	v17 =	vor.u32 s3, v41;
	v16 =	vmul.f32 $1.442695020e+00, v40  }
0x34b: {  	v43 =	vld [tilespmem:s1+$0x440];
	v45 =	vor.u32 $0x1, v17  }
0x34c: {  	v44 =	vld [tilespmem:s1+$0x430];
	v47 =	vpop (erf);
	v48 =	vor.u32 $0x2, v17;
	(erf) = vpow2.f32 v16  }
0x34d: {  	v49 =	vld [tilespmem:s1+$0x410];
	v51 =	vor.u32 $0x3, v17;
	v50 =	vpop (erf)  }
0x34e: {  	v52 =	vld [tilespmem:s1+$0x400];
	v31 =	vor.u32 $0x4, v17;
	v53 =	vpop (erf)  }
0x34f: {  	v46 =	vld [tilespmem:s1+$0x420];
	v32 =	vor.u32 $0x5, v17;
	[tilespmem:v17+s30+$0x0] =	vst.idx.msk $0x1, v47;
	v33 =	vpop (erf)  }
0x350: {  	v54 =	vor.u32 $0x6, v17;
	[tilespmem:v45+s30+$0x0] =	vst.idx.msk $0x1, v33;
	v34 =	vpop (erf)  }
0x351: {  	v17 =	vor.u32 $0x7, v17;
	[tilespmem:v48+s30+$0x0] =	vst.idx.msk $0x1, v50;
	v55 =	vpop (erf)  }
0x352: {  	[tilespmem:v51+s30+$0x0] =	vst.idx.msk $0x1, v55;
	v56 =	vpop (erf)  }
0x353: {  	v9 =	vadd.f32 v52, v9;
	[tilespmem:v31+s30+$0x0] =	vst.idx.msk $0x1, v56  }
0x354: {  	v10 =	vadd.f32 v46, v10;
	[tilespmem:v32+s30+$0x0] =	vst.idx.msk $0x1, v53  }
0x355: {  	v12 =	vadd.f32 v49, v12;
	v9 =	vmul.f32 v47, v9;
	v57 =	vpop (erf);
	[tilespmem:v54+s30+$0x0] =	vst.idx.msk $0x1, v34  }
0x356: {  	v58 =	vadd.f32 v37, v13;
	v10 =	vmul.f32 v50, v10;
	[tilespmem:v17+s30+$0x0] =	vst.idx.msk $0x1, v57  }
0x357: {  	v8 =	vadd.f32 v44, v8;
	v59 =	vmul.f32 v33, v12;
	[tilespmem:s2+$0xFFFFFFC0] =	vst v9  }
0x358: {  	v11 =	vadd.f32 v43, v11;
	v60 =	vmul.f32 v57, v58;
	[tilespmem:s2+$0xFFFFFFE0] =	vst v10  }
0x359: {  	v61 =	vadd.f32 v42, v14;
	v8 =	vmul.f32 v55, v8;
	[tilespmem:s2+$0xFFFFFFD0] =	vst v59  }
0x35a: {  	v62 =	vadd.f32 v39, v15;
	v11 =	vmul.f32 v56, v11;
	[tilespmem:s2+$0x30] =	vst v60  }
0x35b: {  	[tilespmem:s2+$0xFFFFFFF0] =	vst v8;
	v8 =	vmul.f32 v53, v61  }
0x35c: {  	[tilespmem:s2+$0x0] =	vst v11;
	v9 =	vmul.f32 v34, v62  }
0x35d: {  	[tilespmem:s2+$0x10] =	vst v8  }
0x35e: {  	s8 =	simm.s32 $0x15500;
	[tilespmem:s2+$0x20] =	vst v9  }
0x35f: {  	[spmem:s31] =	stream.indirect.scatter.add.f32 [tilespmem:s30], [sflag:$0xD], $0x80, s8, s24, $0xb8;
	[tilespmem:$0x1E600] =	vst v63  }
0x360: {  	s10 =	simm.s32 $0x1B600;
	s14 =	simm.s32 $0x15400  }
0x361: {  	[spmem:s16] =	stream.indirect.scatter.add.f32 [tilespmem:s10], [sflag:$0xB], $0x80, s14, s24, $0xb8;
	[tilespmem:$0x1E600] =	vst v63  }
0x362: {  	s28 =	smov.u32 s16;
	s16 =	simm.s32 $0xC  }
0x363: {  	_ =	swait.ge [sflag:s16], $0x1000  }
0x364: {  	s17 =	sshll.u32 s13, $0xE;
	[sflag:s16] =	ssyncset.done $0x0  }
0x365: {  	s18 =	simm.s32 $0x1C600;
	s0 =	sadd.s32 s17, s9;
	[sflag:s16] =	ssyncadd.s32 $0xFFFFF000  }
0x366: {  	[tilespmem:s18], [sflag:$0xA] =	stream.linear.gather [hbm4b:s0+s4], $0x1000, $0x38;
	[tilespmem:$0x1E600] =	vst v63  }
0x367: {  	v8 =	vld [tilespmem:$0x15380]  }
0x368: {  	v63 =	vld [tilespmem:$0x15390];
	_ =	sdelay $0x3  }
0x369: {  	[tilespmem:$0x15480] =	vst v8  }
0x36a: {  	v8 =	vshrl.u32 v8, $0x4;
	[tilespmem:$0x15490] =	vst v63  }
0x36b: {  	[tilespmem:$0x15580] =	vst v8;
	v8 =	vshrl.u32 v63, $0x4  }
0x36c: {  	s0 =	simm.s32 @!p0 $0x1;
	[tilespmem:$0x15590] =	vst v8  }
0x36d: {  	_ =	swait.ge @!p0 [sflag:s0], $0x20  }
0x36e: {  	[sflag:s0] =	ssyncset.done @!p0 $0x0  }
0x36f: {  	[sflag:s0] =	ssyncadd.s32 @!p0 $0xFFFFFFE0  }
0x370: {  	_ =	swait.ge @!p0 [sflag:s0], $0x20  }
0x371: {  	[sflag:s0] =	ssyncset.done @!p0 $0x0  }
0x372: {  	[sflag:s0] =	ssyncadd.s32 @!p0 $0xFFFFFFE0  }
0x373: {  	v8 =	vld @!p0 [tilespmem:$0x15000];
	_ =	sdelay $0x4  }
0x374: {  	v9 =	vshll.u32 @!p0 v8, $0x1  }
0x375: {  	v10 =	vlaneseq.u32 @!p0;
	v8 =	vand.u32 @!p0 $0x7, v8;
	v9 =	vand.u32 @!p0 $0xFFFFFFF0, v9  }
0x376: {  	v11 =	vshrl.u32 @!p0 v10, $0x3;
	v8 =	vor.u32 @!p0 v8, v9;
	v9 =	vand.u32 @!p0 $0x7, v10  }
0x377: {  	v11 =	vmul.u32 @!p0 $0x8, v11;
	v12 =	vperm.xlane @!p0 v8, v9  }
0x378: {  	v10 =	vor.u32 @!p0 $0x8, v10  }
0x379: {  	v8 =	vperm.xlane @!p0 v8, v10;
	v12 =	vadd.s32 @!p0 v11, v12;
	_ =	sdelay $0x1  }
0x37a: {  	v8 =	vadd.s32 @!p0 v11, v8;
	_ =	sdelay $0x1  }
0x37b: {  	vm1 =	vmmov @!p0 $0xffff;
	s1 =	simm.s32 @!p0 $0x15600;
	s0 =	simm.s32 @!p0 $0x0  }
0x37c: {  	[tilespmem:s1], [sflag:$0x5] =	stream.indirect_vreg.gather @!p0 [hbm4b:s23+s0], $0x80, v12, vm1, $0xb8;
	[tilespmem:$0x1E600] =	vst v63  }
0x37d: {  	s1 =	simm.s32 @!p0 $0x15E00  }
0x37e: {  	[tilespmem:s1], [sflag:$0x5] =	stream.indirect_vreg.gather @!p0 [hbm4b:s23+s0], $0x80, v8, vm1, $0xb8;
	[tilespmem:$0x1E600] =	vst v63  }
0x37f: {  	v8 =	vld @!p0 [tilespmem:$0x15010];
	_ =	sdelay $0x4  }
0x380: {  	v12 =	vshll.u32 @!p0 v8, $0x1  }
0x381: {  	v8 =	vand.u32 @!p0 $0x7, v8;
	v12 =	vand.u32 @!p0 $0xFFFFFFF0, v12  }
0x382: {  	v8 =	vor.u32 @!p0 v8, v12  }
0x383: {  	v9 =	vperm.xlane @!p0 v8, v9;
	_ =	sdelay $0x1  }
0x384: {  	v8 =	vperm.xlane @!p0 v8, v10;
	v9 =	vadd.s32 @!p0 v11, v9;
	_ =	sdelay $0x1  }
0x385: {  	v8 =	vadd.s32 @!p0 v11, v8;
	_ =	sdelay $0x1  }
0x386: {  	s1 =	simm.s32 @!p0 $0x16600  }
0x387: {  	[tilespmem:s1], [sflag:$0x5] =	stream.indirect_vreg.gather @!p0 [hbm4b:s23+s0], $0x80, v9, vm1, $0xb8;
	[tilespmem:$0x1E600] =	vst v63  }
0x388: {  	s1 =	simm.s32 @!p0 $0x16E00  }
0x389: {  	[tilespmem:s1], [sflag:$0x5] =	stream.indirect_vreg.gather @!p0 [hbm4b:s23+s0], $0x80, v8, vm1, $0xb8;
	[tilespmem:$0x1E600] =	vst v63  }
0x38a: {  	s3 =	simm.s32 @!p0 $0x19600;
	s2 =	simm.s32 @!p0 $0x15200;
	s1 =	simm.s32 @!p0 $0x20  }
0x38b: {  	[tilespmem:s3], [sflag:$0x7] =	stream.indirect.gather @!p0 [hbm4b:s7+s1], $0x80, s2, s1, $0xb8;
	[tilespmem:$0x1E600] =	vst v63  }
0x38c: {  	s1 =	sshll.u32 @!p0 s26, $0x9;
	s2 =	rddreg [dreg:$0x19]  }
0x38d: {  	s1 =	sadd.s32 @!p0 s2, s1  }
0x38e: {  	s3 =	simm.s32 @!p0 $0x15080;
	s2 =	sadd.s32 @!p0 s5, s1  }
0x38f: {  	[tilespmem:s3], [sflag:$0x2] =	stream.linear.gather @!p0 [hbm4b:s2+s0], $0x20, $0x38;
	[tilespmem:$0x1E600] =	vst v63  }
0x390: {  	s19 =	simm.s32 $0x6;
	s1 =	sadd.s32 @!p0 s6, s1;
	s2 =	simm.s32 @!p0 $0x15280  }
0x391: {  	[tilespmem:s2], [sflag:$0x2] =	stream.linear.gather @!p0 [hbm4b:s1+s0], $0x20, $0x38;
	[tilespmem:$0x1E600] =	vst v63  }
0x392: {  	_ =	swait.ge [sflag:s19], $0x2000  }
0x393: {  	[sflag:s19] =	ssyncset.done $0x0  }
0x394: {  	s20 =	simm.s32 $0x8;
	[sflag:s19] =	ssyncadd.s32 $0xFFFFE000  }
0x395: {  	_ =	swait.ge [sflag:s20], $0x1000  }
0x396: {  	[sflag:s20] =	ssyncset.done $0x0  }
0x397: {  	s22 =	simm.s32 $0xA;
	[sflag:s20] =	ssyncadd.s32 $0xFFFFF000  }
0x398: {  	_ =	swait.ge [sflag:s22], $0x1000  }
0x399: {  	[sflag:s22] =	ssyncset.done $0x0  }
0x39a: {  	[sflag:s22] =	ssyncadd.s32 $0xFFFFF000  }
0x39b: {  	_ =	swait.ge [sflag:s11], $0x1000  }
0x39c: {  	s13 =	simm.s32 $0x0;
	[sflag:s11] =	ssyncset.done $0x0  }
0x39d: {  	s1 =	simm.s32 $0x0;
	s2 =	simm.s32 $0x200;
	[sflag:s11] =	ssyncadd.s32 $0xFFFFF000  }
.LBB2_17:
0x39e: {  	p1 =	sne.s32 s2, $0x3E00;
	[tilespmem:s1+$0x1D670] =	vst v0  }
0x39f: {  	[tilespmem:s1+$0x1D600] =	vst v0  }
0x3a0: {  	[tilespmem:s1+$0x1D610] =	vst v0  }
.Ltmp7:
0x3a1: {  	[tilespmem:s1+$0x1D620] =	vst v0;
	(pc) =	sbr.rel @p1 .LBB2_17-.Ltmp7, $4  }
0x3a2: {  	[tilespmem:s1+$0x1D630] =	vst v0  }
0x3a3: {  	[tilespmem:s1+$0x1D640] =	vst v0  }
0x3a4: {  	[tilespmem:s1+$0x1D650] =	vst v0  }
0x3a5: {  	[tilespmem:s1+$0x1D660] =	vst v0;
	s1 =	sshra.s32 s2, $0x2;
	s2 =	sadd.s32 $0x200, s2  }
0x3a6: {  	[tilespmem:s1+$0x1D670] =	vst v0  }
0x3a7: {  	[tilespmem:s1+$0x1D600] =	vst v0  }
0x3a8: {  	[tilespmem:s1+$0x1D610] =	vst v0  }
0x3a9: {  	[tilespmem:s1+$0x1D620] =	vst v0  }
0x3aa: {  	[tilespmem:s1+$0x1D630] =	vst v0  }
0x3ab: {  	[tilespmem:s1+$0x1D640] =	vst v0  }
0x3ac: {  	[tilespmem:s1+$0x1D650] =	vst v0  }
0x3ad: {  	[tilespmem:s1+$0x1D660] =	vst v0;
	s10 =	simm.s32 $0x1C640  }
0x3ae: {  	v8 =	vld [tilespmem:s10+$0xFFFFFFF0]  }
0x3af: {  	v9 =	vld [tilespmem:s10+$0xFFFFFFC0]  }
0x3b0: {  	v10 =	vld [tilespmem:s10+$0xFFFFFFE0]  }
0x3b1: {  	v11 =	vld [tilespmem:s10+$0x0]  }
0x3b2: {  	s3 =	simm.s32 $0x1A640;
	v12 =	vld [tilespmem:s10+$0xFFFFFFD0]  }
0x3b3: {  	v16 =	vld [tilespmem:s3+$0xFFFFFFF0]  }
0x3b4: {  	v15 =	vld [tilespmem:s3+$0xFFFFFFC0]  }
0x3b5: {  	s0 =	sand.u32 $0x1800, s13;
	s22 =	sand.u32 $0x380, s13;
	v17 =	vld [tilespmem:s3+$0xFFFFFFE0]  }
0x3b6: {  	s0 =	sor.u32 s22, s0;
	v21 =	vld [tilespmem:s3+$0x0]  }
0x3b7: {  	s1 =	sadd.s32 $0x17600, s0;
	v14 =	vld [tilespmem:s0+$0x17600]  }
0x3b8: {  	v18 =	vld [tilespmem:s1+$0x30]  }
0x3b9: {  	v19 =	vld [tilespmem:s1+$0x20]  }
0x3ba: {  	v13 =	vld [tilespmem:s1+$0x40]  }
0x3bb: {  	v20 =	vld [tilespmem:s1+$0x10]  }
0x3bc: {  	v24 =	vld [tilespmem:s3+$0xFFFFFFD0];
	v14 =	vadd.f32 v9, v14  }
0x3bd: {  	v25 =	vld [tilespmem:s1+$0x50];
	v18 =	vadd.f32 v8, v18  }
0x3be: {  	v19 =	vadd.f32 v10, v19;
	v26 =	vmul.f32 v14, v15;
	v14 =	vld [tilespmem:s10+$0x10]  }
0x3bf: {  	v22 =	vld [tilespmem:s3+$0x10];
	v13 =	vadd.f32 v11, v13;
	v16 =	vmul.f32 v18, v16  }
0x3c0: {  	v15 =	vld [tilespmem:s10+$0x20];
	v18 =	vadd.f32 v12, v20;
	v29 =	vmul.f32 v19, v17;
	v27 =	vperm.xlane v26, v4  }
0x3c1: {  	v23 =	vmul.f32 v13, v21;
	v20 =	vld [tilespmem:s1+$0x60];
	v17 =	vperm.xlane v16, v4  }
0x3c2: {  	v13 =	vld [tilespmem:s10+$0x30];
	v18 =	vmul.f32 v18, v24;
	v24 =	vperm.xlane v29, v4;
	v21 =	vadd.f32 v27, v26  }
0x3c3: {  	s19 =	simm.s32 $0x1;
	s20 =	simm.s32 $0x1A6C0;
	v19 =	vld [tilespmem:s3+$0x20];
	v28 =	vperm.xlane v23, v4;
	v27 =	vadd.f32 v14, v25;
	v16 =	vadd.f32 v17, v16  }
0x3c4: {  	s17 =	simm.s32 $0x0;
	s14 =	simm.s32 $0x0;
	s2 =	simm.s32 $0x1C640;
	v17 =	vld [tilespmem:s1+$0x70];
	v25 =	vperm.xlane v18, v4;
	v24 =	vadd.f32 v24, v29;
	v26 =	vperm.xlane v21, v5  }
.LBB2_19:
0x3c5: {  	v22 =	vmul.f32 v27, v22;
	v23 =	vadd.f32 v28, v23;
	v27 =	vperm.xlane v16, v5;
	s13 =	sadd.s32 $0x100, s13;
	s17 =	sadd.s32 $0x80, s17;
	s10 =	sadd.s32 $0x80, s10  }
0x3c6: {  	p1 =	sne.s32 s19, $0x1F;
	s8 =	smov.u32 s19;
	s19 =	sadd.s32 $0x1, s19;
	v20 =	vadd.f32 v15, v20;
	v21 =	vadd.f32 v26, v21;
	v26 =	vperm.xlane v24, v5  }
0x3c7: {  	v18 =	vadd.f32 v25, v18;
	v25 =	vperm.xlane v22, v4;
	v28 =	vperm.xlane v23, v5  }
0x3c8: {  	v19 =	vmul.f32 v20, v19;
	v20 =	vadd.f32 v26, v24  }
0x3c9: {  	v26 =	vperm.xlane v18, v5;
	v24 =	vld [tilespmem:s3+$0x30];
	v23 =	vadd.f32 v28, v23;
	v28 =	vperm.xlane v21, v6;
	s3 =	smov.u32 s20  }
0x3ca: {  	v29 =	vmov s14;
	v22 =	vadd.f32 v25, v22;
	v25 =	vperm.xlane v20, v6  }
0x3cb: {  	v17 =	vadd.f32 v13, v17;
	v18 =	vadd.f32 v26, v18;
	v26 =	vperm.xlane v23, v6  }
0x3cc: {  	v30 =	vperm.xlane v19, v4;
	v21 =	vadd.f32 v28, v21;
	v20 =	vadd.f32 v25, v20  }
0x3cd: {  	v25 =	vperm.xlane v22, v5;
	v28 =	vperm.xlane v18, v6;
	v23 =	vadd.f32 v26, v23  }
0x3ce: {  	v19 =	vadd.f32 v30, v19;
	v17 =	vmul.f32 v17, v24;
	v24 =	vperm.xlane v20, v7  }
0x3cf: {  	v16 =	vadd.f32 v27, v16;
	v22 =	vadd.f32 v25, v22;
	v25 =	vperm.xlane v23, v7  }
0x3d0: {  	v27 =	vperm.xlane v21, v7;
	v26 =	vperm.xlane v19, v5;
	v18 =	vadd.f32 v28, v18  }
0x3d1: {  	v28 =	vperm.xlane v16, v6;
	v30 =	vperm.xlane v22, v6;
	v20 =	vadd.f32 v24, v20  }
0x3d2: {  	v24 =	vperm.xlane v17, v4;
	v19 =	vadd.f32 v26, v19;
	v26 =	vperm.xlane v18, v7  }
0x3d3: {  	s0 =	sand.u32 $0x10, s14;
	v16 =	vadd.f32 v28, v16;
	v22 =	vadd.f32 v30, v22;
	v20 =	vmul.f32 $1.442695020e+00, v20  }
0x3d4: {  	v21 =	vadd.f32 v27, v21;
	v17 =	vadd.f32 v24, v17;
	v24 =	vperm.xlane v19, v6;
	v28 =	vld [tilespmem:s0+$0x15380]  }
0x3d5: {  	v18 =	vadd.f32 v26, v18;
	v26 =	vperm.xlane v16, v7;
	v27 =	vperm.xlane v22, v7  }
0x3d6: {  	v21 =	vmul.f32 $1.442695020e+00, v21;
	v30 =	vperm.xlane v17, v5;
	v19 =	vadd.f32 v24, v19  }
0x3d7: {  	v16 =	vadd.f32 v26, v16;
	v18 =	vmul.f32 $1.442695020e+00, v18;
	v22 =	vadd.f32 v27, v22  }
0x3d8: {  	v17 =	vadd.f32 v30, v17;
	v24 =	vperm.xlane v19, v7;
	(erf) = vpow2.f32 v21  }
0x3d9: {  	v23 =	vadd.f32 v25, v23;
	v22 =	vmul.f32 $1.442695020e+00, v22;
	v21 =	vperm.xlane v28, v29  }
0x3da: {  	s18 =	sand.u32 $0x380, s17;
	s0 =	sand.u32 $0x1800, s13;
	v26 =	vperm.xlane v17, v6;
	v19 =	vadd.f32 v24, v19;
	v25 =	vld [tilespmem:s1+$0x470];
	(erf) = vpow2.f32 v20  }
0x3db: {  	v23 =	vmul.f32 $1.442695020e+00, v23;
	s18 =	sor.u32 s18, s0;
	v20 =	vshll.u32 v21, $0x3;
	v21 =	vld [tilespmem:s1+$0x460];
	(erf) = vpow2.f32 v22  }
0x3dc: {  	s22 =	sshll.u32 s14, $0x7;
	s14 =	smov.u32 s8;
	s0 =	sadd.s32 $0x17600, s18;
	v17 =	vadd.f32 v26, v17;
	v19 =	vmul.f32 $1.442695020e+00, v19;
	v20 =	vand.u32 $0x78, v20;
	v22 =	vld [tilespmem:s1+$0x450]  }
0x3dd: {  	v16 =	vmul.f32 $1.442695020e+00, v16;
	v24 =	vld [tilespmem:s1+$0x440];
	v20 =	vor.u32 s22, v20;
	(erf) = vpow2.f32 v18  }
0x3de: {  	v26 =	vperm.xlane v17, v7;
	v18 =	vld [tilespmem:s1+$0x430];
	(erf) = vpow2.f32 v19  }
0x3df: {  	v19 =	vld [tilespmem:s1+$0x420];
	(erf) = vpow2.f32 v16  }
0x3e0: {  	v17 =	vadd.f32 v26, v17;
	v16 =	vld [tilespmem:s1+$0x410];
	v15 =	vadd.f32 v21, v15;
	(erf) = vpow2.f32 v23  }
0x3e1: {  	v21 =	vld [tilespmem:s1+$0x400];
	v14 =	vadd.f32 v22, v14;
	v22 =	vpop (erf);
	s1 =	smov.u32 s0  }
0x3e2: {  	v17 =	vmul.f32 $1.442695020e+00, v17;
	v23 =	vor.u32 $0x1, v20;
	[tilespmem:v20+s30+$0x0] =	vst.idx.msk $0x1, v22;
	v11 =	vadd.f32 v24, v11  }
0x3e3: {  	v24 =	vor.u32 $0x2, v20;
	v18 =	vadd.f32 v18, v8;
	v8 =	vpop (erf)  }
0x3e4: {  	v26 =	vor.u32 $0x3, v20;
	v10 =	vadd.f32 v19, v10;
	v19 =	vpop (erf);
	(erf) = vpow2.f32 v17  }
0x3e5: {  	v17 =	vor.u32 $0x4, v20;
	v12 =	vadd.f32 v16, v12  }
0x3e6: {  	v16 =	vor.u32 $0x5, v20;
	v9 =	vadd.f32 v21, v9;
	v21 =	vpop (erf)  }
0x3e7: {  	[tilespmem:v23+s30+$0x0] =	vst.idx.msk $0x1, v21;
	v23 =	vor.u32 $0x6, v20;
	v27 =	vpop (erf)  }
0x3e8: {  	[tilespmem:v24+s30+$0x0] =	vst.idx.msk $0x1, v8;
	v24 =	vpop (erf)  }
0x3e9: {  	v20 =	vor.u32 $0x7, v20;
	[tilespmem:v26+s30+$0x0] =	vst.idx.msk $0x1, v24;
	v26 =	vpop (erf)  }
0x3ea: {  	[tilespmem:v17+s30+$0x0] =	vst.idx.msk $0x1, v26  }
0x3eb: {  	[tilespmem:v16+s30+$0x0] =	vst.idx.msk $0x1, v19  }
0x3ec: {  	v13 =	vadd.f32 v25, v13;
	[tilespmem:v23+s30+$0x0] =	vst.idx.msk $0x1, v27  }
0x3ed: {  	v9 =	vmul.f32 v22, v9;
	v16 =	vpop (erf)  }
0x3ee: {  	v8 =	vmul.f32 v8, v10;
	[tilespmem:v20+s30+$0x0] =	vst.idx.msk $0x1, v16;
	v10 =	vmul.f32 v16, v13  }
0x3ef: {  	[tilespmem:s2+$0xFFFFFFC0] =	vst v9;
	v9 =	vmul.f32 v21, v12  }
0x3f0: {  	[tilespmem:s2+$0xFFFFFFE0] =	vst v8  }
0x3f1: {  	v12 =	vmul.f32 v24, v18;
	v8 =	vld [tilespmem:s10+$0xFFFFFFF0];
	[tilespmem:s2+$0xFFFFFFD0] =	vst v9  }
0x3f2: {  	v11 =	vmul.f32 v26, v11;
	v9 =	vld [tilespmem:s10+$0xFFFFFFC0];
	[tilespmem:s2+$0x30] =	vst v10  }
0x3f3: {  	[tilespmem:s2+$0xFFFFFFF0] =	vst v12;
	v12 =	vmul.f32 v19, v14  }
0x3f4: {  	v13 =	vmul.f32 v27, v15;
	v10 =	vld [tilespmem:s10+$0xFFFFFFE0];
	[tilespmem:s2+$0x0] =	vst v11  }
0x3f5: {  	v11 =	vld [tilespmem:s10+$0x0];
	[tilespmem:s2+$0x10] =	vst v12  }
0x3f6: {  	v12 =	vld [tilespmem:s10+$0xFFFFFFD0];
	[tilespmem:s2+$0x20] =	vst v13;
	s2 =	smov.u32 s10  }
0x3f7: {  	v13 =	vld [tilespmem:s1+$0x40]  }
0x3f8: {  	v14 =	vld [tilespmem:s18+$0x17600]  }
0x3f9: {  	v16 =	vld [tilespmem:s20+$0xFFFFFFF0]  }
0x3fa: {  	v15 =	vld [tilespmem:s20+$0xFFFFFFC0]  }
0x3fb: {  	v17 =	vld [tilespmem:s20+$0xFFFFFFE0]  }
0x3fc: {  	v18 =	vld [tilespmem:s1+$0x30]  }
0x3fd: {  	v19 =	vld [tilespmem:s1+$0x20]  }
0x3fe: {  	v20 =	vld [tilespmem:s1+$0x10]  }
0x3ff: {  	v14 =	vadd.f32 v9, v14;
	v21 =	vld [tilespmem:s20+$0x0]  }
0x400: {  	v24 =	vld [tilespmem:s20+$0xFFFFFFD0]  }
0x401: {  	v26 =	vmul.f32 v14, v15;
	v25 =	vld [tilespmem:s1+$0x50];
	v18 =	vadd.f32 v8, v18  }
0x402: {  	v13 =	vadd.f32 v11, v13;
	v14 =	vld [tilespmem:s10+$0x10];
	v19 =	vadd.f32 v10, v19  }
0x403: {  	v28 =	vperm.xlane v26, v4;
	v15 =	vld [tilespmem:s10+$0x20];
	v27 =	vadd.f32 v12, v20;
	v16 =	vmul.f32 v18, v16  }
.Ltmp8:
0x404: {  	v22 =	vld [tilespmem:s20+$0x10];
	v29 =	vmul.f32 v19, v17;
	v23 =	vmul.f32 v13, v21;
	(pc) =	sbr.rel @p1 .LBB2_19-.Ltmp8, $4  }
0x405: {  	v21 =	vadd.f32 v28, v26;
	v20 =	vld [tilespmem:s1+$0x60];
	v18 =	vmul.f32 v27, v24;
	v17 =	vperm.xlane v16, v4  }
0x406: {  	v13 =	vld [tilespmem:s10+$0x30];
	v24 =	vperm.xlane v29, v4  }
0x407: {  	v28 =	vperm.xlane v23, v4;
	v19 =	vld [tilespmem:s20+$0x20];
	v27 =	vadd.f32 v14, v25;
	v16 =	vadd.f32 v17, v16  }
0x408: {  	v26 =	vperm.xlane v21, v5;
	v25 =	vperm.xlane v18, v4;
	s20 =	sadd.s32 $0x80, s20;
	v17 =	vld [tilespmem:s1+$0x70];
	v24 =	vadd.f32 v24, v29  }
0x409: {  	v22 =	vmul.f32 v27, v22;
	v23 =	vadd.f32 v28, v23;
	v43 =	vperm.xlane v16, v5  }
0x40a: {  	v29 =	vmov s14;
	v20 =	vadd.f32 v15, v20;
	v44 =	vperm.xlane v24, v5  }
0x40b: {  	v18 =	vadd.f32 v25, v18;
	v21 =	vadd.f32 v26, v21;
	v45 =	vperm.xlane v22, v4  }
0x40c: {  	v49 =	vld [tilespmem:s3+$0x30];
	s0 =	sand.u32 $0x10, s14;
	v46 =	vperm.xlane v23, v5;
	v16 =	vadd.f32 v43, v16;
	v19 =	vmul.f32 v20, v19  }
0x40d: {  	v63 =	vld [tilespmem:s0+$0x15380];
	v47 =	vadd.f32 v44, v24;
	v48 =	vperm.xlane v18, v5;
	v50 =	vperm.xlane v21, v6  }
0x40e: {  	v23 =	vadd.f32 v46, v23;
	v22 =	vadd.f32 v45, v22;
	v60 =	vperm.xlane v16, v6  }
0x40f: {  	v17 =	vadd.f32 v13, v17;
	v51 =	vperm.xlane v47, v6;
	v30 =	vperm.xlane v19, v4  }
0x410: {  	v18 =	vadd.f32 v48, v18;
	v21 =	vadd.f32 v50, v21;
	v52 =	vperm.xlane v23, v6  }
0x411: {  	v53 =	vperm.xlane v22, v5;
	v17 =	vmul.f32 v17, v49;
	v19 =	vadd.f32 v30, v19  }
0x412: {  	v16 =	vadd.f32 v60, v16;
	v35 =	vperm.xlane v63, v29;
	v20 =	vadd.f32 v51, v47  }
0x413: {  	v54 =	vperm.xlane v18, v6;
	v22 =	vadd.f32 v53, v22;
	v57 =	vperm.xlane v19, v5  }
0x414: {  	v59 =	vperm.xlane v21, v7;
	v23 =	vadd.f32 v52, v23;
	v28 =	vperm.xlane v17, v4  }
0x415: {  	v31 =	vperm.xlane v16, v7;
	v58 =	vperm.xlane v22, v6;
	v19 =	vadd.f32 v57, v19  }
0x416: {  	v55 =	vperm.xlane v20, v7;
	v18 =	vadd.f32 v54, v18;
	v17 =	vadd.f32 v28, v17  }
0x417: {  	v21 =	vadd.f32 v59, v21;
	v22 =	vadd.f32 v58, v22;
	v27 =	vperm.xlane v19, v6  }
0x418: {  	v56 =	vperm.xlane v23, v7;
	v16 =	vadd.f32 v31, v16;
	v28 =	vperm.xlane v17, v5  }
0x419: {  	v20 =	vadd.f32 v55, v20;
	v62 =	vperm.xlane v22, v7;
	v19 =	vadd.f32 v27, v19  }
0x41a: {  	v61 =	vperm.xlane v18, v7;
	v21 =	vmul.f32 $1.442695020e+00, v21;
	v17 =	vadd.f32 v28, v17  }
0x41b: {  	v16 =	vmul.f32 $1.442695020e+00, v16;
	v22 =	vadd.f32 v62, v22;
	v32 =	vperm.xlane v19, v7  }
0x41c: {  	v20 =	vmul.f32 $1.442695020e+00, v20;
	v18 =	vadd.f32 v61, v18;
	v34 =	vperm.xlane v17, v6  }
0x41d: {  	(erf) = vpow2.f32 v21;
	v33 =	vmul.f32 $1.442695020e+00, v22;
	v19 =	vadd.f32 v32, v19  }
0x41e: {  	v18 =	vmul.f32 $1.442695020e+00, v18;
	(erf) = vpow2.f32 v20;
	v17 =	vadd.f32 v34, v17  }
0x41f: {  	v36 =	vadd.f32 v56, v23;
	(erf) = vpow2.f32 v33;
	v19 =	vmul.f32 $1.442695020e+00, v19  }
0x420: {  	v37 =	vperm.xlane v17, v7;
	(erf) = vpow2.f32 v18  }
0x421: {  	v21 =	vmul.f32 $1.442695020e+00, v36;
	(erf) = vpow2.f32 v19  }
0x422: {  	v38 =	vld [tilespmem:s1+$0x470];
	v39 =	vshll.u32 v35, $0x3;
	v41 =	vadd.f32 v37, v17;
	(erf) = vpow2.f32 v16  }
0x423: {  	v40 =	vld [tilespmem:s1+$0x460];
	s17 =	sshll.u32 s14, $0x7;
	v42 =	vand.u32 $0x78, v39;
	(erf) = vpow2.f32 v21  }
0x424: {  	v43 =	vld [tilespmem:s1+$0x450];
	v17 =	vor.u32 s17, v42;
	v16 =	vmul.f32 $1.442695020e+00, v41  }
0x425: {  	v44 =	vld [tilespmem:s1+$0x440];
	v46 =	vor.u32 $0x1, v17  }
0x426: {  	v45 =	vld [tilespmem:s1+$0x430];
	v48 =	vpop (erf);
	v49 =	vor.u32 $0x2, v17;
	(erf) = vpow2.f32 v16  }
0x427: {  	v50 =	vld [tilespmem:s1+$0x410];
	v52 =	vor.u32 $0x3, v17;
	v51 =	vpop (erf)  }
0x428: {  	v53 =	vld [tilespmem:s1+$0x400];
	v31 =	vor.u32 $0x4, v17;
	v54 =	vpop (erf)  }
0x429: {  	v47 =	vld [tilespmem:s1+$0x420];
	v32 =	vor.u32 $0x5, v17;
	[tilespmem:v17+s30+$0x0] =	vst.idx.msk $0x1, v48;
	v33 =	vpop (erf)  }
0x42a: {  	v55 =	vor.u32 $0x6, v17;
	[tilespmem:v46+s30+$0x0] =	vst.idx.msk $0x1, v33;
	v34 =	vpop (erf)  }
0x42b: {  	v17 =	vor.u32 $0x7, v17;
	[tilespmem:v49+s30+$0x0] =	vst.idx.msk $0x1, v51;
	v56 =	vpop (erf)  }
0x42c: {  	[tilespmem:v52+s30+$0x0] =	vst.idx.msk $0x1, v56;
	v57 =	vpop (erf)  }
0x42d: {  	v9 =	vadd.f32 v53, v9;
	[tilespmem:v31+s30+$0x0] =	vst.idx.msk $0x1, v57  }
0x42e: {  	v10 =	vadd.f32 v47, v10;
	[tilespmem:v32+s30+$0x0] =	vst.idx.msk $0x1, v54  }
0x42f: {  	v12 =	vadd.f32 v50, v12;
	v9 =	vmul.f32 v48, v9;
	v58 =	vpop (erf);
	[tilespmem:v55+s30+$0x0] =	vst.idx.msk $0x1, v34  }
0x430: {  	v59 =	vadd.f32 v38, v13;
	v10 =	vmul.f32 v51, v10;
	[tilespmem:v17+s30+$0x0] =	vst.idx.msk $0x1, v58  }
0x431: {  	v8 =	vadd.f32 v45, v8;
	v60 =	vmul.f32 v33, v12;
	[tilespmem:s2+$0xFFFFFFC0] =	vst v9  }
0x432: {  	v11 =	vadd.f32 v44, v11;
	v61 =	vmul.f32 v58, v59;
	[tilespmem:s2+$0xFFFFFFE0] =	vst v10  }
0x433: {  	v62 =	vadd.f32 v43, v14;
	v8 =	vmul.f32 v56, v8;
	[tilespmem:s2+$0xFFFFFFD0] =	vst v60  }
0x434: {  	v63 =	vadd.f32 v40, v15;
	v11 =	vmul.f32 v57, v11;
	[tilespmem:s2+$0x30] =	vst v61  }
0x435: {  	[tilespmem:s2+$0xFFFFFFF0] =	vst v8;
	v8 =	vmul.f32 v54, v62  }
0x436: {  	[tilespmem:s2+$0x0] =	vst v11;
	v9 =	vmul.f32 v34, v63  }
0x437: {  	[tilespmem:s2+$0x10] =	vst v8  }
0x438: {  	s18 =	simm.s32 $0x15580;
	s19 =	simm.s32 $0x1C600;
	[tilespmem:s2+$0x20] =	vst v9  }
0x439: {  	[spmem:s31] =	stream.indirect.scatter.add.f32 [tilespmem:s30], [sflag:$0xD], $0x80, s18, s24, $0xb8;
	[tilespmem:$0x1E600] =	vst v63  }
.Ltmp9:
0x43a: {  	s20 =	simm.s32 $0x15480;
	s22 =	simm.s32 $0xB;
	(pc) =	sbr.rel @p0 .LBB2_22-.Ltmp9, $4  }
0x43b: {  	[spmem:s28] =	stream.indirect.scatter.add.f32 [tilespmem:s19], [sflag:$0xC], $0x80, s20, s24, $0xb8;
	[tilespmem:$0x1E600] =	vst v63  }
0x43c: {  	_ =	swait.ge [sflag:s22], $0x1000  }
0x43d: {  	[sflag:s22] =	ssyncset.done $0x0  }
0x43e: {  	[sflag:s22] =	ssyncadd.s32 $0xFFFFF000  }
0x43f: {  	s0 =	sshll.u32 s12, $0xE  }
0x440: {  	s1 =	simm.s32 $0x1B600;
	s0 =	sadd.s32 s0, s9  }
0x441: {  	[tilespmem:s1], [sflag:$0x9] =	stream.linear.gather [hbm4b:s0+s4], $0x1000, $0x38;
	[tilespmem:$0x1E600] =	vst v63  }
0x442: {  	v8 =	vld [tilespmem:$0x15200]  }
0x443: {  	v9 =	vld [tilespmem:$0x15210];
	_ =	sdelay $0x3  }
0x444: {  	[tilespmem:$0x15400] =	vst v8  }
0x445: {  	v8 =	vshrl.u32 v8, $0x4;
	[tilespmem:$0x15410] =	vst v9  }
0x446: {  	[tilespmem:$0x15500] =	vst v8;
	v8 =	vshrl.u32 v9, $0x4  }
0x447: {  	s10 =	simm.s32 $0x2;
	[tilespmem:$0x15510] =	vst v8  }
0x448: {  	_ =	swait.ge [sflag:s10], $0x20  }
0x449: {  	[sflag:s10] =	ssyncset.done $0x0  }
0x44a: {  	[sflag:s10] =	ssyncadd.s32 $0xFFFFFFE0  }
0x44b: {  	_ =	swait.ge [sflag:s10], $0x20  }
0x44c: {  	[sflag:s10] =	ssyncset.done $0x0  }
0x44d: {  	[sflag:s10] =	ssyncadd.s32 $0xFFFFFFE0  }
0x44e: {  	v8 =	vld [tilespmem:$0x15080];
	_ =	sdelay $0x4  }
0x44f: {  	v62 =	vshll.u32 v8, $0x1  }
0x450: {  	v8 =	vand.u32 $0x7, v8;
	v9 =	vand.u32 $0xFFFFFFF0, v62  }
0x451: {  	v8 =	vor.u32 v8, v9  }
0x452: {  	v9 =	vperm.xlane v8, v1;
	_ =	sdelay $0x1  }
0x453: {  	v8 =	vperm.xlane v8, v3;
	v9 =	vadd.s32 v2, v9;
	_ =	sdelay $0x1  }
0x454: {  	v8 =	vadd.s32 v2, v8;
	_ =	sdelay $0x1  }
0x455: {  	s12 =	simm.s32 $0x17600  }
0x456: {  	[tilespmem:s12], [sflag:$0x6] =	stream.indirect_vreg.gather [hbm4b:s23+s4], $0x80, v9, vm0, $0xb8;
	[tilespmem:$0x1E600] =	vst v63  }
0x457: {  	s13 =	simm.s32 $0x17E00  }
0x458: {  	[tilespmem:s13], [sflag:$0x6] =	stream.indirect_vreg.gather [hbm4b:s23+s4], $0x80, v8, vm0, $0xb8;
	[tilespmem:$0x1E600] =	vst v63  }
0x459: {  	v8 =	vld [tilespmem:$0x15090];
	_ =	sdelay $0x4  }
0x45a: {  	v63 =	vshll.u32 v8, $0x1  }
0x45b: {  	v8 =	vand.u32 $0x7, v8;
	v9 =	vand.u32 $0xFFFFFFF0, v63  }
0x45c: {  	v8 =	vor.u32 v8, v9  }
0x45d: {  	v9 =	vperm.xlane v8, v1;
	_ =	sdelay $0x1  }
0x45e: {  	v8 =	vperm.xlane v8, v3;
	v9 =	vadd.s32 v2, v9;
	_ =	sdelay $0x1  }
0x45f: {  	v8 =	vadd.s32 v2, v8;
	_ =	sdelay $0x1  }
0x460: {  	s14 =	simm.s32 $0x18600  }
0x461: {  	[tilespmem:s14], [sflag:$0x6] =	stream.indirect_vreg.gather [hbm4b:s23+s4], $0x80, v9, vm0, $0xb8;
	[tilespmem:$0x1E600] =	vst v63  }
0x462: {  	s16 =	simm.s32 $0x18E00;
	s17 =	simm.s32 $0x15280  }
0x463: {  	[tilespmem:s16], [sflag:$0x6] =	stream.indirect_vreg.gather [hbm4b:s23+s4], $0x80, v8, vm0, $0xb8;
	[tilespmem:$0x1E600] =	vst v63  }
0x464: {  	s18 =	simm.s32 $0x1A600;
	s19 =	sshll.u32 s26, $0x9;
	s20 =	rddreg [dreg:$0x1a]  }
0x465: {  	[tilespmem:s18], [sflag:$0x8] =	stream.indirect.gather [hbm4b:s7+s24], $0x80, s17, s24, $0xb8;
	[tilespmem:$0x1E600] =	vst v63  }
.Ltmp10:
0x466: {  	s0 =	sadd.s32 s20, s19;
	(pc) =	sbr.rel .LBB2_4-.Ltmp10, $4  }
0x467: {  	s2 =	simm.s32 $0x15100;
	s1 =	sadd.s32 s5, s0  }
0x468: {  	[tilespmem:s2], [sflag:$0x3] =	stream.linear.gather [hbm4b:s1+s4], $0x20, $0x38;
	[tilespmem:$0x1E600] =	vst v63  }
0x469: {  	s22 =	simm.s32 $0x15300;
	s26 =	sadd.s32 $0x1, s26;
	s0 =	sadd.s32 s6, s0  }
0x46a: {  	[tilespmem:s22], [sflag:$0x3] =	stream.linear.gather [hbm4b:s0+s4], $0x20, $0x38;
	[tilespmem:$0x1E600] =	vst v63  }
.LBB2_22:
0x46b: {  	s0 =	simm.s32 $0xC  }
0x46c: {  	_ =	swait.ge [sflag:s0], $0x1000  }
0x46d: {  	[sflag:s0] =	ssyncset.done $0x0  }
0x46e: {  	[sflag:s0] =	ssyncadd.s32 $0xFFFFF000  }
0x46f: {  	_ =	swait.ge [sflag:s11], $0x1000  }
0x470: {  	[sflag:s11] =	ssyncset.done $0x0  }
0x471: {  	[sflag:s11] =	ssyncadd.s32 $0xFFFFF000  }
0x472: {  	[bflag:$0x0] =	sbarrier.arrive $0xFFFF  }
0x473: {  	s17 =	rddreg [dreg:$0x5]  }
0x474: {  	[tilespmem:s25], [sflag:$0xE] =	stream.linear.gather [spmem:s17], $0x1000, $0x38;
	[tilespmem:$0x1E600] =	vst v63  }
0x475: {  	_ =	swait.ge [sflag:s29], $0x1000  }
0x476: {  	[sflag:s29] =	ssyncset.done $0x0  }
0x477: {  	s26 =	sadd.s32 $0x0, s21;
	[sflag:s29] =	ssyncadd.s32 $0xFFFFF000  }
0x478: {  	[hbm4b:s26+s4] =	stream.linear.scatter [tilespmem:s25], [sflag:$0xE], $0x1000, $0x38;
	[tilespmem:$0x1E600] =	vst v63  }
0x479: {  	_ =	swait.ge [sflag:s29], $0x1000  }
0x47a: {  	s1 =	simm.s32 $0x200;
	s2 =	smov.u32 s17;
	[sflag:s29] =	ssyncset.done $0x0  }
.LBB2_23:
0x47b: {  	p0 =	sne.s32 s1, $0x2400;
	[sflag:s29] =	ssyncadd.s32 $0xFFFFF000;
	s2 =	sadd.s32 $0x1000, s2  }
0x47c: {  	[tilespmem:s25], [sflag:$0xE] =	stream.linear.gather [spmem:s2], $0x1000, $0x38;
	[tilespmem:$0x1E600] =	vst v63  }
0x47d: {  	s0 =	smov.u32 s1;
	s1 =	sadd.s32 $0x200, s1;
	_ =	swait.ge [sflag:s29], $0x1000  }
.Ltmp11:
0x47e: {  	[sflag:s29] =	ssyncset.done $0x0;
	(pc) =	sbr.rel @p0 .LBB2_23-.Ltmp11, $4  }
0x47f: {  	s0 =	sadd.s32 s0, s21;
	[sflag:s29] =	ssyncadd.s32 $0xFFFFF000  }
0x480: {  	[hbm4b:s0+s4] =	stream.linear.scatter [tilespmem:s25], [sflag:$0xE], $0x1000, $0x38;
	[tilespmem:$0x1E600] =	vst v63  }
0x481: {  	_ =	swait.ge [sflag:s29], $0x1000  }
0x482: {  	[sflag:s29] =	ssyncset.done $0x0  }
0x483: {  	[sflag:s29] =	ssyncadd.s32 $0xFFFFF000;
	s18 =	rddreg [dreg:$0x6]  }
0x484: {  	[tilespmem:s25], [sflag:$0xE] =	stream.linear.gather [spmem:s18], $0x800, $0x38;
	[tilespmem:$0x1E600] =	vst v63  }
0x485: {  	_ =	swait.ge [sflag:s29], $0x800  }
0x486: {  	[sflag:s29] =	ssyncset.done $0x0  }
0x487: {  	s0 =	rddreg [dreg:$0xf];
	[sflag:s29] =	ssyncadd.s32 $0xFFFFF800  }
0x488: {  	[hbm4b:s0+s4] =	stream.linear.scatter [tilespmem:s25], [sflag:$0xE], $0x800, $0x38;
	[tilespmem:$0x1E600] =	vst v63  }
0x489: {  	_ =	swait.ge [sflag:s29], $0x800  }
0x48a: {  	[sflag:s29] =	ssyncset.done $0x0  }
0x48b: {  	s19 =	rddreg [dreg:$0x7];
	[sflag:s29] =	ssyncadd.s32 $0xFFFFF800  }
0x48c: {  	[tilespmem:s25], [sflag:$0xE] =	stream.linear.gather [spmem:s19], $0x400, $0x38;
	[tilespmem:$0x1E600] =	vst v63  }
0x48d: {  	_ =	swait.ge [sflag:s29], $0x400  }
0x48e: {  	[sflag:s29] =	ssyncset.done $0x0  }
0x48f: {  	s14 =	rddreg [dreg:$0x10];
	[sflag:s29] =	ssyncadd.s32 $0xFFFFFC00  }
0x490: {  	[hbm4b:s14+s4] =	stream.linear.scatter [tilespmem:s25], [sflag:$0xE], $0x400, $0x38;
	[tilespmem:$0x1E600] =	vst v63  }
0x491: {  	_ =	swait.ge [sflag:s29], $0x400  }
0x492: {  	[sflag:s29] =	ssyncset.done $0x0  }
0x493: {  	s20 =	rddreg [dreg:$0x8];
	[sflag:s29] =	ssyncadd.s32 $0xFFFFFC00  }
0x494: {  	[tilespmem:s30], [sflag:$0xE] =	stream.linear.gather [spmem:s20], $0x1000, $0x38;
	[tilespmem:$0x1E600] =	vst v63  }
0x495: {  	_ =	swait.ge [sflag:s29], $0x1000  }
0x496: {  	[sflag:s29] =	ssyncset.done $0x0  }
0x497: {  	s16 =	rddreg [dreg:$0xb];
	[sflag:s29] =	ssyncadd.s32 $0xFFFFF000  }
0x498: {  	[hbm4b:s16+s4] =	stream.linear.scatter [tilespmem:s30], [sflag:$0xE], $0x1000, $0x38;
	[tilespmem:$0x1E600] =	vst v63  }
0x499: {  	_ =	swait.ge [sflag:s29], $0x1000  }
0x49a: {  	[sflag:s29] =	ssyncset.done $0x0  }
0x49b: {  	s14 =	rddreg [dreg:$0x9];
	[sflag:s29] =	ssyncadd.s32 $0xFFFFF000  }
0x49c: {  	[tilespmem:s30], [sflag:$0xE] =	stream.linear.gather [spmem:s14], $0x400, $0x38;
	[tilespmem:$0x1E600] =	vst v63  }
0x49d: {  	_ =	swait.ge [sflag:s29], $0x400  }
0x49e: {  	[sflag:s29] =	ssyncset.done $0x0  }
0x49f: {  	s22 =	rddreg [dreg:$0xc];
	[sflag:s29] =	ssyncadd.s32 $0xFFFFFC00  }
0x4a0: {  	[hbm4b:s22+s4] =	stream.linear.scatter [tilespmem:s30], [sflag:$0xE], $0x400, $0x38;
	[tilespmem:$0x1E600] =	vst v63  }
0x4a1: {  	_ =	swait.ge [sflag:s29], $0x400  }
0x4a2: {  	s1 =	sld [smem:$0x7F0];
	_ =	sdelay $0x2  }
0x4a3: {  	s26 =	rddreg [dreg:$0x16];
	s1 =	sadd.s32 $0x1, s1  }
0x4a4: {  	p0 =	sne.s32 s1, s26  }
.Ltmp12:
0x4a5: {  	_ = 	snop;
	(pc) =	sbr.rel @p0 .LBB2_1-.Ltmp12, $3  }
0x4a6: {  	_ =	sdelay $0x1  }
0x4a7: {  	[sflag:s29] =	ssyncset.done $0x0  }
0x4a8: {  	[sflag:s29] =	ssyncadd.s32 $0xFFFFFC00  }
0x4a9: {  	_ =	sfence.sel $0x180000  }
0x4aa: {  	[bflag:$0x0] =	sbarrier.arrive $0xFFFF  }
0x4ab: {  	_ =	strace $0x90000047  }
0x4ac: {  	s0 =	stileid.u32;
	[bflag:$0x2] =	sbarrier.arrive $0xFFFF  }
0x4ad: {  	p0 =	sne.s32 s0, $0x0;
	s0 =	rddreg [dreg:$0x3]  }
0x4ae: {  	s0 =	sadd.s32 @!p0 $0x100000, s0  }
0x4af: {  	[sflag:s0] =	ssyncadd.tile.s32 @!p0 $0x1;
	_ =	shalt  }
.Lfunc_end2:
_tile_overlayer_lowered:
.L_overlay_start_2:
0x4b0: {  	(tag) =	ssettag $0x2  }
0x4b1: {  	s0 =	rddreg [dreg:$0x0];
	s2 =	stileid.u32  }
0x4b2: {  	s1 =	rddreg [dreg:$0x1];
	p0 =	sne.s32 s2, $0x0  }
0x4b3: {  	s3 =	rddreg [dreg:$0x2];
	[bflag:$0x3] =	sbarrier.arrive $0xFFFF;
	s2 =	simm.s32 @!p0 $0x1C0E  }
0x4b4: {  	[timem:s3], [sflag:s2] =	dma.local @!p0 [hbm:s0], s1  }
0x4b5: {  	s0 =	simm.s32 @!p0 $0xE  }
0x4b6: {  	_ =	swait.ge @!p0 [sflag:s0], s1  }
0x4b7: {  	s1 =	ssub.s32 @!p0 $0x0, s1;
	[sflag:s0] =	ssyncset.done @!p0 $0x0  }
0x4b8: {  	[sflag:s0] =	ssyncadd.s32 @!p0 s1  }
0x4b9: {  	[bflag:$0x3] =	sbarrier.arrive $0xFFFF  }
0x4ba: {  	_ =	shalt  }

</sc_bundles>
